<compile_context>
chip_gen: v7x
topology: tpu7x:2x2x1
jax: 0.10.2.dev20260603
libtpu: 0.0.44.dev20260713+nightly
codegen_flags: <defaults>
</compile_context>

<pallas_src>
import functools

import jax
import jax.numpy as jnp
from jax import lax
from jax.experimental import pallas as pl
from jax.experimental.pallas import tpu as pltpu
from jax.experimental.pallas import tpu_sc as plsc

NC = 2
NS = 16
NW = NC * NS
CB = 96
AT = 128


def _sc_segment_sums(nf_aug, src, dst_loc, rad_p, sh1, zer_nf,
                     *, half, d, e_pad):
  half_pad = half + 128
  achunks = e_pad // NS // CB
  rows_per_sub = half_pad // NS

  mesh = plsc.VectorSubcoreMesh(core_axis_name="c", subcore_axis_name="s")

  @functools.partial(
      pl.kernel,
      out_type=[
          jax.ShapeDtypeStruct((NC * half_pad, d), jnp.float32),
          jax.ShapeDtypeStruct((NC * half_pad, d), jnp.float32),
      ],
      mesh=mesh,
      scratch_types=[
          pltpu.VMEM((CB,), jnp.int32),
          pltpu.VMEM((CB,), jnp.int32),
          pltpu.VMEM((CB,), jnp.int32),
          pltpu.VMEM((CB,), jnp.int32),
          pltpu.VMEM((CB, d), jnp.float32),
          pltpu.VMEM((CB, d), jnp.float32),
          pltpu.VMEM((CB * 16,), jnp.float32),
          pltpu.VMEM((CB * 16,), jnp.float32),
          pltpu.VMEM((CB * 16,), jnp.float32),
          pltpu.VMEM((CB * 16,), jnp.float32),
          pltpu.VMEM((CB, d), jnp.float32),
          pltpu.VMEM_SHARED((half + 128, d), jnp.float32),
          pltpu.VMEM_SHARED((half + 128, d), jnp.float32),
          pltpu.SemaphoreType.DMA,
          pltpu.SemaphoreType.DMA,
          pltpu.SemaphoreType.DMA,
          pltpu.SemaphoreType.DMA,
          pltpu.SemaphoreType.DMA,
      ],
  )
  def sc_kernel(nf_hbm, src_hbm, dstloc_hbm, rad_hbm, sh1_hbm, znf_hbm,
                out_nf, out_at, is0, is1, il0, il1, rv0, rv1,
                rd0, rd1, sv0, sv1, attr_x, acc_nf, acc_at, sg0, sg1, sa, sp0, sp1):
    c = lax.axis_index("c")
    s = lax.axis_index("s")

    z0 = s * rows_per_sub
    for o in range(0, rows_per_sub, CB):
      w = min(CB, rows_per_sub - o)
      pltpu.sync_copy(znf_hbm.at[pl.ds(z0 + o, w)], acc_nf.at[pl.ds(z0 + o, w)])
      pltpu.sync_copy(znf_hbm.at[pl.ds(z0 + o, w)], acc_at.at[pl.ds(z0 + o, w)])
    plsc.subcore_barrier()

    idx_src = (is0, is1)
    idx_loc = (il0, il1)
    rows_v = (rv0, rv1)
    rad_v = (rd0, rd1)
    sh1_v = (sv0, sv1)
    semg = (sg0, sg1)
    semp = (sp0, sp1)
    tbase = s * (achunks * CB)

    def pref(b, q):
      base = tbase + q * CB
      pltpu.async_copy(src_hbm.at[pl.ds(base, CB)], idx_src[b], semp[b])
      pltpu.async_copy(dstloc_hbm.at[pl.ds(c * e_pad + base, CB)],
                       idx_loc[b], semp[b])
      pltpu.async_copy(rad_hbm.at[pl.ds(base * 16, CB * 16)], rad_v[b], semp[b])
      pltpu.async_copy(sh1_hbm.at[pl.ds(base * 16, CB * 16)], sh1_v[b], semp[b])

    def wait_pref(b):
      pltpu.make_async_copy(src_hbm.at[pl.ds(0, CB)], idx_src[b], semp[b]).wait()
      pltpu.make_async_copy(src_hbm.at[pl.ds(0, CB)], idx_loc[b], semp[b]).wait()
      pltpu.make_async_copy(rad_hbm.at[pl.ds(0, CB * 16)], rad_v[b], semp[b]).wait()
      pltpu.make_async_copy(rad_hbm.at[pl.ds(0, CB * 16)], sh1_v[b], semp[b]).wait()

    def gath(b):
      pltpu.async_copy(nf_hbm.at[idx_src[b]], rows_v[b], semg[b])

    def wait_gath(b):
      pltpu.make_async_copy(nf_hbm.at[idx_src[b]], rows_v[b], semg[b]).wait()

    pref(0, 0)
    wait_pref(0)
    gath(0)
    pref(1, 1)

    def body(i, carry):
      for b in (0, 1):
        q = 2 * i + b
        b2 = 1 - b
        wait_pref(b2)
        gath(b2)
        for e in range(CB):
          attr_x[e, 0:16] = rad_v[b][pl.ds(e * 16, 16)]
          attr_x[e, 16:32] = sh1_v[b][pl.ds(e * 16, 16)]
        pltpu.async_copy(attr_x, acc_at.at[idx_loc[b]], sa, add=True)
        wait_gath(b)
        pltpu.sync_copy(rows_v[b], acc_nf.at[idx_loc[b]], add=True)
        pltpu.make_async_copy(attr_x, acc_at.at[idx_loc[b]], sa).wait()
        pref(b, q + 2)
      return carry

    lax.fori_loop(0, achunks // 2, body, 0)
    wait_pref(1)
    wait_gath(0)
    plsc.subcore_barrier()

    r0 = c * half_pad + s * rows_per_sub
    for o in range(0, rows_per_sub, CB):
      w = min(CB, rows_per_sub - o)
      pltpu.sync_copy(acc_nf.at[pl.ds(z0 + o, w)], out_nf.at[pl.ds(r0 + o, w)])
      pltpu.sync_copy(acc_at.at[pl.ds(z0 + o, w)], out_at.at[pl.ds(r0 + o, w)])

  return sc_kernel(nf_aug, src, dst_loc, rad_p, sh1, zer_nf)


def _tc_finish_body(pnf_ref, pat_ref, w1_ref, wat_ref, g_ref, bt_ref, o_ref):
  a = pnf_ref[...]
  t = pat_ref[...]
  pre = jnp.dot(a, w1_ref[...], preferred_element_type=jnp.float32)
  pre = pre + jnp.dot(t, wat_ref[...], preferred_element_type=jnp.float32)
  x = pre * jax.nn.sigmoid(pre)
  mean = jnp.mean(x, axis=1, keepdims=True)
  var = jnp.mean(jnp.square(x - mean), axis=1, keepdims=True)
  o_ref[...] = (x - mean) * lax.rsqrt(var + 1e-5) * g_ref[...] + bt_ref[...]


def kernel(node_feat, edge_index, edge_sh, edge_radial, W, b, gamma, beta):
  N, D = node_feat.shape
  E = edge_index.shape[1]
  SH = edge_sh.shape[1]
  NR = edge_radial.shape[1]

  per_w = -(-E // NW)
  per_w = -(-per_w // CB) * CB
  e_pad = per_w * NW
  np_rows = -(-(N + 1) // (16 * NS)) * (16 * NS)
  half = np_rows // 2
  half_pad = half + 128

  src = edge_index[0].astype(jnp.int32)
  dst = edge_index[1].astype(jnp.int32)
  pad = e_pad - E
  xtra = 2 * CB
  src = jnp.concatenate([src, jnp.zeros((pad + xtra,), jnp.int32)])
  dst = jnp.concatenate([dst, jnp.full((pad + xtra,), N, jnp.int32)])

  rad_p = jnp.zeros((e_pad + 2 * CB, 16), jnp.float32).at[:E].set(edge_radial)
  sh1 = jnp.zeros((e_pad + 2 * CB, 16), jnp.float32)
  sh1 = sh1.at[:E, :SH].set(edge_sh)
  sh1 = sh1.at[:E, SH].set(1.0)
  rad_p = rad_p.reshape(-1)
  sh1 = sh1.reshape(-1)

  gbrow = half + (jnp.arange(e_pad + 2 * CB, dtype=jnp.int32) % 128)
  halves = []
  for ci in range(NC):
    rel = dst - ci * half
    ok = (rel >= 0) & (rel < half)
    loc = jnp.where(ok, rel, gbrow)
    halves.append(loc[:e_pad] if ci == 0 else loc)
  dst_loc = jnp.concatenate(halves)

  zer_nf = jnp.zeros((half_pad, D), jnp.float32)

  w1t = W[:, :D].T
  wat = jnp.zeros((AT, D), jnp.float32)
  wat = wat.at[:NR].set(W[:, D + SH:].T)
  wat = wat.at[16:16 + SH].set(W[:, D:D + SH].T)
  wat = wat.at[16 + SH].set(b)

  pnf_flat, pat_flat = _sc_segment_sums(
      node_feat, src, dst_loc, rad_p, sh1, zer_nf,
      half=half, d=D, e_pad=e_pad)
  pnf = pnf_flat.reshape(NC, half_pad, D)[:, :half, :].reshape(NC * half, D)
  pat = pat_flat.reshape(NC, half_pad, D)[:, :half, :AT].reshape(NC * half, AT)

  rb = 400
  grid = N // rb
  out = pl.pallas_call(
      _tc_finish_body,
      grid=(grid,),
      in_specs=[
          pl.BlockSpec((rb, D), lambda i: (i, 0)),
          pl.BlockSpec((rb, AT), lambda i: (i, 0)),
          pl.BlockSpec((D, D), lambda i: (0, 0)),
          pl.BlockSpec((AT, D), lambda i: (0, 0)),
          pl.BlockSpec((1, D), lambda i: (0, 0)),
          pl.BlockSpec((1, D), lambda i: (0, 0)),
      ],
      out_specs=pl.BlockSpec((rb, D), lambda i: (i, 0)),
      out_shape=jax.ShapeDtypeStruct((N, D), jnp.float32),
  )(pnf, pat, w1t, wat, gamma.reshape(1, D), beta.reshape(1, D))
  return out

# --- scband reference (transcript-rebuilt; emitter-appended) ---
"""Pipeline reference for scband-se3-conv-layer-18330920419494 (READ-ONLY COPY).

The authoritative reference and input builder live on the scoring server;
editing this copy changes nothing except your own understanding.
"""

import jax, jax.numpy as jnp
import numpy as np

N = 10000
E = 320000
D = 128
SH = 3
NR = 16

def setup_inputs(seed: int = 0) -> dict:
    key = jax.random.key(seed)
    k1, k2, k3, k4, k5 = jax.random.split(key, 5)
    node_feat = jax.random.normal(k1, (N, D), dtype=jnp.float32)
    edge_index = jax.random.randint(k2, (2, E), 0, N, dtype=jnp.int64)
    edge_sh = jax.random.normal(k3, (E, SH), dtype=jnp.float32)
    edge_radial = jax.random.uniform(k4, (E, NR), dtype=jnp.float32)
    in_dim = D + SH + NR
    W = jax.random.normal(k5, (D, in_dim), dtype=jnp.float32) * (1.0 / np.sqrt(in_dim))
    b = jnp.zeros((D,), dtype=jnp.float32)
    gamma = jnp.ones((D,), dtype=jnp.float32)
    beta = jnp.zeros((D,), dtype=jnp.float32)
    return {"node_feat": node_feat, "edge_index": edge_index, "edge_sh": edge_sh,
            "edge_radial": edge_radial, "W": W, "b": b, "gamma": gamma, "beta": beta}

def reference(node_feat, edge_index, edge_sh, edge_radial, W, b, gamma, beta):
    src = edge_index[0]
    dst = edge_index[1]
    # gather source node features, concat with edge attributes (fallback path)
    msg = jnp.concatenate([jnp.take(node_feat, src, axis=0), edge_sh, edge_radial], axis=-1)
    msg = msg @ W.T + b
    # scatter-add messages to destination nodes
    out = jnp.zeros((node_feat.shape[0], msg.shape[-1]), dtype=msg.dtype).at[dst].add(msg)
    out = jax.nn.silu(out)
    # LayerNorm over feature dim
    mean = jnp.mean(out, axis=-1, keepdims=True)
    var = jnp.var(out, axis=-1, keepdims=True)
    out = (out - mean) / jnp.sqrt(var + 1e-5) * gamma + beta
    return out

if __name__ == "__main__":
    import jax
    _d = setup_inputs()
    print(jax.jit(kernel)(*tuple(_d.values())))

</pallas_src>

<mosaic_0001>
#map = affine_map<(d0, d1) -> (0, 0)>
#map1 = affine_map<(d0, d1) -> (0)>
module attributes {stable_mosaic.version = 14 : i64} {
  func.func @sc_kernel(%arg0: i32, %arg1: i32, %arg2: memref<10000x128xf32, #tpu.memory_space<hbm>>, %arg3: memref<322752xi32, #tpu.memory_space<hbm>>, %arg4: memref<645312xi32, #tpu.memory_space<hbm>>, %arg5: memref<5164032xf32, #tpu.memory_space<hbm>>, %arg6: memref<5164032xf32, #tpu.memory_space<hbm>>, %arg7: memref<5248x128xf32, #tpu.memory_space<hbm>>, %arg8: memref<10496x128xf32, #tpu.memory_space<hbm>>, %arg9: memref<10496x128xf32, #tpu.memory_space<hbm>>, %arg10: memref<96xi32, #tpu.memory_space<vmem>>, %arg11: memref<96xi32, #tpu.memory_space<vmem>>, %arg12: memref<96xi32, #tpu.memory_space<vmem>>, %arg13: memref<96xi32, #tpu.memory_space<vmem>>, %arg14: memref<96x128xf32, #tpu.memory_space<vmem>>, %arg15: memref<96x128xf32, #tpu.memory_space<vmem>>, %arg16: memref<1536xf32, #tpu.memory_space<vmem>>, %arg17: memref<1536xf32, #tpu.memory_space<vmem>>, %arg18: memref<1536xf32, #tpu.memory_space<vmem>>, %arg19: memref<1536xf32, #tpu.memory_space<vmem>>, %arg20: memref<96x128xf32, #tpu.memory_space<vmem>>, %arg21: memref<5248x128xf32, #tpu.memory_space<vmem_shared>>, %arg22: memref<5248x128xf32, #tpu.memory_space<vmem_shared>>, %arg23: memref<!tpu.dma_semaphore, #tpu.memory_space<semaphore_mem>>, %arg24: memref<!tpu.dma_semaphore, #tpu.memory_space<semaphore_mem>>, %arg25: memref<!tpu.dma_semaphore, #tpu.memory_space<semaphore_mem>>, %arg26: memref<!tpu.dma_semaphore, #tpu.memory_space<semaphore_mem>>, %arg27: memref<!tpu.dma_semaphore, #tpu.memory_space<semaphore_mem>>) attributes {dimension_semantics = [#tpu.dimension_semantics<core_parallel>, #tpu.dimension_semantics<subcore_parallel>], iteration_bounds = array<i64: 2, 16>, scalar_prefetch = 0 : i64, scratch_operands = 18 : i64, tpu.core_type = #tpu.core_type<sc_vector_subcore>, window_params = [{transform_indices = #map}, {transform_indices = #map1}, {transform_indices = #map1}, {transform_indices = #map1}, {transform_indices = #map1}, {transform_indices = #map}, {transform_indices = #map}, {transform_indices = #map}]} {
    %mul3A = arith.constant 328 : i32
    %mul3A_0 = arith.muli %arg1, %mul3A : i32
    %add3A = arith.constant 0 : i32
    %add3A_1 = arith.addi %mul3A_0, %add3A : i32
    %add3A_2 = arith.constant 0 : i32
    %add3A_3 = arith.addi %mul3A_0, %add3A_2 : i32
    "tpu.region"() ({
      %run_scoped3A = tpu.sem_alloc : memref<!tpu.dma_semaphore, #tpu.memory_space<semaphore_mem>>
      %dma_start3A_147 = arith.constant 0 : i32
      %dma_start3A_148 = tpu.memref_slice %arg21[%add3A_3, %dma_start3A_147] : memref<5248x128xf32, #tpu.memory_space<vmem_shared>> -> memref<96x128xf32, #tpu.memory_space<vmem_shared>>
      %dma_start3A_149 = arith.constant 0 : i32
      %dma_start3A_150 = tpu.memref_slice %arg7[%add3A_1, %dma_start3A_149] : memref<5248x128xf32, #tpu.memory_space<hbm>> -> memref<96x128xf32, #tpu.memory_space<hbm>>
      tpu.enqueue_dma source(%dma_start3A_150 : memref<96x128xf32, #tpu.memory_space<hbm>>) target(%dma_start3A_148 : memref<96x128xf32, #tpu.memory_space<vmem_shared>>) target_semaphore(%run_scoped3A : memref<!tpu.dma_semaphore, #tpu.memory_space<semaphore_mem>>)
      %dma_wait3A_151 = arith.constant 0 : i32
      %dma_wait3A_152 = tpu.memref_slice %arg21[%add3A_3, %dma_wait3A_151] : memref<5248x128xf32, #tpu.memory_space<vmem_shared>> -> memref<96x128xf32, #tpu.memory_space<vmem_shared>>
      %dma_wait3A_153 = arith.constant 0 : i32
      %dma_wait3A_154 = tpu.memref_slice %arg7[%add3A_1, %dma_wait3A_153] : memref<5248x128xf32, #tpu.memory_space<hbm>> -> memref<96x128xf32, #tpu.memory_space<hbm>>
      tpu.wait_dma2 semaphore(%run_scoped3A : memref<!tpu.dma_semaphore, #tpu.memory_space<semaphore_mem>>) src(%dma_wait3A_154 : memref<96x128xf32, #tpu.memory_space<hbm>>) dst(%dma_wait3A_152 : memref<96x128xf32, #tpu.memory_space<vmem_shared>>)
      tpu.yield
    }) : () -> ()
    %add3A_4 = arith.constant 0 : i32
    %add3A_5 = arith.addi %mul3A_0, %add3A_4 : i32
    %add3A_6 = arith.constant 0 : i32
    %add3A_7 = arith.addi %mul3A_0, %add3A_6 : i32
    "tpu.region"() ({
      %run_scoped3A = tpu.sem_alloc : memref<!tpu.dma_semaphore, #tpu.memory_space<semaphore_mem>>
      %dma_start3A_147 = arith.constant 0 : i32
      %dma_start3A_148 = tpu.memref_slice %arg22[%add3A_7, %dma_start3A_147] : memref<5248x128xf32, #tpu.memory_space<vmem_shared>> -> memref<96x128xf32, #tpu.memory_space<vmem_shared>>
      %dma_start3A_149 = arith.constant 0 : i32
      %dma_start3A_150 = tpu.memref_slice %arg7[%add3A_5, %dma_start3A_149] : memref<5248x128xf32, #tpu.memory_space<hbm>> -> memref<96x128xf32, #tpu.memory_space<hbm>>
      tpu.enqueue_dma source(%dma_start3A_150 : memref<96x128xf32, #tpu.memory_space<hbm>>) target(%dma_start3A_148 : memref<96x128xf32, #tpu.memory_space<vmem_shared>>) target_semaphore(%run_scoped3A : memref<!tpu.dma_semaphore, #tpu.memory_space<semaphore_mem>>)
      %dma_wait3A_151 = arith.constant 0 : i32
      %dma_wait3A_152 = tpu.memref_slice %arg22[%add3A_7, %dma_wait3A_151] : memref<5248x128xf32, #tpu.memory_space<vmem_shared>> -> memref<96x128xf32, #tpu.memory_space<vmem_shared>>
      %dma_wait3A_153 = arith.constant 0 : i32
      %dma_wait3A_154 = tpu.memref_slice %arg7[%add3A_5, %dma_wait3A_153] : memref<5248x128xf32, #tpu.memory_space<hbm>> -> memref<96x128xf32, #tpu.memory_space<hbm>>
      tpu.wait_dma2 semaphore(%run_scoped3A : memref<!tpu.dma_semaphore, #tpu.memory_space<semaphore_mem>>) src(%dma_wait3A_154 : memref<96x128xf32, #tpu.memory_space<hbm>>) dst(%dma_wait3A_152 : memref<96x128xf32, #tpu.memory_space<vmem_shared>>)
      tpu.yield
    }) : () -> ()
    %add3A_8 = arith.constant 96 : i32
    %add3A_9 = arith.addi %mul3A_0, %add3A_8 : i32
    %add3A_10 = arith.constant 96 : i32
    %add3A_11 = arith.addi %mul3A_0, %add3A_10 : i32
    "tpu.region"() ({
      %run_scoped3A = tpu.sem_alloc : memref<!tpu.dma_semaphore, #tpu.memory_space<semaphore_mem>>
      %dma_start3A_147 = arith.constant 0 : i32
      %dma_start3A_148 = tpu.memref_slice %arg21[%add3A_11, %dma_start3A_147] : memref<5248x128xf32, #tpu.memory_space<vmem_shared>> -> memref<96x128xf32, #tpu.memory_space<vmem_shared>>
      %dma_start3A_149 = arith.constant 0 : i32
      %dma_start3A_150 = tpu.memref_slice %arg7[%add3A_9, %dma_start3A_149] : memref<5248x128xf32, #tpu.memory_space<hbm>> -> memref<96x128xf32, #tpu.memory_space<hbm>>
      tpu.enqueue_dma source(%dma_start3A_150 : memref<96x128xf32, #tpu.memory_space<hbm>>) target(%dma_start3A_148 : memref<96x128xf32, #tpu.memory_space<vmem_shared>>) target_semaphore(%run_scoped3A : memref<!tpu.dma_semaphore, #tpu.memory_space<semaphore_mem>>)
      %dma_wait3A_151 = arith.constant 0 : i32
      %dma_wait3A_152 = tpu.memref_slice %arg21[%add3A_11, %dma_wait3A_151] : memref<5248x128xf32, #tpu.memory_space<vmem_shared>> -> memref<96x128xf32, #tpu.memory_space<vmem_shared>>
      %dma_wait3A_153 = arith.constant 0 : i32
      %dma_wait3A_154 = tpu.memref_slice %arg7[%add3A_9, %dma_wait3A_153] : memref<5248x128xf32, #tpu.memory_space<hbm>> -> memref<96x128xf32, #tpu.memory_space<hbm>>
      tpu.wait_dma2 semaphore(%run_scoped3A : memref<!tpu.dma_semaphore, #tpu.memory_space<semaphore_mem>>) src(%dma_wait3A_154 : memref<96x128xf32, #tpu.memory_space<hbm>>) dst(%dma_wait3A_152 : memref<96x128xf32, #tpu.memory_space<vmem_shared>>)
      tpu.yield
    }) : () -> ()
    %add3A_12 = arith.constant 96 : i32
    %add3A_13 = arith.addi %mul3A_0, %add3A_12 : i32
    %add3A_14 = arith.constant 96 : i32
    %add3A_15 = arith.addi %mul3A_0, %add3A_14 : i32
    "tpu.region"() ({
      %run_scoped3A = tpu.sem_alloc : memref<!tpu.dma_semaphore, #tpu.memory_space<semaphore_mem>>
      %dma_start3A_147 = arith.constant 0 : i32
      %dma_start3A_148 = tpu.memref_slice %arg22[%add3A_15, %dma_start3A_147] : memref<5248x128xf32, #tpu.memory_space<vmem_shared>> -> memref<96x128xf32, #tpu.memory_space<vmem_shared>>
      %dma_start3A_149 = arith.constant 0 : i32
      %dma_start3A_150 = tpu.memref_slice %arg7[%add3A_13, %dma_start3A_149] : memref<5248x128xf32, #tpu.memory_space<hbm>> -> memref<96x128xf32, #tpu.memory_space<hbm>>
      tpu.enqueue_dma source(%dma_start3A_150 : memref<96x128xf32, #tpu.memory_space<hbm>>) target(%dma_start3A_148 : memref<96x128xf32, #tpu.memory_space<vmem_shared>>) target_semaphore(%run_scoped3A : memref<!tpu.dma_semaphore, #tpu.memory_space<semaphore_mem>>)
      %dma_wait3A_151 = arith.constant 0 : i32
      %dma_wait3A_152 = tpu.memref_slice %arg22[%add3A_15, %dma_wait3A_151] : memref<5248x128xf32, #tpu.memory_space<vmem_shared>> -> memref<96x128xf32, #tpu.memory_space<vmem_shared>>
      %dma_wait3A_153 = arith.constant 0 : i32
      %dma_wait3A_154 = tpu.memref_slice %arg7[%add3A_13, %dma_wait3A_153] : memref<5248x128xf32, #tpu.memory_space<hbm>> -> memref<96x128xf32, #tpu.memory_space<hbm>>
      tpu.wait_dma2 semaphore(%run_scoped3A : memref<!tpu.dma_semaphore, #tpu.memory_space<semaphore_mem>>) src(%dma_wait3A_154 : memref<96x128xf32, #tpu.memory_space<hbm>>) dst(%dma_wait3A_152 : memref<96x128xf32, #tpu.memory_space<vmem_shared>>)
      tpu.yield
    }) : () -> ()
    %add3A_16 = arith.constant 192 : i32
    %add3A_17 = arith.addi %mul3A_0, %add3A_16 : i32
    %add3A_18 = arith.constant 192 : i32
    %add3A_19 = arith.addi %mul3A_0, %add3A_18 : i32
    "tpu.region"() ({
      %run_scoped3A = tpu.sem_alloc : memref<!tpu.dma_semaphore, #tpu.memory_space<semaphore_mem>>
      %dma_start3A_147 = arith.constant 0 : i32
      %dma_start3A_148 = tpu.memref_slice %arg21[%add3A_19, %dma_start3A_147] : memref<5248x128xf32, #tpu.memory_space<vmem_shared>> -> memref<96x128xf32, #tpu.memory_space<vmem_shared>>
      %dma_start3A_149 = arith.constant 0 : i32
      %dma_start3A_150 = tpu.memref_slice %arg7[%add3A_17, %dma_start3A_149] : memref<5248x128xf32, #tpu.memory_space<hbm>> -> memref<96x128xf32, #tpu.memory_space<hbm>>
      tpu.enqueue_dma source(%dma_start3A_150 : memref<96x128xf32, #tpu.memory_space<hbm>>) target(%dma_start3A_148 : memref<96x128xf32, #tpu.memory_space<vmem_shared>>) target_semaphore(%run_scoped3A : memref<!tpu.dma_semaphore, #tpu.memory_space<semaphore_mem>>)
      %dma_wait3A_151 = arith.constant 0 : i32
      %dma_wait3A_152 = tpu.memref_slice %arg21[%add3A_19, %dma_wait3A_151] : memref<5248x128xf32, #tpu.memory_space<vmem_shared>> -> memref<96x128xf32, #tpu.memory_space<vmem_shared>>
      %dma_wait3A_153 = arith.constant 0 : i32
      %dma_wait3A_154 = tpu.memref_slice %arg7[%add3A_17, %dma_wait3A_153] : memref<5248x128xf32, #tpu.memory_space<hbm>> -> memref<96x128xf32, #tpu.memory_space<hbm>>
      tpu.wait_dma2 semaphore(%run_scoped3A : memref<!tpu.dma_semaphore, #tpu.memory_space<semaphore_mem>>) src(%dma_wait3A_154 : memref<96x128xf32, #tpu.memory_space<hbm>>) dst(%dma_wait3A_152 : memref<96x128xf32, #tpu.memory_space<vmem_shared>>)
      tpu.yield
    }) : () -> ()
    %add3A_20 = arith.constant 192 : i32
    %add3A_21 = arith.addi %mul3A_0, %add3A_20 : i32
    %add3A_22 = arith.constant 192 : i32
    %add3A_23 = arith.addi %mul3A_0, %add3A_22 : i32
    "tpu.region"() ({
      %run_scoped3A = tpu.sem_alloc : memref<!tpu.dma_semaphore, #tpu.memory_space<semaphore_mem>>
      %dma_start3A_147 = arith.constant 0 : i32
      %dma_start3A_148 = tpu.memref_slice %arg22[%add3A_23, %dma_start3A_147] : memref<5248x128xf32, #tpu.memory_space<vmem_shared>> -> memref<96x128xf32, #tpu.memory_space<vmem_shared>>
      %dma_start3A_149 = arith.constant 0 : i32
      %dma_start3A_150 = tpu.memref_slice %arg7[%add3A_21, %dma_start3A_149] : memref<5248x128xf32, #tpu.memory_space<hbm>> -> memref<96x128xf32, #tpu.memory_space<hbm>>
      tpu.enqueue_dma source(%dma_start3A_150 : memref<96x128xf32, #tpu.memory_space<hbm>>) target(%dma_start3A_148 : memref<96x128xf32, #tpu.memory_space<vmem_shared>>) target_semaphore(%run_scoped3A : memref<!tpu.dma_semaphore, #tpu.memory_space<semaphore_mem>>)
      %dma_wait3A_151 = arith.constant 0 : i32
      %dma_wait3A_152 = tpu.memref_slice %arg22[%add3A_23, %dma_wait3A_151] : memref<5248x128xf32, #tpu.memory_space<vmem_shared>> -> memref<96x128xf32, #tpu.memory_space<vmem_shared>>
      %dma_wait3A_153 = arith.constant 0 : i32
      %dma_wait3A_154 = tpu.memref_slice %arg7[%add3A_21, %dma_wait3A_153] : memref<5248x128xf32, #tpu.memory_space<hbm>> -> memref<96x128xf32, #tpu.memory_space<hbm>>
      tpu.wait_dma2 semaphore(%run_scoped3A : memref<!tpu.dma_semaphore, #tpu.memory_space<semaphore_mem>>) src(%dma_wait3A_154 : memref<96x128xf32, #tpu.memory_space<hbm>>) dst(%dma_wait3A_152 : memref<96x128xf32, #tpu.memory_space<vmem_shared>>)
      tpu.yield
    }) : () -> ()
    %add3A_24 = arith.constant 288 : i32
    %add3A_25 = arith.addi %mul3A_0, %add3A_24 : i32
    %add3A_26 = arith.constant 288 : i32
    %add3A_27 = arith.addi %mul3A_0, %add3A_26 : i32
    "tpu.region"() ({
      %run_scoped3A = tpu.sem_alloc : memref<!tpu.dma_semaphore, #tpu.memory_space<semaphore_mem>>
      %dma_start3A_147 = arith.constant 0 : i32
      %dma_start3A_148 = tpu.memref_slice %arg21[%add3A_27, %dma_start3A_147] : memref<5248x128xf32, #tpu.memory_space<vmem_shared>> -> memref<40x128xf32, #tpu.memory_space<vmem_shared>>
      %dma_start3A_149 = arith.constant 0 : i32
      %dma_start3A_150 = tpu.memref_slice %arg7[%add3A_25, %dma_start3A_149] : memref<5248x128xf32, #tpu.memory_space<hbm>> -> memref<40x128xf32, #tpu.memory_space<hbm>>
      tpu.enqueue_dma source(%dma_start3A_150 : memref<40x128xf32, #tpu.memory_space<hbm>>) target(%dma_start3A_148 : memref<40x128xf32, #tpu.memory_space<vmem_shared>>) target_semaphore(%run_scoped3A : memref<!tpu.dma_semaphore, #tpu.memory_space<semaphore_mem>>)
      %dma_wait3A_151 = arith.constant 0 : i32
      %dma_wait3A_152 = tpu.memref_slice %arg21[%add3A_27, %dma_wait3A_151] : memref<5248x128xf32, #tpu.memory_space<vmem_shared>> -> memref<40x128xf32, #tpu.memory_space<vmem_shared>>
      %dma_wait3A_153 = arith.constant 0 : i32
      %dma_wait3A_154 = tpu.memref_slice %arg7[%add3A_25, %dma_wait3A_153] : memref<5248x128xf32, #tpu.memory_space<hbm>> -> memref<40x128xf32, #tpu.memory_space<hbm>>
      tpu.wait_dma2 semaphore(%run_scoped3A : memref<!tpu.dma_semaphore, #tpu.memory_space<semaphore_mem>>) src(%dma_wait3A_154 : memref<40x128xf32, #tpu.memory_space<hbm>>) dst(%dma_wait3A_152 : memref<40x128xf32, #tpu.memory_space<vmem_shared>>)
      tpu.yield
    }) : () -> ()
    %add3A_28 = arith.constant 288 : i32
    %add3A_29 = arith.addi %mul3A_0, %add3A_28 : i32
    %add3A_30 = arith.constant 288 : i32
    %add3A_31 = arith.addi %mul3A_0, %add3A_30 : i32
    "tpu.region"() ({
      %run_scoped3A = tpu.sem_alloc : memref<!tpu.dma_semaphore, #tpu.memory_space<semaphore_mem>>
      %dma_start3A_147 = arith.constant 0 : i32
      %dma_start3A_148 = tpu.memref_slice %arg22[%add3A_31, %dma_start3A_147] : memref<5248x128xf32, #tpu.memory_space<vmem_shared>> -> memref<40x128xf32, #tpu.memory_space<vmem_shared>>
      %dma_start3A_149 = arith.constant 0 : i32
      %dma_start3A_150 = tpu.memref_slice %arg7[%add3A_29, %dma_start3A_149] : memref<5248x128xf32, #tpu.memory_space<hbm>> -> memref<40x128xf32, #tpu.memory_space<hbm>>
      tpu.enqueue_dma source(%dma_start3A_150 : memref<40x128xf32, #tpu.memory_space<hbm>>) target(%dma_start3A_148 : memref<40x128xf32, #tpu.memory_space<vmem_shared>>) target_semaphore(%run_scoped3A : memref<!tpu.dma_semaphore, #tpu.memory_space<semaphore_mem>>)
      %dma_wait3A_151 = arith.constant 0 : i32
      %dma_wait3A_152 = tpu.memref_slice %arg22[%add3A_31, %dma_wait3A_151] : memref<5248x128xf32, #tpu.memory_space<vmem_shared>> -> memref<40x128xf32, #tpu.memory_space<vmem_shared>>
      %dma_wait3A_153 = arith.constant 0 : i32
      %dma_wait3A_154 = tpu.memref_slice %arg7[%add3A_29, %dma_wait3A_153] : memref<5248x128xf32, #tpu.memory_space<hbm>> -> memref<40x128xf32, #tpu.memory_space<hbm>>
      tpu.wait_dma2 semaphore(%run_scoped3A : memref<!tpu.dma_semaphore, #tpu.memory_space<semaphore_mem>>) src(%dma_wait3A_154 : memref<40x128xf32, #tpu.memory_space<hbm>>) dst(%dma_wait3A_152 : memref<40x128xf32, #tpu.memory_space<vmem_shared>>)
      tpu.yield
    }) : () -> ()
    %barrier3A = arith.constant 0 : index
    tpu.barrier barrier_id(%barrier3A)
    %mul3A_32 = arith.constant 20160 : i32
    %mul3A_33 = arith.muli %arg1, %mul3A_32 : i32
    %add3A_34 = arith.constant 0 : i32
    %add3A_35 = arith.addi %mul3A_33, %add3A_34 : i32
    %dma_start3A = tpu.memref_slice %arg3[%add3A_35] : memref<322752xi32, #tpu.memory_space<hbm>> -> memref<96xi32, #tpu.memory_space<hbm>>
    %dma_start3A_36 = tpu.memref_slice %arg3[%add3A_35] : memref<322752xi32, #tpu.memory_space<hbm>> -> memref<96xi32, #tpu.memory_space<hbm>>
    tpu.enqueue_dma source(%dma_start3A_36 : memref<96xi32, #tpu.memory_space<hbm>>) target(%arg10 : memref<96xi32, #tpu.memory_space<vmem>>) target_semaphore(%arg26 : memref<!tpu.dma_semaphore, #tpu.memory_space<semaphore_mem>>)
    %mul3A_37 = arith.constant 322560 : i32
    %mul3A_38 = arith.muli %arg0, %mul3A_37 : i32
    %add3A_39 = arith.addi %mul3A_38, %add3A_35 : i32
    %dma_start3A_40 = tpu.memref_slice %arg4[%add3A_39] : memref<645312xi32, #tpu.memory_space<hbm>> -> memref<96xi32, #tpu.memory_space<hbm>>
    %dma_start3A_41 = tpu.memref_slice %arg4[%add3A_39] : memref<645312xi32, #tpu.memory_space<hbm>> -> memref<96xi32, #tpu.memory_space<hbm>>
    tpu.enqueue_dma source(%dma_start3A_41 : memref<96xi32, #tpu.memory_space<hbm>>) target(%arg12 : memref<96xi32, #tpu.memory_space<vmem>>) target_semaphore(%arg26 : memref<!tpu.dma_semaphore, #tpu.memory_space<semaphore_mem>>)
    %mul3A_42 = arith.constant 16 : i32
    %mul3A_43 = arith.muli %add3A_35, %mul3A_42 : i32
    %dma_start3A_44 = tpu.memref_slice %arg5[%mul3A_43] : memref<5164032xf32, #tpu.memory_space<hbm>> -> memref<1536xf32, #tpu.memory_space<hbm>>
    %dma_start3A_45 = tpu.memref_slice %arg5[%mul3A_43] : memref<5164032xf32, #tpu.memory_space<hbm>> -> memref<1536xf32, #tpu.memory_space<hbm>>
    tpu.enqueue_dma source(%dma_start3A_45 : memref<1536xf32, #tpu.memory_space<hbm>>) target(%arg16 : memref<1536xf32, #tpu.memory_space<vmem>>) target_semaphore(%arg26 : memref<!tpu.dma_semaphore, #tpu.memory_space<semaphore_mem>>)
    %mul3A_46 = arith.constant 16 : i32
    %mul3A_47 = arith.muli %add3A_35, %mul3A_46 : i32
    %dma_start3A_48 = tpu.memref_slice %arg6[%mul3A_47] : memref<5164032xf32, #tpu.memory_space<hbm>> -> memref<1536xf32, #tpu.memory_space<hbm>>
    %dma_start3A_49 = tpu.memref_slice %arg6[%mul3A_47] : memref<5164032xf32, #tpu.memory_space<hbm>> -> memref<1536xf32, #tpu.memory_space<hbm>>
    tpu.enqueue_dma source(%dma_start3A_49 : memref<1536xf32, #tpu.memory_space<hbm>>) target(%arg18 : memref<1536xf32, #tpu.memory_space<vmem>>) target_semaphore(%arg26 : memref<!tpu.dma_semaphore, #tpu.memory_space<semaphore_mem>>)
    %dma_wait3A = arith.constant 0 : i32
    %dma_wait3A_50 = tpu.memref_slice %arg3[%dma_wait3A] : memref<322752xi32, #tpu.memory_space<hbm>> -> memref<96xi32, #tpu.memory_space<hbm>>
    %dma_wait3A_51 = arith.constant 0 : i32
    %dma_wait3A_52 = tpu.memref_slice %arg3[%dma_wait3A_51] : memref<322752xi32, #tpu.memory_space<hbm>> -> memref<96xi32, #tpu.memory_space<hbm>>
    tpu.wait_dma2 semaphore(%arg26 : memref<!tpu.dma_semaphore, #tpu.memory_space<semaphore_mem>>) src(%dma_wait3A_52 : memref<96xi32, #tpu.memory_space<hbm>>) dst(%arg10 : memref<96xi32, #tpu.memory_space<vmem>>)
    %dma_wait3A_53 = arith.constant 0 : i32
    %dma_wait3A_54 = tpu.memref_slice %arg3[%dma_wait3A_53] : memref<322752xi32, #tpu.memory_space<hbm>> -> memref<96xi32, #tpu.memory_space<hbm>>
    %dma_wait3A_55 = arith.constant 0 : i32
    %dma_wait3A_56 = tpu.memref_slice %arg3[%dma_wait3A_55] : memref<322752xi32, #tpu.memory_space<hbm>> -> memref<96xi32, #tpu.memory_space<hbm>>
    tpu.wait_dma2 semaphore(%arg26 : memref<!tpu.dma_semaphore, #tpu.memory_space<semaphore_mem>>) src(%dma_wait3A_56 : memref<96xi32, #tpu.memory_space<hbm>>) dst(%arg12 : memref<96xi32, #tpu.memory_space<vmem>>)
    %dma_wait3A_57 = arith.constant 0 : i32
    %dma_wait3A_58 = tpu.memref_slice %arg5[%dma_wait3A_57] : memref<5164032xf32, #tpu.memory_space<hbm>> -> memref<1536xf32, #tpu.memory_space<hbm>>
    %dma_wait3A_59 = arith.constant 0 : i32
    %dma_wait3A_60 = tpu.memref_slice %arg5[%dma_wait3A_59] : memref<5164032xf32, #tpu.memory_space<hbm>> -> memref<1536xf32, #tpu.memory_space<hbm>>
    tpu.wait_dma2 semaphore(%arg26 : memref<!tpu.dma_semaphore, #tpu.memory_space<semaphore_mem>>) src(%dma_wait3A_60 : memref<1536xf32, #tpu.memory_space<hbm>>) dst(%arg16 : memref<1536xf32, #tpu.memory_space<vmem>>)
    %dma_wait3A_61 = arith.constant 0 : i32
    %dma_wait3A_62 = tpu.memref_slice %arg5[%dma_wait3A_61] : memref<5164032xf32, #tpu.memory_space<hbm>> -> memref<1536xf32, #tpu.memory_space<hbm>>
    %dma_wait3A_63 = arith.constant 0 : i32
    %dma_wait3A_64 = tpu.memref_slice %arg5[%dma_wait3A_63] : memref<5164032xf32, #tpu.memory_space<hbm>> -> memref<1536xf32, #tpu.memory_space<hbm>>
    tpu.wait_dma2 semaphore(%arg26 : memref<!tpu.dma_semaphore, #tpu.memory_space<semaphore_mem>>) src(%dma_wait3A_64 : memref<1536xf32, #tpu.memory_space<hbm>>) dst(%arg18 : memref<1536xf32, #tpu.memory_space<vmem>>)
    %dma_start3A_65 = arith.constant 0 : i32
    %dma_start3A_66 = arith.constant 0 : i32
    %dma_start3A_67 = tpu.memref_slice %arg2[%dma_start3A_65, %dma_start3A_66] : memref<10000x128xf32, #tpu.memory_space<hbm>> -> memref<10000x128xf32, #tpu.memory_space<hbm>>
    tpu.enqueue_indirect_dma source(%dma_start3A_67 : memref<10000x128xf32, #tpu.memory_space<hbm>>) target(%arg14 : memref<96x128xf32, #tpu.memory_space<vmem>>) offsets(%arg10 : memref<96xi32, #tpu.memory_space<vmem>>) semaphore(%arg23 : memref<!tpu.dma_semaphore, #tpu.memory_space<semaphore_mem>>)
    %add3A_68 = arith.constant 96 : i32
    %add3A_69 = arith.addi %mul3A_33, %add3A_68 : i32
    %dma_start3A_70 = tpu.memref_slice %arg3[%add3A_69] : memref<322752xi32, #tpu.memory_space<hbm>> -> memref<96xi32, #tpu.memory_space<hbm>>
    %dma_start3A_71 = tpu.memref_slice %arg3[%add3A_69] : memref<322752xi32, #tpu.memory_space<hbm>> -> memref<96xi32, #tpu.memory_space<hbm>>
    tpu.enqueue_dma source(%dma_start3A_71 : memref<96xi32, #tpu.memory_space<hbm>>) target(%arg11 : memref<96xi32, #tpu.memory_space<vmem>>) target_semaphore(%arg27 : memref<!tpu.dma_semaphore, #tpu.memory_space<semaphore_mem>>)
    %mul3A_72 = arith.constant 322560 : i32
    %mul3A_73 = arith.muli %arg0, %mul3A_72 : i32
    %add3A_74 = arith.addi %mul3A_73, %add3A_69 : i32
    %dma_start3A_75 = tpu.memref_slice %arg4[%add3A_74] : memref<645312xi32, #tpu.memory_space<hbm>> -> memref<96xi32, #tpu.memory_space<hbm>>
    %dma_start3A_76 = tpu.memref_slice %arg4[%add3A_74] : memref<645312xi32, #tpu.memory_space<hbm>> -> memref<96xi32, #tpu.memory_space<hbm>>
    tpu.enqueue_dma source(%dma_start3A_76 : memref<96xi32, #tpu.memory_space<hbm>>) target(%arg13 : memref<96xi32, #tpu.memory_space<vmem>>) target_semaphore(%arg27 : memref<!tpu.dma_semaphore, #tpu.memory_space<semaphore_mem>>)
    %mul3A_77 = arith.constant 16 : i32
    %mul3A_78 = arith.muli %add3A_69, %mul3A_77 : i32
    %dma_start3A_79 = tpu.memref_slice %arg5[%mul3A_78] : memref<5164032xf32, #tpu.memory_space<hbm>> -> memref<1536xf32, #tpu.memory_space<hbm>>
    %dma_start3A_80 = tpu.memref_slice %arg5[%mul3A_78] : memref<5164032xf32, #tpu.memory_space<hbm>> -> memref<1536xf32, #tpu.memory_space<hbm>>
    tpu.enqueue_dma source(%dma_start3A_80 : memref<1536xf32, #tpu.memory_space<hbm>>) target(%arg17 : memref<1536xf32, #tpu.memory_space<vmem>>) target_semaphore(%arg27 : memref<!tpu.dma_semaphore, #tpu.memory_space<semaphore_mem>>)
    %mul3A_81 = arith.constant 16 : i32
    %mul3A_82 = arith.muli %add3A_69, %mul3A_81 : i32
    %dma_start3A_83 = tpu.memref_slice %arg6[%mul3A_82] : memref<5164032xf32, #tpu.memory_space<hbm>> -> memref<1536xf32, #tpu.memory_space<hbm>>
    %dma_start3A_84 = tpu.memref_slice %arg6[%mul3A_82] : memref<5164032xf32, #tpu.memory_space<hbm>> -> memref<1536xf32, #tpu.memory_space<hbm>>
    tpu.enqueue_dma source(%dma_start3A_84 : memref<1536xf32, #tpu.memory_space<hbm>>) target(%arg19 : memref<1536xf32, #tpu.memory_space<vmem>>) target_semaphore(%arg27 : memref<!tpu.dma_semaphore, #tpu.memory_space<semaphore_mem>>)
    %scan3A = arith.constant 0 : i32
    %scan3A_85 = arith.constant 0 : i32
    %scan3A_86 = arith.constant 105 : i32
    %scan3A_87 = arith.addi %scan3A_85, %scan3A_86 : i32
    %scan3A_88 = arith.constant 1 : i32
    scf.for %scan3A_147 = %scan3A_85 to %scan3A_87 step %scan3A_88  : i32 {
      %mul3A_148 = arith.constant 2 : i32
      %mul3A_149 = arith.muli %mul3A_148, %scan3A_147 : i32
      %add3A_150 = arith.constant 0 : i32
      %add3A_151 = arith.addi %mul3A_149, %add3A_150 : i32
      %dma_wait3A_152 = arith.constant 0 : i32
      %dma_wait3A_153 = tpu.memref_slice %arg3[%dma_wait3A_152] : memref<322752xi32, #tpu.memory_space<hbm>> -> memref<96xi32, #tpu.memory_space<hbm>>
      %dma_wait3A_154 = arith.constant 0 : i32
      %dma_wait3A_155 = tpu.memref_slice %arg3[%dma_wait3A_154] : memref<322752xi32, #tpu.memory_space<hbm>> -> memref<96xi32, #tpu.memory_space<hbm>>
      tpu.wait_dma2 semaphore(%arg27 : memref<!tpu.dma_semaphore, #tpu.memory_space<semaphore_mem>>) src(%dma_wait3A_155 : memref<96xi32, #tpu.memory_space<hbm>>) dst(%arg11 : memref<96xi32, #tpu.memory_space<vmem>>)
      %dma_wait3A_156 = arith.constant 0 : i32
      %dma_wait3A_157 = tpu.memref_slice %arg3[%dma_wait3A_156] : memref<322752xi32, #tpu.memory_space<hbm>> -> memref<96xi32, #tpu.memory_space<hbm>>
      %dma_wait3A_158 = arith.constant 0 : i32
      %dma_wait3A_159 = tpu.memref_slice %arg3[%dma_wait3A_158] : memref<322752xi32, #tpu.memory_space<hbm>> -> memref<96xi32, #tpu.memory_space<hbm>>
      tpu.wait_dma2 semaphore(%arg27 : memref<!tpu.dma_semaphore, #tpu.memory_space<semaphore_mem>>) src(%dma_wait3A_159 : memref<96xi32, #tpu.memory_space<hbm>>) dst(%arg13 : memref<96xi32, #tpu.memory_space<vmem>>)
      %dma_wait3A_160 = arith.constant 0 : i32
      %dma_wait3A_161 = tpu.memref_slice %arg5[%dma_wait3A_160] : memref<5164032xf32, #tpu.memory_space<hbm>> -> memref<1536xf32, #tpu.memory_space<hbm>>
      %dma_wait3A_162 = arith.constant 0 : i32
      %dma_wait3A_163 = tpu.memref_slice %arg5[%dma_wait3A_162] : memref<5164032xf32, #tpu.memory_space<hbm>> -> memref<1536xf32, #tpu.memory_space<hbm>>
      tpu.wait_dma2 semaphore(%arg27 : memref<!tpu.dma_semaphore, #tpu.memory_space<semaphore_mem>>) src(%dma_wait3A_163 : memref<1536xf32, #tpu.memory_space<hbm>>) dst(%arg17 : memref<1536xf32, #tpu.memory_space<vmem>>)
      %dma_wait3A_164 = arith.constant 0 : i32
      %dma_wait3A_165 = tpu.memref_slice %arg5[%dma_wait3A_164] : memref<5164032xf32, #tpu.memory_space<hbm>> -> memref<1536xf32, #tpu.memory_space<hbm>>
      %dma_wait3A_166 = arith.constant 0 : i32
      %dma_wait3A_167 = tpu.memref_slice %arg5[%dma_wait3A_166] : memref<5164032xf32, #tpu.memory_space<hbm>> -> memref<1536xf32, #tpu.memory_space<hbm>>
      tpu.wait_dma2 semaphore(%arg27 : memref<!tpu.dma_semaphore, #tpu.memory_space<semaphore_mem>>) src(%dma_wait3A_167 : memref<1536xf32, #tpu.memory_space<hbm>>) dst(%arg19 : memref<1536xf32, #tpu.memory_space<vmem>>)
      %dma_start3A_168 = arith.constant 0 : i32
      %dma_start3A_169 = arith.constant 0 : i32
      %dma_start3A_170 = tpu.memref_slice %arg2[%dma_start3A_168, %dma_start3A_169] : memref<10000x128xf32, #tpu.memory_space<hbm>> -> memref<10000x128xf32, #tpu.memory_space<hbm>>
      tpu.enqueue_indirect_dma source(%dma_start3A_170 : memref<10000x128xf32, #tpu.memory_space<hbm>>) target(%arg15 : memref<96x128xf32, #tpu.memory_space<vmem>>) offsets(%arg11 : memref<96xi32, #tpu.memory_space<vmem>>) semaphore(%arg24 : memref<!tpu.dma_semaphore, #tpu.memory_space<semaphore_mem>>)
      %get3A = arith.constant 0 : index
      %get3A_171 = tpu.vector_load %arg16[%get3A] {strides = array<i32>} : memref<1536xf32, #tpu.memory_space<vmem>>, vector<16xf32>,
      %get3A_172 = vector.shape_cast %get3A_171 : vector<16xf32> to vector<16xf32>
      %swap3A = arith.constant 0 : i32
      %swap3A_173 = arith.index_cast %swap3A : i32 to index
      %swap3A_174 = arith.constant 0 : index
      %swap3A_175 = tpu.vector_load %arg20[%swap3A_173, %swap3A_174] {strides = array<i32>} : memref<96x128xf32, #tpu.memory_space<vmem>>, vector<1x16xf32>,
      %swap3A_176 = vector.shape_cast %swap3A_175 : vector<1x16xf32> to vector<16xf32>
      %swap3A_177 = vector.shape_cast %get3A_172 : vector<16xf32> to vector<1x16xf32>
      tpu.vector_store %arg20[%swap3A_173, %swap3A_174], %swap3A_177 {strides = array<i32>} : memref<96x128xf32, #tpu.memory_space<vmem>>, vector<1x16xf32>,
      %get3A_178 = arith.constant 0 : index
      %get3A_179 = tpu.vector_load %arg18[%get3A_178] {strides = array<i32>} : memref<1536xf32, #tpu.memory_space<vmem>>, vector<16xf32>,
      %get3A_180 = vector.shape_cast %get3A_179 : vector<16xf32> to vector<16xf32>
      %swap3A_181 = arith.constant 0 : i32
      %swap3A_182 = arith.index_cast %swap3A_181 : i32 to index
      %swap3A_183 = arith.constant 16 : index
      %swap3A_184 = tpu.vector_load %arg20[%swap3A_182, %swap3A_183] {strides = array<i32>} : memref<96x128xf32, #tpu.memory_space<vmem>>, vector<1x16xf32>,
      %swap3A_185 = vector.shape_cast %swap3A_184 : vector<1x16xf32> to vector<16xf32>
      %swap3A_186 = vector.shape_cast %get3A_180 : vector<16xf32> to vector<1x16xf32>
      tpu.vector_store %arg20[%swap3A_182, %swap3A_183], %swap3A_186 {strides = array<i32>} : memref<96x128xf32, #tpu.memory_space<vmem>>, vector<1x16xf32>,
      %get3A_187 = arith.constant 16 : index
      %get3A_188 = tpu.vector_load %arg16[%get3A_187] {strides = array<i32>} : memref<1536xf32, #tpu.memory_space<vmem>>, vector<16xf32>,
      %get3A_189 = vector.shape_cast %get3A_188 : vector<16xf32> to vector<16xf32>
      %swap3A_190 = arith.constant 1 : i32
      %swap3A_191 = arith.index_cast %swap3A_190 : i32 to index
      %swap3A_192 = arith.constant 0 : index
      %swap3A_193 = tpu.vector_load %arg20[%swap3A_191, %swap3A_192] {strides = array<i32>} : memref<96x128xf32, #tpu.memory_space<vmem>>, vector<1x16xf32>,
      %swap3A_194 = vector.shape_cast %swap3A_193 : vector<1x16xf32> to vector<16xf32>
      %swap3A_195 = vector.shape_cast %get3A_189 : vector<16xf32> to vector<1x16xf32>
      tpu.vector_store %arg20[%swap3A_191, %swap3A_192], %swap3A_195 {strides = array<i32>} : memref<96x128xf32, #tpu.memory_space<vmem>>, vector<1x16xf32>,
      %get3A_196 = arith.constant 16 : index
      %get3A_197 = tpu.vector_load %arg18[%get3A_196] {strides = array<i32>} : memref<1536xf32, #tpu.memory_space<vmem>>, vector<16xf32>,
      %get3A_198 = vector.shape_cast %get3A_197 : vector<16xf32> to vector<16xf32>
      %swap3A_199 = arith.constant 1 : i32
      %swap3A_200 = arith.index_cast %swap3A_199 : i32 to index
      %swap3A_201 = arith.constant 16 : index
      %swap3A_202 = tpu.vector_load %arg20[%swap3A_200, %swap3A_201] {strides = array<i32>} : memref<96x128xf32, #tpu.memory_space<vmem>>, vector<1x16xf32>,
      %swap3A_203 = vector.shape_cast %swap3A_202 : vector<1x16xf32> to vector<16xf32>
      %swap3A_204 = vector.shape_cast %get3A_198 : vector<16xf32> to vector<1x16xf32>
      tpu.vector_store %arg20[%swap3A_200, %swap3A_201], %swap3A_204 {strides = array<i32>} : memref<96x128xf32, #tpu.memory_space<vmem>>, vector<1x16xf32>,
      %get3A_205 = arith.constant 32 : index
      %get3A_206 = tpu.vector_load %arg16[%get3A_205] {strides = array<i32>} : memref<1536xf32, #tpu.memory_space<vmem>>, vector<16xf32>,
      %get3A_207 = vector.shape_cast %get3A_206 : vector<16xf32> to vector<16xf32>
      %swap3A_208 = arith.constant 2 : i32
      %swap3A_209 = arith.index_cast %swap3A_208 : i32 to index
      %swap3A_210 = arith.constant 0 : index
      %swap3A_211 = tpu.vector_load %arg20[%swap3A_209, %swap3A_210] {strides = array<i32>} : memref<96x128xf32, #tpu.memory_space<vmem>>, vector<1x16xf32>,
      %swap3A_212 = vector.shape_cast %swap3A_211 : vector<1x16xf32> to vector<16xf32>
      %swap3A_213 = vector.shape_cast %get3A_207 : vector<16xf32> to vector<1x16xf32>
      tpu.vector_store %arg20[%swap3A_209, %swap3A_210], %swap3A_213 {strides = array<i32>} : memref<96x128xf32, #tpu.memory_space<vmem>>, vector<1x16xf32>,
      %get3A_214 = arith.constant 32 : index
      %get3A_215 = tpu.vector_load %arg18[%get3A_214] {strides = array<i32>} : memref<1536xf32, #tpu.memory_space<vmem>>, vector<16xf32>,
      %get3A_216 = vector.shape_cast %get3A_215 : vector<16xf32> to vector<16xf32>
      %swap3A_217 = arith.constant 2 : i32
      %swap3A_218 = arith.index_cast %swap3A_217 : i32 to index
      %swap3A_219 = arith.constant 16 : index
      %swap3A_220 = tpu.vector_load %arg20[%swap3A_218, %swap3A_219] {strides = array<i32>} : memref<96x128xf32, #tpu.memory_space<vmem>>, vector<1x16xf32>,
      %swap3A_221 = vector.shape_cast %swap3A_220 : vector<1x16xf32> to vector<16xf32>
      %swap3A_222 = vector.shape_cast %get3A_216 : vector<16xf32> to vector<1x16xf32>
      tpu.vector_store %arg20[%swap3A_218, %swap3A_219], %swap3A_222 {strides = array<i32>} : memref<96x128xf32, #tpu.memory_space<vmem>>, vector<1x16xf32>,
      %get3A_223 = arith.constant 48 : index
      %get3A_224 = tpu.vector_load %arg16[%get3A_223] {strides = array<i32>} : memref<1536xf32, #tpu.memory_space<vmem>>, vector<16xf32>,
      %get3A_225 = vector.shape_cast %get3A_224 : vector<16xf32> to vector<16xf32>
      %swap3A_226 = arith.constant 3 : i32
      %swap3A_227 = arith.index_cast %swap3A_226 : i32 to index
      %swap3A_228 = arith.constant 0 : index
      %swap3A_229 = tpu.vector_load %arg20[%swap3A_227, %swap3A_228] {strides = array<i32>} : memref<96x128xf32, #tpu.memory_space<vmem>>, vector<1x16xf32>,
      %swap3A_230 = vector.shape_cast %swap3A_229 : vector<1x16xf32> to vector<16xf32>
      %swap3A_231 = vector.shape_cast %get3A_225 : vector<16xf32> to vector<1x16xf32>
      tpu.vector_store %arg20[%swap3A_227, %swap3A_228], %swap3A_231 {strides = array<i32>} : memref<96x128xf32, #tpu.memory_space<vmem>>, vector<1x16xf32>,
      %get3A_232 = arith.constant 48 : index
      %get3A_233 = tpu.vector_load %arg18[%get3A_232] {strides = array<i32>} : memref<1536xf32, #tpu.memory_space<vmem>>, vector<16xf32>,
      %get3A_234 = vector.shape_cast %get3A_233 : vector<16xf32> to vector<16xf32>
      %swap3A_235 = arith.constant 3 : i32
      %swap3A_236 = arith.index_cast %swap3A_235 : i32 to index
      %swap3A_237 = arith.constant 16 : index
      %swap3A_238 = tpu.vector_load %arg20[%swap3A_236, %swap3A_237] {strides = array<i32>} : memref<96x128xf32, #tpu.memory_space<vmem>>, vector<1x16xf32>,
      %swap3A_239 = vector.shape_cast %swap3A_238 : vector<1x16xf32> to vector<16xf32>
      %swap3A_240 = vector.shape_cast %get3A_234 : vector<16xf32> to vector<1x16xf32>
      tpu.vector_store %arg20[%swap3A_236, %swap3A_237], %swap3A_240 {strides = array<i32>} : memref<96x128xf32, #tpu.memory_space<vmem>>, vector<1x16xf32>,
      %get3A_241 = arith.constant 64 : index
      %get3A_242 = tpu.vector_load %arg16[%get3A_241] {strides = array<i32>} : memref<1536xf32, #tpu.memory_space<vmem>>, vector<16xf32>,
      %get3A_243 = vector.shape_cast %get3A_242 : vector<16xf32> to vector<16xf32>
      %swap3A_244 = arith.constant 4 : i32
      %swap3A_245 = arith.index_cast %swap3A_244 : i32 to index
      %swap3A_246 = arith.constant 0 : index
      %swap3A_247 = tpu.vector_load %arg20[%swap3A_245, %swap3A_246] {strides = array<i32>} : memref<96x128xf32, #tpu.memory_space<vmem>>, vector<1x16xf32>,
      %swap3A_248 = vector.shape_cast %swap3A_247 : vector<1x16xf32> to vector<16xf32>
      %swap3A_249 = vector.shape_cast %get3A_243 : vector<16xf32> to vector<1x16xf32>
      tpu.vector_store %arg20[%swap3A_245, %swap3A_246], %swap3A_249 {strides = array<i32>} : memref<96x128xf32, #tpu.memory_space<vmem>>, vector<1x16xf32>,
      %get3A_250 = arith.constant 64 : index
      %get3A_251 = tpu.vector_load %arg18[%get3A_250] {strides = array<i32>} : memref<1536xf32, #tpu.memory_space<vmem>>, vector<16xf32>,
      %get3A_252 = vector.shape_cast %get3A_251 : vector<16xf32> to vector<16xf32>
      %swap3A_253 = arith.constant 4 : i32
      %swap3A_254 = arith.index_cast %swap3A_253 : i32 to index
      %swap3A_255 = arith.constant 16 : index
      %swap3A_256 = tpu.vector_load %arg20[%swap3A_254, %swap3A_255] {strides = array<i32>} : memref<96x128xf32, #tpu.memory_space<vmem>>, vector<1x16xf32>,
      %swap3A_257 = vector.shape_cast %swap3A_256 : vector<1x16xf32> to vector<16xf32>
      %swap3A_258 = vector.shape_cast %get3A_252 : vector<16xf32> to vector<1x16xf32>
      tpu.vector_store %arg20[%swap3A_254, %swap3A_255], %swap3A_258 {strides = array<i32>} : memref<96x128xf32, #tpu.memory_space<vmem>>, vector<1x16xf32>,
      %get3A_259 = arith.constant 80 : index
      %get3A_260 = tpu.vector_load %arg16[%get3A_259] {strides = array<i32>} : memref<1536xf32, #tpu.memory_space<vmem>>, vector<16xf32>,
      %get3A_261 = vector.shape_cast %get3A_260 : vector<16xf32> to vector<16xf32>
      %swap3A_262 = arith.constant 5 : i32
      %swap3A_263 = arith.index_cast %swap3A_262 : i32 to index
      %swap3A_264 = arith.constant 0 : index
      %swap3A_265 = tpu.vector_load %arg20[%swap3A_263, %swap3A_264] {strides = array<i32>} : memref<96x128xf32, #tpu.memory_space<vmem>>, vector<1x16xf32>,
      %swap3A_266 = vector.shape_cast %swap3A_265 : vector<1x16xf32> to vector<16xf32>
      %swap3A_267 = vector.shape_cast %get3A_261 : vector<16xf32> to vector<1x16xf32>
      tpu.vector_store %arg20[%swap3A_263, %swap3A_264], %swap3A_267 {strides = array<i32>} : memref<96x128xf32, #tpu.memory_space<vmem>>, vector<1x16xf32>,
      %get3A_268 = arith.constant 80 : index
      %get3A_269 = tpu.vector_load %arg18[%get3A_268] {strides = array<i32>} : memref<1536xf32, #tpu.memory_space<vmem>>, vector<16xf32>,
      %get3A_270 = vector.shape_cast %get3A_269 : vector<16xf32> to vector<16xf32>
      %swap3A_271 = arith.constant 5 : i32
      %swap3A_272 = arith.index_cast %swap3A_271 : i32 to index
      %swap3A_273 = arith.constant 16 : index
      %swap3A_274 = tpu.vector_load %arg20[%swap3A_272, %swap3A_273] {strides = array<i32>} : memref<96x128xf32, #tpu.memory_space<vmem>>, vector<1x16xf32>,
      %swap3A_275 = vector.shape_cast %swap3A_274 : vector<1x16xf32> to vector<16xf32>
      %swap3A_276 = vector.shape_cast %get3A_270 : vector<16xf32> to vector<1x16xf32>
      tpu.vector_store %arg20[%swap3A_272, %swap3A_273], %swap3A_276 {strides = array<i32>} : memref<96x128xf32, #tpu.memory_space<vmem>>, vector<1x16xf32>,
      %get3A_277 = arith.constant 96 : index
      %get3A_278 = tpu.vector_load %arg16[%get3A_277] {strides = array<i32>} : memref<1536xf32, #tpu.memory_space<vmem>>, vector<16xf32>,
      %get3A_279 = vector.shape_cast %get3A_278 : vector<16xf32> to vector<16xf32>
      %swap3A_280 = arith.constant 6 : i32
      %swap3A_281 = arith.index_cast %swap3A_280 : i32 to index
      %swap3A_282 = arith.constant 0 : index
      %swap3A_283 = tpu.vector_load %arg20[%swap3A_281, %swap3A_282] {strides = array<i32>} : memref<96x128xf32, #tpu.memory_space<vmem>>, vector<1x16xf32>,
      %swap3A_284 = vector.shape_cast %swap3A_283 : vector<1x16xf32> to vector<16xf32>
      %swap3A_285 = vector.shape_cast %get3A_279 : vector<16xf32> to vector<1x16xf32>
      tpu.vector_store %arg20[%swap3A_281, %swap3A_282], %swap3A_285 {strides = array<i32>} : memref<96x128xf32, #tpu.memory_space<vmem>>, vector<1x16xf32>,
      %get3A_286 = arith.constant 96 : index
      %get3A_287 = tpu.vector_load %arg18[%get3A_286] {strides = array<i32>} : memref<1536xf32, #tpu.memory_space<vmem>>, vector<16xf32>,
      %get3A_288 = vector.shape_cast %get3A_287 : vector<16xf32> to vector<16xf32>
      %swap3A_289 = arith.constant 6 : i32
      %swap3A_290 = arith.index_cast %swap3A_289 : i32 to index
      %swap3A_291 = arith.constant 16 : index
      %swap3A_292 = tpu.vector_load %arg20[%swap3A_290, %swap3A_291] {strides = array<i32>} : memref<96x128xf32, #tpu.memory_space<vmem>>, vector<1x16xf32>,
      %swap3A_293 = vector.shape_cast %swap3A_292 : vector<1x16xf32> to vector<16xf32>
      %swap3A_294 = vector.shape_cast %get3A_288 : vector<16xf32> to vector<1x16xf32>
      tpu.vector_store %arg20[%swap3A_290, %swap3A_291], %swap3A_294 {strides = array<i32>} : memref<96x128xf32, #tpu.memory_space<vmem>>, vector<1x16xf32>,
      %get3A_295 = arith.constant 112 : index
      %get3A_296 = tpu.vector_load %arg16[%get3A_295] {strides = array<i32>} : memref<1536xf32, #tpu.memory_space<vmem>>, vector<16xf32>,
      %get3A_297 = vector.shape_cast %get3A_296 : vector<16xf32> to vector<16xf32>
      %swap3A_298 = arith.constant 7 : i32
      %swap3A_299 = arith.index_cast %swap3A_298 : i32 to index
      %swap3A_300 = arith.constant 0 : index
      %swap3A_301 = tpu.vector_load %arg20[%swap3A_299, %swap3A_300] {strides = array<i32>} : memref<96x128xf32, #tpu.memory_space<vmem>>, vector<1x16xf32>,
      %swap3A_302 = vector.shape_cast %swap3A_301 : vector<1x16xf32> to vector<16xf32>
      %swap3A_303 = vector.shape_cast %get3A_297 : vector<16xf32> to vector<1x16xf32>
      tpu.vector_store %arg20[%swap3A_299, %swap3A_300], %swap3A_303 {strides = array<i32>} : memref<96x128xf32, #tpu.memory_space<vmem>>, vector<1x16xf32>,
      %get3A_304 = arith.constant 112 : index
      %get3A_305 = tpu.vector_load %arg18[%get3A_304] {strides = array<i32>} : memref<1536xf32, #tpu.memory_space<vmem>>, vector<16xf32>,
      %get3A_306 = vector.shape_cast %get3A_305 : vector<16xf32> to vector<16xf32>
      %swap3A_307 = arith.constant 7 : i32
      %swap3A_308 = arith.index_cast %swap3A_307 : i32 to index
      %swap3A_309 = arith.constant 16 : index
      %swap3A_310 = tpu.vector_load %arg20[%swap3A_308, %swap3A_309] {strides = array<i32>} : memref<96x128xf32, #tpu.memory_space<vmem>>, vector<1x16xf32>,
      %swap3A_311 = vector.shape_cast %swap3A_310 : vector<1x16xf32> to vector<16xf32>
      %swap3A_312 = vector.shape_cast %get3A_306 : vector<16xf32> to vector<1x16xf32>
      tpu.vector_store %arg20[%swap3A_308, %swap3A_309], %swap3A_312 {strides = array<i32>} : memref<96x128xf32, #tpu.memory_space<vmem>>, vector<1x16xf32>,
      %get3A_313 = arith.constant 128 : index
      %get3A_314 = tpu.vector_load %arg16[%get3A_313] {strides = array<i32>} : memref<1536xf32, #tpu.memory_space<vmem>>, vector<16xf32>,
      %get3A_315 = vector.shape_cast %get3A_314 : vector<16xf32> to vector<16xf32>
      %swap3A_316 = arith.constant 8 : i32
      %swap3A_317 = arith.index_cast %swap3A_316 : i32 to index
      %swap3A_318 = arith.constant 0 : index
      %swap3A_319 = tpu.vector_load %arg20[%swap3A_317, %swap3A_318] {strides = array<i32>} : memref<96x128xf32, #tpu.memory_space<vmem>>, vector<1x16xf32>,
      %swap3A_320 = vector.shape_cast %swap3A_319 : vector<1x16xf32> to vector<16xf32>
      %swap3A_321 = vector.shape_cast %get3A_315 : vector<16xf32> to vector<1x16xf32>
      tpu.vector_store %arg20[%swap3A_317, %swap3A_318], %swap3A_321 {strides = array<i32>} : memref<96x128xf32, #tpu.memory_space<vmem>>, vector<1x16xf32>,
      %get3A_322 = arith.constant 128 : index
      %get3A_323 = tpu.vector_load %arg18[%get3A_322] {strides = array<i32>} : memref<1536xf32, #tpu.memory_space<vmem>>, vector<16xf32>,
      %get3A_324 = vector.shape_cast %get3A_323 : vector<16xf32> to vector<16xf32>
      %swap3A_325 = arith.constant 8 : i32
      %swap3A_326 = arith.index_cast %swap3A_325 : i32 to index
      %swap3A_327 = arith.constant 16 : index
      %swap3A_328 = tpu.vector_load %arg20[%swap3A_326, %swap3A_327] {strides = array<i32>} : memref<96x128xf32, #tpu.memory_space<vmem>>, vector<1x16xf32>,
      %swap3A_329 = vector.shape_cast %swap3A_328 : vector<1x16xf32> to vector<16xf32>
      %swap3A_330 = vector.shape_cast %get3A_324 : vector<16xf32> to vector<1x16xf32>
      tpu.vector_store %arg20[%swap3A_326, %swap3A_327], %swap3A_330 {strides = array<i32>} : memref<96x128xf32, #tpu.memory_space<vmem>>, vector<1x16xf32>,
      %get3A_331 = arith.constant 144 : index
      %get3A_332 = tpu.vector_load %arg16[%get3A_331] {strides = array<i32>} : memref<1536xf32, #tpu.memory_space<vmem>>, vector<16xf32>,
      %get3A_333 = vector.shape_cast %get3A_332 : vector<16xf32> to vector<16xf32>
      %swap3A_334 = arith.constant 9 : i32
      %swap3A_335 = arith.index_cast %swap3A_334 : i32 to index
      %swap3A_336 = arith.constant 0 : index
      %swap3A_337 = tpu.vector_load %arg20[%swap3A_335, %swap3A_336] {strides = array<i32>} : memref<96x128xf32, #tpu.memory_space<vmem>>, vector<1x16xf32>,
      %swap3A_338 = vector.shape_cast %swap3A_337 : vector<1x16xf32> to vector<16xf32>
      %swap3A_339 = vector.shape_cast %get3A_333 : vector<16xf32> to vector<1x16xf32>
      tpu.vector_store %arg20[%swap3A_335, %swap3A_336], %swap3A_339 {strides = array<i32>} : memref<96x128xf32, #tpu.memory_space<vmem>>, vector<1x16xf32>,
      %get3A_340 = arith.constant 144 : index
      %get3A_341 = tpu.vector_load %arg18[%get3A_340] {strides = array<i32>} : memref<1536xf32, #tpu.memory_space<vmem>>, vector<16xf32>,
      %get3A_342 = vector.shape_cast %get3A_341 : vector<16xf32> to vector<16xf32>
      %swap3A_343 = arith.constant 9 : i32
      %swap3A_344 = arith.index_cast %swap3A_343 : i32 to index
      %swap3A_345 = arith.constant 16 : index
      %swap3A_346 = tpu.vector_load %arg20[%swap3A_344, %swap3A_345] {strides = array<i32>} : memref<96x128xf32, #tpu.memory_space<vmem>>, vector<1x16xf32>,
      %swap3A_347 = vector.shape_cast %swap3A_346 : vector<1x16xf32> to vector<16xf32>
      %swap3A_348 = vector.shape_cast %get3A_342 : vector<16xf32> to vector<1x16xf32>
      tpu.vector_store %arg20[%swap3A_344, %swap3A_345], %swap3A_348 {strides = array<i32>} : memref<96x128xf32, #tpu.memory_space<vmem>>, vector<1x16xf32>,
      %get3A_349 = arith.constant 160 : index
      %get3A_350 = tpu.vector_load %arg16[%get3A_349] {strides = array<i32>} : memref<1536xf32, #tpu.memory_space<vmem>>, vector<16xf32>,
      %get3A_351 = vector.shape_cast %get3A_350 : vector<16xf32> to vector<16xf32>
      %swap3A_352 = arith.constant 10 : i32
      %swap3A_353 = arith.index_cast %swap3A_352 : i32 to index
      %swap3A_354 = arith.constant 0 : index
      %swap3A_355 = tpu.vector_load %arg20[%swap3A_353, %swap3A_354] {strides = array<i32>} : memref<96x128xf32, #tpu.memory_space<vmem>>, vector<1x16xf32>,
      %swap3A_356 = vector.shape_cast %swap3A_355 : vector<1x16xf32> to vector<16xf32>
      %swap3A_357 = vector.shape_cast %get3A_351 : vector<16xf32> to vector<1x16xf32>
      tpu.vector_store %arg20[%swap3A_353, %swap3A_354], %swap3A_357 {strides = array<i32>} : memref<96x128xf32, #tpu.memory_space<vmem>>, vector<1x16xf32>,
      %get3A_358 = arith.constant 160 : index
      %get3A_359 = tpu.vector_load %arg18[%get3A_358] {strides = array<i32>} : memref<1536xf32, #tpu.memory_space<vmem>>, vector<16xf32>,
      %get3A_360 = vector.shape_cast %get3A_359 : vector<16xf32> to vector<16xf32>
      %swap3A_361 = arith.constant 10 : i32
      %swap3A_362 = arith.index_cast %swap3A_361 : i32 to index
      %swap3A_363 = arith.constant 16 : index
      %swap3A_364 = tpu.vector_load %arg20[%swap3A_362, %swap3A_363] {strides = array<i32>} : memref<96x128xf32, #tpu.memory_space<vmem>>, vector<1x16xf32>,
      %swap3A_365 = vector.shape_cast %swap3A_364 : vector<1x16xf32> to vector<16xf32>
      %swap3A_366 = vector.shape_cast %get3A_360 : vector<16xf32> to vector<1x16xf32>
      tpu.vector_store %arg20[%swap3A_362, %swap3A_363], %swap3A_366 {strides = array<i32>} : memref<96x128xf32, #tpu.memory_space<vmem>>, vector<1x16xf32>,
      %get3A_367 = arith.constant 176 : index
      %get3A_368 = tpu.vector_load %arg16[%get3A_367] {strides = array<i32>} : memref<1536xf32, #tpu.memory_space<vmem>>, vector<16xf32>,
      %get3A_369 = vector.shape_cast %get3A_368 : vector<16xf32> to vector<16xf32>
      %swap3A_370 = arith.constant 11 : i32
      %swap3A_371 = arith.index_cast %swap3A_370 : i32 to index
      %swap3A_372 = arith.constant 0 : index
      %swap3A_373 = tpu.vector_load %arg20[%swap3A_371, %swap3A_372] {strides = array<i32>} : memref<96x128xf32, #tpu.memory_space<vmem>>, vector<1x16xf32>,
      %swap3A_374 = vector.shape_cast %swap3A_373 : vector<1x16xf32> to vector<16xf32>
      %swap3A_375 = vector.shape_cast %get3A_369 : vector<16xf32> to vector<1x16xf32>
      tpu.vector_store %arg20[%swap3A_371, %swap3A_372], %swap3A_375 {strides = array<i32>} : memref<96x128xf32, #tpu.memory_space<vmem>>, vector<1x16xf32>,
      %get3A_376 = arith.constant 176 : index
      %get3A_377 = tpu.vector_load %arg18[%get3A_376] {strides = array<i32>} : memref<1536xf32, #tpu.memory_space<vmem>>, vector<16xf32>,
      %get3A_378 = vector.shape_cast %get3A_377 : vector<16xf32> to vector<16xf32>
      %swap3A_379 = arith.constant 11 : i32
      %swap3A_380 = arith.index_cast %swap3A_379 : i32 to index
      %swap3A_381 = arith.constant 16 : index
      %swap3A_382 = tpu.vector_load %arg20[%swap3A_380, %swap3A_381] {strides = array<i32>} : memref<96x128xf32, #tpu.memory_space<vmem>>, vector<1x16xf32>,
      %swap3A_383 = vector.shape_cast %swap3A_382 : vector<1x16xf32> to vector<16xf32>
      %swap3A_384 = vector.shape_cast %get3A_378 : vector<16xf32> to vector<1x16xf32>
      tpu.vector_store %arg20[%swap3A_380, %swap3A_381], %swap3A_384 {strides = array<i32>} : memref<96x128xf32, #tpu.memory_space<vmem>>, vector<1x16xf32>,
      %get3A_385 = arith.constant 192 : index
      %get3A_386 = tpu.vector_load %arg16[%get3A_385] {strides = array<i32>} : memref<1536xf32, #tpu.memory_space<vmem>>, vector<16xf32>,
      %get3A_387 = vector.shape_cast %get3A_386 : vector<16xf32> to vector<16xf32>
      %swap3A_388 = arith.constant 12 : i32
      %swap3A_389 = arith.index_cast %swap3A_388 : i32 to index
      %swap3A_390 = arith.constant 0 : index
      %swap3A_391 = tpu.vector_load %arg20[%swap3A_389, %swap3A_390] {strides = array<i32>} : memref<96x128xf32, #tpu.memory_space<vmem>>, vector<1x16xf32>,
      %swap3A_392 = vector.shape_cast %swap3A_391 : vector<1x16xf32> to vector<16xf32>
      %swap3A_393 = vector.shape_cast %get3A_387 : vector<16xf32> to vector<1x16xf32>
      tpu.vector_store %arg20[%swap3A_389, %swap3A_390], %swap3A_393 {strides = array<i32>} : memref<96x128xf32, #tpu.memory_space<vmem>>, vector<1x16xf32>,
      %get3A_394 = arith.constant 192 : index
      %get3A_395 = tpu.vector_load %arg18[%get3A_394] {strides = array<i32>} : memref<1536xf32, #tpu.memory_space<vmem>>, vector<16xf32>,
      %get3A_396 = vector.shape_cast %get3A_395 : vector<16xf32> to vector<16xf32>
      %swap3A_397 = arith.constant 12 : i32
      %swap3A_398 = arith.index_cast %swap3A_397 : i32 to index
      %swap3A_399 = arith.constant 16 : index
      %swap3A_400 = tpu.vector_load %arg20[%swap3A_398, %swap3A_399] {strides = array<i32>} : memref<96x128xf32, #tpu.memory_space<vmem>>, vector<1x16xf32>,
      %swap3A_401 = vector.shape_cast %swap3A_400 : vector<1x16xf32> to vector<16xf32>
      %swap3A_402 = vector.shape_cast %get3A_396 : vector<16xf32> to vector<1x16xf32>
      tpu.vector_store %arg20[%swap3A_398, %swap3A_399], %swap3A_402 {strides = array<i32>} : memref<96x128xf32, #tpu.memory_space<vmem>>, vector<1x16xf32>,
      %get3A_403 = arith.constant 208 : index
      %get3A_404 = tpu.vector_load %arg16[%get3A_403] {strides = array<i32>} : memref<1536xf32, #tpu.memory_space<vmem>>, vector<16xf32>,
      %get3A_405 = vector.shape_cast %get3A_404 : vector<16xf32> to vector<16xf32>
      %swap3A_406 = arith.constant 13 : i32
      %swap3A_407 = arith.index_cast %swap3A_406 : i32 to index
      %swap3A_408 = arith.constant 0 : index
      %swap3A_409 = tpu.vector_load %arg20[%swap3A_407, %swap3A_408] {strides = array<i32>} : memref<96x128xf32, #tpu.memory_space<vmem>>, vector<1x16xf32>,
      %swap3A_410 = vector.shape_cast %swap3A_409 : vector<1x16xf32> to vector<16xf32>
      %swap3A_411 = vector.shape_cast %get3A_405 : vector<16xf32> to vector<1x16xf32>
      tpu.vector_store %arg20[%swap3A_407, %swap3A_408], %swap3A_411 {strides = array<i32>} : memref<96x128xf32, #tpu.memory_space<vmem>>, vector<1x16xf32>,
      %get3A_412 = arith.constant 208 : index
      %get3A_413 = tpu.vector_load %arg18[%get3A_412] {strides = array<i32>} : memref<1536xf32, #tpu.memory_space<vmem>>, vector<16xf32>,
      %get3A_414 = vector.shape_cast %get3A_413 : vector<16xf32> to vector<16xf32>
      %swap3A_415 = arith.constant 13 : i32
      %swap3A_416 = arith.index_cast %swap3A_415 : i32 to index
      %swap3A_417 = arith.constant 16 : index
      %swap3A_418 = tpu.vector_load %arg20[%swap3A_416, %swap3A_417] {strides = array<i32>} : memref<96x128xf32, #tpu.memory_space<vmem>>, vector<1x16xf32>,
      %swap3A_419 = vector.shape_cast %swap3A_418 : vector<1x16xf32> to vector<16xf32>
      %swap3A_420 = vector.shape_cast %get3A_414 : vector<16xf32> to vector<1x16xf32>
      tpu.vector_store %arg20[%swap3A_416, %swap3A_417], %swap3A_420 {strides = array<i32>} : memref<96x128xf32, #tpu.memory_space<vmem>>, vector<1x16xf32>,
      %get3A_421 = arith.constant 224 : index
      %get3A_422 = tpu.vector_load %arg16[%get3A_421] {strides = array<i32>} : memref<1536xf32, #tpu.memory_space<vmem>>, vector<16xf32>,
      %get3A_423 = vector.shape_cast %get3A_422 : vector<16xf32> to vector<16xf32>
      %swap3A_424 = arith.constant 14 : i32
      %swap3A_425 = arith.index_cast %swap3A_424 : i32 to index
      %swap3A_426 = arith.constant 0 : index
      %swap3A_427 = tpu.vector_load %arg20[%swap3A_425, %swap3A_426] {strides = array<i32>} : memref<96x128xf32, #tpu.memory_space<vmem>>, vector<1x16xf32>,
      %swap3A_428 = vector.shape_cast %swap3A_427 : vector<1x16xf32> to vector<16xf32>
      %swap3A_429 = vector.shape_cast %get3A_423 : vector<16xf32> to vector<1x16xf32>
      tpu.vector_store %arg20[%swap3A_425, %swap3A_426], %swap3A_429 {strides = array<i32>} : memref<96x128xf32, #tpu.memory_space<vmem>>, vector<1x16xf32>,
      %get3A_430 = arith.constant 224 : index
      %get3A_431 = tpu.vector_load %arg18[%get3A_430] {strides = array<i32>} : memref<1536xf32, #tpu.memory_space<vmem>>, vector<16xf32>,
      %get3A_432 = vector.shape_cast %get3A_431 : vector<16xf32> to vector<16xf32>
      %swap3A_433 = arith.constant 14 : i32
      %swap3A_434 = arith.index_cast %swap3A_433 : i32 to index
      %swap3A_435 = arith.constant 16 : index
      %swap3A_436 = tpu.vector_load %arg20[%swap3A_434, %swap3A_435] {strides = array<i32>} : memref<96x128xf32, #tpu.memory_space<vmem>>, vector<1x16xf32>,
      %swap3A_437 = vector.shape_cast %swap3A_436 : vector<1x16xf32> to vector<16xf32>
      %swap3A_438 = vector.shape_cast %get3A_432 : vector<16xf32> to vector<1x16xf32>
      tpu.vector_store %arg20[%swap3A_434, %swap3A_435], %swap3A_438 {strides = array<i32>} : memref<96x128xf32, #tpu.memory_space<vmem>>, vector<1x16xf32>,
      %get3A_439 = arith.constant 240 : index
      %get3A_440 = tpu.vector_load %arg16[%get3A_439] {strides = array<i32>} : memref<1536xf32, #tpu.memory_space<vmem>>, vector<16xf32>,
      %get3A_441 = vector.shape_cast %get3A_440 : vector<16xf32> to vector<16xf32>
      %swap3A_442 = arith.constant 15 : i32
      %swap3A_443 = arith.index_cast %swap3A_442 : i32 to index
      %swap3A_444 = arith.constant 0 : index
      %swap3A_445 = tpu.vector_load %arg20[%swap3A_443, %swap3A_444] {strides = array<i32>} : memref<96x128xf32, #tpu.memory_space<vmem>>, vector<1x16xf32>,
      %swap3A_446 = vector.shape_cast %swap3A_445 : vector<1x16xf32> to vector<16xf32>
      %swap3A_447 = vector.shape_cast %get3A_441 : vector<16xf32> to vector<1x16xf32>
      tpu.vector_store %arg20[%swap3A_443, %swap3A_444], %swap3A_447 {strides = array<i32>} : memref<96x128xf32, #tpu.memory_space<vmem>>, vector<1x16xf32>,
      %get3A_448 = arith.constant 240 : index
      %get3A_449 = tpu.vector_load %arg18[%get3A_448] {strides = array<i32>} : memref<1536xf32, #tpu.memory_space<vmem>>, vector<16xf32>,
      %get3A_450 = vector.shape_cast %get3A_449 : vector<16xf32> to vector<16xf32>
      %swap3A_451 = arith.constant 15 : i32
      %swap3A_452 = arith.index_cast %swap3A_451 : i32 to index
      %swap3A_453 = arith.constant 16 : index
      %swap3A_454 = tpu.vector_load %arg20[%swap3A_452, %swap3A_453] {strides = array<i32>} : memref<96x128xf32, #tpu.memory_space<vmem>>, vector<1x16xf32>,
      %swap3A_455 = vector.shape_cast %swap3A_454 : vector<1x16xf32> to vector<16xf32>
      %swap3A_456 = vector.shape_cast %get3A_450 : vector<16xf32> to vector<1x16xf32>
      tpu.vector_store %arg20[%swap3A_452, %swap3A_453], %swap3A_456 {strides = array<i32>} : memref<96x128xf32, #tpu.memory_space<vmem>>, vector<1x16xf32>,
      %get3A_457 = arith.constant 256 : index
      %get3A_458 = tpu.vector_load %arg16[%get3A_457] {strides = array<i32>} : memref<1536xf32, #tpu.memory_space<vmem>>, vector<16xf32>,
      %get3A_459 = vector.shape_cast %get3A_458 : vector<16xf32> to vector<16xf32>
      %swap3A_460 = arith.constant 16 : i32
      %swap3A_461 = arith.index_cast %swap3A_460 : i32 to index
      %swap3A_462 = arith.constant 0 : index
      %swap3A_463 = tpu.vector_load %arg20[%swap3A_461, %swap3A_462] {strides = array<i32>} : memref<96x128xf32, #tpu.memory_space<vmem>>, vector<1x16xf32>,
      %swap3A_464 = vector.shape_cast %swap3A_463 : vector<1x16xf32> to vector<16xf32>
      %swap3A_465 = vector.shape_cast %get3A_459 : vector<16xf32> to vector<1x16xf32>
      tpu.vector_store %arg20[%swap3A_461, %swap3A_462], %swap3A_465 {strides = array<i32>} : memref<96x128xf32, #tpu.memory_space<vmem>>, vector<1x16xf32>,
      %get3A_466 = arith.constant 256 : index
      %get3A_467 = tpu.vector_load %arg18[%get3A_466] {strides = array<i32>} : memref<1536xf32, #tpu.memory_space<vmem>>, vector<16xf32>,
      %get3A_468 = vector.shape_cast %get3A_467 : vector<16xf32> to vector<16xf32>
      %swap3A_469 = arith.constant 16 : i32
      %swap3A_470 = arith.index_cast %swap3A_469 : i32 to index
      %swap3A_471 = arith.constant 16 : index
      %swap3A_472 = tpu.vector_load %arg20[%swap3A_470, %swap3A_471] {strides = array<i32>} : memref<96x128xf32, #tpu.memory_space<vmem>>, vector<1x16xf32>,
      %swap3A_473 = vector.shape_cast %swap3A_472 : vector<1x16xf32> to vector<16xf32>
      %swap3A_474 = vector.shape_cast %get3A_468 : vector<16xf32> to vector<1x16xf32>
      tpu.vector_store %arg20[%swap3A_470, %swap3A_471], %swap3A_474 {strides = array<i32>} : memref<96x128xf32, #tpu.memory_space<vmem>>, vector<1x16xf32>,
      %get3A_475 = arith.constant 272 : index
      %get3A_476 = tpu.vector_load %arg16[%get3A_475] {strides = array<i32>} : memref<1536xf32, #tpu.memory_space<vmem>>, vector<16xf32>,
      %get3A_477 = vector.shape_cast %get3A_476 : vector<16xf32> to vector<16xf32>
      %swap3A_478 = arith.constant 17 : i32
      %swap3A_479 = arith.index_cast %swap3A_478 : i32 to index
      %swap3A_480 = arith.constant 0 : index
      %swap3A_481 = tpu.vector_load %arg20[%swap3A_479, %swap3A_480] {strides = array<i32>} : memref<96x128xf32, #tpu.memory_space<vmem>>, vector<1x16xf32>,
      %swap3A_482 = vector.shape_cast %swap3A_481 : vector<1x16xf32> to vector<16xf32>
      %swap3A_483 = vector.shape_cast %get3A_477 : vector<16xf32> to vector<1x16xf32>
      tpu.vector_store %arg20[%swap3A_479, %swap3A_480], %swap3A_483 {strides = array<i32>} : memref<96x128xf32, #tpu.memory_space<vmem>>, vector<1x16xf32>,
      %get3A_484 = arith.constant 272 : index
      %get3A_485 = tpu.vector_load %arg18[%get3A_484] {strides = array<i32>} : memref<1536xf32, #tpu.memory_space<vmem>>, vector<16xf32>,
      %get3A_486 = vector.shape_cast %get3A_485 : vector<16xf32> to vector<16xf32>
      %swap3A_487 = arith.constant 17 : i32
      %swap3A_488 = arith.index_cast %swap3A_487 : i32 to index
      %swap3A_489 = arith.constant 16 : index
      %swap3A_490 = tpu.vector_load %arg20[%swap3A_488, %swap3A_489] {strides = array<i32>} : memref<96x128xf32, #tpu.memory_space<vmem>>, vector<1x16xf32>,
      %swap3A_491 = vector.shape_cast %swap3A_490 : vector<1x16xf32> to vector<16xf32>
      %swap3A_492 = vector.shape_cast %get3A_486 : vector<16xf32> to vector<1x16xf32>
      tpu.vector_store %arg20[%swap3A_488, %swap3A_489], %swap3A_492 {strides = array<i32>} : memref<96x128xf32, #tpu.memory_space<vmem>>, vector<1x16xf32>,
      %get3A_493 = arith.constant 288 : index
      %get3A_494 = tpu.vector_load %arg16[%get3A_493] {strides = array<i32>} : memref<1536xf32, #tpu.memory_space<vmem>>, vector<16xf32>,
      %get3A_495 = vector.shape_cast %get3A_494 : vector<16xf32> to vector<16xf32>
      %swap3A_496 = arith.constant 18 : i32
      %swap3A_497 = arith.index_cast %swap3A_496 : i32 to index
      %swap3A_498 = arith.constant 0 : index
      %swap3A_499 = tpu.vector_load %arg20[%swap3A_497, %swap3A_498] {strides = array<i32>} : memref<96x128xf32, #tpu.memory_space<vmem>>, vector<1x16xf32>,
      %swap3A_500 = vector.shape_cast %swap3A_499 : vector<1x16xf32> to vector<16xf32>
      %swap3A_501 = vector.shape_cast %get3A_495 : vector<16xf32> to vector<1x16xf32>
      tpu.vector_store %arg20[%swap3A_497, %swap3A_498], %swap3A_501 {strides = array<i32>} : memref<96x128xf32, #tpu.memory_space<vmem>>, vector<1x16xf32>,
      %get3A_502 = arith.constant 288 : index
      %get3A_503 = tpu.vector_load %arg18[%get3A_502] {strides = array<i32>} : memref<1536xf32, #tpu.memory_space<vmem>>, vector<16xf32>,
      %get3A_504 = vector.shape_cast %get3A_503 : vector<16xf32> to vector<16xf32>
      %swap3A_505 = arith.constant 18 : i32
      %swap3A_506 = arith.index_cast %swap3A_505 : i32 to index
      %swap3A_507 = arith.constant 16 : index
      %swap3A_508 = tpu.vector_load %arg20[%swap3A_506, %swap3A_507] {strides = array<i32>} : memref<96x128xf32, #tpu.memory_space<vmem>>, vector<1x16xf32>,
      %swap3A_509 = vector.shape_cast %swap3A_508 : vector<1x16xf32> to vector<16xf32>
      %swap3A_510 = vector.shape_cast %get3A_504 : vector<16xf32> to vector<1x16xf32>
      tpu.vector_store %arg20[%swap3A_506, %swap3A_507], %swap3A_510 {strides = array<i32>} : memref<96x128xf32, #tpu.memory_space<vmem>>, vector<1x16xf32>,
      %get3A_511 = arith.constant 304 : index
      %get3A_512 = tpu.vector_load %arg16[%get3A_511] {strides = array<i32>} : memref<1536xf32, #tpu.memory_space<vmem>>, vector<16xf32>,
      %get3A_513 = vector.shape_cast %get3A_512 : vector<16xf32> to vector<16xf32>
      %swap3A_514 = arith.constant 19 : i32
      %swap3A_515 = arith.index_cast %swap3A_514 : i32 to index
      %swap3A_516 = arith.constant 0 : index
      %swap3A_517 = tpu.vector_load %arg20[%swap3A_515, %swap3A_516] {strides = array<i32>} : memref<96x128xf32, #tpu.memory_space<vmem>>, vector<1x16xf32>,
      %swap3A_518 = vector.shape_cast %swap3A_517 : vector<1x16xf32> to vector<16xf32>
      %swap3A_519 = vector.shape_cast %get3A_513 : vector<16xf32> to vector<1x16xf32>
      tpu.vector_store %arg20[%swap3A_515, %swap3A_516], %swap3A_519 {strides = array<i32>} : memref<96x128xf32, #tpu.memory_space<vmem>>, vector<1x16xf32>,
      %get3A_520 = arith.constant 304 : index
      %get3A_521 = tpu.vector_load %arg18[%get3A_520] {strides = array<i32>} : memref<1536xf32, #tpu.memory_space<vmem>>, vector<16xf32>,
      %get3A_522 = vector.shape_cast %get3A_521 : vector<16xf32> to vector<16xf32>
      %swap3A_523 = arith.constant 19 : i32
      %swap3A_524 = arith.index_cast %swap3A_523 : i32 to index
      %swap3A_525 = arith.constant 16 : index
      %swap3A_526 = tpu.vector_load %arg20[%swap3A_524, %swap3A_525] {strides = array<i32>} : memref<96x128xf32, #tpu.memory_space<vmem>>, vector<1x16xf32>,
      %swap3A_527 = vector.shape_cast %swap3A_526 : vector<1x16xf32> to vector<16xf32>
      %swap3A_528 = vector.shape_cast %get3A_522 : vector<16xf32> to vector<1x16xf32>
      tpu.vector_store %arg20[%swap3A_524, %swap3A_525], %swap3A_528 {strides = array<i32>} : memref<96x128xf32, #tpu.memory_space<vmem>>, vector<1x16xf32>,
      %get3A_529 = arith.constant 320 : index
      %get3A_530 = tpu.vector_load %arg16[%get3A_529] {strides = array<i32>} : memref<1536xf32, #tpu.memory_space<vmem>>, vector<16xf32>,
      %get3A_531 = vector.shape_cast %get3A_530 : vector<16xf32> to vector<16xf32>
      %swap3A_532 = arith.constant 20 : i32
      %swap3A_533 = arith.index_cast %swap3A_532 : i32 to index
      %swap3A_534 = arith.constant 0 : index
      %swap3A_535 = tpu.vector_load %arg20[%swap3A_533, %swap3A_534] {strides = array<i32>} : memref<96x128xf32, #tpu.memory_space<vmem>>, vector<1x16xf32>,
      %swap3A_536 = vector.shape_cast %swap3A_535 : vector<1x16xf32> to vector<16xf32>
      %swap3A_537 = vector.shape_cast %get3A_531 : vector<16xf32> to vector<1x16xf32>
      tpu.vector_store %arg20[%swap3A_533, %swap3A_534], %swap3A_537 {strides = array<i32>} : memref<96x128xf32, #tpu.memory_space<vmem>>, vector<1x16xf32>,
      %get3A_538 = arith.constant 320 : index
      %get3A_539 = tpu.vector_load %arg18[%get3A_538] {strides = array<i32>} : memref<1536xf32, #tpu.memory_space<vmem>>, vector<16xf32>,
      %get3A_540 = vector.shape_cast %get3A_539 : vector<16xf32> to vector<16xf32>
      %swap3A_541 = arith.constant 20 : i32
      %swap3A_542 = arith.index_cast %swap3A_541 : i32 to index
      %swap3A_543 = arith.constant 16 : index
      %swap3A_544 = tpu.vector_load %arg20[%swap3A_542, %swap3A_543] {strides = array<i32>} : memref<96x128xf32, #tpu.memory_space<vmem>>, vector<1x16xf32>,
      %swap3A_545 = vector.shape_cast %swap3A_544 : vector<1x16xf32> to vector<16xf32>
      %swap3A_546 = vector.shape_cast %get3A_540 : vector<16xf32> to vector<1x16xf32>
      tpu.vector_store %arg20[%swap3A_542, %swap3A_543], %swap3A_546 {strides = array<i32>} : memref<96x128xf32, #tpu.memory_space<vmem>>, vector<1x16xf32>,
      %get3A_547 = arith.constant 336 : index
      %get3A_548 = tpu.vector_load %arg16[%get3A_547] {strides = array<i32>} : memref<1536xf32, #tpu.memory_space<vmem>>, vector<16xf32>,
      %get3A_549 = vector.shape_cast %get3A_548 : vector<16xf32> to vector<16xf32>
      %swap3A_550 = arith.constant 21 : i32
      %swap3A_551 = arith.index_cast %swap3A_550 : i32 to index
      %swap3A_552 = arith.constant 0 : index
      %swap3A_553 = tpu.vector_load %arg20[%swap3A_551, %swap3A_552] {strides = array<i32>} : memref<96x128xf32, #tpu.memory_space<vmem>>, vector<1x16xf32>,
      %swap3A_554 = vector.shape_cast %swap3A_553 : vector<1x16xf32> to vector<16xf32>
      %swap3A_555 = vector.shape_cast %get3A_549 : vector<16xf32> to vector<1x16xf32>
      tpu.vector_store %arg20[%swap3A_551, %swap3A_552], %swap3A_555 {strides = array<i32>} : memref<96x128xf32, #tpu.memory_space<vmem>>, vector<1x16xf32>,
      %get3A_556 = arith.constant 336 : index
      %get3A_557 = tpu.vector_load %arg18[%get3A_556] {strides = array<i32>} : memref<1536xf32, #tpu.memory_space<vmem>>, vector<16xf32>,
      %get3A_558 = vector.shape_cast %get3A_557 : vector<16xf32> to vector<16xf32>
      %swap3A_559 = arith.constant 21 : i32
      %swap3A_560 = arith.index_cast %swap3A_559 : i32 to index
      %swap3A_561 = arith.constant 16 : index
      %swap3A_562 = tpu.vector_load %arg20[%swap3A_560, %swap3A_561] {strides = array<i32>} : memref<96x128xf32, #tpu.memory_space<vmem>>, vector<1x16xf32>,
      %swap3A_563 = vector.shape_cast %swap3A_562 : vector<1x16xf32> to vector<16xf32>
      %swap3A_564 = vector.shape_cast %get3A_558 : vector<16xf32> to vector<1x16xf32>
      tpu.vector_store %arg20[%swap3A_560, %swap3A_561], %swap3A_564 {strides = array<i32>} : memref<96x128xf32, #tpu.memory_space<vmem>>, vector<1x16xf32>,
      %get3A_565 = arith.constant 352 : index
      %get3A_566 = tpu.vector_load %arg16[%get3A_565] {strides = array<i32>} : memref<1536xf32, #tpu.memory_space<vmem>>, vector<16xf32>,
      %get3A_567 = vector.shape_cast %get3A_566 : vector<16xf32> to vector<16xf32>
      %swap3A_568 = arith.constant 22 : i32
      %swap3A_569 = arith.index_cast %swap3A_568 : i32 to index
      %swap3A_570 = arith.constant 0 : index
      %swap3A_571 = tpu.vector_load %arg20[%swap3A_569, %swap3A_570] {strides = array<i32>} : memref<96x128xf32, #tpu.memory_space<vmem>>, vector<1x16xf32>,
      %swap3A_572 = vector.shape_cast %swap3A_571 : vector<1x16xf32> to vector<16xf32>
      %swap3A_573 = vector.shape_cast %get3A_567 : vector<16xf32> to vector<1x16xf32>
      tpu.vector_store %arg20[%swap3A_569, %swap3A_570], %swap3A_573 {strides = array<i32>} : memref<96x128xf32, #tpu.memory_space<vmem>>, vector<1x16xf32>,
      %get3A_574 = arith.constant 352 : index
      %get3A_575 = tpu.vector_load %arg18[%get3A_574] {strides = array<i32>} : memref<1536xf32, #tpu.memory_space<vmem>>, vector<16xf32>,
      %get3A_576 = vector.shape_cast %get3A_575 : vector<16xf32> to vector<16xf32>
      %swap3A_577 = arith.constant 22 : i32
      %swap3A_578 = arith.index_cast %swap3A_577 : i32 to index
      %swap3A_579 = arith.constant 16 : index
      %swap3A_580 = tpu.vector_load %arg20[%swap3A_578, %swap3A_579] {strides = array<i32>} : memref<96x128xf32, #tpu.memory_space<vmem>>, vector<1x16xf32>,
      %swap3A_581 = vector.shape_cast %swap3A_580 : vector<1x16xf32> to vector<16xf32>
      %swap3A_582 = vector.shape_cast %get3A_576 : vector<16xf32> to vector<1x16xf32>
      tpu.vector_store %arg20[%swap3A_578, %swap3A_579], %swap3A_582 {strides = array<i32>} : memref<96x128xf32, #tpu.memory_space<vmem>>, vector<1x16xf32>,
      %get3A_583 = arith.constant 368 : index
      %get3A_584 = tpu.vector_load %arg16[%get3A_583] {strides = array<i32>} : memref<1536xf32, #tpu.memory_space<vmem>>, vector<16xf32>,
      %get3A_585 = vector.shape_cast %get3A_584 : vector<16xf32> to vector<16xf32>
      %swap3A_586 = arith.constant 23 : i32
      %swap3A_587 = arith.index_cast %swap3A_586 : i32 to index
      %swap3A_588 = arith.constant 0 : index
      %swap3A_589 = tpu.vector_load %arg20[%swap3A_587, %swap3A_588] {strides = array<i32>} : memref<96x128xf32, #tpu.memory_space<vmem>>, vector<1x16xf32>,
      %swap3A_590 = vector.shape_cast %swap3A_589 : vector<1x16xf32> to vector<16xf32>
      %swap3A_591 = vector.shape_cast %get3A_585 : vector<16xf32> to vector<1x16xf32>
      tpu.vector_store %arg20[%swap3A_587, %swap3A_588], %swap3A_591 {strides = array<i32>} : memref<96x128xf32, #tpu.memory_space<vmem>>, vector<1x16xf32>,
      %get3A_592 = arith.constant 368 : index
      %get3A_593 = tpu.vector_load %arg18[%get3A_592] {strides = array<i32>} : memref<1536xf32, #tpu.memory_space<vmem>>, vector<16xf32>,
      %get3A_594 = vector.shape_cast %get3A_593 : vector<16xf32> to vector<16xf32>
      %swap3A_595 = arith.constant 23 : i32
      %swap3A_596 = arith.index_cast %swap3A_595 : i32 to index
      %swap3A_597 = arith.constant 16 : index
      %swap3A_598 = tpu.vector_load %arg20[%swap3A_596, %swap3A_597] {strides = array<i32>} : memref<96x128xf32, #tpu.memory_space<vmem>>, vector<1x16xf32>,
      %swap3A_599 = vector.shape_cast %swap3A_598 : vector<1x16xf32> to vector<16xf32>
      %swap3A_600 = vector.shape_cast %get3A_594 : vector<16xf32> to vector<1x16xf32>
      tpu.vector_store %arg20[%swap3A_596, %swap3A_597], %swap3A_600 {strides = array<i32>} : memref<96x128xf32, #tpu.memory_space<vmem>>, vector<1x16xf32>,
      %get3A_601 = arith.constant 384 : index
      %get3A_602 = tpu.vector_load %arg16[%get3A_601] {strides = array<i32>} : memref<1536xf32, #tpu.memory_space<vmem>>, vector<16xf32>,
      %get3A_603 = vector.shape_cast %get3A_602 : vector<16xf32> to vector<16xf32>
      %swap3A_604 = arith.constant 24 : i32
      %swap3A_605 = arith.index_cast %swap3A_604 : i32 to index
      %swap3A_606 = arith.constant 0 : index
      %swap3A_607 = tpu.vector_load %arg20[%swap3A_605, %swap3A_606] {strides = array<i32>} : memref<96x128xf32, #tpu.memory_space<vmem>>, vector<1x16xf32>,
      %swap3A_608 = vector.shape_cast %swap3A_607 : vector<1x16xf32> to vector<16xf32>
      %swap3A_609 = vector.shape_cast %get3A_603 : vector<16xf32> to vector<1x16xf32>
      tpu.vector_store %arg20[%swap3A_605, %swap3A_606], %swap3A_609 {strides = array<i32>} : memref<96x128xf32, #tpu.memory_space<vmem>>, vector<1x16xf32>,
      %get3A_610 = arith.constant 384 : index
      %get3A_611 = tpu.vector_load %arg18[%get3A_610] {strides = array<i32>} : memref<1536xf32, #tpu.memory_space<vmem>>, vector<16xf32>,
      %get3A_612 = vector.shape_cast %get3A_611 : vector<16xf32> to vector<16xf32>
      %swap3A_613 = arith.constant 24 : i32
      %swap3A_614 = arith.index_cast %swap3A_613 : i32 to index
      %swap3A_615 = arith.constant 16 : index
      %swap3A_616 = tpu.vector_load %arg20[%swap3A_614, %swap3A_615] {strides = array<i32>} : memref<96x128xf32, #tpu.memory_space<vmem>>, vector<1x16xf32>,
      %swap3A_617 = vector.shape_cast %swap3A_616 : vector<1x16xf32> to vector<16xf32>
      %swap3A_618 = vector.shape_cast %get3A_612 : vector<16xf32> to vector<1x16xf32>
      tpu.vector_store %arg20[%swap3A_614, %swap3A_615], %swap3A_618 {strides = array<i32>} : memref<96x128xf32, #tpu.memory_space<vmem>>, vector<1x16xf32>,
      %get3A_619 = arith.constant 400 : index
      %get3A_620 = tpu.vector_load %arg16[%get3A_619] {strides = array<i32>} : memref<1536xf32, #tpu.memory_space<vmem>>, vector<16xf32>,
      %get3A_621 = vector.shape_cast %get3A_620 : vector<16xf32> to vector<16xf32>
      %swap3A_622 = arith.constant 25 : i32
      %swap3A_623 = arith.index_cast %swap3A_622 : i32 to index
      %swap3A_624 = arith.constant 0 : index
      %swap3A_625 = tpu.vector_load %arg20[%swap3A_623, %swap3A_624] {strides = array<i32>} : memref<96x128xf32, #tpu.memory_space<vmem>>, vector<1x16xf32>,
      %swap3A_626 = vector.shape_cast %swap3A_625 : vector<1x16xf32> to vector<16xf32>
      %swap3A_627 = vector.shape_cast %get3A_621 : vector<16xf32> to vector<1x16xf32>
      tpu.vector_store %arg20[%swap3A_623, %swap3A_624], %swap3A_627 {strides = array<i32>} : memref<96x128xf32, #tpu.memory_space<vmem>>, vector<1x16xf32>,
      %get3A_628 = arith.constant 400 : index
      %get3A_629 = tpu.vector_load %arg18[%get3A_628] {strides = array<i32>} : memref<1536xf32, #tpu.memory_space<vmem>>, vector<16xf32>,
      %get3A_630 = vector.shape_cast %get3A_629 : vector<16xf32> to vector<16xf32>
      %swap3A_631 = arith.constant 25 : i32
      %swap3A_632 = arith.index_cast %swap3A_631 : i32 to index
      %swap3A_633 = arith.constant 16 : index
      %swap3A_634 = tpu.vector_load %arg20[%swap3A_632, %swap3A_633] {strides = array<i32>} : memref<96x128xf32, #tpu.memory_space<vmem>>, vector<1x16xf32>,
      %swap3A_635 = vector.shape_cast %swap3A_634 : vector<1x16xf32> to vector<16xf32>
      %swap3A_636 = vector.shape_cast %get3A_630 : vector<16xf32> to vector<1x16xf32>
      tpu.vector_store %arg20[%swap3A_632, %swap3A_633], %swap3A_636 {strides = array<i32>} : memref<96x128xf32, #tpu.memory_space<vmem>>, vector<1x16xf32>,
      %get3A_637 = arith.constant 416 : index
      %get3A_638 = tpu.vector_load %arg16[%get3A_637] {strides = array<i32>} : memref<1536xf32, #tpu.memory_space<vmem>>, vector<16xf32>,
      %get3A_639 = vector.shape_cast %get3A_638 : vector<16xf32> to vector<16xf32>
      %swap3A_640 = arith.constant 26 : i32
      %swap3A_641 = arith.index_cast %swap3A_640 : i32 to index
      %swap3A_642 = arith.constant 0 : index
      %swap3A_643 = tpu.vector_load %arg20[%swap3A_641, %swap3A_642] {strides = array<i32>} : memref<96x128xf32, #tpu.memory_space<vmem>>, vector<1x16xf32>,
      %swap3A_644 = vector.shape_cast %swap3A_643 : vector<1x16xf32> to vector<16xf32>
      %swap3A_645 = vector.shape_cast %get3A_639 : vector<16xf32> to vector<1x16xf32>
      tpu.vector_store %arg20[%swap3A_641, %swap3A_642], %swap3A_645 {strides = array<i32>} : memref<96x128xf32, #tpu.memory_space<vmem>>, vector<1x16xf32>,
      %get3A_646 = arith.constant 416 : index
      %get3A_647 = tpu.vector_load %arg18[%get3A_646] {strides = array<i32>} : memref<1536xf32, #tpu.memory_space<vmem>>, vector<16xf32>,
      %get3A_648 = vector.shape_cast %get3A_647 : vector<16xf32> to vector<16xf32>
      %swap3A_649 = arith.constant 26 : i32
      %swap3A_650 = arith.index_cast %swap3A_649 : i32 to index
      %swap3A_651 = arith.constant 16 : index
      %swap3A_652 = tpu.vector_load %arg20[%swap3A_650, %swap3A_651] {strides = array<i32>} : memref<96x128xf32, #tpu.memory_space<vmem>>, vector<1x16xf32>,
      %swap3A_653 = vector.shape_cast %swap3A_652 : vector<1x16xf32> to vector<16xf32>
      %swap3A_654 = vector.shape_cast %get3A_648 : vector<16xf32> to vector<1x16xf32>
      tpu.vector_store %arg20[%swap3A_650, %swap3A_651], %swap3A_654 {strides = array<i32>} : memref<96x128xf32, #tpu.memory_space<vmem>>, vector<1x16xf32>,
      %get3A_655 = arith.constant 432 : index
      %get3A_656 = tpu.vector_load %arg16[%get3A_655] {strides = array<i32>} : memref<1536xf32, #tpu.memory_space<vmem>>, vector<16xf32>,
      %get3A_657 = vector.shape_cast %get3A_656 : vector<16xf32> to vector<16xf32>
      %swap3A_658 = arith.constant 27 : i32
      %swap3A_659 = arith.index_cast %swap3A_658 : i32 to index
      %swap3A_660 = arith.constant 0 : index
      %swap3A_661 = tpu.vector_load %arg20[%swap3A_659, %swap3A_660] {strides = array<i32>} : memref<96x128xf32, #tpu.memory_space<vmem>>, vector<1x16xf32>,
      %swap3A_662 = vector.shape_cast %swap3A_661 : vector<1x16xf32> to vector<16xf32>
      %swap3A_663 = vector.shape_cast %get3A_657 : vector<16xf32> to vector<1x16xf32>
      tpu.vector_store %arg20[%swap3A_659, %swap3A_660], %swap3A_663 {strides = array<i32>} : memref<96x128xf32, #tpu.memory_space<vmem>>, vector<1x16xf32>,
      %get3A_664 = arith.constant 432 : index
      %get3A_665 = tpu.vector_load %arg18[%get3A_664] {strides = array<i32>} : memref<1536xf32, #tpu.memory_space<vmem>>, vector<16xf32>,
      %get3A_666 = vector.shape_cast %get3A_665 : vector<16xf32> to vector<16xf32>
      %swap3A_667 = arith.constant 27 : i32
      %swap3A_668 = arith.index_cast %swap3A_667 : i32 to index
      %swap3A_669 = arith.constant 16 : index
      %swap3A_670 = tpu.vector_load %arg20[%swap3A_668, %swap3A_669] {strides = array<i32>} : memref<96x128xf32, #tpu.memory_space<vmem>>, vector<1x16xf32>,
      %swap3A_671 = vector.shape_cast %swap3A_670 : vector<1x16xf32> to vector<16xf32>
      %swap3A_672 = vector.shape_cast %get3A_666 : vector<16xf32> to vector<1x16xf32>
      tpu.vector_store %arg20[%swap3A_668, %swap3A_669], %swap3A_672 {strides = array<i32>} : memref<96x128xf32, #tpu.memory_space<vmem>>, vector<1x16xf32>,
      %get3A_673 = arith.constant 448 : index
      %get3A_674 = tpu.vector_load %arg16[%get3A_673] {strides = array<i32>} : memref<1536xf32, #tpu.memory_space<vmem>>, vector<16xf32>,
      %get3A_675 = vector.shape_cast %get3A_674 : vector<16xf32> to vector<16xf32>
      %swap3A_676 = arith.constant 28 : i32
      %swap3A_677 = arith.index_cast %swap3A_676 : i32 to index
      %swap3A_678 = arith.constant 0 : index
      %swap3A_679 = tpu.vector_load %arg20[%swap3A_677, %swap3A_678] {strides = array<i32>} : memref<96x128xf32, #tpu.memory_space<vmem>>, vector<1x16xf32>,
      %swap3A_680 = vector.shape_cast %swap3A_679 : vector<1x16xf32> to vector<16xf32>
      %swap3A_681 = vector.shape_cast %get3A_675 : vector<16xf32> to vector<1x16xf32>
      tpu.vector_store %arg20[%swap3A_677, %swap3A_678], %swap3A_681 {strides = array<i32>} : memref<96x128xf32, #tpu.memory_space<vmem>>, vector<1x16xf32>,
      %get3A_682 = arith.constant 448 : index
      %get3A_683 = tpu.vector_load %arg18[%get3A_682] {strides = array<i32>} : memref<1536xf32, #tpu.memory_space<vmem>>, vector<16xf32>,
      %get3A_684 = vector.shape_cast %get3A_683 : vector<16xf32> to vector<16xf32>
      %swap3A_685 = arith.constant 28 : i32
      %swap3A_686 = arith.index_cast %swap3A_685 : i32 to index
      %swap3A_687 = arith.constant 16 : index
      %swap3A_688 = tpu.vector_load %arg20[%swap3A_686, %swap3A_687] {strides = array<i32>} : memref<96x128xf32, #tpu.memory_space<vmem>>, vector<1x16xf32>,
      %swap3A_689 = vector.shape_cast %swap3A_688 : vector<1x16xf32> to vector<16xf32>
      %swap3A_690 = vector.shape_cast %get3A_684 : vector<16xf32> to vector<1x16xf32>
      tpu.vector_store %arg20[%swap3A_686, %swap3A_687], %swap3A_690 {strides = array<i32>} : memref<96x128xf32, #tpu.memory_space<vmem>>, vector<1x16xf32>,
      %get3A_691 = arith.constant 464 : index
      %get3A_692 = tpu.vector_load %arg16[%get3A_691] {strides = array<i32>} : memref<1536xf32, #tpu.memory_space<vmem>>, vector<16xf32>,
      %get3A_693 = vector.shape_cast %get3A_692 : vector<16xf32> to vector<16xf32>
      %swap3A_694 = arith.constant 29 : i32
      %swap3A_695 = arith.index_cast %swap3A_694 : i32 to index
      %swap3A_696 = arith.constant 0 : index
      %swap3A_697 = tpu.vector_load %arg20[%swap3A_695, %swap3A_696] {strides = array<i32>} : memref<96x128xf32, #tpu.memory_space<vmem>>, vector<1x16xf32>,
      %swap3A_698 = vector.shape_cast %swap3A_697 : vector<1x16xf32> to vector<16xf32>
      %swap3A_699 = vector.shape_cast %get3A_693 : vector<16xf32> to vector<1x16xf32>
      tpu.vector_store %arg20[%swap3A_695, %swap3A_696], %swap3A_699 {strides = array<i32>} : memref<96x128xf32, #tpu.memory_space<vmem>>, vector<1x16xf32>,
      %get3A_700 = arith.constant 464 : index
      %get3A_701 = tpu.vector_load %arg18[%get3A_700] {strides = array<i32>} : memref<1536xf32, #tpu.memory_space<vmem>>, vector<16xf32>,
      %get3A_702 = vector.shape_cast %get3A_701 : vector<16xf32> to vector<16xf32>
      %swap3A_703 = arith.constant 29 : i32
      %swap3A_704 = arith.index_cast %swap3A_703 : i32 to index
      %swap3A_705 = arith.constant 16 : index
      %swap3A_706 = tpu.vector_load %arg20[%swap3A_704, %swap3A_705] {strides = array<i32>} : memref<96x128xf32, #tpu.memory_space<vmem>>, vector<1x16xf32>,
      %swap3A_707 = vector.shape_cast %swap3A_706 : vector<1x16xf32> to vector<16xf32>
      %swap3A_708 = vector.shape_cast %get3A_702 : vector<16xf32> to vector<1x16xf32>
      tpu.vector_store %arg20[%swap3A_704, %swap3A_705], %swap3A_708 {strides = array<i32>} : memref<96x128xf32, #tpu.memory_space<vmem>>, vector<1x16xf32>,
      %get3A_709 = arith.constant 480 : index
      %get3A_710 = tpu.vector_load %arg16[%get3A_709] {strides = array<i32>} : memref<1536xf32, #tpu.memory_space<vmem>>, vector<16xf32>,
      %get3A_711 = vector.shape_cast %get3A_710 : vector<16xf32> to vector<16xf32>
      %swap3A_712 = arith.constant 30 : i32
      %swap3A_713 = arith.index_cast %swap3A_712 : i32 to index
      %swap3A_714 = arith.constant 0 : index
      %swap3A_715 = tpu.vector_load %arg20[%swap3A_713, %swap3A_714] {strides = array<i32>} : memref<96x128xf32, #tpu.memory_space<vmem>>, vector<1x16xf32>,
      %swap3A_716 = vector.shape_cast %swap3A_715 : vector<1x16xf32> to vector<16xf32>
      %swap3A_717 = vector.shape_cast %get3A_711 : vector<16xf32> to vector<1x16xf32>
      tpu.vector_store %arg20[%swap3A_713, %swap3A_714], %swap3A_717 {strides = array<i32>} : memref<96x128xf32, #tpu.memory_space<vmem>>, vector<1x16xf32>,
      %get3A_718 = arith.constant 480 : index
      %get3A_719 = tpu.vector_load %arg18[%get3A_718] {strides = array<i32>} : memref<1536xf32, #tpu.memory_space<vmem>>, vector<16xf32>,
      %get3A_720 = vector.shape_cast %get3A_719 : vector<16xf32> to vector<16xf32>
      %swap3A_721 = arith.constant 30 : i32
      %swap3A_722 = arith.index_cast %swap3A_721 : i32 to index
      %swap3A_723 = arith.constant 16 : index
      %swap3A_724 = tpu.vector_load %arg20[%swap3A_722, %swap3A_723] {strides = array<i32>} : memref<96x128xf32, #tpu.memory_space<vmem>>, vector<1x16xf32>,
      %swap3A_725 = vector.shape_cast %swap3A_724 : vector<1x16xf32> to vector<16xf32>
      %swap3A_726 = vector.shape_cast %get3A_720 : vector<16xf32> to vector<1x16xf32>
      tpu.vector_store %arg20[%swap3A_722, %swap3A_723], %swap3A_726 {strides = array<i32>} : memref<96x128xf32, #tpu.memory_space<vmem>>, vector<1x16xf32>,
      %get3A_727 = arith.constant 496 : index
      %get3A_728 = tpu.vector_load %arg16[%get3A_727] {strides = array<i32>} : memref<1536xf32, #tpu.memory_space<vmem>>, vector<16xf32>,
      %get3A_729 = vector.shape_cast %get3A_728 : vector<16xf32> to vector<16xf32>
      %swap3A_730 = arith.constant 31 : i32
      %swap3A_731 = arith.index_cast %swap3A_730 : i32 to index
      %swap3A_732 = arith.constant 0 : index
      %swap3A_733 = tpu.vector_load %arg20[%swap3A_731, %swap3A_732] {strides = array<i32>} : memref<96x128xf32, #tpu.memory_space<vmem>>, vector<1x16xf32>,
      %swap3A_734 = vector.shape_cast %swap3A_733 : vector<1x16xf32> to vector<16xf32>
      %swap3A_735 = vector.shape_cast %get3A_729 : vector<16xf32> to vector<1x16xf32>
      tpu.vector_store %arg20[%swap3A_731, %swap3A_732], %swap3A_735 {strides = array<i32>} : memref<96x128xf32, #tpu.memory_space<vmem>>, vector<1x16xf32>,
      %get3A_736 = arith.constant 496 : index
      %get3A_737 = tpu.vector_load %arg18[%get3A_736] {strides = array<i32>} : memref<1536xf32, #tpu.memory_space<vmem>>, vector<16xf32>,
      %get3A_738 = vector.shape_cast %get3A_737 : vector<16xf32> to vector<16xf32>
      %swap3A_739 = arith.constant 31 : i32
      %swap3A_740 = arith.index_cast %swap3A_739 : i32 to index
      %swap3A_741 = arith.constant 16 : index
      %swap3A_742 = tpu.vector_load %arg20[%swap3A_740, %swap3A_741] {strides = array<i32>} : memref<96x128xf32, #tpu.memory_space<vmem>>, vector<1x16xf32>,
      %swap3A_743 = vector.shape_cast %swap3A_742 : vector<1x16xf32> to vector<16xf32>
      %swap3A_744 = vector.shape_cast %get3A_738 : vector<16xf32> to vector<1x16xf32>
      tpu.vector_store %arg20[%swap3A_740, %swap3A_741], %swap3A_744 {strides = array<i32>} : memref<96x128xf32, #tpu.memory_space<vmem>>, vector<1x16xf32>,
      %get3A_745 = arith.constant 512 : index
      %get3A_746 = tpu.vector_load %arg16[%get3A_745] {strides = array<i32>} : memref<1536xf32, #tpu.memory_space<vmem>>, vector<16xf32>,
      %get3A_747 = vector.shape_cast %get3A_746 : vector<16xf32> to vector<16xf32>
      %swap3A_748 = arith.constant 32 : i32
      %swap3A_749 = arith.index_cast %swap3A_748 : i32 to index
      %swap3A_750 = arith.constant 0 : index
      %swap3A_751 = tpu.vector_load %arg20[%swap3A_749, %swap3A_750] {strides = array<i32>} : memref<96x128xf32, #tpu.memory_space<vmem>>, vector<1x16xf32>,
      %swap3A_752 = vector.shape_cast %swap3A_751 : vector<1x16xf32> to vector<16xf32>
      %swap3A_753 = vector.shape_cast %get3A_747 : vector<16xf32> to vector<1x16xf32>
      tpu.vector_store %arg20[%swap3A_749, %swap3A_750], %swap3A_753 {strides = array<i32>} : memref<96x128xf32, #tpu.memory_space<vmem>>, vector<1x16xf32>,
      %get3A_754 = arith.constant 512 : index
      %get3A_755 = tpu.vector_load %arg18[%get3A_754] {strides = array<i32>} : memref<1536xf32, #tpu.memory_space<vmem>>, vector<16xf32>,
      %get3A_756 = vector.shape_cast %get3A_755 : vector<16xf32> to vector<16xf32>
      %swap3A_757 = arith.constant 32 : i32
      %swap3A_758 = arith.index_cast %swap3A_757 : i32 to index
      %swap3A_759 = arith.constant 16 : index
      %swap3A_760 = tpu.vector_load %arg20[%swap3A_758, %swap3A_759] {strides = array<i32>} : memref<96x128xf32, #tpu.memory_space<vmem>>, vector<1x16xf32>,
      %swap3A_761 = vector.shape_cast %swap3A_760 : vector<1x16xf32> to vector<16xf32>
      %swap3A_762 = vector.shape_cast %get3A_756 : vector<16xf32> to vector<1x16xf32>
      tpu.vector_store %arg20[%swap3A_758, %swap3A_759], %swap3A_762 {strides = array<i32>} : memref<96x128xf32, #tpu.memory_space<vmem>>, vector<1x16xf32>,
      %get3A_763 = arith.constant 528 : index
      %get3A_764 = tpu.vector_load %arg16[%get3A_763] {strides = array<i32>} : memref<1536xf32, #tpu.memory_space<vmem>>, vector<16xf32>,
      %get3A_765 = vector.shape_cast %get3A_764 : vector<16xf32> to vector<16xf32>
      %swap3A_766 = arith.constant 33 : i32
      %swap3A_767 = arith.index_cast %swap3A_766 : i32 to index
      %swap3A_768 = arith.constant 0 : index
      %swap3A_769 = tpu.vector_load %arg20[%swap3A_767, %swap3A_768] {strides = array<i32>} : memref<96x128xf32, #tpu.memory_space<vmem>>, vector<1x16xf32>,
      %swap3A_770 = vector.shape_cast %swap3A_769 : vector<1x16xf32> to vector<16xf32>
      %swap3A_771 = vector.shape_cast %get3A_765 : vector<16xf32> to vector<1x16xf32>
      tpu.vector_store %arg20[%swap3A_767, %swap3A_768], %swap3A_771 {strides = array<i32>} : memref<96x128xf32, #tpu.memory_space<vmem>>, vector<1x16xf32>,
      %get3A_772 = arith.constant 528 : index
      %get3A_773 = tpu.vector_load %arg18[%get3A_772] {strides = array<i32>} : memref<1536xf32, #tpu.memory_space<vmem>>, vector<16xf32>,
      %get3A_774 = vector.shape_cast %get3A_773 : vector<16xf32> to vector<16xf32>
      %swap3A_775 = arith.constant 33 : i32
      %swap3A_776 = arith.index_cast %swap3A_775 : i32 to index
      %swap3A_777 = arith.constant 16 : index
      %swap3A_778 = tpu.vector_load %arg20[%swap3A_776, %swap3A_777] {strides = array<i32>} : memref<96x128xf32, #tpu.memory_space<vmem>>, vector<1x16xf32>,
      %swap3A_779 = vector.shape_cast %swap3A_778 : vector<1x16xf32> to vector<16xf32>
      %swap3A_780 = vector.shape_cast %get3A_774 : vector<16xf32> to vector<1x16xf32>
      tpu.vector_store %arg20[%swap3A_776, %swap3A_777], %swap3A_780 {strides = array<i32>} : memref<96x128xf32, #tpu.memory_space<vmem>>, vector<1x16xf32>,
      %get3A_781 = arith.constant 544 : index
      %get3A_782 = tpu.vector_load %arg16[%get3A_781] {strides = array<i32>} : memref<1536xf32, #tpu.memory_space<vmem>>, vector<16xf32>,
      %get3A_783 = vector.shape_cast %get3A_782 : vector<16xf32> to vector<16xf32>
      %swap3A_784 = arith.constant 34 : i32
      %swap3A_785 = arith.index_cast %swap3A_784 : i32 to index
      %swap3A_786 = arith.constant 0 : index
      %swap3A_787 = tpu.vector_load %arg20[%swap3A_785, %swap3A_786] {strides = array<i32>} : memref<96x128xf32, #tpu.memory_space<vmem>>, vector<1x16xf32>,
      %swap3A_788 = vector.shape_cast %swap3A_787 : vector<1x16xf32> to vector<16xf32>
      %swap3A_789 = vector.shape_cast %get3A_783 : vector<16xf32> to vector<1x16xf32>
      tpu.vector_store %arg20[%swap3A_785, %swap3A_786], %swap3A_789 {strides = array<i32>} : memref<96x128xf32, #tpu.memory_space<vmem>>, vector<1x16xf32>,
      %get3A_790 = arith.constant 544 : index
      %get3A_791 = tpu.vector_load %arg18[%get3A_790] {strides = array<i32>} : memref<1536xf32, #tpu.memory_space<vmem>>, vector<16xf32>,
      %get3A_792 = vector.shape_cast %get3A_791 : vector<16xf32> to vector<16xf32>
      %swap3A_793 = arith.constant 34 : i32
      %swap3A_794 = arith.index_cast %swap3A_793 : i32 to index
      %swap3A_795 = arith.constant 16 : index
      %swap3A_796 = tpu.vector_load %arg20[%swap3A_794, %swap3A_795] {strides = array<i32>} : memref<96x128xf32, #tpu.memory_space<vmem>>, vector<1x16xf32>,
      %swap3A_797 = vector.shape_cast %swap3A_796 : vector<1x16xf32> to vector<16xf32>
      %swap3A_798 = vector.shape_cast %get3A_792 : vector<16xf32> to vector<1x16xf32>
      tpu.vector_store %arg20[%swap3A_794, %swap3A_795], %swap3A_798 {strides = array<i32>} : memref<96x128xf32, #tpu.memory_space<vmem>>, vector<1x16xf32>,
      %get3A_799 = arith.constant 560 : index
      %get3A_800 = tpu.vector_load %arg16[%get3A_799] {strides = array<i32>} : memref<1536xf32, #tpu.memory_space<vmem>>, vector<16xf32>,
      %get3A_801 = vector.shape_cast %get3A_800 : vector<16xf32> to vector<16xf32>
      %swap3A_802 = arith.constant 35 : i32
      %swap3A_803 = arith.index_cast %swap3A_802 : i32 to index
      %swap3A_804 = arith.constant 0 : index
      %swap3A_805 = tpu.vector_load %arg20[%swap3A_803, %swap3A_804] {strides = array<i32>} : memref<96x128xf32, #tpu.memory_space<vmem>>, vector<1x16xf32>,
      %swap3A_806 = vector.shape_cast %swap3A_805 : vector<1x16xf32> to vector<16xf32>
      %swap3A_807 = vector.shape_cast %get3A_801 : vector<16xf32> to vector<1x16xf32>
      tpu.vector_store %arg20[%swap3A_803, %swap3A_804], %swap3A_807 {strides = array<i32>} : memref<96x128xf32, #tpu.memory_space<vmem>>, vector<1x16xf32>,
      %get3A_808 = arith.constant 560 : index
      %get3A_809 = tpu.vector_load %arg18[%get3A_808] {strides = array<i32>} : memref<1536xf32, #tpu.memory_space<vmem>>, vector<16xf32>,
      %get3A_810 = vector.shape_cast %get3A_809 : vector<16xf32> to vector<16xf32>
      %swap3A_811 = arith.constant 35 : i32
      %swap3A_812 = arith.index_cast %swap3A_811 : i32 to index
      %swap3A_813 = arith.constant 16 : index
      %swap3A_814 = tpu.vector_load %arg20[%swap3A_812, %swap3A_813] {strides = array<i32>} : memref<96x128xf32, #tpu.memory_space<vmem>>, vector<1x16xf32>,
      %swap3A_815 = vector.shape_cast %swap3A_814 : vector<1x16xf32> to vector<16xf32>
      %swap3A_816 = vector.shape_cast %get3A_810 : vector<16xf32> to vector<1x16xf32>
      tpu.vector_store %arg20[%swap3A_812, %swap3A_813], %swap3A_816 {strides = array<i32>} : memref<96x128xf32, #tpu.memory_space<vmem>>, vector<1x16xf32>,
      %get3A_817 = arith.constant 576 : index
      %get3A_818 = tpu.vector_load %arg16[%get3A_817] {strides = array<i32>} : memref<1536xf32, #tpu.memory_space<vmem>>, vector<16xf32>,
      %get3A_819 = vector.shape_cast %get3A_818 : vector<16xf32> to vector<16xf32>
      %swap3A_820 = arith.constant 36 : i32
      %swap3A_821 = arith.index_cast %swap3A_820 : i32 to index
      %swap3A_822 = arith.constant 0 : index
      %swap3A_823 = tpu.vector_load %arg20[%swap3A_821, %swap3A_822] {strides = array<i32>} : memref<96x128xf32, #tpu.memory_space<vmem>>, vector<1x16xf32>,
      %swap3A_824 = vector.shape_cast %swap3A_823 : vector<1x16xf32> to vector<16xf32>
      %swap3A_825 = vector.shape_cast %get3A_819 : vector<16xf32> to vector<1x16xf32>
      tpu.vector_store %arg20[%swap3A_821, %swap3A_822], %swap3A_825 {strides = array<i32>} : memref<96x128xf32, #tpu.memory_space<vmem>>, vector<1x16xf32>,
      %get3A_826 = arith.constant 576 : index
      %get3A_827 = tpu.vector_load %arg18[%get3A_826] {strides = array<i32>} : memref<1536xf32, #tpu.memory_space<vmem>>, vector<16xf32>,
      %get3A_828 = vector.shape_cast %get3A_827 : vector<16xf32> to vector<16xf32>
      %swap3A_829 = arith.constant 36 : i32
      %swap3A_830 = arith.index_cast %swap3A_829 : i32 to index
      %swap3A_831 = arith.constant 16 : index
      %swap3A_832 = tpu.vector_load %arg20[%swap3A_830, %swap3A_831] {strides = array<i32>} : memref<96x128xf32, #tpu.memory_space<vmem>>, vector<1x16xf32>,
      %swap3A_833 = vector.shape_cast %swap3A_832 : vector<1x16xf32> to vector<16xf32>
      %swap3A_834 = vector.shape_cast %get3A_828 : vector<16xf32> to vector<1x16xf32>
      tpu.vector_store %arg20[%swap3A_830, %swap3A_831], %swap3A_834 {strides = array<i32>} : memref<96x128xf32, #tpu.memory_space<vmem>>, vector<1x16xf32>,
      %get3A_835 = arith.constant 592 : index
      %get3A_836 = tpu.vector_load %arg16[%get3A_835] {strides = array<i32>} : memref<1536xf32, #tpu.memory_space<vmem>>, vector<16xf32>,
      %get3A_837 = vector.shape_cast %get3A_836 : vector<16xf32> to vector<16xf32>
      %swap3A_838 = arith.constant 37 : i32
      %swap3A_839 = arith.index_cast %swap3A_838 : i32 to index
      %swap3A_840 = arith.constant 0 : index
      %swap3A_841 = tpu.vector_load %arg20[%swap3A_839, %swap3A_840] {strides = array<i32>} : memref<96x128xf32, #tpu.memory_space<vmem>>, vector<1x16xf32>,
      %swap3A_842 = vector.shape_cast %swap3A_841 : vector<1x16xf32> to vector<16xf32>
      %swap3A_843 = vector.shape_cast %get3A_837 : vector<16xf32> to vector<1x16xf32>
      tpu.vector_store %arg20[%swap3A_839, %swap3A_840], %swap3A_843 {strides = array<i32>} : memref<96x128xf32, #tpu.memory_space<vmem>>, vector<1x16xf32>,
      %get3A_844 = arith.constant 592 : index
      %get3A_845 = tpu.vector_load %arg18[%get3A_844] {strides = array<i32>} : memref<1536xf32, #tpu.memory_space<vmem>>, vector<16xf32>,
      %get3A_846 = vector.shape_cast %get3A_845 : vector<16xf32> to vector<16xf32>
      %swap3A_847 = arith.constant 37 : i32
      %swap3A_848 = arith.index_cast %swap3A_847 : i32 to index
      %swap3A_849 = arith.constant 16 : index
      %swap3A_850 = tpu.vector_load %arg20[%swap3A_848, %swap3A_849] {strides = array<i32>} : memref<96x128xf32, #tpu.memory_space<vmem>>, vector<1x16xf32>,
      %swap3A_851 = vector.shape_cast %swap3A_850 : vector<1x16xf32> to vector<16xf32>
      %swap3A_852 = vector.shape_cast %get3A_846 : vector<16xf32> to vector<1x16xf32>
      tpu.vector_store %arg20[%swap3A_848, %swap3A_849], %swap3A_852 {strides = array<i32>} : memref<96x128xf32, #tpu.memory_space<vmem>>, vector<1x16xf32>,
      %get3A_853 = arith.constant 608 : index
      %get3A_854 = tpu.vector_load %arg16[%get3A_853] {strides = array<i32>} : memref<1536xf32, #tpu.memory_space<vmem>>, vector<16xf32>,
      %get3A_855 = vector.shape_cast %get3A_854 : vector<16xf32> to vector<16xf32>
      %swap3A_856 = arith.constant 38 : i32
      %swap3A_857 = arith.index_cast %swap3A_856 : i32 to index
      %swap3A_858 = arith.constant 0 : index
      %swap3A_859 = tpu.vector_load %arg20[%swap3A_857, %swap3A_858] {strides = array<i32>} : memref<96x128xf32, #tpu.memory_space<vmem>>, vector<1x16xf32>,
      %swap3A_860 = vector.shape_cast %swap3A_859 : vector<1x16xf32> to vector<16xf32>
      %swap3A_861 = vector.shape_cast %get3A_855 : vector<16xf32> to vector<1x16xf32>
      tpu.vector_store %arg20[%swap3A_857, %swap3A_858], %swap3A_861 {strides = array<i32>} : memref<96x128xf32, #tpu.memory_space<vmem>>, vector<1x16xf32>,
      %get3A_862 = arith.constant 608 : index
      %get3A_863 = tpu.vector_load %arg18[%get3A_862] {strides = array<i32>} : memref<1536xf32, #tpu.memory_space<vmem>>, vector<16xf32>,
      %get3A_864 = vector.shape_cast %get3A_863 : vector<16xf32> to vector<16xf32>
      %swap3A_865 = arith.constant 38 : i32
      %swap3A_866 = arith.index_cast %swap3A_865 : i32 to index
      %swap3A_867 = arith.constant 16 : index
      %swap3A_868 = tpu.vector_load %arg20[%swap3A_866, %swap3A_867] {strides = array<i32>} : memref<96x128xf32, #tpu.memory_space<vmem>>, vector<1x16xf32>,
      %swap3A_869 = vector.shape_cast %swap3A_868 : vector<1x16xf32> to vector<16xf32>
      %swap3A_870 = vector.shape_cast %get3A_864 : vector<16xf32> to vector<1x16xf32>
      tpu.vector_store %arg20[%swap3A_866, %swap3A_867], %swap3A_870 {strides = array<i32>} : memref<96x128xf32, #tpu.memory_space<vmem>>, vector<1x16xf32>,
      %get3A_871 = arith.constant 624 : index
      %get3A_872 = tpu.vector_load %arg16[%get3A_871] {strides = array<i32>} : memref<1536xf32, #tpu.memory_space<vmem>>, vector<16xf32>,
      %get3A_873 = vector.shape_cast %get3A_872 : vector<16xf32> to vector<16xf32>
      %swap3A_874 = arith.constant 39 : i32
      %swap3A_875 = arith.index_cast %swap3A_874 : i32 to index
      %swap3A_876 = arith.constant 0 : index
      %swap3A_877 = tpu.vector_load %arg20[%swap3A_875, %swap3A_876] {strides = array<i32>} : memref<96x128xf32, #tpu.memory_space<vmem>>, vector<1x16xf32>,
      %swap3A_878 = vector.shape_cast %swap3A_877 : vector<1x16xf32> to vector<16xf32>
      %swap3A_879 = vector.shape_cast %get3A_873 : vector<16xf32> to vector<1x16xf32>
      tpu.vector_store %arg20[%swap3A_875, %swap3A_876], %swap3A_879 {strides = array<i32>} : memref<96x128xf32, #tpu.memory_space<vmem>>, vector<1x16xf32>,
      %get3A_880 = arith.constant 624 : index
      %get3A_881 = tpu.vector_load %arg18[%get3A_880] {strides = array<i32>} : memref<1536xf32, #tpu.memory_space<vmem>>, vector<16xf32>,
      %get3A_882 = vector.shape_cast %get3A_881 : vector<16xf32> to vector<16xf32>
      %swap3A_883 = arith.constant 39 : i32
      %swap3A_884 = arith.index_cast %swap3A_883 : i32 to index
      %swap3A_885 = arith.constant 16 : index
      %swap3A_886 = tpu.vector_load %arg20[%swap3A_884, %swap3A_885] {strides = array<i32>} : memref<96x128xf32, #tpu.memory_space<vmem>>, vector<1x16xf32>,
      %swap3A_887 = vector.shape_cast %swap3A_886 : vector<1x16xf32> to vector<16xf32>
      %swap3A_888 = vector.shape_cast %get3A_882 : vector<16xf32> to vector<1x16xf32>
      tpu.vector_store %arg20[%swap3A_884, %swap3A_885], %swap3A_888 {strides = array<i32>} : memref<96x128xf32, #tpu.memory_space<vmem>>, vector<1x16xf32>,
      %get3A_889 = arith.constant 640 : index
      %get3A_890 = tpu.vector_load %arg16[%get3A_889] {strides = array<i32>} : memref<1536xf32, #tpu.memory_space<vmem>>, vector<16xf32>,
      %get3A_891 = vector.shape_cast %get3A_890 : vector<16xf32> to vector<16xf32>
      %swap3A_892 = arith.constant 40 : i32
      %swap3A_893 = arith.index_cast %swap3A_892 : i32 to index
      %swap3A_894 = arith.constant 0 : index
      %swap3A_895 = tpu.vector_load %arg20[%swap3A_893, %swap3A_894] {strides = array<i32>} : memref<96x128xf32, #tpu.memory_space<vmem>>, vector<1x16xf32>,
      %swap3A_896 = vector.shape_cast %swap3A_895 : vector<1x16xf32> to vector<16xf32>
      %swap3A_897 = vector.shape_cast %get3A_891 : vector<16xf32> to vector<1x16xf32>
      tpu.vector_store %arg20[%swap3A_893, %swap3A_894], %swap3A_897 {strides = array<i32>} : memref<96x128xf32, #tpu.memory_space<vmem>>, vector<1x16xf32>,
      %get3A_898 = arith.constant 640 : index
      %get3A_899 = tpu.vector_load %arg18[%get3A_898] {strides = array<i32>} : memref<1536xf32, #tpu.memory_space<vmem>>, vector<16xf32>,
      %get3A_900 = vector.shape_cast %get3A_899 : vector<16xf32> to vector<16xf32>
      %swap3A_901 = arith.constant 40 : i32
      %swap3A_902 = arith.index_cast %swap3A_901 : i32 to index
      %swap3A_903 = arith.constant 16 : index
      %swap3A_904 = tpu.vector_load %arg20[%swap3A_902, %swap3A_903] {strides = array<i32>} : memref<96x128xf32, #tpu.memory_space<vmem>>, vector<1x16xf32>,
      %swap3A_905 = vector.shape_cast %swap3A_904 : vector<1x16xf32> to vector<16xf32>
      %swap3A_906 = vector.shape_cast %get3A_900 : vector<16xf32> to vector<1x16xf32>
      tpu.vector_store %arg20[%swap3A_902, %swap3A_903], %swap3A_906 {strides = array<i32>} : memref<96x128xf32, #tpu.memory_space<vmem>>, vector<1x16xf32>,
      %get3A_907 = arith.constant 656 : index
      %get3A_908 = tpu.vector_load %arg16[%get3A_907] {strides = array<i32>} : memref<1536xf32, #tpu.memory_space<vmem>>, vector<16xf32>,
      %get3A_909 = vector.shape_cast %get3A_908 : vector<16xf32> to vector<16xf32>
      %swap3A_910 = arith.constant 41 : i32
      %swap3A_911 = arith.index_cast %swap3A_910 : i32 to index
      %swap3A_912 = arith.constant 0 : index
      %swap3A_913 = tpu.vector_load %arg20[%swap3A_911, %swap3A_912] {strides = array<i32>} : memref<96x128xf32, #tpu.memory_space<vmem>>, vector<1x16xf32>,
      %swap3A_914 = vector.shape_cast %swap3A_913 : vector<1x16xf32> to vector<16xf32>
      %swap3A_915 = vector.shape_cast %get3A_909 : vector<16xf32> to vector<1x16xf32>
      tpu.vector_store %arg20[%swap3A_911, %swap3A_912], %swap3A_915 {strides = array<i32>} : memref<96x128xf32, #tpu.memory_space<vmem>>, vector<1x16xf32>,
      %get3A_916 = arith.constant 656 : index
      %get3A_917 = tpu.vector_load %arg18[%get3A_916] {strides = array<i32>} : memref<1536xf32, #tpu.memory_space<vmem>>, vector<16xf32>,
      %get3A_918 = vector.shape_cast %get3A_917 : vector<16xf32> to vector<16xf32>
      %swap3A_919 = arith.constant 41 : i32
      %swap3A_920 = arith.index_cast %swap3A_919 : i32 to index
      %swap3A_921 = arith.constant 16 : index
      %swap3A_922 = tpu.vector_load %arg20[%swap3A_920, %swap3A_921] {strides = array<i32>} : memref<96x128xf32, #tpu.memory_space<vmem>>, vector<1x16xf32>,
      %swap3A_923 = vector.shape_cast %swap3A_922 : vector<1x16xf32> to vector<16xf32>
      %swap3A_924 = vector.shape_cast %get3A_918 : vector<16xf32> to vector<1x16xf32>
      tpu.vector_store %arg20[%swap3A_920, %swap3A_921], %swap3A_924 {strides = array<i32>} : memref<96x128xf32, #tpu.memory_space<vmem>>, vector<1x16xf32>,
      %get3A_925 = arith.constant 672 : index
      %get3A_926 = tpu.vector_load %arg16[%get3A_925] {strides = array<i32>} : memref<1536xf32, #tpu.memory_space<vmem>>, vector<16xf32>,
      %get3A_927 = vector.shape_cast %get3A_926 : vector<16xf32> to vector<16xf32>
      %swap3A_928 = arith.constant 42 : i32
      %swap3A_929 = arith.index_cast %swap3A_928 : i32 to index
      %swap3A_930 = arith.constant 0 : index
      %swap3A_931 = tpu.vector_load %arg20[%swap3A_929, %swap3A_930] {strides = array<i32>} : memref<96x128xf32, #tpu.memory_space<vmem>>, vector<1x16xf32>,
      %swap3A_932 = vector.shape_cast %swap3A_931 : vector<1x16xf32> to vector<16xf32>
      %swap3A_933 = vector.shape_cast %get3A_927 : vector<16xf32> to vector<1x16xf32>
      tpu.vector_store %arg20[%swap3A_929, %swap3A_930], %swap3A_933 {strides = array<i32>} : memref<96x128xf32, #tpu.memory_space<vmem>>, vector<1x16xf32>,
      %get3A_934 = arith.constant 672 : index
      %get3A_935 = tpu.vector_load %arg18[%get3A_934] {strides = array<i32>} : memref<1536xf32, #tpu.memory_space<vmem>>, vector<16xf32>,
      %get3A_936 = vector.shape_cast %get3A_935 : vector<16xf32> to vector<16xf32>
      %swap3A_937 = arith.constant 42 : i32
      %swap3A_938 = arith.index_cast %swap3A_937 : i32 to index
      %swap3A_939 = arith.constant 16 : index
      %swap3A_940 = tpu.vector_load %arg20[%swap3A_938, %swap3A_939] {strides = array<i32>} : memref<96x128xf32, #tpu.memory_space<vmem>>, vector<1x16xf32>,
      %swap3A_941 = vector.shape_cast %swap3A_940 : vector<1x16xf32> to vector<16xf32>
      %swap3A_942 = vector.shape_cast %get3A_936 : vector<16xf32> to vector<1x16xf32>
      tpu.vector_store %arg20[%swap3A_938, %swap3A_939], %swap3A_942 {strides = array<i32>} : memref<96x128xf32, #tpu.memory_space<vmem>>, vector<1x16xf32>,
      %get3A_943 = arith.constant 688 : index
      %get3A_944 = tpu.vector_load %arg16[%get3A_943] {strides = array<i32>} : memref<1536xf32, #tpu.memory_space<vmem>>, vector<16xf32>,
      %get3A_945 = vector.shape_cast %get3A_944 : vector<16xf32> to vector<16xf32>
      %swap3A_946 = arith.constant 43 : i32
      %swap3A_947 = arith.index_cast %swap3A_946 : i32 to index
      %swap3A_948 = arith.constant 0 : index
      %swap3A_949 = tpu.vector_load %arg20[%swap3A_947, %swap3A_948] {strides = array<i32>} : memref<96x128xf32, #tpu.memory_space<vmem>>, vector<1x16xf32>,
      %swap3A_950 = vector.shape_cast %swap3A_949 : vector<1x16xf32> to vector<16xf32>
      %swap3A_951 = vector.shape_cast %get3A_945 : vector<16xf32> to vector<1x16xf32>
      tpu.vector_store %arg20[%swap3A_947, %swap3A_948], %swap3A_951 {strides = array<i32>} : memref<96x128xf32, #tpu.memory_space<vmem>>, vector<1x16xf32>,
      %get3A_952 = arith.constant 688 : index
      %get3A_953 = tpu.vector_load %arg18[%get3A_952] {strides = array<i32>} : memref<1536xf32, #tpu.memory_space<vmem>>, vector<16xf32>,
      %get3A_954 = vector.shape_cast %get3A_953 : vector<16xf32> to vector<16xf32>
      %swap3A_955 = arith.constant 43 : i32
      %swap3A_956 = arith.index_cast %swap3A_955 : i32 to index
      %swap3A_957 = arith.constant 16 : index
      %swap3A_958 = tpu.vector_load %arg20[%swap3A_956, %swap3A_957] {strides = array<i32>} : memref<96x128xf32, #tpu.memory_space<vmem>>, vector<1x16xf32>,
      %swap3A_959 = vector.shape_cast %swap3A_958 : vector<1x16xf32> to vector<16xf32>
      %swap3A_960 = vector.shape_cast %get3A_954 : vector<16xf32> to vector<1x16xf32>
      tpu.vector_store %arg20[%swap3A_956, %swap3A_957], %swap3A_960 {strides = array<i32>} : memref<96x128xf32, #tpu.memory_space<vmem>>, vector<1x16xf32>,
      %get3A_961 = arith.constant 704 : index
      %get3A_962 = tpu.vector_load %arg16[%get3A_961] {strides = array<i32>} : memref<1536xf32, #tpu.memory_space<vmem>>, vector<16xf32>,
      %get3A_963 = vector.shape_cast %get3A_962 : vector<16xf32> to vector<16xf32>
      %swap3A_964 = arith.constant 44 : i32
      %swap3A_965 = arith.index_cast %swap3A_964 : i32 to index
      %swap3A_966 = arith.constant 0 : index
      %swap3A_967 = tpu.vector_load %arg20[%swap3A_965, %swap3A_966] {strides = array<i32>} : memref<96x128xf32, #tpu.memory_space<vmem>>, vector<1x16xf32>,
      %swap3A_968 = vector.shape_cast %swap3A_967 : vector<1x16xf32> to vector<16xf32>
      %swap3A_969 = vector.shape_cast %get3A_963 : vector<16xf32> to vector<1x16xf32>
      tpu.vector_store %arg20[%swap3A_965, %swap3A_966], %swap3A_969 {strides = array<i32>} : memref<96x128xf32, #tpu.memory_space<vmem>>, vector<1x16xf32>,
      %get3A_970 = arith.constant 704 : index
      %get3A_971 = tpu.vector_load %arg18[%get3A_970] {strides = array<i32>} : memref<1536xf32, #tpu.memory_space<vmem>>, vector<16xf32>,
      %get3A_972 = vector.shape_cast %get3A_971 : vector<16xf32> to vector<16xf32>
      %swap3A_973 = arith.constant 44 : i32
      %swap3A_974 = arith.index_cast %swap3A_973 : i32 to index
      %swap3A_975 = arith.constant 16 : index
      %swap3A_976 = tpu.vector_load %arg20[%swap3A_974, %swap3A_975] {strides = array<i32>} : memref<96x128xf32, #tpu.memory_space<vmem>>, vector<1x16xf32>,
      %swap3A_977 = vector.shape_cast %swap3A_976 : vector<1x16xf32> to vector<16xf32>
      %swap3A_978 = vector.shape_cast %get3A_972 : vector<16xf32> to vector<1x16xf32>
      tpu.vector_store %arg20[%swap3A_974, %swap3A_975], %swap3A_978 {strides = array<i32>} : memref<96x128xf32, #tpu.memory_space<vmem>>, vector<1x16xf32>,
      %get3A_979 = arith.constant 720 : index
      %get3A_980 = tpu.vector_load %arg16[%get3A_979] {strides = array<i32>} : memref<1536xf32, #tpu.memory_space<vmem>>, vector<16xf32>,
      %get3A_981 = vector.shape_cast %get3A_980 : vector<16xf32> to vector<16xf32>
      %swap3A_982 = arith.constant 45 : i32
      %swap3A_983 = arith.index_cast %swap3A_982 : i32 to index
      %swap3A_984 = arith.constant 0 : index
      %swap3A_985 = tpu.vector_load %arg20[%swap3A_983, %swap3A_984] {strides = array<i32>} : memref<96x128xf32, #tpu.memory_space<vmem>>, vector<1x16xf32>,
      %swap3A_986 = vector.shape_cast %swap3A_985 : vector<1x16xf32> to vector<16xf32>
      %swap3A_987 = vector.shape_cast %get3A_981 : vector<16xf32> to vector<1x16xf32>
      tpu.vector_store %arg20[%swap3A_983, %swap3A_984], %swap3A_987 {strides = array<i32>} : memref<96x128xf32, #tpu.memory_space<vmem>>, vector<1x16xf32>,
      %get3A_988 = arith.constant 720 : index
      %get3A_989 = tpu.vector_load %arg18[%get3A_988] {strides = array<i32>} : memref<1536xf32, #tpu.memory_space<vmem>>, vector<16xf32>,
      %get3A_990 = vector.shape_cast %get3A_989 : vector<16xf32> to vector<16xf32>
      %swap3A_991 = arith.constant 45 : i32
      %swap3A_992 = arith.index_cast %swap3A_991 : i32 to index
      %swap3A_993 = arith.constant 16 : index
      %swap3A_994 = tpu.vector_load %arg20[%swap3A_992, %swap3A_993] {strides = array<i32>} : memref<96x128xf32, #tpu.memory_space<vmem>>, vector<1x16xf32>,
      %swap3A_995 = vector.shape_cast %swap3A_994 : vector<1x16xf32> to vector<16xf32>
      %swap3A_996 = vector.shape_cast %get3A_990 : vector<16xf32> to vector<1x16xf32>
      tpu.vector_store %arg20[%swap3A_992, %swap3A_993], %swap3A_996 {strides = array<i32>} : memref<96x128xf32, #tpu.memory_space<vmem>>, vector<1x16xf32>,
      %get3A_997 = arith.constant 736 : index
      %get3A_998 = tpu.vector_load %arg16[%get3A_997] {strides = array<i32>} : memref<1536xf32, #tpu.memory_space<vmem>>, vector<16xf32>,
      %get3A_999 = vector.shape_cast %get3A_998 : vector<16xf32> to vector<16xf32>
      %swap3A_1000 = arith.constant 46 : i32
      %swap3A_1001 = arith.index_cast %swap3A_1000 : i32 to index
      %swap3A_1002 = arith.constant 0 : index
      %swap3A_1003 = tpu.vector_load %arg20[%swap3A_1001, %swap3A_1002] {strides = array<i32>} : memref<96x128xf32, #tpu.memory_space<vmem>>, vector<1x16xf32>,
      %swap3A_1004 = vector.shape_cast %swap3A_1003 : vector<1x16xf32> to vector<16xf32>
      %swap3A_1005 = vector.shape_cast %get3A_999 : vector<16xf32> to vector<1x16xf32>
      tpu.vector_store %arg20[%swap3A_1001, %swap3A_1002], %swap3A_1005 {strides = array<i32>} : memref<96x128xf32, #tpu.memory_space<vmem>>, vector<1x16xf32>,
      %get3A_1006 = arith.constant 736 : index
      %get3A_1007 = tpu.vector_load %arg18[%get3A_1006] {strides = array<i32>} : memref<1536xf32, #tpu.memory_space<vmem>>, vector<16xf32>,
      %get3A_1008 = vector.shape_cast %get3A_1007 : vector<16xf32> to vector<16xf32>
      %swap3A_1009 = arith.constant 46 : i32
      %swap3A_1010 = arith.index_cast %swap3A_1009 : i32 to index
      %swap3A_1011 = arith.constant 16 : index
      %swap3A_1012 = tpu.vector_load %arg20[%swap3A_1010, %swap3A_1011] {strides = array<i32>} : memref<96x128xf32, #tpu.memory_space<vmem>>, vector<1x16xf32>,
      %swap3A_1013 = vector.shape_cast %swap3A_1012 : vector<1x16xf32> to vector<16xf32>
      %swap3A_1014 = vector.shape_cast %get3A_1008 : vector<16xf32> to vector<1x16xf32>
      tpu.vector_store %arg20[%swap3A_1010, %swap3A_1011], %swap3A_1014 {strides = array<i32>} : memref<96x128xf32, #tpu.memory_space<vmem>>, vector<1x16xf32>,
      %get3A_1015 = arith.constant 752 : index
      %get3A_1016 = tpu.vector_load %arg16[%get3A_1015] {strides = array<i32>} : memref<1536xf32, #tpu.memory_space<vmem>>, vector<16xf32>,
      %get3A_1017 = vector.shape_cast %get3A_1016 : vector<16xf32> to vector<16xf32>
      %swap3A_1018 = arith.constant 47 : i32
      %swap3A_1019 = arith.index_cast %swap3A_1018 : i32 to index
      %swap3A_1020 = arith.constant 0 : index
      %swap3A_1021 = tpu.vector_load %arg20[%swap3A_1019, %swap3A_1020] {strides = array<i32>} : memref<96x128xf32, #tpu.memory_space<vmem>>, vector<1x16xf32>,
      %swap3A_1022 = vector.shape_cast %swap3A_1021 : vector<1x16xf32> to vector<16xf32>
      %swap3A_1023 = vector.shape_cast %get3A_1017 : vector<16xf32> to vector<1x16xf32>
      tpu.vector_store %arg20[%swap3A_1019, %swap3A_1020], %swap3A_1023 {strides = array<i32>} : memref<96x128xf32, #tpu.memory_space<vmem>>, vector<1x16xf32>,
      %get3A_1024 = arith.constant 752 : index
      %get3A_1025 = tpu.vector_load %arg18[%get3A_1024] {strides = array<i32>} : memref<1536xf32, #tpu.memory_space<vmem>>, vector<16xf32>,
      %get3A_1026 = vector.shape_cast %get3A_1025 : vector<16xf32> to vector<16xf32>
      %swap3A_1027 = arith.constant 47 : i32
      %swap3A_1028 = arith.index_cast %swap3A_1027 : i32 to index
      %swap3A_1029 = arith.constant 16 : index
      %swap3A_1030 = tpu.vector_load %arg20[%swap3A_1028, %swap3A_1029] {strides = array<i32>} : memref<96x128xf32, #tpu.memory_space<vmem>>, vector<1x16xf32>,
      %swap3A_1031 = vector.shape_cast %swap3A_1030 : vector<1x16xf32> to vector<16xf32>
      %swap3A_1032 = vector.shape_cast %get3A_1026 : vector<16xf32> to vector<1x16xf32>
      tpu.vector_store %arg20[%swap3A_1028, %swap3A_1029], %swap3A_1032 {strides = array<i32>} : memref<96x128xf32, #tpu.memory_space<vmem>>, vector<1x16xf32>,
      %get3A_1033 = arith.constant 768 : index
      %get3A_1034 = tpu.vector_load %arg16[%get3A_1033] {strides = array<i32>} : memref<1536xf32, #tpu.memory_space<vmem>>, vector<16xf32>,
      %get3A_1035 = vector.shape_cast %get3A_1034 : vector<16xf32> to vector<16xf32>
      %swap3A_1036 = arith.constant 48 : i32
      %swap3A_1037 = arith.index_cast %swap3A_1036 : i32 to index
      %swap3A_1038 = arith.constant 0 : index
      %swap3A_1039 = tpu.vector_load %arg20[%swap3A_1037, %swap3A_1038] {strides = array<i32>} : memref<96x128xf32, #tpu.memory_space<vmem>>, vector<1x16xf32>,
      %swap3A_1040 = vector.shape_cast %swap3A_1039 : vector<1x16xf32> to vector<16xf32>
      %swap3A_1041 = vector.shape_cast %get3A_1035 : vector<16xf32> to vector<1x16xf32>
      tpu.vector_store %arg20[%swap3A_1037, %swap3A_1038], %swap3A_1041 {strides = array<i32>} : memref<96x128xf32, #tpu.memory_space<vmem>>, vector<1x16xf32>,
      %get3A_1042 = arith.constant 768 : index
      %get3A_1043 = tpu.vector_load %arg18[%get3A_1042] {strides = array<i32>} : memref<1536xf32, #tpu.memory_space<vmem>>, vector<16xf32>,
      %get3A_1044 = vector.shape_cast %get3A_1043 : vector<16xf32> to vector<16xf32>
      %swap3A_1045 = arith.constant 48 : i32
      %swap3A_1046 = arith.index_cast %swap3A_1045 : i32 to index
      %swap3A_1047 = arith.constant 16 : index
      %swap3A_1048 = tpu.vector_load %arg20[%swap3A_1046, %swap3A_1047] {strides = array<i32>} : memref<96x128xf32, #tpu.memory_space<vmem>>, vector<1x16xf32>,
      %swap3A_1049 = vector.shape_cast %swap3A_1048 : vector<1x16xf32> to vector<16xf32>
      %swap3A_1050 = vector.shape_cast %get3A_1044 : vector<16xf32> to vector<1x16xf32>
      tpu.vector_store %arg20[%swap3A_1046, %swap3A_1047], %swap3A_1050 {strides = array<i32>} : memref<96x128xf32, #tpu.memory_space<vmem>>, vector<1x16xf32>,
      %get3A_1051 = arith.constant 784 : index
      %get3A_1052 = tpu.vector_load %arg16[%get3A_1051] {strides = array<i32>} : memref<1536xf32, #tpu.memory_space<vmem>>, vector<16xf32>,
      %get3A_1053 = vector.shape_cast %get3A_1052 : vector<16xf32> to vector<16xf32>
      %swap3A_1054 = arith.constant 49 : i32
      %swap3A_1055 = arith.index_cast %swap3A_1054 : i32 to index
      %swap3A_1056 = arith.constant 0 : index
      %swap3A_1057 = tpu.vector_load %arg20[%swap3A_1055, %swap3A_1056] {strides = array<i32>} : memref<96x128xf32, #tpu.memory_space<vmem>>, vector<1x16xf32>,
      %swap3A_1058 = vector.shape_cast %swap3A_1057 : vector<1x16xf32> to vector<16xf32>
      %swap3A_1059 = vector.shape_cast %get3A_1053 : vector<16xf32> to vector<1x16xf32>
      tpu.vector_store %arg20[%swap3A_1055, %swap3A_1056], %swap3A_1059 {strides = array<i32>} : memref<96x128xf32, #tpu.memory_space<vmem>>, vector<1x16xf32>,
      %get3A_1060 = arith.constant 784 : index
      %get3A_1061 = tpu.vector_load %arg18[%get3A_1060] {strides = array<i32>} : memref<1536xf32, #tpu.memory_space<vmem>>, vector<16xf32>,
      %get3A_1062 = vector.shape_cast %get3A_1061 : vector<16xf32> to vector<16xf32>
      %swap3A_1063 = arith.constant 49 : i32
      %swap3A_1064 = arith.index_cast %swap3A_1063 : i32 to index
      %swap3A_1065 = arith.constant 16 : index
      %swap3A_1066 = tpu.vector_load %arg20[%swap3A_1064, %swap3A_1065] {strides = array<i32>} : memref<96x128xf32, #tpu.memory_space<vmem>>, vector<1x16xf32>,
      %swap3A_1067 = vector.shape_cast %swap3A_1066 : vector<1x16xf32> to vector<16xf32>
      %swap3A_1068 = vector.shape_cast %get3A_1062 : vector<16xf32> to vector<1x16xf32>
      tpu.vector_store %arg20[%swap3A_1064, %swap3A_1065], %swap3A_1068 {strides = array<i32>} : memref<96x128xf32, #tpu.memory_space<vmem>>, vector<1x16xf32>,
      %get3A_1069 = arith.constant 800 : index
      %get3A_1070 = tpu.vector_load %arg16[%get3A_1069] {strides = array<i32>} : memref<1536xf32, #tpu.memory_space<vmem>>, vector<16xf32>,
      %get3A_1071 = vector.shape_cast %get3A_1070 : vector<16xf32> to vector<16xf32>
      %swap3A_1072 = arith.constant 50 : i32
      %swap3A_1073 = arith.index_cast %swap3A_1072 : i32 to index
      %swap3A_1074 = arith.constant 0 : index
      %swap3A_1075 = tpu.vector_load %arg20[%swap3A_1073, %swap3A_1074] {strides = array<i32>} : memref<96x128xf32, #tpu.memory_space<vmem>>, vector<1x16xf32>,
      %swap3A_1076 = vector.shape_cast %swap3A_1075 : vector<1x16xf32> to vector<16xf32>
      %swap3A_1077 = vector.shape_cast %get3A_1071 : vector<16xf32> to vector<1x16xf32>
      tpu.vector_store %arg20[%swap3A_1073, %swap3A_1074], %swap3A_1077 {strides = array<i32>} : memref<96x128xf32, #tpu.memory_space<vmem>>, vector<1x16xf32>,
      %get3A_1078 = arith.constant 800 : index
      %get3A_1079 = tpu.vector_load %arg18[%get3A_1078] {strides = array<i32>} : memref<1536xf32, #tpu.memory_space<vmem>>, vector<16xf32>,
      %get3A_1080 = vector.shape_cast %get3A_1079 : vector<16xf32> to vector<16xf32>
      %swap3A_1081 = arith.constant 50 : i32
      %swap3A_1082 = arith.index_cast %swap3A_1081 : i32 to index
      %swap3A_1083 = arith.constant 16 : index
      %swap3A_1084 = tpu.vector_load %arg20[%swap3A_1082, %swap3A_1083] {strides = array<i32>} : memref<96x128xf32, #tpu.memory_space<vmem>>, vector<1x16xf32>,
      %swap3A_1085 = vector.shape_cast %swap3A_1084 : vector<1x16xf32> to vector<16xf32>
      %swap3A_1086 = vector.shape_cast %get3A_1080 : vector<16xf32> to vector<1x16xf32>
      tpu.vector_store %arg20[%swap3A_1082, %swap3A_1083], %swap3A_1086 {strides = array<i32>} : memref<96x128xf32, #tpu.memory_space<vmem>>, vector<1x16xf32>,
      %get3A_1087 = arith.constant 816 : index
      %get3A_1088 = tpu.vector_load %arg16[%get3A_1087] {strides = array<i32>} : memref<1536xf32, #tpu.memory_space<vmem>>, vector<16xf32>,
      %get3A_1089 = vector.shape_cast %get3A_1088 : vector<16xf32> to vector<16xf32>
      %swap3A_1090 = arith.constant 51 : i32
      %swap3A_1091 = arith.index_cast %swap3A_1090 : i32 to index
      %swap3A_1092 = arith.constant 0 : index
      %swap3A_1093 = tpu.vector_load %arg20[%swap3A_1091, %swap3A_1092] {strides = array<i32>} : memref<96x128xf32, #tpu.memory_space<vmem>>, vector<1x16xf32>,
      %swap3A_1094 = vector.shape_cast %swap3A_1093 : vector<1x16xf32> to vector<16xf32>
      %swap3A_1095 = vector.shape_cast %get3A_1089 : vector<16xf32> to vector<1x16xf32>
      tpu.vector_store %arg20[%swap3A_1091, %swap3A_1092], %swap3A_1095 {strides = array<i32>} : memref<96x128xf32, #tpu.memory_space<vmem>>, vector<1x16xf32>,
      %get3A_1096 = arith.constant 816 : index
      %get3A_1097 = tpu.vector_load %arg18[%get3A_1096] {strides = array<i32>} : memref<1536xf32, #tpu.memory_space<vmem>>, vector<16xf32>,
      %get3A_1098 = vector.shape_cast %get3A_1097 : vector<16xf32> to vector<16xf32>
      %swap3A_1099 = arith.constant 51 : i32
      %swap3A_1100 = arith.index_cast %swap3A_1099 : i32 to index
      %swap3A_1101 = arith.constant 16 : index
      %swap3A_1102 = tpu.vector_load %arg20[%swap3A_1100, %swap3A_1101] {strides = array<i32>} : memref<96x128xf32, #tpu.memory_space<vmem>>, vector<1x16xf32>,
      %swap3A_1103 = vector.shape_cast %swap3A_1102 : vector<1x16xf32> to vector<16xf32>
      %swap3A_1104 = vector.shape_cast %get3A_1098 : vector<16xf32> to vector<1x16xf32>
      tpu.vector_store %arg20[%swap3A_1100, %swap3A_1101], %swap3A_1104 {strides = array<i32>} : memref<96x128xf32, #tpu.memory_space<vmem>>, vector<1x16xf32>,
      %get3A_1105 = arith.constant 832 : index
      %get3A_1106 = tpu.vector_load %arg16[%get3A_1105] {strides = array<i32>} : memref<1536xf32, #tpu.memory_space<vmem>>, vector<16xf32>,
      %get3A_1107 = vector.shape_cast %get3A_1106 : vector<16xf32> to vector<16xf32>
      %swap3A_1108 = arith.constant 52 : i32
      %swap3A_1109 = arith.index_cast %swap3A_1108 : i32 to index
      %swap3A_1110 = arith.constant 0 : index
      %swap3A_1111 = tpu.vector_load %arg20[%swap3A_1109, %swap3A_1110] {strides = array<i32>} : memref<96x128xf32, #tpu.memory_space<vmem>>, vector<1x16xf32>,
      %swap3A_1112 = vector.shape_cast %swap3A_1111 : vector<1x16xf32> to vector<16xf32>
      %swap3A_1113 = vector.shape_cast %get3A_1107 : vector<16xf32> to vector<1x16xf32>
      tpu.vector_store %arg20[%swap3A_1109, %swap3A_1110], %swap3A_1113 {strides = array<i32>} : memref<96x128xf32, #tpu.memory_space<vmem>>, vector<1x16xf32>,
      %get3A_1114 = arith.constant 832 : index
      %get3A_1115 = tpu.vector_load %arg18[%get3A_1114] {strides = array<i32>} : memref<1536xf32, #tpu.memory_space<vmem>>, vector<16xf32>,
      %get3A_1116 = vector.shape_cast %get3A_1115 : vector<16xf32> to vector<16xf32>
      %swap3A_1117 = arith.constant 52 : i32
      %swap3A_1118 = arith.index_cast %swap3A_1117 : i32 to index
      %swap3A_1119 = arith.constant 16 : index
      %swap3A_1120 = tpu.vector_load %arg20[%swap3A_1118, %swap3A_1119] {strides = array<i32>} : memref<96x128xf32, #tpu.memory_space<vmem>>, vector<1x16xf32>,
      %swap3A_1121 = vector.shape_cast %swap3A_1120 : vector<1x16xf32> to vector<16xf32>
      %swap3A_1122 = vector.shape_cast %get3A_1116 : vector<16xf32> to vector<1x16xf32>
      tpu.vector_store %arg20[%swap3A_1118, %swap3A_1119], %swap3A_1122 {strides = array<i32>} : memref<96x128xf32, #tpu.memory_space<vmem>>, vector<1x16xf32>,
      %get3A_1123 = arith.constant 848 : index
      %get3A_1124 = tpu.vector_load %arg16[%get3A_1123] {strides = array<i32>} : memref<1536xf32, #tpu.memory_space<vmem>>, vector<16xf32>,
      %get3A_1125 = vector.shape_cast %get3A_1124 : vector<16xf32> to vector<16xf32>
      %swap3A_1126 = arith.constant 53 : i32
      %swap3A_1127 = arith.index_cast %swap3A_1126 : i32 to index
      %swap3A_1128 = arith.constant 0 : index
      %swap3A_1129 = tpu.vector_load %arg20[%swap3A_1127, %swap3A_1128] {strides = array<i32>} : memref<96x128xf32, #tpu.memory_space<vmem>>, vector<1x16xf32>,
      %swap3A_1130 = vector.shape_cast %swap3A_1129 : vector<1x16xf32> to vector<16xf32>
      %swap3A_1131 = vector.shape_cast %get3A_1125 : vector<16xf32> to vector<1x16xf32>
      tpu.vector_store %arg20[%swap3A_1127, %swap3A_1128], %swap3A_1131 {strides = array<i32>} : memref<96x128xf32, #tpu.memory_space<vmem>>, vector<1x16xf32>,
      %get3A_1132 = arith.constant 848 : index
      %get3A_1133 = tpu.vector_load %arg18[%get3A_1132] {strides = array<i32>} : memref<1536xf32, #tpu.memory_space<vmem>>, vector<16xf32>,
      %get3A_1134 = vector.shape_cast %get3A_1133 : vector<16xf32> to vector<16xf32>
      %swap3A_1135 = arith.constant 53 : i32
      %swap3A_1136 = arith.index_cast %swap3A_1135 : i32 to index
      %swap3A_1137 = arith.constant 16 : index
      %swap3A_1138 = tpu.vector_load %arg20[%swap3A_1136, %swap3A_1137] {strides = array<i32>} : memref<96x128xf32, #tpu.memory_space<vmem>>, vector<1x16xf32>,
      %swap3A_1139 = vector.shape_cast %swap3A_1138 : vector<1x16xf32> to vector<16xf32>
      %swap3A_1140 = vector.shape_cast %get3A_1134 : vector<16xf32> to vector<1x16xf32>
      tpu.vector_store %arg20[%swap3A_1136, %swap3A_1137], %swap3A_1140 {strides = array<i32>} : memref<96x128xf32, #tpu.memory_space<vmem>>, vector<1x16xf32>,
      %get3A_1141 = arith.constant 864 : index
      %get3A_1142 = tpu.vector_load %arg16[%get3A_1141] {strides = array<i32>} : memref<1536xf32, #tpu.memory_space<vmem>>, vector<16xf32>,
      %get3A_1143 = vector.shape_cast %get3A_1142 : vector<16xf32> to vector<16xf32>
      %swap3A_1144 = arith.constant 54 : i32
      %swap3A_1145 = arith.index_cast %swap3A_1144 : i32 to index
      %swap3A_1146 = arith.constant 0 : index
      %swap3A_1147 = tpu.vector_load %arg20[%swap3A_1145, %swap3A_1146] {strides = array<i32>} : memref<96x128xf32, #tpu.memory_space<vmem>>, vector<1x16xf32>,
      %swap3A_1148 = vector.shape_cast %swap3A_1147 : vector<1x16xf32> to vector<16xf32>
      %swap3A_1149 = vector.shape_cast %get3A_1143 : vector<16xf32> to vector<1x16xf32>
      tpu.vector_store %arg20[%swap3A_1145, %swap3A_1146], %swap3A_1149 {strides = array<i32>} : memref<96x128xf32, #tpu.memory_space<vmem>>, vector<1x16xf32>,
      %get3A_1150 = arith.constant 864 : index
      %get3A_1151 = tpu.vector_load %arg18[%get3A_1150] {strides = array<i32>} : memref<1536xf32, #tpu.memory_space<vmem>>, vector<16xf32>,
      %get3A_1152 = vector.shape_cast %get3A_1151 : vector<16xf32> to vector<16xf32>
      %swap3A_1153 = arith.constant 54 : i32
      %swap3A_1154 = arith.index_cast %swap3A_1153 : i32 to index
      %swap3A_1155 = arith.constant 16 : index
      %swap3A_1156 = tpu.vector_load %arg20[%swap3A_1154, %swap3A_1155] {strides = array<i32>} : memref<96x128xf32, #tpu.memory_space<vmem>>, vector<1x16xf32>,
      %swap3A_1157 = vector.shape_cast %swap3A_1156 : vector<1x16xf32> to vector<16xf32>
      %swap3A_1158 = vector.shape_cast %get3A_1152 : vector<16xf32> to vector<1x16xf32>
      tpu.vector_store %arg20[%swap3A_1154, %swap3A_1155], %swap3A_1158 {strides = array<i32>} : memref<96x128xf32, #tpu.memory_space<vmem>>, vector<1x16xf32>,
      %get3A_1159 = arith.constant 880 : index
      %get3A_1160 = tpu.vector_load %arg16[%get3A_1159] {strides = array<i32>} : memref<1536xf32, #tpu.memory_space<vmem>>, vector<16xf32>,
      %get3A_1161 = vector.shape_cast %get3A_1160 : vector<16xf32> to vector<16xf32>
      %swap3A_1162 = arith.constant 55 : i32
      %swap3A_1163 = arith.index_cast %swap3A_1162 : i32 to index
      %swap3A_1164 = arith.constant 0 : index
      %swap3A_1165 = tpu.vector_load %arg20[%swap3A_1163, %swap3A_1164] {strides = array<i32>} : memref<96x128xf32, #tpu.memory_space<vmem>>, vector<1x16xf32>,
      %swap3A_1166 = vector.shape_cast %swap3A_1165 : vector<1x16xf32> to vector<16xf32>
      %swap3A_1167 = vector.shape_cast %get3A_1161 : vector<16xf32> to vector<1x16xf32>
      tpu.vector_store %arg20[%swap3A_1163, %swap3A_1164], %swap3A_1167 {strides = array<i32>} : memref<96x128xf32, #tpu.memory_space<vmem>>, vector<1x16xf32>,
      %get3A_1168 = arith.constant 880 : index
      %get3A_1169 = tpu.vector_load %arg18[%get3A_1168] {strides = array<i32>} : memref<1536xf32, #tpu.memory_space<vmem>>, vector<16xf32>,
      %get3A_1170 = vector.shape_cast %get3A_1169 : vector<16xf32> to vector<16xf32>
      %swap3A_1171 = arith.constant 55 : i32
      %swap3A_1172 = arith.index_cast %swap3A_1171 : i32 to index
      %swap3A_1173 = arith.constant 16 : index
      %swap3A_1174 = tpu.vector_load %arg20[%swap3A_1172, %swap3A_1173] {strides = array<i32>} : memref<96x128xf32, #tpu.memory_space<vmem>>, vector<1x16xf32>,
      %swap3A_1175 = vector.shape_cast %swap3A_1174 : vector<1x16xf32> to vector<16xf32>
      %swap3A_1176 = vector.shape_cast %get3A_1170 : vector<16xf32> to vector<1x16xf32>
      tpu.vector_store %arg20[%swap3A_1172, %swap3A_1173], %swap3A_1176 {strides = array<i32>} : memref<96x128xf32, #tpu.memory_space<vmem>>, vector<1x16xf32>,
      %get3A_1177 = arith.constant 896 : index
      %get3A_1178 = tpu.vector_load %arg16[%get3A_1177] {strides = array<i32>} : memref<1536xf32, #tpu.memory_space<vmem>>, vector<16xf32>,
      %get3A_1179 = vector.shape_cast %get3A_1178 : vector<16xf32> to vector<16xf32>
      %swap3A_1180 = arith.constant 56 : i32
      %swap3A_1181 = arith.index_cast %swap3A_1180 : i32 to index
      %swap3A_1182 = arith.constant 0 : index
      %swap3A_1183 = tpu.vector_load %arg20[%swap3A_1181, %swap3A_1182] {strides = array<i32>} : memref<96x128xf32, #tpu.memory_space<vmem>>, vector<1x16xf32>,
      %swap3A_1184 = vector.shape_cast %swap3A_1183 : vector<1x16xf32> to vector<16xf32>
      %swap3A_1185 = vector.shape_cast %get3A_1179 : vector<16xf32> to vector<1x16xf32>
      tpu.vector_store %arg20[%swap3A_1181, %swap3A_1182], %swap3A_1185 {strides = array<i32>} : memref<96x128xf32, #tpu.memory_space<vmem>>, vector<1x16xf32>,
      %get3A_1186 = arith.constant 896 : index
      %get3A_1187 = tpu.vector_load %arg18[%get3A_1186] {strides = array<i32>} : memref<1536xf32, #tpu.memory_space<vmem>>, vector<16xf32>,
      %get3A_1188 = vector.shape_cast %get3A_1187 : vector<16xf32> to vector<16xf32>
      %swap3A_1189 = arith.constant 56 : i32
      %swap3A_1190 = arith.index_cast %swap3A_1189 : i32 to index
      %swap3A_1191 = arith.constant 16 : index
      %swap3A_1192 = tpu.vector_load %arg20[%swap3A_1190, %swap3A_1191] {strides = array<i32>} : memref<96x128xf32, #tpu.memory_space<vmem>>, vector<1x16xf32>,
      %swap3A_1193 = vector.shape_cast %swap3A_1192 : vector<1x16xf32> to vector<16xf32>
      %swap3A_1194 = vector.shape_cast %get3A_1188 : vector<16xf32> to vector<1x16xf32>
      tpu.vector_store %arg20[%swap3A_1190, %swap3A_1191], %swap3A_1194 {strides = array<i32>} : memref<96x128xf32, #tpu.memory_space<vmem>>, vector<1x16xf32>,
      %get3A_1195 = arith.constant 912 : index
      %get3A_1196 = tpu.vector_load %arg16[%get3A_1195] {strides = array<i32>} : memref<1536xf32, #tpu.memory_space<vmem>>, vector<16xf32>,
      %get3A_1197 = vector.shape_cast %get3A_1196 : vector<16xf32> to vector<16xf32>
      %swap3A_1198 = arith.constant 57 : i32
      %swap3A_1199 = arith.index_cast %swap3A_1198 : i32 to index
      %swap3A_1200 = arith.constant 0 : index
      %swap3A_1201 = tpu.vector_load %arg20[%swap3A_1199, %swap3A_1200] {strides = array<i32>} : memref<96x128xf32, #tpu.memory_space<vmem>>, vector<1x16xf32>,
      %swap3A_1202 = vector.shape_cast %swap3A_1201 : vector<1x16xf32> to vector<16xf32>
      %swap3A_1203 = vector.shape_cast %get3A_1197 : vector<16xf32> to vector<1x16xf32>
      tpu.vector_store %arg20[%swap3A_1199, %swap3A_1200], %swap3A_1203 {strides = array<i32>} : memref<96x128xf32, #tpu.memory_space<vmem>>, vector<1x16xf32>,
      %get3A_1204 = arith.constant 912 : index
      %get3A_1205 = tpu.vector_load %arg18[%get3A_1204] {strides = array<i32>} : memref<1536xf32, #tpu.memory_space<vmem>>, vector<16xf32>,
      %get3A_1206 = vector.shape_cast %get3A_1205 : vector<16xf32> to vector<16xf32>
      %swap3A_1207 = arith.constant 57 : i32
      %swap3A_1208 = arith.index_cast %swap3A_1207 : i32 to index
      %swap3A_1209 = arith.constant 16 : index
      %swap3A_1210 = tpu.vector_load %arg20[%swap3A_1208, %swap3A_1209] {strides = array<i32>} : memref<96x128xf32, #tpu.memory_space<vmem>>, vector<1x16xf32>,
      %swap3A_1211 = vector.shape_cast %swap3A_1210 : vector<1x16xf32> to vector<16xf32>
      %swap3A_1212 = vector.shape_cast %get3A_1206 : vector<16xf32> to vector<1x16xf32>
      tpu.vector_store %arg20[%swap3A_1208, %swap3A_1209], %swap3A_1212 {strides = array<i32>} : memref<96x128xf32, #tpu.memory_space<vmem>>, vector<1x16xf32>,
      %get3A_1213 = arith.constant 928 : index
      %get3A_1214 = tpu.vector_load %arg16[%get3A_1213] {strides = array<i32>} : memref<1536xf32, #tpu.memory_space<vmem>>, vector<16xf32>,
      %get3A_1215 = vector.shape_cast %get3A_1214 : vector<16xf32> to vector<16xf32>
      %swap3A_1216 = arith.constant 58 : i32
      %swap3A_1217 = arith.index_cast %swap3A_1216 : i32 to index
      %swap3A_1218 = arith.constant 0 : index
      %swap3A_1219 = tpu.vector_load %arg20[%swap3A_1217, %swap3A_1218] {strides = array<i32>} : memref<96x128xf32, #tpu.memory_space<vmem>>, vector<1x16xf32>,
      %swap3A_1220 = vector.shape_cast %swap3A_1219 : vector<1x16xf32> to vector<16xf32>
      %swap3A_1221 = vector.shape_cast %get3A_1215 : vector<16xf32> to vector<1x16xf32>
      tpu.vector_store %arg20[%swap3A_1217, %swap3A_1218], %swap3A_1221 {strides = array<i32>} : memref<96x128xf32, #tpu.memory_space<vmem>>, vector<1x16xf32>,
      %get3A_1222 = arith.constant 928 : index
      %get3A_1223 = tpu.vector_load %arg18[%get3A_1222] {strides = array<i32>} : memref<1536xf32, #tpu.memory_space<vmem>>, vector<16xf32>,
      %get3A_1224 = vector.shape_cast %get3A_1223 : vector<16xf32> to vector<16xf32>
      %swap3A_1225 = arith.constant 58 : i32
      %swap3A_1226 = arith.index_cast %swap3A_1225 : i32 to index
      %swap3A_1227 = arith.constant 16 : index
      %swap3A_1228 = tpu.vector_load %arg20[%swap3A_1226, %swap3A_1227] {strides = array<i32>} : memref<96x128xf32, #tpu.memory_space<vmem>>, vector<1x16xf32>,
      %swap3A_1229 = vector.shape_cast %swap3A_1228 : vector<1x16xf32> to vector<16xf32>
      %swap3A_1230 = vector.shape_cast %get3A_1224 : vector<16xf32> to vector<1x16xf32>
      tpu.vector_store %arg20[%swap3A_1226, %swap3A_1227], %swap3A_1230 {strides = array<i32>} : memref<96x128xf32, #tpu.memory_space<vmem>>, vector<1x16xf32>,
      %get3A_1231 = arith.constant 944 : index
      %get3A_1232 = tpu.vector_load %arg16[%get3A_1231] {strides = array<i32>} : memref<1536xf32, #tpu.memory_space<vmem>>, vector<16xf32>,
      %get3A_1233 = vector.shape_cast %get3A_1232 : vector<16xf32> to vector<16xf32>
      %swap3A_1234 = arith.constant 59 : i32
      %swap3A_1235 = arith.index_cast %swap3A_1234 : i32 to index
      %swap3A_1236 = arith.constant 0 : index
      %swap3A_1237 = tpu.vector_load %arg20[%swap3A_1235, %swap3A_1236] {strides = array<i32>} : memref<96x128xf32, #tpu.memory_space<vmem>>, vector<1x16xf32>,
      %swap3A_1238 = vector.shape_cast %swap3A_1237 : vector<1x16xf32> to vector<16xf32>
      %swap3A_1239 = vector.shape_cast %get3A_1233 : vector<16xf32> to vector<1x16xf32>
      tpu.vector_store %arg20[%swap3A_1235, %swap3A_1236], %swap3A_1239 {strides = array<i32>} : memref<96x128xf32, #tpu.memory_space<vmem>>, vector<1x16xf32>,
      %get3A_1240 = arith.constant 944 : index
      %get3A_1241 = tpu.vector_load %arg18[%get3A_1240] {strides = array<i32>} : memref<1536xf32, #tpu.memory_space<vmem>>, vector<16xf32>,
      %get3A_1242 = vector.shape_cast %get3A_1241 : vector<16xf32> to vector<16xf32>
      %swap3A_1243 = arith.constant 59 : i32
      %swap3A_1244 = arith.index_cast %swap3A_1243 : i32 to index
      %swap3A_1245 = arith.constant 16 : index
      %swap3A_1246 = tpu.vector_load %arg20[%swap3A_1244, %swap3A_1245] {strides = array<i32>} : memref<96x128xf32, #tpu.memory_space<vmem>>, vector<1x16xf32>,
      %swap3A_1247 = vector.shape_cast %swap3A_1246 : vector<1x16xf32> to vector<16xf32>
      %swap3A_1248 = vector.shape_cast %get3A_1242 : vector<16xf32> to vector<1x16xf32>
      tpu.vector_store %arg20[%swap3A_1244, %swap3A_1245], %swap3A_1248 {strides = array<i32>} : memref<96x128xf32, #tpu.memory_space<vmem>>, vector<1x16xf32>,
      %get3A_1249 = arith.constant 960 : index
      %get3A_1250 = tpu.vector_load %arg16[%get3A_1249] {strides = array<i32>} : memref<1536xf32, #tpu.memory_space<vmem>>, vector<16xf32>,
      %get3A_1251 = vector.shape_cast %get3A_1250 : vector<16xf32> to vector<16xf32>
      %swap3A_1252 = arith.constant 60 : i32
      %swap3A_1253 = arith.index_cast %swap3A_1252 : i32 to index
      %swap3A_1254 = arith.constant 0 : index
      %swap3A_1255 = tpu.vector_load %arg20[%swap3A_1253, %swap3A_1254] {strides = array<i32>} : memref<96x128xf32, #tpu.memory_space<vmem>>, vector<1x16xf32>,
      %swap3A_1256 = vector.shape_cast %swap3A_1255 : vector<1x16xf32> to vector<16xf32>
      %swap3A_1257 = vector.shape_cast %get3A_1251 : vector<16xf32> to vector<1x16xf32>
      tpu.vector_store %arg20[%swap3A_1253, %swap3A_1254], %swap3A_1257 {strides = array<i32>} : memref<96x128xf32, #tpu.memory_space<vmem>>, vector<1x16xf32>,
      %get3A_1258 = arith.constant 960 : index
      %get3A_1259 = tpu.vector_load %arg18[%get3A_1258] {strides = array<i32>} : memref<1536xf32, #tpu.memory_space<vmem>>, vector<16xf32>,
      %get3A_1260 = vector.shape_cast %get3A_1259 : vector<16xf32> to vector<16xf32>
      %swap3A_1261 = arith.constant 60 : i32
      %swap3A_1262 = arith.index_cast %swap3A_1261 : i32 to index
      %swap3A_1263 = arith.constant 16 : index
      %swap3A_1264 = tpu.vector_load %arg20[%swap3A_1262, %swap3A_1263] {strides = array<i32>} : memref<96x128xf32, #tpu.memory_space<vmem>>, vector<1x16xf32>,
      %swap3A_1265 = vector.shape_cast %swap3A_1264 : vector<1x16xf32> to vector<16xf32>
      %swap3A_1266 = vector.shape_cast %get3A_1260 : vector<16xf32> to vector<1x16xf32>
      tpu.vector_store %arg20[%swap3A_1262, %swap3A_1263], %swap3A_1266 {strides = array<i32>} : memref<96x128xf32, #tpu.memory_space<vmem>>, vector<1x16xf32>,
      %get3A_1267 = arith.constant 976 : index
      %get3A_1268 = tpu.vector_load %arg16[%get3A_1267] {strides = array<i32>} : memref<1536xf32, #tpu.memory_space<vmem>>, vector<16xf32>,
      %get3A_1269 = vector.shape_cast %get3A_1268 : vector<16xf32> to vector<16xf32>
      %swap3A_1270 = arith.constant 61 : i32
      %swap3A_1271 = arith.index_cast %swap3A_1270 : i32 to index
      %swap3A_1272 = arith.constant 0 : index
      %swap3A_1273 = tpu.vector_load %arg20[%swap3A_1271, %swap3A_1272] {strides = array<i32>} : memref<96x128xf32, #tpu.memory_space<vmem>>, vector<1x16xf32>,
      %swap3A_1274 = vector.shape_cast %swap3A_1273 : vector<1x16xf32> to vector<16xf32>
      %swap3A_1275 = vector.shape_cast %get3A_1269 : vector<16xf32> to vector<1x16xf32>
      tpu.vector_store %arg20[%swap3A_1271, %swap3A_1272], %swap3A_1275 {strides = array<i32>} : memref<96x128xf32, #tpu.memory_space<vmem>>, vector<1x16xf32>,
      %get3A_1276 = arith.constant 976 : index
      %get3A_1277 = tpu.vector_load %arg18[%get3A_1276] {strides = array<i32>} : memref<1536xf32, #tpu.memory_space<vmem>>, vector<16xf32>,
      %get3A_1278 = vector.shape_cast %get3A_1277 : vector<16xf32> to vector<16xf32>
      %swap3A_1279 = arith.constant 61 : i32
      %swap3A_1280 = arith.index_cast %swap3A_1279 : i32 to index
      %swap3A_1281 = arith.constant 16 : index
      %swap3A_1282 = tpu.vector_load %arg20[%swap3A_1280, %swap3A_1281] {strides = array<i32>} : memref<96x128xf32, #tpu.memory_space<vmem>>, vector<1x16xf32>,
      %swap3A_1283 = vector.shape_cast %swap3A_1282 : vector<1x16xf32> to vector<16xf32>
      %swap3A_1284 = vector.shape_cast %get3A_1278 : vector<16xf32> to vector<1x16xf32>
      tpu.vector_store %arg20[%swap3A_1280, %swap3A_1281], %swap3A_1284 {strides = array<i32>} : memref<96x128xf32, #tpu.memory_space<vmem>>, vector<1x16xf32>,
      %get3A_1285 = arith.constant 992 : index
      %get3A_1286 = tpu.vector_load %arg16[%get3A_1285] {strides = array<i32>} : memref<1536xf32, #tpu.memory_space<vmem>>, vector<16xf32>,
      %get3A_1287 = vector.shape_cast %get3A_1286 : vector<16xf32> to vector<16xf32>
      %swap3A_1288 = arith.constant 62 : i32
      %swap3A_1289 = arith.index_cast %swap3A_1288 : i32 to index
      %swap3A_1290 = arith.constant 0 : index
      %swap3A_1291 = tpu.vector_load %arg20[%swap3A_1289, %swap3A_1290] {strides = array<i32>} : memref<96x128xf32, #tpu.memory_space<vmem>>, vector<1x16xf32>,
      %swap3A_1292 = vector.shape_cast %swap3A_1291 : vector<1x16xf32> to vector<16xf32>
      %swap3A_1293 = vector.shape_cast %get3A_1287 : vector<16xf32> to vector<1x16xf32>
      tpu.vector_store %arg20[%swap3A_1289, %swap3A_1290], %swap3A_1293 {strides = array<i32>} : memref<96x128xf32, #tpu.memory_space<vmem>>, vector<1x16xf32>,
      %get3A_1294 = arith.constant 992 : index
      %get3A_1295 = tpu.vector_load %arg18[%get3A_1294] {strides = array<i32>} : memref<1536xf32, #tpu.memory_space<vmem>>, vector<16xf32>,
      %get3A_1296 = vector.shape_cast %get3A_1295 : vector<16xf32> to vector<16xf32>
      %swap3A_1297 = arith.constant 62 : i32
      %swap3A_1298 = arith.index_cast %swap3A_1297 : i32 to index
      %swap3A_1299 = arith.constant 16 : index
      %swap3A_1300 = tpu.vector_load %arg20[%swap3A_1298, %swap3A_1299] {strides = array<i32>} : memref<96x128xf32, #tpu.memory_space<vmem>>, vector<1x16xf32>,
      %swap3A_1301 = vector.shape_cast %swap3A_1300 : vector<1x16xf32> to vector<16xf32>
      %swap3A_1302 = vector.shape_cast %get3A_1296 : vector<16xf32> to vector<1x16xf32>
      tpu.vector_store %arg20[%swap3A_1298, %swap3A_1299], %swap3A_1302 {strides = array<i32>} : memref<96x128xf32, #tpu.memory_space<vmem>>, vector<1x16xf32>,
      %get3A_1303 = arith.constant 1008 : index
      %get3A_1304 = tpu.vector_load %arg16[%get3A_1303] {strides = array<i32>} : memref<1536xf32, #tpu.memory_space<vmem>>, vector<16xf32>,
      %get3A_1305 = vector.shape_cast %get3A_1304 : vector<16xf32> to vector<16xf32>
      %swap3A_1306 = arith.constant 63 : i32
      %swap3A_1307 = arith.index_cast %swap3A_1306 : i32 to index
      %swap3A_1308 = arith.constant 0 : index
      %swap3A_1309 = tpu.vector_load %arg20[%swap3A_1307, %swap3A_1308] {strides = array<i32>} : memref<96x128xf32, #tpu.memory_space<vmem>>, vector<1x16xf32>,
      %swap3A_1310 = vector.shape_cast %swap3A_1309 : vector<1x16xf32> to vector<16xf32>
      %swap3A_1311 = vector.shape_cast %get3A_1305 : vector<16xf32> to vector<1x16xf32>
      tpu.vector_store %arg20[%swap3A_1307, %swap3A_1308], %swap3A_1311 {strides = array<i32>} : memref<96x128xf32, #tpu.memory_space<vmem>>, vector<1x16xf32>,
      %get3A_1312 = arith.constant 1008 : index
      %get3A_1313 = tpu.vector_load %arg18[%get3A_1312] {strides = array<i32>} : memref<1536xf32, #tpu.memory_space<vmem>>, vector<16xf32>,
      %get3A_1314 = vector.shape_cast %get3A_1313 : vector<16xf32> to vector<16xf32>
      %swap3A_1315 = arith.constant 63 : i32
      %swap3A_1316 = arith.index_cast %swap3A_1315 : i32 to index
      %swap3A_1317 = arith.constant 16 : index
      %swap3A_1318 = tpu.vector_load %arg20[%swap3A_1316, %swap3A_1317] {strides = array<i32>} : memref<96x128xf32, #tpu.memory_space<vmem>>, vector<1x16xf32>,
      %swap3A_1319 = vector.shape_cast %swap3A_1318 : vector<1x16xf32> to vector<16xf32>
      %swap3A_1320 = vector.shape_cast %get3A_1314 : vector<16xf32> to vector<1x16xf32>
      tpu.vector_store %arg20[%swap3A_1316, %swap3A_1317], %swap3A_1320 {strides = array<i32>} : memref<96x128xf32, #tpu.memory_space<vmem>>, vector<1x16xf32>,
      %get3A_1321 = arith.constant 1024 : index
      %get3A_1322 = tpu.vector_load %arg16[%get3A_1321] {strides = array<i32>} : memref<1536xf32, #tpu.memory_space<vmem>>, vector<16xf32>,
      %get3A_1323 = vector.shape_cast %get3A_1322 : vector<16xf32> to vector<16xf32>
      %swap3A_1324 = arith.constant 64 : i32
      %swap3A_1325 = arith.index_cast %swap3A_1324 : i32 to index
      %swap3A_1326 = arith.constant 0 : index
      %swap3A_1327 = tpu.vector_load %arg20[%swap3A_1325, %swap3A_1326] {strides = array<i32>} : memref<96x128xf32, #tpu.memory_space<vmem>>, vector<1x16xf32>,
      %swap3A_1328 = vector.shape_cast %swap3A_1327 : vector<1x16xf32> to vector<16xf32>
      %swap3A_1329 = vector.shape_cast %get3A_1323 : vector<16xf32> to vector<1x16xf32>
      tpu.vector_store %arg20[%swap3A_1325, %swap3A_1326], %swap3A_1329 {strides = array<i32>} : memref<96x128xf32, #tpu.memory_space<vmem>>, vector<1x16xf32>,
      %get3A_1330 = arith.constant 1024 : index
      %get3A_1331 = tpu.vector_load %arg18[%get3A_1330] {strides = array<i32>} : memref<1536xf32, #tpu.memory_space<vmem>>, vector<16xf32>,
      %get3A_1332 = vector.shape_cast %get3A_1331 : vector<16xf32> to vector<16xf32>
      %swap3A_1333 = arith.constant 64 : i32
      %swap3A_1334 = arith.index_cast %swap3A_1333 : i32 to index
      %swap3A_1335 = arith.constant 16 : index
      %swap3A_1336 = tpu.vector_load %arg20[%swap3A_1334, %swap3A_1335] {strides = array<i32>} : memref<96x128xf32, #tpu.memory_space<vmem>>, vector<1x16xf32>,
      %swap3A_1337 = vector.shape_cast %swap3A_1336 : vector<1x16xf32> to vector<16xf32>
      %swap3A_1338 = vector.shape_cast %get3A_1332 : vector<16xf32> to vector<1x16xf32>
      tpu.vector_store %arg20[%swap3A_1334, %swap3A_1335], %swap3A_1338 {strides = array<i32>} : memref<96x128xf32, #tpu.memory_space<vmem>>, vector<1x16xf32>,
      %get3A_1339 = arith.constant 1040 : index
      %get3A_1340 = tpu.vector_load %arg16[%get3A_1339] {strides = array<i32>} : memref<1536xf32, #tpu.memory_space<vmem>>, vector<16xf32>,
      %get3A_1341 = vector.shape_cast %get3A_1340 : vector<16xf32> to vector<16xf32>
      %swap3A_1342 = arith.constant 65 : i32
      %swap3A_1343 = arith.index_cast %swap3A_1342 : i32 to index
      %swap3A_1344 = arith.constant 0 : index
      %swap3A_1345 = tpu.vector_load %arg20[%swap3A_1343, %swap3A_1344] {strides = array<i32>} : memref<96x128xf32, #tpu.memory_space<vmem>>, vector<1x16xf32>,
      %swap3A_1346 = vector.shape_cast %swap3A_1345 : vector<1x16xf32> to vector<16xf32>
      %swap3A_1347 = vector.shape_cast %get3A_1341 : vector<16xf32> to vector<1x16xf32>
      tpu.vector_store %arg20[%swap3A_1343, %swap3A_1344], %swap3A_1347 {strides = array<i32>} : memref<96x128xf32, #tpu.memory_space<vmem>>, vector<1x16xf32>,
      %get3A_1348 = arith.constant 1040 : index
      %get3A_1349 = tpu.vector_load %arg18[%get3A_1348] {strides = array<i32>} : memref<1536xf32, #tpu.memory_space<vmem>>, vector<16xf32>,
      %get3A_1350 = vector.shape_cast %get3A_1349 : vector<16xf32> to vector<16xf32>
      %swap3A_1351 = arith.constant 65 : i32
      %swap3A_1352 = arith.index_cast %swap3A_1351 : i32 to index
      %swap3A_1353 = arith.constant 16 : index
      %swap3A_1354 = tpu.vector_load %arg20[%swap3A_1352, %swap3A_1353] {strides = array<i32>} : memref<96x128xf32, #tpu.memory_space<vmem>>, vector<1x16xf32>,
      %swap3A_1355 = vector.shape_cast %swap3A_1354 : vector<1x16xf32> to vector<16xf32>
      %swap3A_1356 = vector.shape_cast %get3A_1350 : vector<16xf32> to vector<1x16xf32>
      tpu.vector_store %arg20[%swap3A_1352, %swap3A_1353], %swap3A_1356 {strides = array<i32>} : memref<96x128xf32, #tpu.memory_space<vmem>>, vector<1x16xf32>,
      %get3A_1357 = arith.constant 1056 : index
      %get3A_1358 = tpu.vector_load %arg16[%get3A_1357] {strides = array<i32>} : memref<1536xf32, #tpu.memory_space<vmem>>, vector<16xf32>,
      %get3A_1359 = vector.shape_cast %get3A_1358 : vector<16xf32> to vector<16xf32>
      %swap3A_1360 = arith.constant 66 : i32
      %swap3A_1361 = arith.index_cast %swap3A_1360 : i32 to index
      %swap3A_1362 = arith.constant 0 : index
      %swap3A_1363 = tpu.vector_load %arg20[%swap3A_1361, %swap3A_1362] {strides = array<i32>} : memref<96x128xf32, #tpu.memory_space<vmem>>, vector<1x16xf32>,
      %swap3A_1364 = vector.shape_cast %swap3A_1363 : vector<1x16xf32> to vector<16xf32>
      %swap3A_1365 = vector.shape_cast %get3A_1359 : vector<16xf32> to vector<1x16xf32>
      tpu.vector_store %arg20[%swap3A_1361, %swap3A_1362], %swap3A_1365 {strides = array<i32>} : memref<96x128xf32, #tpu.memory_space<vmem>>, vector<1x16xf32>,
      %get3A_1366 = arith.constant 1056 : index
      %get3A_1367 = tpu.vector_load %arg18[%get3A_1366] {strides = array<i32>} : memref<1536xf32, #tpu.memory_space<vmem>>, vector<16xf32>,
      %get3A_1368 = vector.shape_cast %get3A_1367 : vector<16xf32> to vector<16xf32>
      %swap3A_1369 = arith.constant 66 : i32
      %swap3A_1370 = arith.index_cast %swap3A_1369 : i32 to index
      %swap3A_1371 = arith.constant 16 : index
      %swap3A_1372 = tpu.vector_load %arg20[%swap3A_1370, %swap3A_1371] {strides = array<i32>} : memref<96x128xf32, #tpu.memory_space<vmem>>, vector<1x16xf32>,
      %swap3A_1373 = vector.shape_cast %swap3A_1372 : vector<1x16xf32> to vector<16xf32>
      %swap3A_1374 = vector.shape_cast %get3A_1368 : vector<16xf32> to vector<1x16xf32>
      tpu.vector_store %arg20[%swap3A_1370, %swap3A_1371], %swap3A_1374 {strides = array<i32>} : memref<96x128xf32, #tpu.memory_space<vmem>>, vector<1x16xf32>,
      %get3A_1375 = arith.constant 1072 : index
      %get3A_1376 = tpu.vector_load %arg16[%get3A_1375] {strides = array<i32>} : memref<1536xf32, #tpu.memory_space<vmem>>, vector<16xf32>,
      %get3A_1377 = vector.shape_cast %get3A_1376 : vector<16xf32> to vector<16xf32>
      %swap3A_1378 = arith.constant 67 : i32
      %swap3A_1379 = arith.index_cast %swap3A_1378 : i32 to index
      %swap3A_1380 = arith.constant 0 : index
      %swap3A_1381 = tpu.vector_load %arg20[%swap3A_1379, %swap3A_1380] {strides = array<i32>} : memref<96x128xf32, #tpu.memory_space<vmem>>, vector<1x16xf32>,
      %swap3A_1382 = vector.shape_cast %swap3A_1381 : vector<1x16xf32> to vector<16xf32>
      %swap3A_1383 = vector.shape_cast %get3A_1377 : vector<16xf32> to vector<1x16xf32>
      tpu.vector_store %arg20[%swap3A_1379, %swap3A_1380], %swap3A_1383 {strides = array<i32>} : memref<96x128xf32, #tpu.memory_space<vmem>>, vector<1x16xf32>,
      %get3A_1384 = arith.constant 1072 : index
      %get3A_1385 = tpu.vector_load %arg18[%get3A_1384] {strides = array<i32>} : memref<1536xf32, #tpu.memory_space<vmem>>, vector<16xf32>,
      %get3A_1386 = vector.shape_cast %get3A_1385 : vector<16xf32> to vector<16xf32>
      %swap3A_1387 = arith.constant 67 : i32
      %swap3A_1388 = arith.index_cast %swap3A_1387 : i32 to index
      %swap3A_1389 = arith.constant 16 : index
      %swap3A_1390 = tpu.vector_load %arg20[%swap3A_1388, %swap3A_1389] {strides = array<i32>} : memref<96x128xf32, #tpu.memory_space<vmem>>, vector<1x16xf32>,
      %swap3A_1391 = vector.shape_cast %swap3A_1390 : vector<1x16xf32> to vector<16xf32>
      %swap3A_1392 = vector.shape_cast %get3A_1386 : vector<16xf32> to vector<1x16xf32>
      tpu.vector_store %arg20[%swap3A_1388, %swap3A_1389], %swap3A_1392 {strides = array<i32>} : memref<96x128xf32, #tpu.memory_space<vmem>>, vector<1x16xf32>,
      %get3A_1393 = arith.constant 1088 : index
      %get3A_1394 = tpu.vector_load %arg16[%get3A_1393] {strides = array<i32>} : memref<1536xf32, #tpu.memory_space<vmem>>, vector<16xf32>,
      %get3A_1395 = vector.shape_cast %get3A_1394 : vector<16xf32> to vector<16xf32>
      %swap3A_1396 = arith.constant 68 : i32
      %swap3A_1397 = arith.index_cast %swap3A_1396 : i32 to index
      %swap3A_1398 = arith.constant 0 : index
      %swap3A_1399 = tpu.vector_load %arg20[%swap3A_1397, %swap3A_1398] {strides = array<i32>} : memref<96x128xf32, #tpu.memory_space<vmem>>, vector<1x16xf32>,
      %swap3A_1400 = vector.shape_cast %swap3A_1399 : vector<1x16xf32> to vector<16xf32>
      %swap3A_1401 = vector.shape_cast %get3A_1395 : vector<16xf32> to vector<1x16xf32>
      tpu.vector_store %arg20[%swap3A_1397, %swap3A_1398], %swap3A_1401 {strides = array<i32>} : memref<96x128xf32, #tpu.memory_space<vmem>>, vector<1x16xf32>,
      %get3A_1402 = arith.constant 1088 : index
      %get3A_1403 = tpu.vector_load %arg18[%get3A_1402] {strides = array<i32>} : memref<1536xf32, #tpu.memory_space<vmem>>, vector<16xf32>,
      %get3A_1404 = vector.shape_cast %get3A_1403 : vector<16xf32> to vector<16xf32>
      %swap3A_1405 = arith.constant 68 : i32
      %swap3A_1406 = arith.index_cast %swap3A_1405 : i32 to index
      %swap3A_1407 = arith.constant 16 : index
      %swap3A_1408 = tpu.vector_load %arg20[%swap3A_1406, %swap3A_1407] {strides = array<i32>} : memref<96x128xf32, #tpu.memory_space<vmem>>, vector<1x16xf32>,
      %swap3A_1409 = vector.shape_cast %swap3A_1408 : vector<1x16xf32> to vector<16xf32>
      %swap3A_1410 = vector.shape_cast %get3A_1404 : vector<16xf32> to vector<1x16xf32>
      tpu.vector_store %arg20[%swap3A_1406, %swap3A_1407], %swap3A_1410 {strides = array<i32>} : memref<96x128xf32, #tpu.memory_space<vmem>>, vector<1x16xf32>,
      %get3A_1411 = arith.constant 1104 : index
      %get3A_1412 = tpu.vector_load %arg16[%get3A_1411] {strides = array<i32>} : memref<1536xf32, #tpu.memory_space<vmem>>, vector<16xf32>,
      %get3A_1413 = vector.shape_cast %get3A_1412 : vector<16xf32> to vector<16xf32>
      %swap3A_1414 = arith.constant 69 : i32
      %swap3A_1415 = arith.index_cast %swap3A_1414 : i32 to index
      %swap3A_1416 = arith.constant 0 : index
      %swap3A_1417 = tpu.vector_load %arg20[%swap3A_1415, %swap3A_1416] {strides = array<i32>} : memref<96x128xf32, #tpu.memory_space<vmem>>, vector<1x16xf32>,
      %swap3A_1418 = vector.shape_cast %swap3A_1417 : vector<1x16xf32> to vector<16xf32>
      %swap3A_1419 = vector.shape_cast %get3A_1413 : vector<16xf32> to vector<1x16xf32>
      tpu.vector_store %arg20[%swap3A_1415, %swap3A_1416], %swap3A_1419 {strides = array<i32>} : memref<96x128xf32, #tpu.memory_space<vmem>>, vector<1x16xf32>,
      %get3A_1420 = arith.constant 1104 : index
      %get3A_1421 = tpu.vector_load %arg18[%get3A_1420] {strides = array<i32>} : memref<1536xf32, #tpu.memory_space<vmem>>, vector<16xf32>,
      %get3A_1422 = vector.shape_cast %get3A_1421 : vector<16xf32> to vector<16xf32>
      %swap3A_1423 = arith.constant 69 : i32
      %swap3A_1424 = arith.index_cast %swap3A_1423 : i32 to index
      %swap3A_1425 = arith.constant 16 : index
      %swap3A_1426 = tpu.vector_load %arg20[%swap3A_1424, %swap3A_1425] {strides = array<i32>} : memref<96x128xf32, #tpu.memory_space<vmem>>, vector<1x16xf32>,
      %swap3A_1427 = vector.shape_cast %swap3A_1426 : vector<1x16xf32> to vector<16xf32>
      %swap3A_1428 = vector.shape_cast %get3A_1422 : vector<16xf32> to vector<1x16xf32>
      tpu.vector_store %arg20[%swap3A_1424, %swap3A_1425], %swap3A_1428 {strides = array<i32>} : memref<96x128xf32, #tpu.memory_space<vmem>>, vector<1x16xf32>,
      %get3A_1429 = arith.constant 1120 : index
      %get3A_1430 = tpu.vector_load %arg16[%get3A_1429] {strides = array<i32>} : memref<1536xf32, #tpu.memory_space<vmem>>, vector<16xf32>,
      %get3A_1431 = vector.shape_cast %get3A_1430 : vector<16xf32> to vector<16xf32>
      %swap3A_1432 = arith.constant 70 : i32
      %swap3A_1433 = arith.index_cast %swap3A_1432 : i32 to index
      %swap3A_1434 = arith.constant 0 : index
      %swap3A_1435 = tpu.vector_load %arg20[%swap3A_1433, %swap3A_1434] {strides = array<i32>} : memref<96x128xf32, #tpu.memory_space<vmem>>, vector<1x16xf32>,
      %swap3A_1436 = vector.shape_cast %swap3A_1435 : vector<1x16xf32> to vector<16xf32>
      %swap3A_1437 = vector.shape_cast %get3A_1431 : vector<16xf32> to vector<1x16xf32>
      tpu.vector_store %arg20[%swap3A_1433, %swap3A_1434], %swap3A_1437 {strides = array<i32>} : memref<96x128xf32, #tpu.memory_space<vmem>>, vector<1x16xf32>,
      %get3A_1438 = arith.constant 1120 : index
      %get3A_1439 = tpu.vector_load %arg18[%get3A_1438] {strides = array<i32>} : memref<1536xf32, #tpu.memory_space<vmem>>, vector<16xf32>,
      %get3A_1440 = vector.shape_cast %get3A_1439 : vector<16xf32> to vector<16xf32>
      %swap3A_1441 = arith.constant 70 : i32
      %swap3A_1442 = arith.index_cast %swap3A_1441 : i32 to index
      %swap3A_1443 = arith.constant 16 : index
      %swap3A_1444 = tpu.vector_load %arg20[%swap3A_1442, %swap3A_1443] {strides = array<i32>} : memref<96x128xf32, #tpu.memory_space<vmem>>, vector<1x16xf32>,
      %swap3A_1445 = vector.shape_cast %swap3A_1444 : vector<1x16xf32> to vector<16xf32>
      %swap3A_1446 = vector.shape_cast %get3A_1440 : vector<16xf32> to vector<1x16xf32>
      tpu.vector_store %arg20[%swap3A_1442, %swap3A_1443], %swap3A_1446 {strides = array<i32>} : memref<96x128xf32, #tpu.memory_space<vmem>>, vector<1x16xf32>,
      %get3A_1447 = arith.constant 1136 : index
      %get3A_1448 = tpu.vector_load %arg16[%get3A_1447] {strides = array<i32>} : memref<1536xf32, #tpu.memory_space<vmem>>, vector<16xf32>,
      %get3A_1449 = vector.shape_cast %get3A_1448 : vector<16xf32> to vector<16xf32>
      %swap3A_1450 = arith.constant 71 : i32
      %swap3A_1451 = arith.index_cast %swap3A_1450 : i32 to index
      %swap3A_1452 = arith.constant 0 : index
      %swap3A_1453 = tpu.vector_load %arg20[%swap3A_1451, %swap3A_1452] {strides = array<i32>} : memref<96x128xf32, #tpu.memory_space<vmem>>, vector<1x16xf32>,
      %swap3A_1454 = vector.shape_cast %swap3A_1453 : vector<1x16xf32> to vector<16xf32>
      %swap3A_1455 = vector.shape_cast %get3A_1449 : vector<16xf32> to vector<1x16xf32>
      tpu.vector_store %arg20[%swap3A_1451, %swap3A_1452], %swap3A_1455 {strides = array<i32>} : memref<96x128xf32, #tpu.memory_space<vmem>>, vector<1x16xf32>,
      %get3A_1456 = arith.constant 1136 : index
      %get3A_1457 = tpu.vector_load %arg18[%get3A_1456] {strides = array<i32>} : memref<1536xf32, #tpu.memory_space<vmem>>, vector<16xf32>,
      %get3A_1458 = vector.shape_cast %get3A_1457 : vector<16xf32> to vector<16xf32>
      %swap3A_1459 = arith.constant 71 : i32
      %swap3A_1460 = arith.index_cast %swap3A_1459 : i32 to index
      %swap3A_1461 = arith.constant 16 : index
      %swap3A_1462 = tpu.vector_load %arg20[%swap3A_1460, %swap3A_1461] {strides = array<i32>} : memref<96x128xf32, #tpu.memory_space<vmem>>, vector<1x16xf32>,
      %swap3A_1463 = vector.shape_cast %swap3A_1462 : vector<1x16xf32> to vector<16xf32>
      %swap3A_1464 = vector.shape_cast %get3A_1458 : vector<16xf32> to vector<1x16xf32>
      tpu.vector_store %arg20[%swap3A_1460, %swap3A_1461], %swap3A_1464 {strides = array<i32>} : memref<96x128xf32, #tpu.memory_space<vmem>>, vector<1x16xf32>,
      %get3A_1465 = arith.constant 1152 : index
      %get3A_1466 = tpu.vector_load %arg16[%get3A_1465] {strides = array<i32>} : memref<1536xf32, #tpu.memory_space<vmem>>, vector<16xf32>,
      %get3A_1467 = vector.shape_cast %get3A_1466 : vector<16xf32> to vector<16xf32>
      %swap3A_1468 = arith.constant 72 : i32
      %swap3A_1469 = arith.index_cast %swap3A_1468 : i32 to index
      %swap3A_1470 = arith.constant 0 : index
      %swap3A_1471 = tpu.vector_load %arg20[%swap3A_1469, %swap3A_1470] {strides = array<i32>} : memref<96x128xf32, #tpu.memory_space<vmem>>, vector<1x16xf32>,
      %swap3A_1472 = vector.shape_cast %swap3A_1471 : vector<1x16xf32> to vector<16xf32>
      %swap3A_1473 = vector.shape_cast %get3A_1467 : vector<16xf32> to vector<1x16xf32>
      tpu.vector_store %arg20[%swap3A_1469, %swap3A_1470], %swap3A_1473 {strides = array<i32>} : memref<96x128xf32, #tpu.memory_space<vmem>>, vector<1x16xf32>,
      %get3A_1474 = arith.constant 1152 : index
      %get3A_1475 = tpu.vector_load %arg18[%get3A_1474] {strides = array<i32>} : memref<1536xf32, #tpu.memory_space<vmem>>, vector<16xf32>,
      %get3A_1476 = vector.shape_cast %get3A_1475 : vector<16xf32> to vector<16xf32>
      %swap3A_1477 = arith.constant 72 : i32
      %swap3A_1478 = arith.index_cast %swap3A_1477 : i32 to index
      %swap3A_1479 = arith.constant 16 : index
      %swap3A_1480 = tpu.vector_load %arg20[%swap3A_1478, %swap3A_1479] {strides = array<i32>} : memref<96x128xf32, #tpu.memory_space<vmem>>, vector<1x16xf32>,
      %swap3A_1481 = vector.shape_cast %swap3A_1480 : vector<1x16xf32> to vector<16xf32>
      %swap3A_1482 = vector.shape_cast %get3A_1476 : vector<16xf32> to vector<1x16xf32>
      tpu.vector_store %arg20[%swap3A_1478, %swap3A_1479], %swap3A_1482 {strides = array<i32>} : memref<96x128xf32, #tpu.memory_space<vmem>>, vector<1x16xf32>,
      %get3A_1483 = arith.constant 1168 : index
      %get3A_1484 = tpu.vector_load %arg16[%get3A_1483] {strides = array<i32>} : memref<1536xf32, #tpu.memory_space<vmem>>, vector<16xf32>,
      %get3A_1485 = vector.shape_cast %get3A_1484 : vector<16xf32> to vector<16xf32>
      %swap3A_1486 = arith.constant 73 : i32
      %swap3A_1487 = arith.index_cast %swap3A_1486 : i32 to index
      %swap3A_1488 = arith.constant 0 : index
      %swap3A_1489 = tpu.vector_load %arg20[%swap3A_1487, %swap3A_1488] {strides = array<i32>} : memref<96x128xf32, #tpu.memory_space<vmem>>, vector<1x16xf32>,
      %swap3A_1490 = vector.shape_cast %swap3A_1489 : vector<1x16xf32> to vector<16xf32>
      %swap3A_1491 = vector.shape_cast %get3A_1485 : vector<16xf32> to vector<1x16xf32>
      tpu.vector_store %arg20[%swap3A_1487, %swap3A_1488], %swap3A_1491 {strides = array<i32>} : memref<96x128xf32, #tpu.memory_space<vmem>>, vector<1x16xf32>,
      %get3A_1492 = arith.constant 1168 : index
      %get3A_1493 = tpu.vector_load %arg18[%get3A_1492] {strides = array<i32>} : memref<1536xf32, #tpu.memory_space<vmem>>, vector<16xf32>,
      %get3A_1494 = vector.shape_cast %get3A_1493 : vector<16xf32> to vector<16xf32>
      %swap3A_1495 = arith.constant 73 : i32
      %swap3A_1496 = arith.index_cast %swap3A_1495 : i32 to index
      %swap3A_1497 = arith.constant 16 : index
      %swap3A_1498 = tpu.vector_load %arg20[%swap3A_1496, %swap3A_1497] {strides = array<i32>} : memref<96x128xf32, #tpu.memory_space<vmem>>, vector<1x16xf32>,
      %swap3A_1499 = vector.shape_cast %swap3A_1498 : vector<1x16xf32> to vector<16xf32>
      %swap3A_1500 = vector.shape_cast %get3A_1494 : vector<16xf32> to vector<1x16xf32>
      tpu.vector_store %arg20[%swap3A_1496, %swap3A_1497], %swap3A_1500 {strides = array<i32>} : memref<96x128xf32, #tpu.memory_space<vmem>>, vector<1x16xf32>,
      %get3A_1501 = arith.constant 1184 : index
      %get3A_1502 = tpu.vector_load %arg16[%get3A_1501] {strides = array<i32>} : memref<1536xf32, #tpu.memory_space<vmem>>, vector<16xf32>,
      %get3A_1503 = vector.shape_cast %get3A_1502 : vector<16xf32> to vector<16xf32>
      %swap3A_1504 = arith.constant 74 : i32
      %swap3A_1505 = arith.index_cast %swap3A_1504 : i32 to index
      %swap3A_1506 = arith.constant 0 : index
      %swap3A_1507 = tpu.vector_load %arg20[%swap3A_1505, %swap3A_1506] {strides = array<i32>} : memref<96x128xf32, #tpu.memory_space<vmem>>, vector<1x16xf32>,
      %swap3A_1508 = vector.shape_cast %swap3A_1507 : vector<1x16xf32> to vector<16xf32>
      %swap3A_1509 = vector.shape_cast %get3A_1503 : vector<16xf32> to vector<1x16xf32>
      tpu.vector_store %arg20[%swap3A_1505, %swap3A_1506], %swap3A_1509 {strides = array<i32>} : memref<96x128xf32, #tpu.memory_space<vmem>>, vector<1x16xf32>,
      %get3A_1510 = arith.constant 1184 : index
      %get3A_1511 = tpu.vector_load %arg18[%get3A_1510] {strides = array<i32>} : memref<1536xf32, #tpu.memory_space<vmem>>, vector<16xf32>,
      %get3A_1512 = vector.shape_cast %get3A_1511 : vector<16xf32> to vector<16xf32>
      %swap3A_1513 = arith.constant 74 : i32
      %swap3A_1514 = arith.index_cast %swap3A_1513 : i32 to index
      %swap3A_1515 = arith.constant 16 : index
      %swap3A_1516 = tpu.vector_load %arg20[%swap3A_1514, %swap3A_1515] {strides = array<i32>} : memref<96x128xf32, #tpu.memory_space<vmem>>, vector<1x16xf32>,
      %swap3A_1517 = vector.shape_cast %swap3A_1516 : vector<1x16xf32> to vector<16xf32>
      %swap3A_1518 = vector.shape_cast %get3A_1512 : vector<16xf32> to vector<1x16xf32>
      tpu.vector_store %arg20[%swap3A_1514, %swap3A_1515], %swap3A_1518 {strides = array<i32>} : memref<96x128xf32, #tpu.memory_space<vmem>>, vector<1x16xf32>,
      %get3A_1519 = arith.constant 1200 : index
      %get3A_1520 = tpu.vector_load %arg16[%get3A_1519] {strides = array<i32>} : memref<1536xf32, #tpu.memory_space<vmem>>, vector<16xf32>,
      %get3A_1521 = vector.shape_cast %get3A_1520 : vector<16xf32> to vector<16xf32>
      %swap3A_1522 = arith.constant 75 : i32
      %swap3A_1523 = arith.index_cast %swap3A_1522 : i32 to index
      %swap3A_1524 = arith.constant 0 : index
      %swap3A_1525 = tpu.vector_load %arg20[%swap3A_1523, %swap3A_1524] {strides = array<i32>} : memref<96x128xf32, #tpu.memory_space<vmem>>, vector<1x16xf32>,
      %swap3A_1526 = vector.shape_cast %swap3A_1525 : vector<1x16xf32> to vector<16xf32>
      %swap3A_1527 = vector.shape_cast %get3A_1521 : vector<16xf32> to vector<1x16xf32>
      tpu.vector_store %arg20[%swap3A_1523, %swap3A_1524], %swap3A_1527 {strides = array<i32>} : memref<96x128xf32, #tpu.memory_space<vmem>>, vector<1x16xf32>,
      %get3A_1528 = arith.constant 1200 : index
      %get3A_1529 = tpu.vector_load %arg18[%get3A_1528] {strides = array<i32>} : memref<1536xf32, #tpu.memory_space<vmem>>, vector<16xf32>,
      %get3A_1530 = vector.shape_cast %get3A_1529 : vector<16xf32> to vector<16xf32>
      %swap3A_1531 = arith.constant 75 : i32
      %swap3A_1532 = arith.index_cast %swap3A_1531 : i32 to index
      %swap3A_1533 = arith.constant 16 : index
      %swap3A_1534 = tpu.vector_load %arg20[%swap3A_1532, %swap3A_1533] {strides = array<i32>} : memref<96x128xf32, #tpu.memory_space<vmem>>, vector<1x16xf32>,
      %swap3A_1535 = vector.shape_cast %swap3A_1534 : vector<1x16xf32> to vector<16xf32>
      %swap3A_1536 = vector.shape_cast %get3A_1530 : vector<16xf32> to vector<1x16xf32>
      tpu.vector_store %arg20[%swap3A_1532, %swap3A_1533], %swap3A_1536 {strides = array<i32>} : memref<96x128xf32, #tpu.memory_space<vmem>>, vector<1x16xf32>,
      %get3A_1537 = arith.constant 1216 : index
      %get3A_1538 = tpu.vector_load %arg16[%get3A_1537] {strides = array<i32>} : memref<1536xf32, #tpu.memory_space<vmem>>, vector<16xf32>,
      %get3A_1539 = vector.shape_cast %get3A_1538 : vector<16xf32> to vector<16xf32>
      %swap3A_1540 = arith.constant 76 : i32
      %swap3A_1541 = arith.index_cast %swap3A_1540 : i32 to index
      %swap3A_1542 = arith.constant 0 : index
      %swap3A_1543 = tpu.vector_load %arg20[%swap3A_1541, %swap3A_1542] {strides = array<i32>} : memref<96x128xf32, #tpu.memory_space<vmem>>, vector<1x16xf32>,
      %swap3A_1544 = vector.shape_cast %swap3A_1543 : vector<1x16xf32> to vector<16xf32>
      %swap3A_1545 = vector.shape_cast %get3A_1539 : vector<16xf32> to vector<1x16xf32>
      tpu.vector_store %arg20[%swap3A_1541, %swap3A_1542], %swap3A_1545 {strides = array<i32>} : memref<96x128xf32, #tpu.memory_space<vmem>>, vector<1x16xf32>,
      %get3A_1546 = arith.constant 1216 : index
      %get3A_1547 = tpu.vector_load %arg18[%get3A_1546] {strides = array<i32>} : memref<1536xf32, #tpu.memory_space<vmem>>, vector<16xf32>,
      %get3A_1548 = vector.shape_cast %get3A_1547 : vector<16xf32> to vector<16xf32>
      %swap3A_1549 = arith.constant 76 : i32
      %swap3A_1550 = arith.index_cast %swap3A_1549 : i32 to index
      %swap3A_1551 = arith.constant 16 : index
      %swap3A_1552 = tpu.vector_load %arg20[%swap3A_1550, %swap3A_1551] {strides = array<i32>} : memref<96x128xf32, #tpu.memory_space<vmem>>, vector<1x16xf32>,
      %swap3A_1553 = vector.shape_cast %swap3A_1552 : vector<1x16xf32> to vector<16xf32>
      %swap3A_1554 = vector.shape_cast %get3A_1548 : vector<16xf32> to vector<1x16xf32>
      tpu.vector_store %arg20[%swap3A_1550, %swap3A_1551], %swap3A_1554 {strides = array<i32>} : memref<96x128xf32, #tpu.memory_space<vmem>>, vector<1x16xf32>,
      %get3A_1555 = arith.constant 1232 : index
      %get3A_1556 = tpu.vector_load %arg16[%get3A_1555] {strides = array<i32>} : memref<1536xf32, #tpu.memory_space<vmem>>, vector<16xf32>,
      %get3A_1557 = vector.shape_cast %get3A_1556 : vector<16xf32> to vector<16xf32>
      %swap3A_1558 = arith.constant 77 : i32
      %swap3A_1559 = arith.index_cast %swap3A_1558 : i32 to index
      %swap3A_1560 = arith.constant 0 : index
      %swap3A_1561 = tpu.vector_load %arg20[%swap3A_1559, %swap3A_1560] {strides = array<i32>} : memref<96x128xf32, #tpu.memory_space<vmem>>, vector<1x16xf32>,
      %swap3A_1562 = vector.shape_cast %swap3A_1561 : vector<1x16xf32> to vector<16xf32>
      %swap3A_1563 = vector.shape_cast %get3A_1557 : vector<16xf32> to vector<1x16xf32>
      tpu.vector_store %arg20[%swap3A_1559, %swap3A_1560], %swap3A_1563 {strides = array<i32>} : memref<96x128xf32, #tpu.memory_space<vmem>>, vector<1x16xf32>,
      %get3A_1564 = arith.constant 1232 : index
      %get3A_1565 = tpu.vector_load %arg18[%get3A_1564] {strides = array<i32>} : memref<1536xf32, #tpu.memory_space<vmem>>, vector<16xf32>,
      %get3A_1566 = vector.shape_cast %get3A_1565 : vector<16xf32> to vector<16xf32>
      %swap3A_1567 = arith.constant 77 : i32
      %swap3A_1568 = arith.index_cast %swap3A_1567 : i32 to index
      %swap3A_1569 = arith.constant 16 : index
      %swap3A_1570 = tpu.vector_load %arg20[%swap3A_1568, %swap3A_1569] {strides = array<i32>} : memref<96x128xf32, #tpu.memory_space<vmem>>, vector<1x16xf32>,
      %swap3A_1571 = vector.shape_cast %swap3A_1570 : vector<1x16xf32> to vector<16xf32>
      %swap3A_1572 = vector.shape_cast %get3A_1566 : vector<16xf32> to vector<1x16xf32>
      tpu.vector_store %arg20[%swap3A_1568, %swap3A_1569], %swap3A_1572 {strides = array<i32>} : memref<96x128xf32, #tpu.memory_space<vmem>>, vector<1x16xf32>,
      %get3A_1573 = arith.constant 1248 : index
      %get3A_1574 = tpu.vector_load %arg16[%get3A_1573] {strides = array<i32>} : memref<1536xf32, #tpu.memory_space<vmem>>, vector<16xf32>,
      %get3A_1575 = vector.shape_cast %get3A_1574 : vector<16xf32> to vector<16xf32>
      %swap3A_1576 = arith.constant 78 : i32
      %swap3A_1577 = arith.index_cast %swap3A_1576 : i32 to index
      %swap3A_1578 = arith.constant 0 : index
      %swap3A_1579 = tpu.vector_load %arg20[%swap3A_1577, %swap3A_1578] {strides = array<i32>} : memref<96x128xf32, #tpu.memory_space<vmem>>, vector<1x16xf32>,
      %swap3A_1580 = vector.shape_cast %swap3A_1579 : vector<1x16xf32> to vector<16xf32>
      %swap3A_1581 = vector.shape_cast %get3A_1575 : vector<16xf32> to vector<1x16xf32>
      tpu.vector_store %arg20[%swap3A_1577, %swap3A_1578], %swap3A_1581 {strides = array<i32>} : memref<96x128xf32, #tpu.memory_space<vmem>>, vector<1x16xf32>,
      %get3A_1582 = arith.constant 1248 : index
      %get3A_1583 = tpu.vector_load %arg18[%get3A_1582] {strides = array<i32>} : memref<1536xf32, #tpu.memory_space<vmem>>, vector<16xf32>,
      %get3A_1584 = vector.shape_cast %get3A_1583 : vector<16xf32> to vector<16xf32>
      %swap3A_1585 = arith.constant 78 : i32
      %swap3A_1586 = arith.index_cast %swap3A_1585 : i32 to index
      %swap3A_1587 = arith.constant 16 : index
      %swap3A_1588 = tpu.vector_load %arg20[%swap3A_1586, %swap3A_1587] {strides = array<i32>} : memref<96x128xf32, #tpu.memory_space<vmem>>, vector<1x16xf32>,
      %swap3A_1589 = vector.shape_cast %swap3A_1588 : vector<1x16xf32> to vector<16xf32>
      %swap3A_1590 = vector.shape_cast %get3A_1584 : vector<16xf32> to vector<1x16xf32>
      tpu.vector_store %arg20[%swap3A_1586, %swap3A_1587], %swap3A_1590 {strides = array<i32>} : memref<96x128xf32, #tpu.memory_space<vmem>>, vector<1x16xf32>,
      %get3A_1591 = arith.constant 1264 : index
      %get3A_1592 = tpu.vector_load %arg16[%get3A_1591] {strides = array<i32>} : memref<1536xf32, #tpu.memory_space<vmem>>, vector<16xf32>,
      %get3A_1593 = vector.shape_cast %get3A_1592 : vector<16xf32> to vector<16xf32>
      %swap3A_1594 = arith.constant 79 : i32
      %swap3A_1595 = arith.index_cast %swap3A_1594 : i32 to index
      %swap3A_1596 = arith.constant 0 : index
      %swap3A_1597 = tpu.vector_load %arg20[%swap3A_1595, %swap3A_1596] {strides = array<i32>} : memref<96x128xf32, #tpu.memory_space<vmem>>, vector<1x16xf32>,
      %swap3A_1598 = vector.shape_cast %swap3A_1597 : vector<1x16xf32> to vector<16xf32>
      %swap3A_1599 = vector.shape_cast %get3A_1593 : vector<16xf32> to vector<1x16xf32>
      tpu.vector_store %arg20[%swap3A_1595, %swap3A_1596], %swap3A_1599 {strides = array<i32>} : memref<96x128xf32, #tpu.memory_space<vmem>>, vector<1x16xf32>,
      %get3A_1600 = arith.constant 1264 : index
      %get3A_1601 = tpu.vector_load %arg18[%get3A_1600] {strides = array<i32>} : memref<1536xf32, #tpu.memory_space<vmem>>, vector<16xf32>,
      %get3A_1602 = vector.shape_cast %get3A_1601 : vector<16xf32> to vector<16xf32>
      %swap3A_1603 = arith.constant 79 : i32
      %swap3A_1604 = arith.index_cast %swap3A_1603 : i32 to index
      %swap3A_1605 = arith.constant 16 : index
      %swap3A_1606 = tpu.vector_load %arg20[%swap3A_1604, %swap3A_1605] {strides = array<i32>} : memref<96x128xf32, #tpu.memory_space<vmem>>, vector<1x16xf32>,
      %swap3A_1607 = vector.shape_cast %swap3A_1606 : vector<1x16xf32> to vector<16xf32>
      %swap3A_1608 = vector.shape_cast %get3A_1602 : vector<16xf32> to vector<1x16xf32>
      tpu.vector_store %arg20[%swap3A_1604, %swap3A_1605], %swap3A_1608 {strides = array<i32>} : memref<96x128xf32, #tpu.memory_space<vmem>>, vector<1x16xf32>,
      %get3A_1609 = arith.constant 1280 : index
      %get3A_1610 = tpu.vector_load %arg16[%get3A_1609] {strides = array<i32>} : memref<1536xf32, #tpu.memory_space<vmem>>, vector<16xf32>,
      %get3A_1611 = vector.shape_cast %get3A_1610 : vector<16xf32> to vector<16xf32>
      %swap3A_1612 = arith.constant 80 : i32
      %swap3A_1613 = arith.index_cast %swap3A_1612 : i32 to index
      %swap3A_1614 = arith.constant 0 : index
      %swap3A_1615 = tpu.vector_load %arg20[%swap3A_1613, %swap3A_1614] {strides = array<i32>} : memref<96x128xf32, #tpu.memory_space<vmem>>, vector<1x16xf32>,
      %swap3A_1616 = vector.shape_cast %swap3A_1615 : vector<1x16xf32> to vector<16xf32>
      %swap3A_1617 = vector.shape_cast %get3A_1611 : vector<16xf32> to vector<1x16xf32>
      tpu.vector_store %arg20[%swap3A_1613, %swap3A_1614], %swap3A_1617 {strides = array<i32>} : memref<96x128xf32, #tpu.memory_space<vmem>>, vector<1x16xf32>,
      %get3A_1618 = arith.constant 1280 : index
      %get3A_1619 = tpu.vector_load %arg18[%get3A_1618] {strides = array<i32>} : memref<1536xf32, #tpu.memory_space<vmem>>, vector<16xf32>,
      %get3A_1620 = vector.shape_cast %get3A_1619 : vector<16xf32> to vector<16xf32>
      %swap3A_1621 = arith.constant 80 : i32
      %swap3A_1622 = arith.index_cast %swap3A_1621 : i32 to index
      %swap3A_1623 = arith.constant 16 : index
      %swap3A_1624 = tpu.vector_load %arg20[%swap3A_1622, %swap3A_1623] {strides = array<i32>} : memref<96x128xf32, #tpu.memory_space<vmem>>, vector<1x16xf32>,
      %swap3A_1625 = vector.shape_cast %swap3A_1624 : vector<1x16xf32> to vector<16xf32>
      %swap3A_1626 = vector.shape_cast %get3A_1620 : vector<16xf32> to vector<1x16xf32>
      tpu.vector_store %arg20[%swap3A_1622, %swap3A_1623], %swap3A_1626 {strides = array<i32>} : memref<96x128xf32, #tpu.memory_space<vmem>>, vector<1x16xf32>,
      %get3A_1627 = arith.constant 1296 : index
      %get3A_1628 = tpu.vector_load %arg16[%get3A_1627] {strides = array<i32>} : memref<1536xf32, #tpu.memory_space<vmem>>, vector<16xf32>,
      %get3A_1629 = vector.shape_cast %get3A_1628 : vector<16xf32> to vector<16xf32>
      %swap3A_1630 = arith.constant 81 : i32
      %swap3A_1631 = arith.index_cast %swap3A_1630 : i32 to index
      %swap3A_1632 = arith.constant 0 : index
      %swap3A_1633 = tpu.vector_load %arg20[%swap3A_1631, %swap3A_1632] {strides = array<i32>} : memref<96x128xf32, #tpu.memory_space<vmem>>, vector<1x16xf32>,
      %swap3A_1634 = vector.shape_cast %swap3A_1633 : vector<1x16xf32> to vector<16xf32>
      %swap3A_1635 = vector.shape_cast %get3A_1629 : vector<16xf32> to vector<1x16xf32>
      tpu.vector_store %arg20[%swap3A_1631, %swap3A_1632], %swap3A_1635 {strides = array<i32>} : memref<96x128xf32, #tpu.memory_space<vmem>>, vector<1x16xf32>,
      %get3A_1636 = arith.constant 1296 : index
      %get3A_1637 = tpu.vector_load %arg18[%get3A_1636] {strides = array<i32>} : memref<1536xf32, #tpu.memory_space<vmem>>, vector<16xf32>,
      %get3A_1638 = vector.shape_cast %get3A_1637 : vector<16xf32> to vector<16xf32>
      %swap3A_1639 = arith.constant 81 : i32
      %swap3A_1640 = arith.index_cast %swap3A_1639 : i32 to index
      %swap3A_1641 = arith.constant 16 : index
      %swap3A_1642 = tpu.vector_load %arg20[%swap3A_1640, %swap3A_1641] {strides = array<i32>} : memref<96x128xf32, #tpu.memory_space<vmem>>, vector<1x16xf32>,
      %swap3A_1643 = vector.shape_cast %swap3A_1642 : vector<1x16xf32> to vector<16xf32>
      %swap3A_1644 = vector.shape_cast %get3A_1638 : vector<16xf32> to vector<1x16xf32>
      tpu.vector_store %arg20[%swap3A_1640, %swap3A_1641], %swap3A_1644 {strides = array<i32>} : memref<96x128xf32, #tpu.memory_space<vmem>>, vector<1x16xf32>,
      %get3A_1645 = arith.constant 1312 : index
      %get3A_1646 = tpu.vector_load %arg16[%get3A_1645] {strides = array<i32>} : memref<1536xf32, #tpu.memory_space<vmem>>, vector<16xf32>,
      %get3A_1647 = vector.shape_cast %get3A_1646 : vector<16xf32> to vector<16xf32>
      %swap3A_1648 = arith.constant 82 : i32
      %swap3A_1649 = arith.index_cast %swap3A_1648 : i32 to index
      %swap3A_1650 = arith.constant 0 : index
      %swap3A_1651 = tpu.vector_load %arg20[%swap3A_1649, %swap3A_1650] {strides = array<i32>} : memref<96x128xf32, #tpu.memory_space<vmem>>, vector<1x16xf32>,
      %swap3A_1652 = vector.shape_cast %swap3A_1651 : vector<1x16xf32> to vector<16xf32>
      %swap3A_1653 = vector.shape_cast %get3A_1647 : vector<16xf32> to vector<1x16xf32>
      tpu.vector_store %arg20[%swap3A_1649, %swap3A_1650], %swap3A_1653 {strides = array<i32>} : memref<96x128xf32, #tpu.memory_space<vmem>>, vector<1x16xf32>,
      %get3A_1654 = arith.constant 1312 : index
      %get3A_1655 = tpu.vector_load %arg18[%get3A_1654] {strides = array<i32>} : memref<1536xf32, #tpu.memory_space<vmem>>, vector<16xf32>,
      %get3A_1656 = vector.shape_cast %get3A_1655 : vector<16xf32> to vector<16xf32>
      %swap3A_1657 = arith.constant 82 : i32
      %swap3A_1658 = arith.index_cast %swap3A_1657 : i32 to index
      %swap3A_1659 = arith.constant 16 : index
      %swap3A_1660 = tpu.vector_load %arg20[%swap3A_1658, %swap3A_1659] {strides = array<i32>} : memref<96x128xf32, #tpu.memory_space<vmem>>, vector<1x16xf32>,
      %swap3A_1661 = vector.shape_cast %swap3A_1660 : vector<1x16xf32> to vector<16xf32>
      %swap3A_1662 = vector.shape_cast %get3A_1656 : vector<16xf32> to vector<1x16xf32>
      tpu.vector_store %arg20[%swap3A_1658, %swap3A_1659], %swap3A_1662 {strides = array<i32>} : memref<96x128xf32, #tpu.memory_space<vmem>>, vector<1x16xf32>,
      %get3A_1663 = arith.constant 1328 : index
      %get3A_1664 = tpu.vector_load %arg16[%get3A_1663] {strides = array<i32>} : memref<1536xf32, #tpu.memory_space<vmem>>, vector<16xf32>,
      %get3A_1665 = vector.shape_cast %get3A_1664 : vector<16xf32> to vector<16xf32>
      %swap3A_1666 = arith.constant 83 : i32
      %swap3A_1667 = arith.index_cast %swap3A_1666 : i32 to index
      %swap3A_1668 = arith.constant 0 : index
      %swap3A_1669 = tpu.vector_load %arg20[%swap3A_1667, %swap3A_1668] {strides = array<i32>} : memref<96x128xf32, #tpu.memory_space<vmem>>, vector<1x16xf32>,
      %swap3A_1670 = vector.shape_cast %swap3A_1669 : vector<1x16xf32> to vector<16xf32>
      %swap3A_1671 = vector.shape_cast %get3A_1665 : vector<16xf32> to vector<1x16xf32>
      tpu.vector_store %arg20[%swap3A_1667, %swap3A_1668], %swap3A_1671 {strides = array<i32>} : memref<96x128xf32, #tpu.memory_space<vmem>>, vector<1x16xf32>,
      %get3A_1672 = arith.constant 1328 : index
      %get3A_1673 = tpu.vector_load %arg18[%get3A_1672] {strides = array<i32>} : memref<1536xf32, #tpu.memory_space<vmem>>, vector<16xf32>,
      %get3A_1674 = vector.shape_cast %get3A_1673 : vector<16xf32> to vector<16xf32>
      %swap3A_1675 = arith.constant 83 : i32
      %swap3A_1676 = arith.index_cast %swap3A_1675 : i32 to index
      %swap3A_1677 = arith.constant 16 : index
      %swap3A_1678 = tpu.vector_load %arg20[%swap3A_1676, %swap3A_1677] {strides = array<i32>} : memref<96x128xf32, #tpu.memory_space<vmem>>, vector<1x16xf32>,
      %swap3A_1679 = vector.shape_cast %swap3A_1678 : vector<1x16xf32> to vector<16xf32>
      %swap3A_1680 = vector.shape_cast %get3A_1674 : vector<16xf32> to vector<1x16xf32>
      tpu.vector_store %arg20[%swap3A_1676, %swap3A_1677], %swap3A_1680 {strides = array<i32>} : memref<96x128xf32, #tpu.memory_space<vmem>>, vector<1x16xf32>,
      %get3A_1681 = arith.constant 1344 : index
      %get3A_1682 = tpu.vector_load %arg16[%get3A_1681] {strides = array<i32>} : memref<1536xf32, #tpu.memory_space<vmem>>, vector<16xf32>,
      %get3A_1683 = vector.shape_cast %get3A_1682 : vector<16xf32> to vector<16xf32>
      %swap3A_1684 = arith.constant 84 : i32
      %swap3A_1685 = arith.index_cast %swap3A_1684 : i32 to index
      %swap3A_1686 = arith.constant 0 : index
      %swap3A_1687 = tpu.vector_load %arg20[%swap3A_1685, %swap3A_1686] {strides = array<i32>} : memref<96x128xf32, #tpu.memory_space<vmem>>, vector<1x16xf32>,
      %swap3A_1688 = vector.shape_cast %swap3A_1687 : vector<1x16xf32> to vector<16xf32>
      %swap3A_1689 = vector.shape_cast %get3A_1683 : vector<16xf32> to vector<1x16xf32>
      tpu.vector_store %arg20[%swap3A_1685, %swap3A_1686], %swap3A_1689 {strides = array<i32>} : memref<96x128xf32, #tpu.memory_space<vmem>>, vector<1x16xf32>,
      %get3A_1690 = arith.constant 1344 : index
      %get3A_1691 = tpu.vector_load %arg18[%get3A_1690] {strides = array<i32>} : memref<1536xf32, #tpu.memory_space<vmem>>, vector<16xf32>,
      %get3A_1692 = vector.shape_cast %get3A_1691 : vector<16xf32> to vector<16xf32>
      %swap3A_1693 = arith.constant 84 : i32
      %swap3A_1694 = arith.index_cast %swap3A_1693 : i32 to index
      %swap3A_1695 = arith.constant 16 : index
      %swap3A_1696 = tpu.vector_load %arg20[%swap3A_1694, %swap3A_1695] {strides = array<i32>} : memref<96x128xf32, #tpu.memory_space<vmem>>, vector<1x16xf32>,
      %swap3A_1697 = vector.shape_cast %swap3A_1696 : vector<1x16xf32> to vector<16xf32>
      %swap3A_1698 = vector.shape_cast %get3A_1692 : vector<16xf32> to vector<1x16xf32>
      tpu.vector_store %arg20[%swap3A_1694, %swap3A_1695], %swap3A_1698 {strides = array<i32>} : memref<96x128xf32, #tpu.memory_space<vmem>>, vector<1x16xf32>,
      %get3A_1699 = arith.constant 1360 : index
      %get3A_1700 = tpu.vector_load %arg16[%get3A_1699] {strides = array<i32>} : memref<1536xf32, #tpu.memory_space<vmem>>, vector<16xf32>,
      %get3A_1701 = vector.shape_cast %get3A_1700 : vector<16xf32> to vector<16xf32>
      %swap3A_1702 = arith.constant 85 : i32
      %swap3A_1703 = arith.index_cast %swap3A_1702 : i32 to index
      %swap3A_1704 = arith.constant 0 : index
      %swap3A_1705 = tpu.vector_load %arg20[%swap3A_1703, %swap3A_1704] {strides = array<i32>} : memref<96x128xf32, #tpu.memory_space<vmem>>, vector<1x16xf32>,
      %swap3A_1706 = vector.shape_cast %swap3A_1705 : vector<1x16xf32> to vector<16xf32>
      %swap3A_1707 = vector.shape_cast %get3A_1701 : vector<16xf32> to vector<1x16xf32>
      tpu.vector_store %arg20[%swap3A_1703, %swap3A_1704], %swap3A_1707 {strides = array<i32>} : memref<96x128xf32, #tpu.memory_space<vmem>>, vector<1x16xf32>,
      %get3A_1708 = arith.constant 1360 : index
      %get3A_1709 = tpu.vector_load %arg18[%get3A_1708] {strides = array<i32>} : memref<1536xf32, #tpu.memory_space<vmem>>, vector<16xf32>,
      %get3A_1710 = vector.shape_cast %get3A_1709 : vector<16xf32> to vector<16xf32>
      %swap3A_1711 = arith.constant 85 : i32
      %swap3A_1712 = arith.index_cast %swap3A_1711 : i32 to index
      %swap3A_1713 = arith.constant 16 : index
      %swap3A_1714 = tpu.vector_load %arg20[%swap3A_1712, %swap3A_1713] {strides = array<i32>} : memref<96x128xf32, #tpu.memory_space<vmem>>, vector<1x16xf32>,
      %swap3A_1715 = vector.shape_cast %swap3A_1714 : vector<1x16xf32> to vector<16xf32>
      %swap3A_1716 = vector.shape_cast %get3A_1710 : vector<16xf32> to vector<1x16xf32>
      tpu.vector_store %arg20[%swap3A_1712, %swap3A_1713], %swap3A_1716 {strides = array<i32>} : memref<96x128xf32, #tpu.memory_space<vmem>>, vector<1x16xf32>,
      %get3A_1717 = arith.constant 1376 : index
      %get3A_1718 = tpu.vector_load %arg16[%get3A_1717] {strides = array<i32>} : memref<1536xf32, #tpu.memory_space<vmem>>, vector<16xf32>,
      %get3A_1719 = vector.shape_cast %get3A_1718 : vector<16xf32> to vector<16xf32>
      %swap3A_1720 = arith.constant 86 : i32
      %swap3A_1721 = arith.index_cast %swap3A_1720 : i32 to index
      %swap3A_1722 = arith.constant 0 : index
      %swap3A_1723 = tpu.vector_load %arg20[%swap3A_1721, %swap3A_1722] {strides = array<i32>} : memref<96x128xf32, #tpu.memory_space<vmem>>, vector<1x16xf32>,
      %swap3A_1724 = vector.shape_cast %swap3A_1723 : vector<1x16xf32> to vector<16xf32>
      %swap3A_1725 = vector.shape_cast %get3A_1719 : vector<16xf32> to vector<1x16xf32>
      tpu.vector_store %arg20[%swap3A_1721, %swap3A_1722], %swap3A_1725 {strides = array<i32>} : memref<96x128xf32, #tpu.memory_space<vmem>>, vector<1x16xf32>,
      %get3A_1726 = arith.constant 1376 : index
      %get3A_1727 = tpu.vector_load %arg18[%get3A_1726] {strides = array<i32>} : memref<1536xf32, #tpu.memory_space<vmem>>, vector<16xf32>,
      %get3A_1728 = vector.shape_cast %get3A_1727 : vector<16xf32> to vector<16xf32>
      %swap3A_1729 = arith.constant 86 : i32
      %swap3A_1730 = arith.index_cast %swap3A_1729 : i32 to index
      %swap3A_1731 = arith.constant 16 : index
      %swap3A_1732 = tpu.vector_load %arg20[%swap3A_1730, %swap3A_1731] {strides = array<i32>} : memref<96x128xf32, #tpu.memory_space<vmem>>, vector<1x16xf32>,
      %swap3A_1733 = vector.shape_cast %swap3A_1732 : vector<1x16xf32> to vector<16xf32>
      %swap3A_1734 = vector.shape_cast %get3A_1728 : vector<16xf32> to vector<1x16xf32>
      tpu.vector_store %arg20[%swap3A_1730, %swap3A_1731], %swap3A_1734 {strides = array<i32>} : memref<96x128xf32, #tpu.memory_space<vmem>>, vector<1x16xf32>,
      %get3A_1735 = arith.constant 1392 : index
      %get3A_1736 = tpu.vector_load %arg16[%get3A_1735] {strides = array<i32>} : memref<1536xf32, #tpu.memory_space<vmem>>, vector<16xf32>,
      %get3A_1737 = vector.shape_cast %get3A_1736 : vector<16xf32> to vector<16xf32>
      %swap3A_1738 = arith.constant 87 : i32
      %swap3A_1739 = arith.index_cast %swap3A_1738 : i32 to index
      %swap3A_1740 = arith.constant 0 : index
      %swap3A_1741 = tpu.vector_load %arg20[%swap3A_1739, %swap3A_1740] {strides = array<i32>} : memref<96x128xf32, #tpu.memory_space<vmem>>, vector<1x16xf32>,
      %swap3A_1742 = vector.shape_cast %swap3A_1741 : vector<1x16xf32> to vector<16xf32>
      %swap3A_1743 = vector.shape_cast %get3A_1737 : vector<16xf32> to vector<1x16xf32>
      tpu.vector_store %arg20[%swap3A_1739, %swap3A_1740], %swap3A_1743 {strides = array<i32>} : memref<96x128xf32, #tpu.memory_space<vmem>>, vector<1x16xf32>,
      %get3A_1744 = arith.constant 1392 : index
      %get3A_1745 = tpu.vector_load %arg18[%get3A_1744] {strides = array<i32>} : memref<1536xf32, #tpu.memory_space<vmem>>, vector<16xf32>,
      %get3A_1746 = vector.shape_cast %get3A_1745 : vector<16xf32> to vector<16xf32>
      %swap3A_1747 = arith.constant 87 : i32
      %swap3A_1748 = arith.index_cast %swap3A_1747 : i32 to index
      %swap3A_1749 = arith.constant 16 : index
      %swap3A_1750 = tpu.vector_load %arg20[%swap3A_1748, %swap3A_1749] {strides = array<i32>} : memref<96x128xf32, #tpu.memory_space<vmem>>, vector<1x16xf32>,
      %swap3A_1751 = vector.shape_cast %swap3A_1750 : vector<1x16xf32> to vector<16xf32>
      %swap3A_1752 = vector.shape_cast %get3A_1746 : vector<16xf32> to vector<1x16xf32>
      tpu.vector_store %arg20[%swap3A_1748, %swap3A_1749], %swap3A_1752 {strides = array<i32>} : memref<96x128xf32, #tpu.memory_space<vmem>>, vector<1x16xf32>,
      %get3A_1753 = arith.constant 1408 : index
      %get3A_1754 = tpu.vector_load %arg16[%get3A_1753] {strides = array<i32>} : memref<1536xf32, #tpu.memory_space<vmem>>, vector<16xf32>,
      %get3A_1755 = vector.shape_cast %get3A_1754 : vector<16xf32> to vector<16xf32>
      %swap3A_1756 = arith.constant 88 : i32
      %swap3A_1757 = arith.index_cast %swap3A_1756 : i32 to index
      %swap3A_1758 = arith.constant 0 : index
      %swap3A_1759 = tpu.vector_load %arg20[%swap3A_1757, %swap3A_1758] {strides = array<i32>} : memref<96x128xf32, #tpu.memory_space<vmem>>, vector<1x16xf32>,
      %swap3A_1760 = vector.shape_cast %swap3A_1759 : vector<1x16xf32> to vector<16xf32>
      %swap3A_1761 = vector.shape_cast %get3A_1755 : vector<16xf32> to vector<1x16xf32>
      tpu.vector_store %arg20[%swap3A_1757, %swap3A_1758], %swap3A_1761 {strides = array<i32>} : memref<96x128xf32, #tpu.memory_space<vmem>>, vector<1x16xf32>,
      %get3A_1762 = arith.constant 1408 : index
      %get3A_1763 = tpu.vector_load %arg18[%get3A_1762] {strides = array<i32>} : memref<1536xf32, #tpu.memory_space<vmem>>, vector<16xf32>,
      %get3A_1764 = vector.shape_cast %get3A_1763 : vector<16xf32> to vector<16xf32>
      %swap3A_1765 = arith.constant 88 : i32
      %swap3A_1766 = arith.index_cast %swap3A_1765 : i32 to index
      %swap3A_1767 = arith.constant 16 : index
      %swap3A_1768 = tpu.vector_load %arg20[%swap3A_1766, %swap3A_1767] {strides = array<i32>} : memref<96x128xf32, #tpu.memory_space<vmem>>, vector<1x16xf32>,
      %swap3A_1769 = vector.shape_cast %swap3A_1768 : vector<1x16xf32> to vector<16xf32>
      %swap3A_1770 = vector.shape_cast %get3A_1764 : vector<16xf32> to vector<1x16xf32>
      tpu.vector_store %arg20[%swap3A_1766, %swap3A_1767], %swap3A_1770 {strides = array<i32>} : memref<96x128xf32, #tpu.memory_space<vmem>>, vector<1x16xf32>,
      %get3A_1771 = arith.constant 1424 : index
      %get3A_1772 = tpu.vector_load %arg16[%get3A_1771] {strides = array<i32>} : memref<1536xf32, #tpu.memory_space<vmem>>, vector<16xf32>,
      %get3A_1773 = vector.shape_cast %get3A_1772 : vector<16xf32> to vector<16xf32>
      %swap3A_1774 = arith.constant 89 : i32
      %swap3A_1775 = arith.index_cast %swap3A_1774 : i32 to index
      %swap3A_1776 = arith.constant 0 : index
      %swap3A_1777 = tpu.vector_load %arg20[%swap3A_1775, %swap3A_1776] {strides = array<i32>} : memref<96x128xf32, #tpu.memory_space<vmem>>, vector<1x16xf32>,
      %swap3A_1778 = vector.shape_cast %swap3A_1777 : vector<1x16xf32> to vector<16xf32>
      %swap3A_1779 = vector.shape_cast %get3A_1773 : vector<16xf32> to vector<1x16xf32>
      tpu.vector_store %arg20[%swap3A_1775, %swap3A_1776], %swap3A_1779 {strides = array<i32>} : memref<96x128xf32, #tpu.memory_space<vmem>>, vector<1x16xf32>,
      %get3A_1780 = arith.constant 1424 : index
      %get3A_1781 = tpu.vector_load %arg18[%get3A_1780] {strides = array<i32>} : memref<1536xf32, #tpu.memory_space<vmem>>, vector<16xf32>,
      %get3A_1782 = vector.shape_cast %get3A_1781 : vector<16xf32> to vector<16xf32>
      %swap3A_1783 = arith.constant 89 : i32
      %swap3A_1784 = arith.index_cast %swap3A_1783 : i32 to index
      %swap3A_1785 = arith.constant 16 : index
      %swap3A_1786 = tpu.vector_load %arg20[%swap3A_1784, %swap3A_1785] {strides = array<i32>} : memref<96x128xf32, #tpu.memory_space<vmem>>, vector<1x16xf32>,
      %swap3A_1787 = vector.shape_cast %swap3A_1786 : vector<1x16xf32> to vector<16xf32>
      %swap3A_1788 = vector.shape_cast %get3A_1782 : vector<16xf32> to vector<1x16xf32>
      tpu.vector_store %arg20[%swap3A_1784, %swap3A_1785], %swap3A_1788 {strides = array<i32>} : memref<96x128xf32, #tpu.memory_space<vmem>>, vector<1x16xf32>,
      %get3A_1789 = arith.constant 1440 : index
      %get3A_1790 = tpu.vector_load %arg16[%get3A_1789] {strides = array<i32>} : memref<1536xf32, #tpu.memory_space<vmem>>, vector<16xf32>,
      %get3A_1791 = vector.shape_cast %get3A_1790 : vector<16xf32> to vector<16xf32>
      %swap3A_1792 = arith.constant 90 : i32
      %swap3A_1793 = arith.index_cast %swap3A_1792 : i32 to index
      %swap3A_1794 = arith.constant 0 : index
      %swap3A_1795 = tpu.vector_load %arg20[%swap3A_1793, %swap3A_1794] {strides = array<i32>} : memref<96x128xf32, #tpu.memory_space<vmem>>, vector<1x16xf32>,
      %swap3A_1796 = vector.shape_cast %swap3A_1795 : vector<1x16xf32> to vector<16xf32>
      %swap3A_1797 = vector.shape_cast %get3A_1791 : vector<16xf32> to vector<1x16xf32>
      tpu.vector_store %arg20[%swap3A_1793, %swap3A_1794], %swap3A_1797 {strides = array<i32>} : memref<96x128xf32, #tpu.memory_space<vmem>>, vector<1x16xf32>,
      %get3A_1798 = arith.constant 1440 : index
      %get3A_1799 = tpu.vector_load %arg18[%get3A_1798] {strides = array<i32>} : memref<1536xf32, #tpu.memory_space<vmem>>, vector<16xf32>,
      %get3A_1800 = vector.shape_cast %get3A_1799 : vector<16xf32> to vector<16xf32>
      %swap3A_1801 = arith.constant 90 : i32
      %swap3A_1802 = arith.index_cast %swap3A_1801 : i32 to index
      %swap3A_1803 = arith.constant 16 : index
      %swap3A_1804 = tpu.vector_load %arg20[%swap3A_1802, %swap3A_1803] {strides = array<i32>} : memref<96x128xf32, #tpu.memory_space<vmem>>, vector<1x16xf32>,
      %swap3A_1805 = vector.shape_cast %swap3A_1804 : vector<1x16xf32> to vector<16xf32>
      %swap3A_1806 = vector.shape_cast %get3A_1800 : vector<16xf32> to vector<1x16xf32>
      tpu.vector_store %arg20[%swap3A_1802, %swap3A_1803], %swap3A_1806 {strides = array<i32>} : memref<96x128xf32, #tpu.memory_space<vmem>>, vector<1x16xf32>,
      %get3A_1807 = arith.constant 1456 : index
      %get3A_1808 = tpu.vector_load %arg16[%get3A_1807] {strides = array<i32>} : memref<1536xf32, #tpu.memory_space<vmem>>, vector<16xf32>,
      %get3A_1809 = vector.shape_cast %get3A_1808 : vector<16xf32> to vector<16xf32>
      %swap3A_1810 = arith.constant 91 : i32
      %swap3A_1811 = arith.index_cast %swap3A_1810 : i32 to index
      %swap3A_1812 = arith.constant 0 : index
      %swap3A_1813 = tpu.vector_load %arg20[%swap3A_1811, %swap3A_1812] {strides = array<i32>} : memref<96x128xf32, #tpu.memory_space<vmem>>, vector<1x16xf32>,
      %swap3A_1814 = vector.shape_cast %swap3A_1813 : vector<1x16xf32> to vector<16xf32>
      %swap3A_1815 = vector.shape_cast %get3A_1809 : vector<16xf32> to vector<1x16xf32>
      tpu.vector_store %arg20[%swap3A_1811, %swap3A_1812], %swap3A_1815 {strides = array<i32>} : memref<96x128xf32, #tpu.memory_space<vmem>>, vector<1x16xf32>,
      %get3A_1816 = arith.constant 1456 : index
      %get3A_1817 = tpu.vector_load %arg18[%get3A_1816] {strides = array<i32>} : memref<1536xf32, #tpu.memory_space<vmem>>, vector<16xf32>,
      %get3A_1818 = vector.shape_cast %get3A_1817 : vector<16xf32> to vector<16xf32>
      %swap3A_1819 = arith.constant 91 : i32
      %swap3A_1820 = arith.index_cast %swap3A_1819 : i32 to index
      %swap3A_1821 = arith.constant 16 : index
      %swap3A_1822 = tpu.vector_load %arg20[%swap3A_1820, %swap3A_1821] {strides = array<i32>} : memref<96x128xf32, #tpu.memory_space<vmem>>, vector<1x16xf32>,
      %swap3A_1823 = vector.shape_cast %swap3A_1822 : vector<1x16xf32> to vector<16xf32>
      %swap3A_1824 = vector.shape_cast %get3A_1818 : vector<16xf32> to vector<1x16xf32>
      tpu.vector_store %arg20[%swap3A_1820, %swap3A_1821], %swap3A_1824 {strides = array<i32>} : memref<96x128xf32, #tpu.memory_space<vmem>>, vector<1x16xf32>,
      %get3A_1825 = arith.constant 1472 : index
      %get3A_1826 = tpu.vector_load %arg16[%get3A_1825] {strides = array<i32>} : memref<1536xf32, #tpu.memory_space<vmem>>, vector<16xf32>,
      %get3A_1827 = vector.shape_cast %get3A_1826 : vector<16xf32> to vector<16xf32>
      %swap3A_1828 = arith.constant 92 : i32
      %swap3A_1829 = arith.index_cast %swap3A_1828 : i32 to index
      %swap3A_1830 = arith.constant 0 : index
      %swap3A_1831 = tpu.vector_load %arg20[%swap3A_1829, %swap3A_1830] {strides = array<i32>} : memref<96x128xf32, #tpu.memory_space<vmem>>, vector<1x16xf32>,
      %swap3A_1832 = vector.shape_cast %swap3A_1831 : vector<1x16xf32> to vector<16xf32>
      %swap3A_1833 = vector.shape_cast %get3A_1827 : vector<16xf32> to vector<1x16xf32>
      tpu.vector_store %arg20[%swap3A_1829, %swap3A_1830], %swap3A_1833 {strides = array<i32>} : memref<96x128xf32, #tpu.memory_space<vmem>>, vector<1x16xf32>,
      %get3A_1834 = arith.constant 1472 : index
      %get3A_1835 = tpu.vector_load %arg18[%get3A_1834] {strides = array<i32>} : memref<1536xf32, #tpu.memory_space<vmem>>, vector<16xf32>,
      %get3A_1836 = vector.shape_cast %get3A_1835 : vector<16xf32> to vector<16xf32>
      %swap3A_1837 = arith.constant 92 : i32
      %swap3A_1838 = arith.index_cast %swap3A_1837 : i32 to index
      %swap3A_1839 = arith.constant 16 : index
      %swap3A_1840 = tpu.vector_load %arg20[%swap3A_1838, %swap3A_1839] {strides = array<i32>} : memref<96x128xf32, #tpu.memory_space<vmem>>, vector<1x16xf32>,
      %swap3A_1841 = vector.shape_cast %swap3A_1840 : vector<1x16xf32> to vector<16xf32>
      %swap3A_1842 = vector.shape_cast %get3A_1836 : vector<16xf32> to vector<1x16xf32>
      tpu.vector_store %arg20[%swap3A_1838, %swap3A_1839], %swap3A_1842 {strides = array<i32>} : memref<96x128xf32, #tpu.memory_space<vmem>>, vector<1x16xf32>,
      %get3A_1843 = arith.constant 1488 : index
      %get3A_1844 = tpu.vector_load %arg16[%get3A_1843] {strides = array<i32>} : memref<1536xf32, #tpu.memory_space<vmem>>, vector<16xf32>,
      %get3A_1845 = vector.shape_cast %get3A_1844 : vector<16xf32> to vector<16xf32>
      %swap3A_1846 = arith.constant 93 : i32
      %swap3A_1847 = arith.index_cast %swap3A_1846 : i32 to index
      %swap3A_1848 = arith.constant 0 : index
      %swap3A_1849 = tpu.vector_load %arg20[%swap3A_1847, %swap3A_1848] {strides = array<i32>} : memref<96x128xf32, #tpu.memory_space<vmem>>, vector<1x16xf32>,
      %swap3A_1850 = vector.shape_cast %swap3A_1849 : vector<1x16xf32> to vector<16xf32>
      %swap3A_1851 = vector.shape_cast %get3A_1845 : vector<16xf32> to vector<1x16xf32>
      tpu.vector_store %arg20[%swap3A_1847, %swap3A_1848], %swap3A_1851 {strides = array<i32>} : memref<96x128xf32, #tpu.memory_space<vmem>>, vector<1x16xf32>,
      %get3A_1852 = arith.constant 1488 : index
      %get3A_1853 = tpu.vector_load %arg18[%get3A_1852] {strides = array<i32>} : memref<1536xf32, #tpu.memory_space<vmem>>, vector<16xf32>,
      %get3A_1854 = vector.shape_cast %get3A_1853 : vector<16xf32> to vector<16xf32>
      %swap3A_1855 = arith.constant 93 : i32
      %swap3A_1856 = arith.index_cast %swap3A_1855 : i32 to index
      %swap3A_1857 = arith.constant 16 : index
      %swap3A_1858 = tpu.vector_load %arg20[%swap3A_1856, %swap3A_1857] {strides = array<i32>} : memref<96x128xf32, #tpu.memory_space<vmem>>, vector<1x16xf32>,
      %swap3A_1859 = vector.shape_cast %swap3A_1858 : vector<1x16xf32> to vector<16xf32>
      %swap3A_1860 = vector.shape_cast %get3A_1854 : vector<16xf32> to vector<1x16xf32>
      tpu.vector_store %arg20[%swap3A_1856, %swap3A_1857], %swap3A_1860 {strides = array<i32>} : memref<96x128xf32, #tpu.memory_space<vmem>>, vector<1x16xf32>,
      %get3A_1861 = arith.constant 1504 : index
      %get3A_1862 = tpu.vector_load %arg16[%get3A_1861] {strides = array<i32>} : memref<1536xf32, #tpu.memory_space<vmem>>, vector<16xf32>,
      %get3A_1863 = vector.shape_cast %get3A_1862 : vector<16xf32> to vector<16xf32>
      %swap3A_1864 = arith.constant 94 : i32
      %swap3A_1865 = arith.index_cast %swap3A_1864 : i32 to index
      %swap3A_1866 = arith.constant 0 : index
      %swap3A_1867 = tpu.vector_load %arg20[%swap3A_1865, %swap3A_1866] {strides = array<i32>} : memref<96x128xf32, #tpu.memory_space<vmem>>, vector<1x16xf32>,
      %swap3A_1868 = vector.shape_cast %swap3A_1867 : vector<1x16xf32> to vector<16xf32>
      %swap3A_1869 = vector.shape_cast %get3A_1863 : vector<16xf32> to vector<1x16xf32>
      tpu.vector_store %arg20[%swap3A_1865, %swap3A_1866], %swap3A_1869 {strides = array<i32>} : memref<96x128xf32, #tpu.memory_space<vmem>>, vector<1x16xf32>,
      %get3A_1870 = arith.constant 1504 : index
      %get3A_1871 = tpu.vector_load %arg18[%get3A_1870] {strides = array<i32>} : memref<1536xf32, #tpu.memory_space<vmem>>, vector<16xf32>,
      %get3A_1872 = vector.shape_cast %get3A_1871 : vector<16xf32> to vector<16xf32>
      %swap3A_1873 = arith.constant 94 : i32
      %swap3A_1874 = arith.index_cast %swap3A_1873 : i32 to index
      %swap3A_1875 = arith.constant 16 : index
      %swap3A_1876 = tpu.vector_load %arg20[%swap3A_1874, %swap3A_1875] {strides = array<i32>} : memref<96x128xf32, #tpu.memory_space<vmem>>, vector<1x16xf32>,
      %swap3A_1877 = vector.shape_cast %swap3A_1876 : vector<1x16xf32> to vector<16xf32>
      %swap3A_1878 = vector.shape_cast %get3A_1872 : vector<16xf32> to vector<1x16xf32>
      tpu.vector_store %arg20[%swap3A_1874, %swap3A_1875], %swap3A_1878 {strides = array<i32>} : memref<96x128xf32, #tpu.memory_space<vmem>>, vector<1x16xf32>,
      %get3A_1879 = arith.constant 1520 : index
      %get3A_1880 = tpu.vector_load %arg16[%get3A_1879] {strides = array<i32>} : memref<1536xf32, #tpu.memory_space<vmem>>, vector<16xf32>,
      %get3A_1881 = vector.shape_cast %get3A_1880 : vector<16xf32> to vector<16xf32>
      %swap3A_1882 = arith.constant 95 : i32
      %swap3A_1883 = arith.index_cast %swap3A_1882 : i32 to index
      %swap3A_1884 = arith.constant 0 : index
      %swap3A_1885 = tpu.vector_load %arg20[%swap3A_1883, %swap3A_1884] {strides = array<i32>} : memref<96x128xf32, #tpu.memory_space<vmem>>, vector<1x16xf32>,
      %swap3A_1886 = vector.shape_cast %swap3A_1885 : vector<1x16xf32> to vector<16xf32>
      %swap3A_1887 = vector.shape_cast %get3A_1881 : vector<16xf32> to vector<1x16xf32>
      tpu.vector_store %arg20[%swap3A_1883, %swap3A_1884], %swap3A_1887 {strides = array<i32>} : memref<96x128xf32, #tpu.memory_space<vmem>>, vector<1x16xf32>,
      %get3A_1888 = arith.constant 1520 : index
      %get3A_1889 = tpu.vector_load %arg18[%get3A_1888] {strides = array<i32>} : memref<1536xf32, #tpu.memory_space<vmem>>, vector<16xf32>,
      %get3A_1890 = vector.shape_cast %get3A_1889 : vector<16xf32> to vector<16xf32>
      %swap3A_1891 = arith.constant 95 : i32
      %swap3A_1892 = arith.index_cast %swap3A_1891 : i32 to index
      %swap3A_1893 = arith.constant 16 : index
      %swap3A_1894 = tpu.vector_load %arg20[%swap3A_1892, %swap3A_1893] {strides = array<i32>} : memref<96x128xf32, #tpu.memory_space<vmem>>, vector<1x16xf32>,
      %swap3A_1895 = vector.shape_cast %swap3A_1894 : vector<1x16xf32> to vector<16xf32>
      %swap3A_1896 = vector.shape_cast %get3A_1890 : vector<16xf32> to vector<1x16xf32>
      tpu.vector_store %arg20[%swap3A_1892, %swap3A_1893], %swap3A_1896 {strides = array<i32>} : memref<96x128xf32, #tpu.memory_space<vmem>>, vector<1x16xf32>,
      %dma_start3A_1897 = arith.constant 0 : i32
      %dma_start3A_1898 = arith.constant 0 : i32
      %dma_start3A_1899 = tpu.memref_slice %arg22[%dma_start3A_1897, %dma_start3A_1898] : memref<5248x128xf32, #tpu.memory_space<vmem_shared>> -> memref<5248x128xf32, #tpu.memory_space<vmem_shared>>
      tpu.enqueue_indirect_dma source(%arg20 : memref<96x128xf32, #tpu.memory_space<vmem>>) target(%dma_start3A_1899 : memref<5248x128xf32, #tpu.memory_space<vmem_shared>>) offsets(%arg12 : memref<96xi32, #tpu.memory_space<vmem>>) semaphore(%arg25 : memref<!tpu.dma_semaphore, #tpu.memory_space<semaphore_mem>>) {add = true}
      %dma_wait3A_1900 = arith.constant 0 : i32
      %dma_wait3A_1901 = arith.constant 0 : i32
      %dma_wait3A_1902 = tpu.memref_slice %arg2[%dma_wait3A_1900, %dma_wait3A_1901] : memref<10000x128xf32, #tpu.memory_space<hbm>> -> memref<10000x128xf32, #tpu.memory_space<hbm>>
      tpu.wait_indirect_dma semaphore(%arg23 : memref<!tpu.dma_semaphore, #tpu.memory_space<semaphore_mem>>) src(%dma_wait3A_1902 : memref<10000x128xf32, #tpu.memory_space<hbm>>) dst(%arg14 : memref<96x128xf32, #tpu.memory_space<vmem>>)
      "tpu.region"() ({
        %run_scoped3A = tpu.sem_alloc : memref<!tpu.dma_semaphore, #tpu.memory_space<semaphore_mem>>
        %dma_start3A_3706 = arith.constant 0 : i32
        %dma_start3A_3707 = arith.constant 0 : i32
        %dma_start3A_3708 = tpu.memref_slice %arg21[%dma_start3A_3706, %dma_start3A_3707] : memref<5248x128xf32, #tpu.memory_space<vmem_shared>> -> memref<5248x128xf32, #tpu.memory_space<vmem_shared>>
        tpu.enqueue_indirect_dma source(%arg14 : memref<96x128xf32, #tpu.memory_space<vmem>>) target(%dma_start3A_3708 : memref<5248x128xf32, #tpu.memory_space<vmem_shared>>) offsets(%arg12 : memref<96xi32, #tpu.memory_space<vmem>>) semaphore(%run_scoped3A : memref<!tpu.dma_semaphore, #tpu.memory_space<semaphore_mem>>) {add = true}
        %dma_wait3A_3709 = arith.constant 0 : i32
        %dma_wait3A_3710 = arith.constant 0 : i32
        %dma_wait3A_3711 = tpu.memref_slice %arg21[%dma_wait3A_3709, %dma_wait3A_3710] : memref<5248x128xf32, #tpu.memory_space<vmem_shared>> -> memref<5248x128xf32, #tpu.memory_space<vmem_shared>>
        tpu.wait_indirect_dma semaphore(%run_scoped3A : memref<!tpu.dma_semaphore, #tpu.memory_space<semaphore_mem>>) src(%arg14 : memref<96x128xf32, #tpu.memory_space<vmem>>) dst(%dma_wait3A_3711 : memref<5248x128xf32, #tpu.memory_space<vmem_shared>>)
        tpu.yield
      }) : () -> ()
      %dma_wait3A_1903 = arith.constant 0 : i32
      %dma_wait3A_1904 = arith.constant 0 : i32
      %dma_wait3A_1905 = tpu.memref_slice %arg22[%dma_wait3A_1903, %dma_wait3A_1904] : memref<5248x128xf32, #tpu.memory_space<vmem_shared>> -> memref<5248x128xf32, #tpu.memory_space<vmem_shared>>
      tpu.wait_indirect_dma semaphore(%arg25 : memref<!tpu.dma_semaphore, #tpu.memory_space<semaphore_mem>>) src(%arg20 : memref<96x128xf32, #tpu.memory_space<vmem>>) dst(%dma_wait3A_1905 : memref<5248x128xf32, #tpu.memory_space<vmem_shared>>)
      %add3A_1906 = arith.constant 2 : i32
      %add3A_1907 = arith.addi %add3A_151, %add3A_1906 : i32
      %mul3A_1908 = arith.constant 96 : i32
      %mul3A_1909 = arith.muli %add3A_1907, %mul3A_1908 : i32
      %add3A_1910 = arith.addi %mul3A_33, %mul3A_1909 : i32
      %dma_start3A_1911 = tpu.memref_slice %arg3[%add3A_1910] : memref<322752xi32, #tpu.memory_space<hbm>> -> memref<96xi32, #tpu.memory_space<hbm>>
      %dma_start3A_1912 = tpu.memref_slice %arg3[%add3A_1910] : memref<322752xi32, #tpu.memory_space<hbm>> -> memref<96xi32, #tpu.memory_space<hbm>>
      tpu.enqueue_dma source(%dma_start3A_1912 : memref<96xi32, #tpu.memory_space<hbm>>) target(%arg10 : memref<96xi32, #tpu.memory_space<vmem>>) target_semaphore(%arg26 : memref<!tpu.dma_semaphore, #tpu.memory_space<semaphore_mem>>)
      %mul3A_1913 = arith.constant 322560 : i32
      %mul3A_1914 = arith.muli %arg0, %mul3A_1913 : i32
      %add3A_1915 = arith.addi %mul3A_1914, %add3A_1910 : i32
      %dma_start3A_1916 = tpu.memref_slice %arg4[%add3A_1915] : memref<645312xi32, #tpu.memory_space<hbm>> -> memref<96xi32, #tpu.memory_space<hbm>>
      %dma_start3A_1917 = tpu.memref_slice %arg4[%add3A_1915] : memref<645312xi32, #tpu.memory_space<hbm>> -> memref<96xi32, #tpu.memory_space<hbm>>
      tpu.enqueue_dma source(%dma_start3A_1917 : memref<96xi32, #tpu.memory_space<hbm>>) target(%arg12 : memref<96xi32, #tpu.memory_space<vmem>>) target_semaphore(%arg26 : memref<!tpu.dma_semaphore, #tpu.memory_space<semaphore_mem>>)
      %mul3A_1918 = arith.constant 16 : i32
      %mul3A_1919 = arith.muli %add3A_1910, %mul3A_1918 : i32
      %dma_start3A_1920 = tpu.memref_slice %arg5[%mul3A_1919] : memref<5164032xf32, #tpu.memory_space<hbm>> -> memref<1536xf32, #tpu.memory_space<hbm>>
      %dma_start3A_1921 = tpu.memref_slice %arg5[%mul3A_1919] : memref<5164032xf32, #tpu.memory_space<hbm>> -> memref<1536xf32, #tpu.memory_space<hbm>>
      tpu.enqueue_dma source(%dma_start3A_1921 : memref<1536xf32, #tpu.memory_space<hbm>>) target(%arg16 : memref<1536xf32, #tpu.memory_space<vmem>>) target_semaphore(%arg26 : memref<!tpu.dma_semaphore, #tpu.memory_space<semaphore_mem>>)
      %mul3A_1922 = arith.constant 16 : i32
      %mul3A_1923 = arith.muli %add3A_1910, %mul3A_1922 : i32
      %dma_start3A_1924 = tpu.memref_slice %arg6[%mul3A_1923] : memref<5164032xf32, #tpu.memory_space<hbm>> -> memref<1536xf32, #tpu.memory_space<hbm>>
      %dma_start3A_1925 = tpu.memref_slice %arg6[%mul3A_1923] : memref<5164032xf32, #tpu.memory_space<hbm>> -> memref<1536xf32, #tpu.memory_space<hbm>>
      tpu.enqueue_dma source(%dma_start3A_1925 : memref<1536xf32, #tpu.memory_space<hbm>>) target(%arg18 : memref<1536xf32, #tpu.memory_space<vmem>>) target_semaphore(%arg26 : memref<!tpu.dma_semaphore, #tpu.memory_space<semaphore_mem>>)
      %mul3A_1926 = arith.constant 2 : i32
      %mul3A_1927 = arith.muli %mul3A_1926, %scan3A_147 : i32
      %add3A_1928 = arith.constant 1 : i32
      %add3A_1929 = arith.addi %mul3A_1927, %add3A_1928 : i32
      %dma_wait3A_1930 = arith.constant 0 : i32
      %dma_wait3A_1931 = tpu.memref_slice %arg3[%dma_wait3A_1930] : memref<322752xi32, #tpu.memory_space<hbm>> -> memref<96xi32, #tpu.memory_space<hbm>>
      %dma_wait3A_1932 = arith.constant 0 : i32
      %dma_wait3A_1933 = tpu.memref_slice %arg3[%dma_wait3A_1932] : memref<322752xi32, #tpu.memory_space<hbm>> -> memref<96xi32, #tpu.memory_space<hbm>>
      tpu.wait_dma2 semaphore(%arg26 : memref<!tpu.dma_semaphore, #tpu.memory_space<semaphore_mem>>) src(%dma_wait3A_1933 : memref<96xi32, #tpu.memory_space<hbm>>) dst(%arg10 : memref<96xi32, #tpu.memory_space<vmem>>)
      %dma_wait3A_1934 = arith.constant 0 : i32
      %dma_wait3A_1935 = tpu.memref_slice %arg3[%dma_wait3A_1934] : memref<322752xi32, #tpu.memory_space<hbm>> -> memref<96xi32, #tpu.memory_space<hbm>>
      %dma_wait3A_1936 = arith.constant 0 : i32
      %dma_wait3A_1937 = tpu.memref_slice %arg3[%dma_wait3A_1936] : memref<322752xi32, #tpu.memory_space<hbm>> -> memref<96xi32, #tpu.memory_space<hbm>>
      tpu.wait_dma2 semaphore(%arg26 : memref<!tpu.dma_semaphore, #tpu.memory_space<semaphore_mem>>) src(%dma_wait3A_1937 : memref<96xi32, #tpu.memory_space<hbm>>) dst(%arg12 : memref<96xi32, #tpu.memory_space<vmem>>)
      %dma_wait3A_1938 = arith.constant 0 : i32
      %dma_wait3A_1939 = tpu.memref_slice %arg5[%dma_wait3A_1938] : memref<5164032xf32, #tpu.memory_space<hbm>> -> memref<1536xf32, #tpu.memory_space<hbm>>
      %dma_wait3A_1940 = arith.constant 0 : i32
      %dma_wait3A_1941 = tpu.memref_slice %arg5[%dma_wait3A_1940] : memref<5164032xf32, #tpu.memory_space<hbm>> -> memref<1536xf32, #tpu.memory_space<hbm>>
      tpu.wait_dma2 semaphore(%arg26 : memref<!tpu.dma_semaphore, #tpu.memory_space<semaphore_mem>>) src(%dma_wait3A_1941 : memref<1536xf32, #tpu.memory_space<hbm>>) dst(%arg16 : memref<1536xf32, #tpu.memory_space<vmem>>)
      %dma_wait3A_1942 = arith.constant 0 : i32
      %dma_wait3A_1943 = tpu.memref_slice %arg5[%dma_wait3A_1942] : memref<5164032xf32, #tpu.memory_space<hbm>> -> memref<1536xf32, #tpu.memory_space<hbm>>
      %dma_wait3A_1944 = arith.constant 0 : i32
      %dma_wait3A_1945 = tpu.memref_slice %arg5[%dma_wait3A_1944] : memref<5164032xf32, #tpu.memory_space<hbm>> -> memref<1536xf32, #tpu.memory_space<hbm>>
      tpu.wait_dma2 semaphore(%arg26 : memref<!tpu.dma_semaphore, #tpu.memory_space<semaphore_mem>>) src(%dma_wait3A_1945 : memref<1536xf32, #tpu.memory_space<hbm>>) dst(%arg18 : memref<1536xf32, #tpu.memory_space<vmem>>)
      %dma_start3A_1946 = arith.constant 0 : i32
      %dma_start3A_1947 = arith.constant 0 : i32
      %dma_start3A_1948 = tpu.memref_slice %arg2[%dma_start3A_1946, %dma_start3A_1947] : memref<10000x128xf32, #tpu.memory_space<hbm>> -> memref<10000x128xf32, #tpu.memory_space<hbm>>
      tpu.enqueue_indirect_dma source(%dma_start3A_1948 : memref<10000x128xf32, #tpu.memory_space<hbm>>) target(%arg14 : memref<96x128xf32, #tpu.memory_space<vmem>>) offsets(%arg10 : memref<96xi32, #tpu.memory_space<vmem>>) semaphore(%arg23 : memref<!tpu.dma_semaphore, #tpu.memory_space<semaphore_mem>>)
      %get3A_1949 = arith.constant 0 : index
      %get3A_1950 = tpu.vector_load %arg17[%get3A_1949] {strides = array<i32>} : memref<1536xf32, #tpu.memory_space<vmem>>, vector<16xf32>,
      %get3A_1951 = vector.shape_cast %get3A_1950 : vector<16xf32> to vector<16xf32>
      %swap3A_1952 = arith.constant 0 : i32
      %swap3A_1953 = arith.index_cast %swap3A_1952 : i32 to index
      %swap3A_1954 = arith.constant 0 : index
      %swap3A_1955 = tpu.vector_load %arg20[%swap3A_1953, %swap3A_1954] {strides = array<i32>} : memref<96x128xf32, #tpu.memory_space<vmem>>, vector<1x16xf32>,
      %swap3A_1956 = vector.shape_cast %swap3A_1955 : vector<1x16xf32> to vector<16xf32>
      %swap3A_1957 = vector.shape_cast %get3A_1951 : vector<16xf32> to vector<1x16xf32>
      tpu.vector_store %arg20[%swap3A_1953, %swap3A_1954], %swap3A_1957 {strides = array<i32>} : memref<96x128xf32, #tpu.memory_space<vmem>>, vector<1x16xf32>,
      %get3A_1958 = arith.constant 0 : index
      %get3A_1959 = tpu.vector_load %arg19[%get3A_1958] {strides = array<i32>} : memref<1536xf32, #tpu.memory_space<vmem>>, vector<16xf32>,
      %get3A_1960 = vector.shape_cast %get3A_1959 : vector<16xf32> to vector<16xf32>
      %swap3A_1961 = arith.constant 0 : i32
      %swap3A_1962 = arith.index_cast %swap3A_1961 : i32 to index
      %swap3A_1963 = arith.constant 16 : index
      %swap3A_1964 = tpu.vector_load %arg20[%swap3A_1962, %swap3A_1963] {strides = array<i32>} : memref<96x128xf32, #tpu.memory_space<vmem>>, vector<1x16xf32>,
      %swap3A_1965 = vector.shape_cast %swap3A_1964 : vector<1x16xf32> to vector<16xf32>
      %swap3A_1966 = vector.shape_cast %get3A_1960 : vector<16xf32> to vector<1x16xf32>
      tpu.vector_store %arg20[%swap3A_1962, %swap3A_1963], %swap3A_1966 {strides = array<i32>} : memref<96x128xf32, #tpu.memory_space<vmem>>, vector<1x16xf32>,
      %get3A_1967 = arith.constant 16 : index
      %get3A_1968 = tpu.vector_load %arg17[%get3A_1967] {strides = array<i32>} : memref<1536xf32, #tpu.memory_space<vmem>>, vector<16xf32>,
      %get3A_1969 = vector.shape_cast %get3A_1968 : vector<16xf32> to vector<16xf32>
      %swap3A_1970 = arith.constant 1 : i32
      %swap3A_1971 = arith.index_cast %swap3A_1970 : i32 to index
      %swap3A_1972 = arith.constant 0 : index
      %swap3A_1973 = tpu.vector_load %arg20[%swap3A_1971, %swap3A_1972] {strides = array<i32>} : memref<96x128xf32, #tpu.memory_space<vmem>>, vector<1x16xf32>,
      %swap3A_1974 = vector.shape_cast %swap3A_1973 : vector<1x16xf32> to vector<16xf32>
      %swap3A_1975 = vector.shape_cast %get3A_1969 : vector<16xf32> to vector<1x16xf32>
      tpu.vector_store %arg20[%swap3A_1971, %swap3A_1972], %swap3A_1975 {strides = array<i32>} : memref<96x128xf32, #tpu.memory_space<vmem>>, vector<1x16xf32>,
      %get3A_1976 = arith.constant 16 : index
      %get3A_1977 = tpu.vector_load %arg19[%get3A_1976] {strides = array<i32>} : memref<1536xf32, #tpu.memory_space<vmem>>, vector<16xf32>,
      %get3A_1978 = vector.shape_cast %get3A_1977 : vector<16xf32> to vector<16xf32>
      %swap3A_1979 = arith.constant 1 : i32
      %swap3A_1980 = arith.index_cast %swap3A_1979 : i32 to index
      %swap3A_1981 = arith.constant 16 : index
      %swap3A_1982 = tpu.vector_load %arg20[%swap3A_1980, %swap3A_1981] {strides = array<i32>} : memref<96x128xf32, #tpu.memory_space<vmem>>, vector<1x16xf32>,
      %swap3A_1983 = vector.shape_cast %swap3A_1982 : vector<1x16xf32> to vector<16xf32>
      %swap3A_1984 = vector.shape_cast %get3A_1978 : vector<16xf32> to vector<1x16xf32>
      tpu.vector_store %arg20[%swap3A_1980, %swap3A_1981], %swap3A_1984 {strides = array<i32>} : memref<96x128xf32, #tpu.memory_space<vmem>>, vector<1x16xf32>,
      %get3A_1985 = arith.constant 32 : index
      %get3A_1986 = tpu.vector_load %arg17[%get3A_1985] {strides = array<i32>} : memref<1536xf32, #tpu.memory_space<vmem>>, vector<16xf32>,
      %get3A_1987 = vector.shape_cast %get3A_1986 : vector<16xf32> to vector<16xf32>
      %swap3A_1988 = arith.constant 2 : i32
      %swap3A_1989 = arith.index_cast %swap3A_1988 : i32 to index
      %swap3A_1990 = arith.constant 0 : index
      %swap3A_1991 = tpu.vector_load %arg20[%swap3A_1989, %swap3A_1990] {strides = array<i32>} : memref<96x128xf32, #tpu.memory_space<vmem>>, vector<1x16xf32>,
      %swap3A_1992 = vector.shape_cast %swap3A_1991 : vector<1x16xf32> to vector<16xf32>
      %swap3A_1993 = vector.shape_cast %get3A_1987 : vector<16xf32> to vector<1x16xf32>
      tpu.vector_store %arg20[%swap3A_1989, %swap3A_1990], %swap3A_1993 {strides = array<i32>} : memref<96x128xf32, #tpu.memory_space<vmem>>, vector<1x16xf32>,
      %get3A_1994 = arith.constant 32 : index
      %get3A_1995 = tpu.vector_load %arg19[%get3A_1994] {strides = array<i32>} : memref<1536xf32, #tpu.memory_space<vmem>>, vector<16xf32>,
      %get3A_1996 = vector.shape_cast %get3A_1995 : vector<16xf32> to vector<16xf32>
      %swap3A_1997 = arith.constant 2 : i32
      %swap3A_1998 = arith.index_cast %swap3A_1997 : i32 to index
      %swap3A_1999 = arith.constant 16 : index
      %swap3A_2000 = tpu.vector_load %arg20[%swap3A_1998, %swap3A_1999] {strides = array<i32>} : memref<96x128xf32, #tpu.memory_space<vmem>>, vector<1x16xf32>,
      %swap3A_2001 = vector.shape_cast %swap3A_2000 : vector<1x16xf32> to vector<16xf32>
      %swap3A_2002 = vector.shape_cast %get3A_1996 : vector<16xf32> to vector<1x16xf32>
      tpu.vector_store %arg20[%swap3A_1998, %swap3A_1999], %swap3A_2002 {strides = array<i32>} : memref<96x128xf32, #tpu.memory_space<vmem>>, vector<1x16xf32>,
      %get3A_2003 = arith.constant 48 : index
      %get3A_2004 = tpu.vector_load %arg17[%get3A_2003] {strides = array<i32>} : memref<1536xf32, #tpu.memory_space<vmem>>, vector<16xf32>,
      %get3A_2005 = vector.shape_cast %get3A_2004 : vector<16xf32> to vector<16xf32>
      %swap3A_2006 = arith.constant 3 : i32
      %swap3A_2007 = arith.index_cast %swap3A_2006 : i32 to index
      %swap3A_2008 = arith.constant 0 : index
      %swap3A_2009 = tpu.vector_load %arg20[%swap3A_2007, %swap3A_2008] {strides = array<i32>} : memref<96x128xf32, #tpu.memory_space<vmem>>, vector<1x16xf32>,
      %swap3A_2010 = vector.shape_cast %swap3A_2009 : vector<1x16xf32> to vector<16xf32>
      %swap3A_2011 = vector.shape_cast %get3A_2005 : vector<16xf32> to vector<1x16xf32>
      tpu.vector_store %arg20[%swap3A_2007, %swap3A_2008], %swap3A_2011 {strides = array<i32>} : memref<96x128xf32, #tpu.memory_space<vmem>>, vector<1x16xf32>,
      %get3A_2012 = arith.constant 48 : index
      %get3A_2013 = tpu.vector_load %arg19[%get3A_2012] {strides = array<i32>} : memref<1536xf32, #tpu.memory_space<vmem>>, vector<16xf32>,
      %get3A_2014 = vector.shape_cast %get3A_2013 : vector<16xf32> to vector<16xf32>
      %swap3A_2015 = arith.constant 3 : i32
      %swap3A_2016 = arith.index_cast %swap3A_2015 : i32 to index
      %swap3A_2017 = arith.constant 16 : index
      %swap3A_2018 = tpu.vector_load %arg20[%swap3A_2016, %swap3A_2017] {strides = array<i32>} : memref<96x128xf32, #tpu.memory_space<vmem>>, vector<1x16xf32>,
      %swap3A_2019 = vector.shape_cast %swap3A_2018 : vector<1x16xf32> to vector<16xf32>
      %swap3A_2020 = vector.shape_cast %get3A_2014 : vector<16xf32> to vector<1x16xf32>
      tpu.vector_store %arg20[%swap3A_2016, %swap3A_2017], %swap3A_2020 {strides = array<i32>} : memref<96x128xf32, #tpu.memory_space<vmem>>, vector<1x16xf32>,
      %get3A_2021 = arith.constant 64 : index
      %get3A_2022 = tpu.vector_load %arg17[%get3A_2021] {strides = array<i32>} : memref<1536xf32, #tpu.memory_space<vmem>>, vector<16xf32>,
      %get3A_2023 = vector.shape_cast %get3A_2022 : vector<16xf32> to vector<16xf32>
      %swap3A_2024 = arith.constant 4 : i32
      %swap3A_2025 = arith.index_cast %swap3A_2024 : i32 to index
      %swap3A_2026 = arith.constant 0 : index
      %swap3A_2027 = tpu.vector_load %arg20[%swap3A_2025, %swap3A_2026] {strides = array<i32>} : memref<96x128xf32, #tpu.memory_space<vmem>>, vector<1x16xf32>,
      %swap3A_2028 = vector.shape_cast %swap3A_2027 : vector<1x16xf32> to vector<16xf32>
      %swap3A_2029 = vector.shape_cast %get3A_2023 : vector<16xf32> to vector<1x16xf32>
      tpu.vector_store %arg20[%swap3A_2025, %swap3A_2026], %swap3A_2029 {strides = array<i32>} : memref<96x128xf32, #tpu.memory_space<vmem>>, vector<1x16xf32>,
      %get3A_2030 = arith.constant 64 : index
      %get3A_2031 = tpu.vector_load %arg19[%get3A_2030] {strides = array<i32>} : memref<1536xf32, #tpu.memory_space<vmem>>, vector<16xf32>,
      %get3A_2032 = vector.shape_cast %get3A_2031 : vector<16xf32> to vector<16xf32>
      %swap3A_2033 = arith.constant 4 : i32
      %swap3A_2034 = arith.index_cast %swap3A_2033 : i32 to index
      %swap3A_2035 = arith.constant 16 : index
      %swap3A_2036 = tpu.vector_load %arg20[%swap3A_2034, %swap3A_2035] {strides = array<i32>} : memref<96x128xf32, #tpu.memory_space<vmem>>, vector<1x16xf32>,
      %swap3A_2037 = vector.shape_cast %swap3A_2036 : vector<1x16xf32> to vector<16xf32>
      %swap3A_2038 = vector.shape_cast %get3A_2032 : vector<16xf32> to vector<1x16xf32>
      tpu.vector_store %arg20[%swap3A_2034, %swap3A_2035], %swap3A_2038 {strides = array<i32>} : memref<96x128xf32, #tpu.memory_space<vmem>>, vector<1x16xf32>,
      %get3A_2039 = arith.constant 80 : index
      %get3A_2040 = tpu.vector_load %arg17[%get3A_2039] {strides = array<i32>} : memref<1536xf32, #tpu.memory_space<vmem>>, vector<16xf32>,
      %get3A_2041 = vector.shape_cast %get3A_2040 : vector<16xf32> to vector<16xf32>
      %swap3A_2042 = arith.constant 5 : i32
      %swap3A_2043 = arith.index_cast %swap3A_2042 : i32 to index
      %swap3A_2044 = arith.constant 0 : index
      %swap3A_2045 = tpu.vector_load %arg20[%swap3A_2043, %swap3A_2044] {strides = array<i32>} : memref<96x128xf32, #tpu.memory_space<vmem>>, vector<1x16xf32>,
      %swap3A_2046 = vector.shape_cast %swap3A_2045 : vector<1x16xf32> to vector<16xf32>
      %swap3A_2047 = vector.shape_cast %get3A_2041 : vector<16xf32> to vector<1x16xf32>
      tpu.vector_store %arg20[%swap3A_2043, %swap3A_2044], %swap3A_2047 {strides = array<i32>} : memref<96x128xf32, #tpu.memory_space<vmem>>, vector<1x16xf32>,
      %get3A_2048 = arith.constant 80 : index
      %get3A_2049 = tpu.vector_load %arg19[%get3A_2048] {strides = array<i32>} : memref<1536xf32, #tpu.memory_space<vmem>>, vector<16xf32>,
      %get3A_2050 = vector.shape_cast %get3A_2049 : vector<16xf32> to vector<16xf32>
      %swap3A_2051 = arith.constant 5 : i32
      %swap3A_2052 = arith.index_cast %swap3A_2051 : i32 to index
      %swap3A_2053 = arith.constant 16 : index
      %swap3A_2054 = tpu.vector_load %arg20[%swap3A_2052, %swap3A_2053] {strides = array<i32>} : memref<96x128xf32, #tpu.memory_space<vmem>>, vector<1x16xf32>,
      %swap3A_2055 = vector.shape_cast %swap3A_2054 : vector<1x16xf32> to vector<16xf32>
      %swap3A_2056 = vector.shape_cast %get3A_2050 : vector<16xf32> to vector<1x16xf32>
      tpu.vector_store %arg20[%swap3A_2052, %swap3A_2053], %swap3A_2056 {strides = array<i32>} : memref<96x128xf32, #tpu.memory_space<vmem>>, vector<1x16xf32>,
      %get3A_2057 = arith.constant 96 : index
      %get3A_2058 = tpu.vector_load %arg17[%get3A_2057] {strides = array<i32>} : memref<1536xf32, #tpu.memory_space<vmem>>, vector<16xf32>,
      %get3A_2059 = vector.shape_cast %get3A_2058 : vector<16xf32> to vector<16xf32>
      %swap3A_2060 = arith.constant 6 : i32
      %swap3A_2061 = arith.index_cast %swap3A_2060 : i32 to index
      %swap3A_2062 = arith.constant 0 : index
      %swap3A_2063 = tpu.vector_load %arg20[%swap3A_2061, %swap3A_2062] {strides = array<i32>} : memref<96x128xf32, #tpu.memory_space<vmem>>, vector<1x16xf32>,
      %swap3A_2064 = vector.shape_cast %swap3A_2063 : vector<1x16xf32> to vector<16xf32>
      %swap3A_2065 = vector.shape_cast %get3A_2059 : vector<16xf32> to vector<1x16xf32>
      tpu.vector_store %arg20[%swap3A_2061, %swap3A_2062], %swap3A_2065 {strides = array<i32>} : memref<96x128xf32, #tpu.memory_space<vmem>>, vector<1x16xf32>,
      %get3A_2066 = arith.constant 96 : index
      %get3A_2067 = tpu.vector_load %arg19[%get3A_2066] {strides = array<i32>} : memref<1536xf32, #tpu.memory_space<vmem>>, vector<16xf32>,
      %get3A_2068 = vector.shape_cast %get3A_2067 : vector<16xf32> to vector<16xf32>
      %swap3A_2069 = arith.constant 6 : i32
      %swap3A_2070 = arith.index_cast %swap3A_2069 : i32 to index
      %swap3A_2071 = arith.constant 16 : index
      %swap3A_2072 = tpu.vector_load %arg20[%swap3A_2070, %swap3A_2071] {strides = array<i32>} : memref<96x128xf32, #tpu.memory_space<vmem>>, vector<1x16xf32>,
      %swap3A_2073 = vector.shape_cast %swap3A_2072 : vector<1x16xf32> to vector<16xf32>
      %swap3A_2074 = vector.shape_cast %get3A_2068 : vector<16xf32> to vector<1x16xf32>
      tpu.vector_store %arg20[%swap3A_2070, %swap3A_2071], %swap3A_2074 {strides = array<i32>} : memref<96x128xf32, #tpu.memory_space<vmem>>, vector<1x16xf32>,
      %get3A_2075 = arith.constant 112 : index
      %get3A_2076 = tpu.vector_load %arg17[%get3A_2075] {strides = array<i32>} : memref<1536xf32, #tpu.memory_space<vmem>>, vector<16xf32>,
      %get3A_2077 = vector.shape_cast %get3A_2076 : vector<16xf32> to vector<16xf32>
      %swap3A_2078 = arith.constant 7 : i32
      %swap3A_2079 = arith.index_cast %swap3A_2078 : i32 to index
      %swap3A_2080 = arith.constant 0 : index
      %swap3A_2081 = tpu.vector_load %arg20[%swap3A_2079, %swap3A_2080] {strides = array<i32>} : memref<96x128xf32, #tpu.memory_space<vmem>>, vector<1x16xf32>,
      %swap3A_2082 = vector.shape_cast %swap3A_2081 : vector<1x16xf32> to vector<16xf32>
      %swap3A_2083 = vector.shape_cast %get3A_2077 : vector<16xf32> to vector<1x16xf32>
      tpu.vector_store %arg20[%swap3A_2079, %swap3A_2080], %swap3A_2083 {strides = array<i32>} : memref<96x128xf32, #tpu.memory_space<vmem>>, vector<1x16xf32>,
      %get3A_2084 = arith.constant 112 : index
      %get3A_2085 = tpu.vector_load %arg19[%get3A_2084] {strides = array<i32>} : memref<1536xf32, #tpu.memory_space<vmem>>, vector<16xf32>,
      %get3A_2086 = vector.shape_cast %get3A_2085 : vector<16xf32> to vector<16xf32>
      %swap3A_2087 = arith.constant 7 : i32
      %swap3A_2088 = arith.index_cast %swap3A_2087 : i32 to index
      %swap3A_2089 = arith.constant 16 : index
      %swap3A_2090 = tpu.vector_load %arg20[%swap3A_2088, %swap3A_2089] {strides = array<i32>} : memref<96x128xf32, #tpu.memory_space<vmem>>, vector<1x16xf32>,
      %swap3A_2091 = vector.shape_cast %swap3A_2090 : vector<1x16xf32> to vector<16xf32>
      %swap3A_2092 = vector.shape_cast %get3A_2086 : vector<16xf32> to vector<1x16xf32>
      tpu.vector_store %arg20[%swap3A_2088, %swap3A_2089], %swap3A_2092 {strides = array<i32>} : memref<96x128xf32, #tpu.memory_space<vmem>>, vector<1x16xf32>,
      %get3A_2093 = arith.constant 128 : index
      %get3A_2094 = tpu.vector_load %arg17[%get3A_2093] {strides = array<i32>} : memref<1536xf32, #tpu.memory_space<vmem>>, vector<16xf32>,
      %get3A_2095 = vector.shape_cast %get3A_2094 : vector<16xf32> to vector<16xf32>
      %swap3A_2096 = arith.constant 8 : i32
      %swap3A_2097 = arith.index_cast %swap3A_2096 : i32 to index
      %swap3A_2098 = arith.constant 0 : index
      %swap3A_2099 = tpu.vector_load %arg20[%swap3A_2097, %swap3A_2098] {strides = array<i32>} : memref<96x128xf32, #tpu.memory_space<vmem>>, vector<1x16xf32>,
      %swap3A_2100 = vector.shape_cast %swap3A_2099 : vector<1x16xf32> to vector<16xf32>
      %swap3A_2101 = vector.shape_cast %get3A_2095 : vector<16xf32> to vector<1x16xf32>
      tpu.vector_store %arg20[%swap3A_2097, %swap3A_2098], %swap3A_2101 {strides = array<i32>} : memref<96x128xf32, #tpu.memory_space<vmem>>, vector<1x16xf32>,
      %get3A_2102 = arith.constant 128 : index
      %get3A_2103 = tpu.vector_load %arg19[%get3A_2102] {strides = array<i32>} : memref<1536xf32, #tpu.memory_space<vmem>>, vector<16xf32>,
      %get3A_2104 = vector.shape_cast %get3A_2103 : vector<16xf32> to vector<16xf32>
      %swap3A_2105 = arith.constant 8 : i32
      %swap3A_2106 = arith.index_cast %swap3A_2105 : i32 to index
      %swap3A_2107 = arith.constant 16 : index
      %swap3A_2108 = tpu.vector_load %arg20[%swap3A_2106, %swap3A_2107] {strides = array<i32>} : memref<96x128xf32, #tpu.memory_space<vmem>>, vector<1x16xf32>,
      %swap3A_2109 = vector.shape_cast %swap3A_2108 : vector<1x16xf32> to vector<16xf32>
      %swap3A_2110 = vector.shape_cast %get3A_2104 : vector<16xf32> to vector<1x16xf32>
      tpu.vector_store %arg20[%swap3A_2106, %swap3A_2107], %swap3A_2110 {strides = array<i32>} : memref<96x128xf32, #tpu.memory_space<vmem>>, vector<1x16xf32>,
      %get3A_2111 = arith.constant 144 : index
      %get3A_2112 = tpu.vector_load %arg17[%get3A_2111] {strides = array<i32>} : memref<1536xf32, #tpu.memory_space<vmem>>, vector<16xf32>,
      %get3A_2113 = vector.shape_cast %get3A_2112 : vector<16xf32> to vector<16xf32>
      %swap3A_2114 = arith.constant 9 : i32
      %swap3A_2115 = arith.index_cast %swap3A_2114 : i32 to index
      %swap3A_2116 = arith.constant 0 : index
      %swap3A_2117 = tpu.vector_load %arg20[%swap3A_2115, %swap3A_2116] {strides = array<i32>} : memref<96x128xf32, #tpu.memory_space<vmem>>, vector<1x16xf32>,
      %swap3A_2118 = vector.shape_cast %swap3A_2117 : vector<1x16xf32> to vector<16xf32>
      %swap3A_2119 = vector.shape_cast %get3A_2113 : vector<16xf32> to vector<1x16xf32>
      tpu.vector_store %arg20[%swap3A_2115, %swap3A_2116], %swap3A_2119 {strides = array<i32>} : memref<96x128xf32, #tpu.memory_space<vmem>>, vector<1x16xf32>,
      %get3A_2120 = arith.constant 144 : index
      %get3A_2121 = tpu.vector_load %arg19[%get3A_2120] {strides = array<i32>} : memref<1536xf32, #tpu.memory_space<vmem>>, vector<16xf32>,
      %get3A_2122 = vector.shape_cast %get3A_2121 : vector<16xf32> to vector<16xf32>
      %swap3A_2123 = arith.constant 9 : i32
      %swap3A_2124 = arith.index_cast %swap3A_2123 : i32 to index
      %swap3A_2125 = arith.constant 16 : index
      %swap3A_2126 = tpu.vector_load %arg20[%swap3A_2124, %swap3A_2125] {strides = array<i32>} : memref<96x128xf32, #tpu.memory_space<vmem>>, vector<1x16xf32>,
      %swap3A_2127 = vector.shape_cast %swap3A_2126 : vector<1x16xf32> to vector<16xf32>
      %swap3A_2128 = vector.shape_cast %get3A_2122 : vector<16xf32> to vector<1x16xf32>
      tpu.vector_store %arg20[%swap3A_2124, %swap3A_2125], %swap3A_2128 {strides = array<i32>} : memref<96x128xf32, #tpu.memory_space<vmem>>, vector<1x16xf32>,
      %get3A_2129 = arith.constant 160 : index
      %get3A_2130 = tpu.vector_load %arg17[%get3A_2129] {strides = array<i32>} : memref<1536xf32, #tpu.memory_space<vmem>>, vector<16xf32>,
      %get3A_2131 = vector.shape_cast %get3A_2130 : vector<16xf32> to vector<16xf32>
      %swap3A_2132 = arith.constant 10 : i32
      %swap3A_2133 = arith.index_cast %swap3A_2132 : i32 to index
      %swap3A_2134 = arith.constant 0 : index
      %swap3A_2135 = tpu.vector_load %arg20[%swap3A_2133, %swap3A_2134] {strides = array<i32>} : memref<96x128xf32, #tpu.memory_space<vmem>>, vector<1x16xf32>,
      %swap3A_2136 = vector.shape_cast %swap3A_2135 : vector<1x16xf32> to vector<16xf32>
      %swap3A_2137 = vector.shape_cast %get3A_2131 : vector<16xf32> to vector<1x16xf32>
      tpu.vector_store %arg20[%swap3A_2133, %swap3A_2134], %swap3A_2137 {strides = array<i32>} : memref<96x128xf32, #tpu.memory_space<vmem>>, vector<1x16xf32>,
      %get3A_2138 = arith.constant 160 : index
      %get3A_2139 = tpu.vector_load %arg19[%get3A_2138] {strides = array<i32>} : memref<1536xf32, #tpu.memory_space<vmem>>, vector<16xf32>,
      %get3A_2140 = vector.shape_cast %get3A_2139 : vector<16xf32> to vector<16xf32>
      %swap3A_2141 = arith.constant 10 : i32
      %swap3A_2142 = arith.index_cast %swap3A_2141 : i32 to index
      %swap3A_2143 = arith.constant 16 : index
      %swap3A_2144 = tpu.vector_load %arg20[%swap3A_2142, %swap3A_2143] {strides = array<i32>} : memref<96x128xf32, #tpu.memory_space<vmem>>, vector<1x16xf32>,
      %swap3A_2145 = vector.shape_cast %swap3A_2144 : vector<1x16xf32> to vector<16xf32>
      %swap3A_2146 = vector.shape_cast %get3A_2140 : vector<16xf32> to vector<1x16xf32>
      tpu.vector_store %arg20[%swap3A_2142, %swap3A_2143], %swap3A_2146 {strides = array<i32>} : memref<96x128xf32, #tpu.memory_space<vmem>>, vector<1x16xf32>,
      %get3A_2147 = arith.constant 176 : index
      %get3A_2148 = tpu.vector_load %arg17[%get3A_2147] {strides = array<i32>} : memref<1536xf32, #tpu.memory_space<vmem>>, vector<16xf32>,
      %get3A_2149 = vector.shape_cast %get3A_2148 : vector<16xf32> to vector<16xf32>
      %swap3A_2150 = arith.constant 11 : i32
      %swap3A_2151 = arith.index_cast %swap3A_2150 : i32 to index
      %swap3A_2152 = arith.constant 0 : index
      %swap3A_2153 = tpu.vector_load %arg20[%swap3A_2151, %swap3A_2152] {strides = array<i32>} : memref<96x128xf32, #tpu.memory_space<vmem>>, vector<1x16xf32>,
      %swap3A_2154 = vector.shape_cast %swap3A_2153 : vector<1x16xf32> to vector<16xf32>
      %swap3A_2155 = vector.shape_cast %get3A_2149 : vector<16xf32> to vector<1x16xf32>
      tpu.vector_store %arg20[%swap3A_2151, %swap3A_2152], %swap3A_2155 {strides = array<i32>} : memref<96x128xf32, #tpu.memory_space<vmem>>, vector<1x16xf32>,
      %get3A_2156 = arith.constant 176 : index
      %get3A_2157 = tpu.vector_load %arg19[%get3A_2156] {strides = array<i32>} : memref<1536xf32, #tpu.memory_space<vmem>>, vector<16xf32>,
      %get3A_2158 = vector.shape_cast %get3A_2157 : vector<16xf32> to vector<16xf32>
      %swap3A_2159 = arith.constant 11 : i32
      %swap3A_2160 = arith.index_cast %swap3A_2159 : i32 to index
      %swap3A_2161 = arith.constant 16 : index
      %swap3A_2162 = tpu.vector_load %arg20[%swap3A_2160, %swap3A_2161] {strides = array<i32>} : memref<96x128xf32, #tpu.memory_space<vmem>>, vector<1x16xf32>,
      %swap3A_2163 = vector.shape_cast %swap3A_2162 : vector<1x16xf32> to vector<16xf32>
      %swap3A_2164 = vector.shape_cast %get3A_2158 : vector<16xf32> to vector<1x16xf32>
      tpu.vector_store %arg20[%swap3A_2160, %swap3A_2161], %swap3A_2164 {strides = array<i32>} : memref<96x128xf32, #tpu.memory_space<vmem>>, vector<1x16xf32>,
      %get3A_2165 = arith.constant 192 : index
      %get3A_2166 = tpu.vector_load %arg17[%get3A_2165] {strides = array<i32>} : memref<1536xf32, #tpu.memory_space<vmem>>, vector<16xf32>,
      %get3A_2167 = vector.shape_cast %get3A_2166 : vector<16xf32> to vector<16xf32>
      %swap3A_2168 = arith.constant 12 : i32
      %swap3A_2169 = arith.index_cast %swap3A_2168 : i32 to index
      %swap3A_2170 = arith.constant 0 : index
      %swap3A_2171 = tpu.vector_load %arg20[%swap3A_2169, %swap3A_2170] {strides = array<i32>} : memref<96x128xf32, #tpu.memory_space<vmem>>, vector<1x16xf32>,
      %swap3A_2172 = vector.shape_cast %swap3A_2171 : vector<1x16xf32> to vector<16xf32>
      %swap3A_2173 = vector.shape_cast %get3A_2167 : vector<16xf32> to vector<1x16xf32>
      tpu.vector_store %arg20[%swap3A_2169, %swap3A_2170], %swap3A_2173 {strides = array<i32>} : memref<96x128xf32, #tpu.memory_space<vmem>>, vector<1x16xf32>,
      %get3A_2174 = arith.constant 192 : index
      %get3A_2175 = tpu.vector_load %arg19[%get3A_2174] {strides = array<i32>} : memref<1536xf32, #tpu.memory_space<vmem>>, vector<16xf32>,
      %get3A_2176 = vector.shape_cast %get3A_2175 : vector<16xf32> to vector<16xf32>
      %swap3A_2177 = arith.constant 12 : i32
      %swap3A_2178 = arith.index_cast %swap3A_2177 : i32 to index
      %swap3A_2179 = arith.constant 16 : index
      %swap3A_2180 = tpu.vector_load %arg20[%swap3A_2178, %swap3A_2179] {strides = array<i32>} : memref<96x128xf32, #tpu.memory_space<vmem>>, vector<1x16xf32>,
      %swap3A_2181 = vector.shape_cast %swap3A_2180 : vector<1x16xf32> to vector<16xf32>
      %swap3A_2182 = vector.shape_cast %get3A_2176 : vector<16xf32> to vector<1x16xf32>
      tpu.vector_store %arg20[%swap3A_2178, %swap3A_2179], %swap3A_2182 {strides = array<i32>} : memref<96x128xf32, #tpu.memory_space<vmem>>, vector<1x16xf32>,
      %get3A_2183 = arith.constant 208 : index
      %get3A_2184 = tpu.vector_load %arg17[%get3A_2183] {strides = array<i32>} : memref<1536xf32, #tpu.memory_space<vmem>>, vector<16xf32>,
      %get3A_2185 = vector.shape_cast %get3A_2184 : vector<16xf32> to vector<16xf32>
      %swap3A_2186 = arith.constant 13 : i32
      %swap3A_2187 = arith.index_cast %swap3A_2186 : i32 to index
      %swap3A_2188 = arith.constant 0 : index
      %swap3A_2189 = tpu.vector_load %arg20[%swap3A_2187, %swap3A_2188] {strides = array<i32>} : memref<96x128xf32, #tpu.memory_space<vmem>>, vector<1x16xf32>,
      %swap3A_2190 = vector.shape_cast %swap3A_2189 : vector<1x16xf32> to vector<16xf32>
      %swap3A_2191 = vector.shape_cast %get3A_2185 : vector<16xf32> to vector<1x16xf32>
      tpu.vector_store %arg20[%swap3A_2187, %swap3A_2188], %swap3A_2191 {strides = array<i32>} : memref<96x128xf32, #tpu.memory_space<vmem>>, vector<1x16xf32>,
      %get3A_2192 = arith.constant 208 : index
      %get3A_2193 = tpu.vector_load %arg19[%get3A_2192] {strides = array<i32>} : memref<1536xf32, #tpu.memory_space<vmem>>, vector<16xf32>,
      %get3A_2194 = vector.shape_cast %get3A_2193 : vector<16xf32> to vector<16xf32>
      %swap3A_2195 = arith.constant 13 : i32
      %swap3A_2196 = arith.index_cast %swap3A_2195 : i32 to index
      %swap3A_2197 = arith.constant 16 : index
      %swap3A_2198 = tpu.vector_load %arg20[%swap3A_2196, %swap3A_2197] {strides = array<i32>} : memref<96x128xf32, #tpu.memory_space<vmem>>, vector<1x16xf32>,
      %swap3A_2199 = vector.shape_cast %swap3A_2198 : vector<1x16xf32> to vector<16xf32>
      %swap3A_2200 = vector.shape_cast %get3A_2194 : vector<16xf32> to vector<1x16xf32>
      tpu.vector_store %arg20[%swap3A_2196, %swap3A_2197], %swap3A_2200 {strides = array<i32>} : memref<96x128xf32, #tpu.memory_space<vmem>>, vector<1x16xf32>,
      %get3A_2201 = arith.constant 224 : index
      %get3A_2202 = tpu.vector_load %arg17[%get3A_2201] {strides = array<i32>} : memref<1536xf32, #tpu.memory_space<vmem>>, vector<16xf32>,
      %get3A_2203 = vector.shape_cast %get3A_2202 : vector<16xf32> to vector<16xf32>
      %swap3A_2204 = arith.constant 14 : i32
      %swap3A_2205 = arith.index_cast %swap3A_2204 : i32 to index
      %swap3A_2206 = arith.constant 0 : index
      %swap3A_2207 = tpu.vector_load %arg20[%swap3A_2205, %swap3A_2206] {strides = array<i32>} : memref<96x128xf32, #tpu.memory_space<vmem>>, vector<1x16xf32>,
      %swap3A_2208 = vector.shape_cast %swap3A_2207 : vector<1x16xf32> to vector<16xf32>
      %swap3A_2209 = vector.shape_cast %get3A_2203 : vector<16xf32> to vector<1x16xf32>
      tpu.vector_store %arg20[%swap3A_2205, %swap3A_2206], %swap3A_2209 {strides = array<i32>} : memref<96x128xf32, #tpu.memory_space<vmem>>, vector<1x16xf32>,
      %get3A_2210 = arith.constant 224 : index
      %get3A_2211 = tpu.vector_load %arg19[%get3A_2210] {strides = array<i32>} : memref<1536xf32, #tpu.memory_space<vmem>>, vector<16xf32>,
      %get3A_2212 = vector.shape_cast %get3A_2211 : vector<16xf32> to vector<16xf32>
      %swap3A_2213 = arith.constant 14 : i32
      %swap3A_2214 = arith.index_cast %swap3A_2213 : i32 to index
      %swap3A_2215 = arith.constant 16 : index
      %swap3A_2216 = tpu.vector_load %arg20[%swap3A_2214, %swap3A_2215] {strides = array<i32>} : memref<96x128xf32, #tpu.memory_space<vmem>>, vector<1x16xf32>,
      %swap3A_2217 = vector.shape_cast %swap3A_2216 : vector<1x16xf32> to vector<16xf32>
      %swap3A_2218 = vector.shape_cast %get3A_2212 : vector<16xf32> to vector<1x16xf32>
      tpu.vector_store %arg20[%swap3A_2214, %swap3A_2215], %swap3A_2218 {strides = array<i32>} : memref<96x128xf32, #tpu.memory_space<vmem>>, vector<1x16xf32>,
      %get3A_2219 = arith.constant 240 : index
      %get3A_2220 = tpu.vector_load %arg17[%get3A_2219] {strides = array<i32>} : memref<1536xf32, #tpu.memory_space<vmem>>, vector<16xf32>,
      %get3A_2221 = vector.shape_cast %get3A_2220 : vector<16xf32> to vector<16xf32>
      %swap3A_2222 = arith.constant 15 : i32
      %swap3A_2223 = arith.index_cast %swap3A_2222 : i32 to index
      %swap3A_2224 = arith.constant 0 : index
      %swap3A_2225 = tpu.vector_load %arg20[%swap3A_2223, %swap3A_2224] {strides = array<i32>} : memref<96x128xf32, #tpu.memory_space<vmem>>, vector<1x16xf32>,
      %swap3A_2226 = vector.shape_cast %swap3A_2225 : vector<1x16xf32> to vector<16xf32>
      %swap3A_2227 = vector.shape_cast %get3A_2221 : vector<16xf32> to vector<1x16xf32>
      tpu.vector_store %arg20[%swap3A_2223, %swap3A_2224], %swap3A_2227 {strides = array<i32>} : memref<96x128xf32, #tpu.memory_space<vmem>>, vector<1x16xf32>,
      %get3A_2228 = arith.constant 240 : index
      %get3A_2229 = tpu.vector_load %arg19[%get3A_2228] {strides = array<i32>} : memref<1536xf32, #tpu.memory_space<vmem>>, vector<16xf32>,
      %get3A_2230 = vector.shape_cast %get3A_2229 : vector<16xf32> to vector<16xf32>
      %swap3A_2231 = arith.constant 15 : i32
      %swap3A_2232 = arith.index_cast %swap3A_2231 : i32 to index
      %swap3A_2233 = arith.constant 16 : index
      %swap3A_2234 = tpu.vector_load %arg20[%swap3A_2232, %swap3A_2233] {strides = array<i32>} : memref<96x128xf32, #tpu.memory_space<vmem>>, vector<1x16xf32>,
      %swap3A_2235 = vector.shape_cast %swap3A_2234 : vector<1x16xf32> to vector<16xf32>
      %swap3A_2236 = vector.shape_cast %get3A_2230 : vector<16xf32> to vector<1x16xf32>
      tpu.vector_store %arg20[%swap3A_2232, %swap3A_2233], %swap3A_2236 {strides = array<i32>} : memref<96x128xf32, #tpu.memory_space<vmem>>, vector<1x16xf32>,
      %get3A_2237 = arith.constant 256 : index
      %get3A_2238 = tpu.vector_load %arg17[%get3A_2237] {strides = array<i32>} : memref<1536xf32, #tpu.memory_space<vmem>>, vector<16xf32>,
      %get3A_2239 = vector.shape_cast %get3A_2238 : vector<16xf32> to vector<16xf32>
      %swap3A_2240 = arith.constant 16 : i32
      %swap3A_2241 = arith.index_cast %swap3A_2240 : i32 to index
      %swap3A_2242 = arith.constant 0 : index
      %swap3A_2243 = tpu.vector_load %arg20[%swap3A_2241, %swap3A_2242] {strides = array<i32>} : memref<96x128xf32, #tpu.memory_space<vmem>>, vector<1x16xf32>,
      %swap3A_2244 = vector.shape_cast %swap3A_2243 : vector<1x16xf32> to vector<16xf32>
      %swap3A_2245 = vector.shape_cast %get3A_2239 : vector<16xf32> to vector<1x16xf32>
      tpu.vector_store %arg20[%swap3A_2241, %swap3A_2242], %swap3A_2245 {strides = array<i32>} : memref<96x128xf32, #tpu.memory_space<vmem>>, vector<1x16xf32>,
      %get3A_2246 = arith.constant 256 : index
      %get3A_2247 = tpu.vector_load %arg19[%get3A_2246] {strides = array<i32>} : memref<1536xf32, #tpu.memory_space<vmem>>, vector<16xf32>,
      %get3A_2248 = vector.shape_cast %get3A_2247 : vector<16xf32> to vector<16xf32>
      %swap3A_2249 = arith.constant 16 : i32
      %swap3A_2250 = arith.index_cast %swap3A_2249 : i32 to index
      %swap3A_2251 = arith.constant 16 : index
      %swap3A_2252 = tpu.vector_load %arg20[%swap3A_2250, %swap3A_2251] {strides = array<i32>} : memref<96x128xf32, #tpu.memory_space<vmem>>, vector<1x16xf32>,
      %swap3A_2253 = vector.shape_cast %swap3A_2252 : vector<1x16xf32> to vector<16xf32>
      %swap3A_2254 = vector.shape_cast %get3A_2248 : vector<16xf32> to vector<1x16xf32>
      tpu.vector_store %arg20[%swap3A_2250, %swap3A_2251], %swap3A_2254 {strides = array<i32>} : memref<96x128xf32, #tpu.memory_space<vmem>>, vector<1x16xf32>,
      %get3A_2255 = arith.constant 272 : index
      %get3A_2256 = tpu.vector_load %arg17[%get3A_2255] {strides = array<i32>} : memref<1536xf32, #tpu.memory_space<vmem>>, vector<16xf32>,
      %get3A_2257 = vector.shape_cast %get3A_2256 : vector<16xf32> to vector<16xf32>
      %swap3A_2258 = arith.constant 17 : i32
      %swap3A_2259 = arith.index_cast %swap3A_2258 : i32 to index
      %swap3A_2260 = arith.constant 0 : index
      %swap3A_2261 = tpu.vector_load %arg20[%swap3A_2259, %swap3A_2260] {strides = array<i32>} : memref<96x128xf32, #tpu.memory_space<vmem>>, vector<1x16xf32>,
      %swap3A_2262 = vector.shape_cast %swap3A_2261 : vector<1x16xf32> to vector<16xf32>
      %swap3A_2263 = vector.shape_cast %get3A_2257 : vector<16xf32> to vector<1x16xf32>
      tpu.vector_store %arg20[%swap3A_2259, %swap3A_2260], %swap3A_2263 {strides = array<i32>} : memref<96x128xf32, #tpu.memory_space<vmem>>, vector<1x16xf32>,
      %get3A_2264 = arith.constant 272 : index
      %get3A_2265 = tpu.vector_load %arg19[%get3A_2264] {strides = array<i32>} : memref<1536xf32, #tpu.memory_space<vmem>>, vector<16xf32>,
      %get3A_2266 = vector.shape_cast %get3A_2265 : vector<16xf32> to vector<16xf32>
      %swap3A_2267 = arith.constant 17 : i32
      %swap3A_2268 = arith.index_cast %swap3A_2267 : i32 to index
      %swap3A_2269 = arith.constant 16 : index
      %swap3A_2270 = tpu.vector_load %arg20[%swap3A_2268, %swap3A_2269] {strides = array<i32>} : memref<96x128xf32, #tpu.memory_space<vmem>>, vector<1x16xf32>,
      %swap3A_2271 = vector.shape_cast %swap3A_2270 : vector<1x16xf32> to vector<16xf32>
      %swap3A_2272 = vector.shape_cast %get3A_2266 : vector<16xf32> to vector<1x16xf32>
      tpu.vector_store %arg20[%swap3A_2268, %swap3A_2269], %swap3A_2272 {strides = array<i32>} : memref<96x128xf32, #tpu.memory_space<vmem>>, vector<1x16xf32>,
      %get3A_2273 = arith.constant 288 : index
      %get3A_2274 = tpu.vector_load %arg17[%get3A_2273] {strides = array<i32>} : memref<1536xf32, #tpu.memory_space<vmem>>, vector<16xf32>,
      %get3A_2275 = vector.shape_cast %get3A_2274 : vector<16xf32> to vector<16xf32>
      %swap3A_2276 = arith.constant 18 : i32
      %swap3A_2277 = arith.index_cast %swap3A_2276 : i32 to index
      %swap3A_2278 = arith.constant 0 : index
      %swap3A_2279 = tpu.vector_load %arg20[%swap3A_2277, %swap3A_2278] {strides = array<i32>} : memref<96x128xf32, #tpu.memory_space<vmem>>, vector<1x16xf32>,
      %swap3A_2280 = vector.shape_cast %swap3A_2279 : vector<1x16xf32> to vector<16xf32>
      %swap3A_2281 = vector.shape_cast %get3A_2275 : vector<16xf32> to vector<1x16xf32>
      tpu.vector_store %arg20[%swap3A_2277, %swap3A_2278], %swap3A_2281 {strides = array<i32>} : memref<96x128xf32, #tpu.memory_space<vmem>>, vector<1x16xf32>,
      %get3A_2282 = arith.constant 288 : index
      %get3A_2283 = tpu.vector_load %arg19[%get3A_2282] {strides = array<i32>} : memref<1536xf32, #tpu.memory_space<vmem>>, vector<16xf32>,
      %get3A_2284 = vector.shape_cast %get3A_2283 : vector<16xf32> to vector<16xf32>
      %swap3A_2285 = arith.constant 18 : i32
      %swap3A_2286 = arith.index_cast %swap3A_2285 : i32 to index
      %swap3A_2287 = arith.constant 16 : index
      %swap3A_2288 = tpu.vector_load %arg20[%swap3A_2286, %swap3A_2287] {strides = array<i32>} : memref<96x128xf32, #tpu.memory_space<vmem>>, vector<1x16xf32>,
      %swap3A_2289 = vector.shape_cast %swap3A_2288 : vector<1x16xf32> to vector<16xf32>
      %swap3A_2290 = vector.shape_cast %get3A_2284 : vector<16xf32> to vector<1x16xf32>
      tpu.vector_store %arg20[%swap3A_2286, %swap3A_2287], %swap3A_2290 {strides = array<i32>} : memref<96x128xf32, #tpu.memory_space<vmem>>, vector<1x16xf32>,
      %get3A_2291 = arith.constant 304 : index
      %get3A_2292 = tpu.vector_load %arg17[%get3A_2291] {strides = array<i32>} : memref<1536xf32, #tpu.memory_space<vmem>>, vector<16xf32>,
      %get3A_2293 = vector.shape_cast %get3A_2292 : vector<16xf32> to vector<16xf32>
      %swap3A_2294 = arith.constant 19 : i32
      %swap3A_2295 = arith.index_cast %swap3A_2294 : i32 to index
      %swap3A_2296 = arith.constant 0 : index
      %swap3A_2297 = tpu.vector_load %arg20[%swap3A_2295, %swap3A_2296] {strides = array<i32>} : memref<96x128xf32, #tpu.memory_space<vmem>>, vector<1x16xf32>,
      %swap3A_2298 = vector.shape_cast %swap3A_2297 : vector<1x16xf32> to vector<16xf32>
      %swap3A_2299 = vector.shape_cast %get3A_2293 : vector<16xf32> to vector<1x16xf32>
      tpu.vector_store %arg20[%swap3A_2295, %swap3A_2296], %swap3A_2299 {strides = array<i32>} : memref<96x128xf32, #tpu.memory_space<vmem>>, vector<1x16xf32>,
      %get3A_2300 = arith.constant 304 : index
      %get3A_2301 = tpu.vector_load %arg19[%get3A_2300] {strides = array<i32>} : memref<1536xf32, #tpu.memory_space<vmem>>, vector<16xf32>,
      %get3A_2302 = vector.shape_cast %get3A_2301 : vector<16xf32> to vector<16xf32>
      %swap3A_2303 = arith.constant 19 : i32
      %swap3A_2304 = arith.index_cast %swap3A_2303 : i32 to index
      %swap3A_2305 = arith.constant 16 : index
      %swap3A_2306 = tpu.vector_load %arg20[%swap3A_2304, %swap3A_2305] {strides = array<i32>} : memref<96x128xf32, #tpu.memory_space<vmem>>, vector<1x16xf32>,
      %swap3A_2307 = vector.shape_cast %swap3A_2306 : vector<1x16xf32> to vector<16xf32>
      %swap3A_2308 = vector.shape_cast %get3A_2302 : vector<16xf32> to vector<1x16xf32>
      tpu.vector_store %arg20[%swap3A_2304, %swap3A_2305], %swap3A_2308 {strides = array<i32>} : memref<96x128xf32, #tpu.memory_space<vmem>>, vector<1x16xf32>,
      %get3A_2309 = arith.constant 320 : index
      %get3A_2310 = tpu.vector_load %arg17[%get3A_2309] {strides = array<i32>} : memref<1536xf32, #tpu.memory_space<vmem>>, vector<16xf32>,
      %get3A_2311 = vector.shape_cast %get3A_2310 : vector<16xf32> to vector<16xf32>
      %swap3A_2312 = arith.constant 20 : i32
      %swap3A_2313 = arith.index_cast %swap3A_2312 : i32 to index
      %swap3A_2314 = arith.constant 0 : index
      %swap3A_2315 = tpu.vector_load %arg20[%swap3A_2313, %swap3A_2314] {strides = array<i32>} : memref<96x128xf32, #tpu.memory_space<vmem>>, vector<1x16xf32>,
      %swap3A_2316 = vector.shape_cast %swap3A_2315 : vector<1x16xf32> to vector<16xf32>
      %swap3A_2317 = vector.shape_cast %get3A_2311 : vector<16xf32> to vector<1x16xf32>
      tpu.vector_store %arg20[%swap3A_2313, %swap3A_2314], %swap3A_2317 {strides = array<i32>} : memref<96x128xf32, #tpu.memory_space<vmem>>, vector<1x16xf32>,
      %get3A_2318 = arith.constant 320 : index
      %get3A_2319 = tpu.vector_load %arg19[%get3A_2318] {strides = array<i32>} : memref<1536xf32, #tpu.memory_space<vmem>>, vector<16xf32>,
      %get3A_2320 = vector.shape_cast %get3A_2319 : vector<16xf32> to vector<16xf32>
      %swap3A_2321 = arith.constant 20 : i32
      %swap3A_2322 = arith.index_cast %swap3A_2321 : i32 to index
      %swap3A_2323 = arith.constant 16 : index
      %swap3A_2324 = tpu.vector_load %arg20[%swap3A_2322, %swap3A_2323] {strides = array<i32>} : memref<96x128xf32, #tpu.memory_space<vmem>>, vector<1x16xf32>,
      %swap3A_2325 = vector.shape_cast %swap3A_2324 : vector<1x16xf32> to vector<16xf32>
      %swap3A_2326 = vector.shape_cast %get3A_2320 : vector<16xf32> to vector<1x16xf32>
      tpu.vector_store %arg20[%swap3A_2322, %swap3A_2323], %swap3A_2326 {strides = array<i32>} : memref<96x128xf32, #tpu.memory_space<vmem>>, vector<1x16xf32>,
      %get3A_2327 = arith.constant 336 : index
      %get3A_2328 = tpu.vector_load %arg17[%get3A_2327] {strides = array<i32>} : memref<1536xf32, #tpu.memory_space<vmem>>, vector<16xf32>,
      %get3A_2329 = vector.shape_cast %get3A_2328 : vector<16xf32> to vector<16xf32>
      %swap3A_2330 = arith.constant 21 : i32
      %swap3A_2331 = arith.index_cast %swap3A_2330 : i32 to index
      %swap3A_2332 = arith.constant 0 : index
      %swap3A_2333 = tpu.vector_load %arg20[%swap3A_2331, %swap3A_2332] {strides = array<i32>} : memref<96x128xf32, #tpu.memory_space<vmem>>, vector<1x16xf32>,
      %swap3A_2334 = vector.shape_cast %swap3A_2333 : vector<1x16xf32> to vector<16xf32>
      %swap3A_2335 = vector.shape_cast %get3A_2329 : vector<16xf32> to vector<1x16xf32>
      tpu.vector_store %arg20[%swap3A_2331, %swap3A_2332], %swap3A_2335 {strides = array<i32>} : memref<96x128xf32, #tpu.memory_space<vmem>>, vector<1x16xf32>,
      %get3A_2336 = arith.constant 336 : index
      %get3A_2337 = tpu.vector_load %arg19[%get3A_2336] {strides = array<i32>} : memref<1536xf32, #tpu.memory_space<vmem>>, vector<16xf32>,
      %get3A_2338 = vector.shape_cast %get3A_2337 : vector<16xf32> to vector<16xf32>
      %swap3A_2339 = arith.constant 21 : i32
      %swap3A_2340 = arith.index_cast %swap3A_2339 : i32 to index
      %swap3A_2341 = arith.constant 16 : index
      %swap3A_2342 = tpu.vector_load %arg20[%swap3A_2340, %swap3A_2341] {strides = array<i32>} : memref<96x128xf32, #tpu.memory_space<vmem>>, vector<1x16xf32>,
      %swap3A_2343 = vector.shape_cast %swap3A_2342 : vector<1x16xf32> to vector<16xf32>
      %swap3A_2344 = vector.shape_cast %get3A_2338 : vector<16xf32> to vector<1x16xf32>
      tpu.vector_store %arg20[%swap3A_2340, %swap3A_2341], %swap3A_2344 {strides = array<i32>} : memref<96x128xf32, #tpu.memory_space<vmem>>, vector<1x16xf32>,
      %get3A_2345 = arith.constant 352 : index
      %get3A_2346 = tpu.vector_load %arg17[%get3A_2345] {strides = array<i32>} : memref<1536xf32, #tpu.memory_space<vmem>>, vector<16xf32>,
      %get3A_2347 = vector.shape_cast %get3A_2346 : vector<16xf32> to vector<16xf32>
      %swap3A_2348 = arith.constant 22 : i32
      %swap3A_2349 = arith.index_cast %swap3A_2348 : i32 to index
      %swap3A_2350 = arith.constant 0 : index
      %swap3A_2351 = tpu.vector_load %arg20[%swap3A_2349, %swap3A_2350] {strides = array<i32>} : memref<96x128xf32, #tpu.memory_space<vmem>>, vector<1x16xf32>,
      %swap3A_2352 = vector.shape_cast %swap3A_2351 : vector<1x16xf32> to vector<16xf32>
      %swap3A_2353 = vector.shape_cast %get3A_2347 : vector<16xf32> to vector<1x16xf32>
      tpu.vector_store %arg20[%swap3A_2349, %swap3A_2350], %swap3A_2353 {strides = array<i32>} : memref<96x128xf32, #tpu.memory_space<vmem>>, vector<1x16xf32>,
      %get3A_2354 = arith.constant 352 : index
      %get3A_2355 = tpu.vector_load %arg19[%get3A_2354] {strides = array<i32>} : memref<1536xf32, #tpu.memory_space<vmem>>, vector<16xf32>,
      %get3A_2356 = vector.shape_cast %get3A_2355 : vector<16xf32> to vector<16xf32>
      %swap3A_2357 = arith.constant 22 : i32
      %swap3A_2358 = arith.index_cast %swap3A_2357 : i32 to index
      %swap3A_2359 = arith.constant 16 : index
      %swap3A_2360 = tpu.vector_load %arg20[%swap3A_2358, %swap3A_2359] {strides = array<i32>} : memref<96x128xf32, #tpu.memory_space<vmem>>, vector<1x16xf32>,
      %swap3A_2361 = vector.shape_cast %swap3A_2360 : vector<1x16xf32> to vector<16xf32>
      %swap3A_2362 = vector.shape_cast %get3A_2356 : vector<16xf32> to vector<1x16xf32>
      tpu.vector_store %arg20[%swap3A_2358, %swap3A_2359], %swap3A_2362 {strides = array<i32>} : memref<96x128xf32, #tpu.memory_space<vmem>>, vector<1x16xf32>,
      %get3A_2363 = arith.constant 368 : index
      %get3A_2364 = tpu.vector_load %arg17[%get3A_2363] {strides = array<i32>} : memref<1536xf32, #tpu.memory_space<vmem>>, vector<16xf32>,
      %get3A_2365 = vector.shape_cast %get3A_2364 : vector<16xf32> to vector<16xf32>
      %swap3A_2366 = arith.constant 23 : i32
      %swap3A_2367 = arith.index_cast %swap3A_2366 : i32 to index
      %swap3A_2368 = arith.constant 0 : index
      %swap3A_2369 = tpu.vector_load %arg20[%swap3A_2367, %swap3A_2368] {strides = array<i32>} : memref<96x128xf32, #tpu.memory_space<vmem>>, vector<1x16xf32>,
      %swap3A_2370 = vector.shape_cast %swap3A_2369 : vector<1x16xf32> to vector<16xf32>
      %swap3A_2371 = vector.shape_cast %get3A_2365 : vector<16xf32> to vector<1x16xf32>
      tpu.vector_store %arg20[%swap3A_2367, %swap3A_2368], %swap3A_2371 {strides = array<i32>} : memref<96x128xf32, #tpu.memory_space<vmem>>, vector<1x16xf32>,
      %get3A_2372 = arith.constant 368 : index
      %get3A_2373 = tpu.vector_load %arg19[%get3A_2372] {strides = array<i32>} : memref<1536xf32, #tpu.memory_space<vmem>>, vector<16xf32>,
      %get3A_2374 = vector.shape_cast %get3A_2373 : vector<16xf32> to vector<16xf32>
      %swap3A_2375 = arith.constant 23 : i32
      %swap3A_2376 = arith.index_cast %swap3A_2375 : i32 to index
      %swap3A_2377 = arith.constant 16 : index
      %swap3A_2378 = tpu.vector_load %arg20[%swap3A_2376, %swap3A_2377] {strides = array<i32>} : memref<96x128xf32, #tpu.memory_space<vmem>>, vector<1x16xf32>,
      %swap3A_2379 = vector.shape_cast %swap3A_2378 : vector<1x16xf32> to vector<16xf32>
      %swap3A_2380 = vector.shape_cast %get3A_2374 : vector<16xf32> to vector<1x16xf32>
      tpu.vector_store %arg20[%swap3A_2376, %swap3A_2377], %swap3A_2380 {strides = array<i32>} : memref<96x128xf32, #tpu.memory_space<vmem>>, vector<1x16xf32>,
      %get3A_2381 = arith.constant 384 : index
      %get3A_2382 = tpu.vector_load %arg17[%get3A_2381] {strides = array<i32>} : memref<1536xf32, #tpu.memory_space<vmem>>, vector<16xf32>,
      %get3A_2383 = vector.shape_cast %get3A_2382 : vector<16xf32> to vector<16xf32>
      %swap3A_2384 = arith.constant 24 : i32
      %swap3A_2385 = arith.index_cast %swap3A_2384 : i32 to index
      %swap3A_2386 = arith.constant 0 : index
      %swap3A_2387 = tpu.vector_load %arg20[%swap3A_2385, %swap3A_2386] {strides = array<i32>} : memref<96x128xf32, #tpu.memory_space<vmem>>, vector<1x16xf32>,
      %swap3A_2388 = vector.shape_cast %swap3A_2387 : vector<1x16xf32> to vector<16xf32>
      %swap3A_2389 = vector.shape_cast %get3A_2383 : vector<16xf32> to vector<1x16xf32>
      tpu.vector_store %arg20[%swap3A_2385, %swap3A_2386], %swap3A_2389 {strides = array<i32>} : memref<96x128xf32, #tpu.memory_space<vmem>>, vector<1x16xf32>,
      %get3A_2390 = arith.constant 384 : index
      %get3A_2391 = tpu.vector_load %arg19[%get3A_2390] {strides = array<i32>} : memref<1536xf32, #tpu.memory_space<vmem>>, vector<16xf32>,
      %get3A_2392 = vector.shape_cast %get3A_2391 : vector<16xf32> to vector<16xf32>
      %swap3A_2393 = arith.constant 24 : i32
      %swap3A_2394 = arith.index_cast %swap3A_2393 : i32 to index
      %swap3A_2395 = arith.constant 16 : index
      %swap3A_2396 = tpu.vector_load %arg20[%swap3A_2394, %swap3A_2395] {strides = array<i32>} : memref<96x128xf32, #tpu.memory_space<vmem>>, vector<1x16xf32>,
      %swap3A_2397 = vector.shape_cast %swap3A_2396 : vector<1x16xf32> to vector<16xf32>
      %swap3A_2398 = vector.shape_cast %get3A_2392 : vector<16xf32> to vector<1x16xf32>
      tpu.vector_store %arg20[%swap3A_2394, %swap3A_2395], %swap3A_2398 {strides = array<i32>} : memref<96x128xf32, #tpu.memory_space<vmem>>, vector<1x16xf32>,
      %get3A_2399 = arith.constant 400 : index
      %get3A_2400 = tpu.vector_load %arg17[%get3A_2399] {strides = array<i32>} : memref<1536xf32, #tpu.memory_space<vmem>>, vector<16xf32>,
      %get3A_2401 = vector.shape_cast %get3A_2400 : vector<16xf32> to vector<16xf32>
      %swap3A_2402 = arith.constant 25 : i32
      %swap3A_2403 = arith.index_cast %swap3A_2402 : i32 to index
      %swap3A_2404 = arith.constant 0 : index
      %swap3A_2405 = tpu.vector_load %arg20[%swap3A_2403, %swap3A_2404] {strides = array<i32>} : memref<96x128xf32, #tpu.memory_space<vmem>>, vector<1x16xf32>,
      %swap3A_2406 = vector.shape_cast %swap3A_2405 : vector<1x16xf32> to vector<16xf32>
      %swap3A_2407 = vector.shape_cast %get3A_2401 : vector<16xf32> to vector<1x16xf32>
      tpu.vector_store %arg20[%swap3A_2403, %swap3A_2404], %swap3A_2407 {strides = array<i32>} : memref<96x128xf32, #tpu.memory_space<vmem>>, vector<1x16xf32>,
      %get3A_2408 = arith.constant 400 : index
      %get3A_2409 = tpu.vector_load %arg19[%get3A_2408] {strides = array<i32>} : memref<1536xf32, #tpu.memory_space<vmem>>, vector<16xf32>,
      %get3A_2410 = vector.shape_cast %get3A_2409 : vector<16xf32> to vector<16xf32>
      %swap3A_2411 = arith.constant 25 : i32
      %swap3A_2412 = arith.index_cast %swap3A_2411 : i32 to index
      %swap3A_2413 = arith.constant 16 : index
      %swap3A_2414 = tpu.vector_load %arg20[%swap3A_2412, %swap3A_2413] {strides = array<i32>} : memref<96x128xf32, #tpu.memory_space<vmem>>, vector<1x16xf32>,
      %swap3A_2415 = vector.shape_cast %swap3A_2414 : vector<1x16xf32> to vector<16xf32>
      %swap3A_2416 = vector.shape_cast %get3A_2410 : vector<16xf32> to vector<1x16xf32>
      tpu.vector_store %arg20[%swap3A_2412, %swap3A_2413], %swap3A_2416 {strides = array<i32>} : memref<96x128xf32, #tpu.memory_space<vmem>>, vector<1x16xf32>,
      %get3A_2417 = arith.constant 416 : index
      %get3A_2418 = tpu.vector_load %arg17[%get3A_2417] {strides = array<i32>} : memref<1536xf32, #tpu.memory_space<vmem>>, vector<16xf32>,
      %get3A_2419 = vector.shape_cast %get3A_2418 : vector<16xf32> to vector<16xf32>
      %swap3A_2420 = arith.constant 26 : i32
      %swap3A_2421 = arith.index_cast %swap3A_2420 : i32 to index
      %swap3A_2422 = arith.constant 0 : index
      %swap3A_2423 = tpu.vector_load %arg20[%swap3A_2421, %swap3A_2422] {strides = array<i32>} : memref<96x128xf32, #tpu.memory_space<vmem>>, vector<1x16xf32>,
      %swap3A_2424 = vector.shape_cast %swap3A_2423 : vector<1x16xf32> to vector<16xf32>
      %swap3A_2425 = vector.shape_cast %get3A_2419 : vector<16xf32> to vector<1x16xf32>
      tpu.vector_store %arg20[%swap3A_2421, %swap3A_2422], %swap3A_2425 {strides = array<i32>} : memref<96x128xf32, #tpu.memory_space<vmem>>, vector<1x16xf32>,
      %get3A_2426 = arith.constant 416 : index
      %get3A_2427 = tpu.vector_load %arg19[%get3A_2426] {strides = array<i32>} : memref<1536xf32, #tpu.memory_space<vmem>>, vector<16xf32>,
      %get3A_2428 = vector.shape_cast %get3A_2427 : vector<16xf32> to vector<16xf32>
      %swap3A_2429 = arith.constant 26 : i32
      %swap3A_2430 = arith.index_cast %swap3A_2429 : i32 to index
      %swap3A_2431 = arith.constant 16 : index
      %swap3A_2432 = tpu.vector_load %arg20[%swap3A_2430, %swap3A_2431] {strides = array<i32>} : memref<96x128xf32, #tpu.memory_space<vmem>>, vector<1x16xf32>,
      %swap3A_2433 = vector.shape_cast %swap3A_2432 : vector<1x16xf32> to vector<16xf32>
      %swap3A_2434 = vector.shape_cast %get3A_2428 : vector<16xf32> to vector<1x16xf32>
      tpu.vector_store %arg20[%swap3A_2430, %swap3A_2431], %swap3A_2434 {strides = array<i32>} : memref<96x128xf32, #tpu.memory_space<vmem>>, vector<1x16xf32>,
      %get3A_2435 = arith.constant 432 : index
      %get3A_2436 = tpu.vector_load %arg17[%get3A_2435] {strides = array<i32>} : memref<1536xf32, #tpu.memory_space<vmem>>, vector<16xf32>,
      %get3A_2437 = vector.shape_cast %get3A_2436 : vector<16xf32> to vector<16xf32>
      %swap3A_2438 = arith.constant 27 : i32
      %swap3A_2439 = arith.index_cast %swap3A_2438 : i32 to index
      %swap3A_2440 = arith.constant 0 : index
      %swap3A_2441 = tpu.vector_load %arg20[%swap3A_2439, %swap3A_2440] {strides = array<i32>} : memref<96x128xf32, #tpu.memory_space<vmem>>, vector<1x16xf32>,
      %swap3A_2442 = vector.shape_cast %swap3A_2441 : vector<1x16xf32> to vector<16xf32>
      %swap3A_2443 = vector.shape_cast %get3A_2437 : vector<16xf32> to vector<1x16xf32>
      tpu.vector_store %arg20[%swap3A_2439, %swap3A_2440], %swap3A_2443 {strides = array<i32>} : memref<96x128xf32, #tpu.memory_space<vmem>>, vector<1x16xf32>,
      %get3A_2444 = arith.constant 432 : index
      %get3A_2445 = tpu.vector_load %arg19[%get3A_2444] {strides = array<i32>} : memref<1536xf32, #tpu.memory_space<vmem>>, vector<16xf32>,
      %get3A_2446 = vector.shape_cast %get3A_2445 : vector<16xf32> to vector<16xf32>
      %swap3A_2447 = arith.constant 27 : i32
      %swap3A_2448 = arith.index_cast %swap3A_2447 : i32 to index
      %swap3A_2449 = arith.constant 16 : index
      %swap3A_2450 = tpu.vector_load %arg20[%swap3A_2448, %swap3A_2449] {strides = array<i32>} : memref<96x128xf32, #tpu.memory_space<vmem>>, vector<1x16xf32>,
      %swap3A_2451 = vector.shape_cast %swap3A_2450 : vector<1x16xf32> to vector<16xf32>
      %swap3A_2452 = vector.shape_cast %get3A_2446 : vector<16xf32> to vector<1x16xf32>
      tpu.vector_store %arg20[%swap3A_2448, %swap3A_2449], %swap3A_2452 {strides = array<i32>} : memref<96x128xf32, #tpu.memory_space<vmem>>, vector<1x16xf32>,
      %get3A_2453 = arith.constant 448 : index
      %get3A_2454 = tpu.vector_load %arg17[%get3A_2453] {strides = array<i32>} : memref<1536xf32, #tpu.memory_space<vmem>>, vector<16xf32>,
      %get3A_2455 = vector.shape_cast %get3A_2454 : vector<16xf32> to vector<16xf32>
      %swap3A_2456 = arith.constant 28 : i32
      %swap3A_2457 = arith.index_cast %swap3A_2456 : i32 to index
      %swap3A_2458 = arith.constant 0 : index
      %swap3A_2459 = tpu.vector_load %arg20[%swap3A_2457, %swap3A_2458] {strides = array<i32>} : memref<96x128xf32, #tpu.memory_space<vmem>>, vector<1x16xf32>,
      %swap3A_2460 = vector.shape_cast %swap3A_2459 : vector<1x16xf32> to vector<16xf32>
      %swap3A_2461 = vector.shape_cast %get3A_2455 : vector<16xf32> to vector<1x16xf32>
      tpu.vector_store %arg20[%swap3A_2457, %swap3A_2458], %swap3A_2461 {strides = array<i32>} : memref<96x128xf32, #tpu.memory_space<vmem>>, vector<1x16xf32>,
      %get3A_2462 = arith.constant 448 : index
      %get3A_2463 = tpu.vector_load %arg19[%get3A_2462] {strides = array<i32>} : memref<1536xf32, #tpu.memory_space<vmem>>, vector<16xf32>,
      %get3A_2464 = vector.shape_cast %get3A_2463 : vector<16xf32> to vector<16xf32>
      %swap3A_2465 = arith.constant 28 : i32
      %swap3A_2466 = arith.index_cast %swap3A_2465 : i32 to index
      %swap3A_2467 = arith.constant 16 : index
      %swap3A_2468 = tpu.vector_load %arg20[%swap3A_2466, %swap3A_2467] {strides = array<i32>} : memref<96x128xf32, #tpu.memory_space<vmem>>, vector<1x16xf32>,
      %swap3A_2469 = vector.shape_cast %swap3A_2468 : vector<1x16xf32> to vector<16xf32>
      %swap3A_2470 = vector.shape_cast %get3A_2464 : vector<16xf32> to vector<1x16xf32>
      tpu.vector_store %arg20[%swap3A_2466, %swap3A_2467], %swap3A_2470 {strides = array<i32>} : memref<96x128xf32, #tpu.memory_space<vmem>>, vector<1x16xf32>,
      %get3A_2471 = arith.constant 464 : index
      %get3A_2472 = tpu.vector_load %arg17[%get3A_2471] {strides = array<i32>} : memref<1536xf32, #tpu.memory_space<vmem>>, vector<16xf32>,
      %get3A_2473 = vector.shape_cast %get3A_2472 : vector<16xf32> to vector<16xf32>
      %swap3A_2474 = arith.constant 29 : i32
      %swap3A_2475 = arith.index_cast %swap3A_2474 : i32 to index
      %swap3A_2476 = arith.constant 0 : index
      %swap3A_2477 = tpu.vector_load %arg20[%swap3A_2475, %swap3A_2476] {strides = array<i32>} : memref<96x128xf32, #tpu.memory_space<vmem>>, vector<1x16xf32>,
      %swap3A_2478 = vector.shape_cast %swap3A_2477 : vector<1x16xf32> to vector<16xf32>
      %swap3A_2479 = vector.shape_cast %get3A_2473 : vector<16xf32> to vector<1x16xf32>
      tpu.vector_store %arg20[%swap3A_2475, %swap3A_2476], %swap3A_2479 {strides = array<i32>} : memref<96x128xf32, #tpu.memory_space<vmem>>, vector<1x16xf32>,
      %get3A_2480 = arith.constant 464 : index
      %get3A_2481 = tpu.vector_load %arg19[%get3A_2480] {strides = array<i32>} : memref<1536xf32, #tpu.memory_space<vmem>>, vector<16xf32>,
      %get3A_2482 = vector.shape_cast %get3A_2481 : vector<16xf32> to vector<16xf32>
      %swap3A_2483 = arith.constant 29 : i32
      %swap3A_2484 = arith.index_cast %swap3A_2483 : i32 to index
      %swap3A_2485 = arith.constant 16 : index
      %swap3A_2486 = tpu.vector_load %arg20[%swap3A_2484, %swap3A_2485] {strides = array<i32>} : memref<96x128xf32, #tpu.memory_space<vmem>>, vector<1x16xf32>,
      %swap3A_2487 = vector.shape_cast %swap3A_2486 : vector<1x16xf32> to vector<16xf32>
      %swap3A_2488 = vector.shape_cast %get3A_2482 : vector<16xf32> to vector<1x16xf32>
      tpu.vector_store %arg20[%swap3A_2484, %swap3A_2485], %swap3A_2488 {strides = array<i32>} : memref<96x128xf32, #tpu.memory_space<vmem>>, vector<1x16xf32>,
      %get3A_2489 = arith.constant 480 : index
      %get3A_2490 = tpu.vector_load %arg17[%get3A_2489] {strides = array<i32>} : memref<1536xf32, #tpu.memory_space<vmem>>, vector<16xf32>,
      %get3A_2491 = vector.shape_cast %get3A_2490 : vector<16xf32> to vector<16xf32>
      %swap3A_2492 = arith.constant 30 : i32
      %swap3A_2493 = arith.index_cast %swap3A_2492 : i32 to index
      %swap3A_2494 = arith.constant 0 : index
      %swap3A_2495 = tpu.vector_load %arg20[%swap3A_2493, %swap3A_2494] {strides = array<i32>} : memref<96x128xf32, #tpu.memory_space<vmem>>, vector<1x16xf32>,
      %swap3A_2496 = vector.shape_cast %swap3A_2495 : vector<1x16xf32> to vector<16xf32>
      %swap3A_2497 = vector.shape_cast %get3A_2491 : vector<16xf32> to vector<1x16xf32>
      tpu.vector_store %arg20[%swap3A_2493, %swap3A_2494], %swap3A_2497 {strides = array<i32>} : memref<96x128xf32, #tpu.memory_space<vmem>>, vector<1x16xf32>,
      %get3A_2498 = arith.constant 480 : index
      %get3A_2499 = tpu.vector_load %arg19[%get3A_2498] {strides = array<i32>} : memref<1536xf32, #tpu.memory_space<vmem>>, vector<16xf32>,
      %get3A_2500 = vector.shape_cast %get3A_2499 : vector<16xf32> to vector<16xf32>
      %swap3A_2501 = arith.constant 30 : i32
      %swap3A_2502 = arith.index_cast %swap3A_2501 : i32 to index
      %swap3A_2503 = arith.constant 16 : index
      %swap3A_2504 = tpu.vector_load %arg20[%swap3A_2502, %swap3A_2503] {strides = array<i32>} : memref<96x128xf32, #tpu.memory_space<vmem>>, vector<1x16xf32>,
      %swap3A_2505 = vector.shape_cast %swap3A_2504 : vector<1x16xf32> to vector<16xf32>
      %swap3A_2506 = vector.shape_cast %get3A_2500 : vector<16xf32> to vector<1x16xf32>
      tpu.vector_store %arg20[%swap3A_2502, %swap3A_2503], %swap3A_2506 {strides = array<i32>} : memref<96x128xf32, #tpu.memory_space<vmem>>, vector<1x16xf32>,
      %get3A_2507 = arith.constant 496 : index
      %get3A_2508 = tpu.vector_load %arg17[%get3A_2507] {strides = array<i32>} : memref<1536xf32, #tpu.memory_space<vmem>>, vector<16xf32>,
      %get3A_2509 = vector.shape_cast %get3A_2508 : vector<16xf32> to vector<16xf32>
      %swap3A_2510 = arith.constant 31 : i32
      %swap3A_2511 = arith.index_cast %swap3A_2510 : i32 to index
      %swap3A_2512 = arith.constant 0 : index
      %swap3A_2513 = tpu.vector_load %arg20[%swap3A_2511, %swap3A_2512] {strides = array<i32>} : memref<96x128xf32, #tpu.memory_space<vmem>>, vector<1x16xf32>,
      %swap3A_2514 = vector.shape_cast %swap3A_2513 : vector<1x16xf32> to vector<16xf32>
      %swap3A_2515 = vector.shape_cast %get3A_2509 : vector<16xf32> to vector<1x16xf32>
      tpu.vector_store %arg20[%swap3A_2511, %swap3A_2512], %swap3A_2515 {strides = array<i32>} : memref<96x128xf32, #tpu.memory_space<vmem>>, vector<1x16xf32>,
      %get3A_2516 = arith.constant 496 : index
      %get3A_2517 = tpu.vector_load %arg19[%get3A_2516] {strides = array<i32>} : memref<1536xf32, #tpu.memory_space<vmem>>, vector<16xf32>,
      %get3A_2518 = vector.shape_cast %get3A_2517 : vector<16xf32> to vector<16xf32>
      %swap3A_2519 = arith.constant 31 : i32
      %swap3A_2520 = arith.index_cast %swap3A_2519 : i32 to index
      %swap3A_2521 = arith.constant 16 : index
      %swap3A_2522 = tpu.vector_load %arg20[%swap3A_2520, %swap3A_2521] {strides = array<i32>} : memref<96x128xf32, #tpu.memory_space<vmem>>, vector<1x16xf32>,
      %swap3A_2523 = vector.shape_cast %swap3A_2522 : vector<1x16xf32> to vector<16xf32>
      %swap3A_2524 = vector.shape_cast %get3A_2518 : vector<16xf32> to vector<1x16xf32>
      tpu.vector_store %arg20[%swap3A_2520, %swap3A_2521], %swap3A_2524 {strides = array<i32>} : memref<96x128xf32, #tpu.memory_space<vmem>>, vector<1x16xf32>,
      %get3A_2525 = arith.constant 512 : index
      %get3A_2526 = tpu.vector_load %arg17[%get3A_2525] {strides = array<i32>} : memref<1536xf32, #tpu.memory_space<vmem>>, vector<16xf32>,
      %get3A_2527 = vector.shape_cast %get3A_2526 : vector<16xf32> to vector<16xf32>
      %swap3A_2528 = arith.constant 32 : i32
      %swap3A_2529 = arith.index_cast %swap3A_2528 : i32 to index
      %swap3A_2530 = arith.constant 0 : index
      %swap3A_2531 = tpu.vector_load %arg20[%swap3A_2529, %swap3A_2530] {strides = array<i32>} : memref<96x128xf32, #tpu.memory_space<vmem>>, vector<1x16xf32>,
      %swap3A_2532 = vector.shape_cast %swap3A_2531 : vector<1x16xf32> to vector<16xf32>
      %swap3A_2533 = vector.shape_cast %get3A_2527 : vector<16xf32> to vector<1x16xf32>
      tpu.vector_store %arg20[%swap3A_2529, %swap3A_2530], %swap3A_2533 {strides = array<i32>} : memref<96x128xf32, #tpu.memory_space<vmem>>, vector<1x16xf32>,
      %get3A_2534 = arith.constant 512 : index
      %get3A_2535 = tpu.vector_load %arg19[%get3A_2534] {strides = array<i32>} : memref<1536xf32, #tpu.memory_space<vmem>>, vector<16xf32>,
      %get3A_2536 = vector.shape_cast %get3A_2535 : vector<16xf32> to vector<16xf32>
      %swap3A_2537 = arith.constant 32 : i32
      %swap3A_2538 = arith.index_cast %swap3A_2537 : i32 to index
      %swap3A_2539 = arith.constant 16 : index
      %swap3A_2540 = tpu.vector_load %arg20[%swap3A_2538, %swap3A_2539] {strides = array<i32>} : memref<96x128xf32, #tpu.memory_space<vmem>>, vector<1x16xf32>,
      %swap3A_2541 = vector.shape_cast %swap3A_2540 : vector<1x16xf32> to vector<16xf32>
      %swap3A_2542 = vector.shape_cast %get3A_2536 : vector<16xf32> to vector<1x16xf32>
      tpu.vector_store %arg20[%swap3A_2538, %swap3A_2539], %swap3A_2542 {strides = array<i32>} : memref<96x128xf32, #tpu.memory_space<vmem>>, vector<1x16xf32>,
      %get3A_2543 = arith.constant 528 : index
      %get3A_2544 = tpu.vector_load %arg17[%get3A_2543] {strides = array<i32>} : memref<1536xf32, #tpu.memory_space<vmem>>, vector<16xf32>,
      %get3A_2545 = vector.shape_cast %get3A_2544 : vector<16xf32> to vector<16xf32>
      %swap3A_2546 = arith.constant 33 : i32
      %swap3A_2547 = arith.index_cast %swap3A_2546 : i32 to index
      %swap3A_2548 = arith.constant 0 : index
      %swap3A_2549 = tpu.vector_load %arg20[%swap3A_2547, %swap3A_2548] {strides = array<i32>} : memref<96x128xf32, #tpu.memory_space<vmem>>, vector<1x16xf32>,
      %swap3A_2550 = vector.shape_cast %swap3A_2549 : vector<1x16xf32> to vector<16xf32>
      %swap3A_2551 = vector.shape_cast %get3A_2545 : vector<16xf32> to vector<1x16xf32>
      tpu.vector_store %arg20[%swap3A_2547, %swap3A_2548], %swap3A_2551 {strides = array<i32>} : memref<96x128xf32, #tpu.memory_space<vmem>>, vector<1x16xf32>,
      %get3A_2552 = arith.constant 528 : index
      %get3A_2553 = tpu.vector_load %arg19[%get3A_2552] {strides = array<i32>} : memref<1536xf32, #tpu.memory_space<vmem>>, vector<16xf32>,
      %get3A_2554 = vector.shape_cast %get3A_2553 : vector<16xf32> to vector<16xf32>
      %swap3A_2555 = arith.constant 33 : i32
      %swap3A_2556 = arith.index_cast %swap3A_2555 : i32 to index
      %swap3A_2557 = arith.constant 16 : index
      %swap3A_2558 = tpu.vector_load %arg20[%swap3A_2556, %swap3A_2557] {strides = array<i32>} : memref<96x128xf32, #tpu.memory_space<vmem>>, vector<1x16xf32>,
      %swap3A_2559 = vector.shape_cast %swap3A_2558 : vector<1x16xf32> to vector<16xf32>
      %swap3A_2560 = vector.shape_cast %get3A_2554 : vector<16xf32> to vector<1x16xf32>
      tpu.vector_store %arg20[%swap3A_2556, %swap3A_2557], %swap3A_2560 {strides = array<i32>} : memref<96x128xf32, #tpu.memory_space<vmem>>, vector<1x16xf32>,
      %get3A_2561 = arith.constant 544 : index
      %get3A_2562 = tpu.vector_load %arg17[%get3A_2561] {strides = array<i32>} : memref<1536xf32, #tpu.memory_space<vmem>>, vector<16xf32>,
      %get3A_2563 = vector.shape_cast %get3A_2562 : vector<16xf32> to vector<16xf32>
      %swap3A_2564 = arith.constant 34 : i32
      %swap3A_2565 = arith.index_cast %swap3A_2564 : i32 to index
      %swap3A_2566 = arith.constant 0 : index
      %swap3A_2567 = tpu.vector_load %arg20[%swap3A_2565, %swap3A_2566] {strides = array<i32>} : memref<96x128xf32, #tpu.memory_space<vmem>>, vector<1x16xf32>,
      %swap3A_2568 = vector.shape_cast %swap3A_2567 : vector<1x16xf32> to vector<16xf32>
      %swap3A_2569 = vector.shape_cast %get3A_2563 : vector<16xf32> to vector<1x16xf32>
      tpu.vector_store %arg20[%swap3A_2565, %swap3A_2566], %swap3A_2569 {strides = array<i32>} : memref<96x128xf32, #tpu.memory_space<vmem>>, vector<1x16xf32>,
      %get3A_2570 = arith.constant 544 : index
      %get3A_2571 = tpu.vector_load %arg19[%get3A_2570] {strides = array<i32>} : memref<1536xf32, #tpu.memory_space<vmem>>, vector<16xf32>,
      %get3A_2572 = vector.shape_cast %get3A_2571 : vector<16xf32> to vector<16xf32>
      %swap3A_2573 = arith.constant 34 : i32
      %swap3A_2574 = arith.index_cast %swap3A_2573 : i32 to index
      %swap3A_2575 = arith.constant 16 : index
      %swap3A_2576 = tpu.vector_load %arg20[%swap3A_2574, %swap3A_2575] {strides = array<i32>} : memref<96x128xf32, #tpu.memory_space<vmem>>, vector<1x16xf32>,
      %swap3A_2577 = vector.shape_cast %swap3A_2576 : vector<1x16xf32> to vector<16xf32>
      %swap3A_2578 = vector.shape_cast %get3A_2572 : vector<16xf32> to vector<1x16xf32>
      tpu.vector_store %arg20[%swap3A_2574, %swap3A_2575], %swap3A_2578 {strides = array<i32>} : memref<96x128xf32, #tpu.memory_space<vmem>>, vector<1x16xf32>,
      %get3A_2579 = arith.constant 560 : index
      %get3A_2580 = tpu.vector_load %arg17[%get3A_2579] {strides = array<i32>} : memref<1536xf32, #tpu.memory_space<vmem>>, vector<16xf32>,
      %get3A_2581 = vector.shape_cast %get3A_2580 : vector<16xf32> to vector<16xf32>
      %swap3A_2582 = arith.constant 35 : i32
      %swap3A_2583 = arith.index_cast %swap3A_2582 : i32 to index
      %swap3A_2584 = arith.constant 0 : index
      %swap3A_2585 = tpu.vector_load %arg20[%swap3A_2583, %swap3A_2584] {strides = array<i32>} : memref<96x128xf32, #tpu.memory_space<vmem>>, vector<1x16xf32>,
      %swap3A_2586 = vector.shape_cast %swap3A_2585 : vector<1x16xf32> to vector<16xf32>
      %swap3A_2587 = vector.shape_cast %get3A_2581 : vector<16xf32> to vector<1x16xf32>
      tpu.vector_store %arg20[%swap3A_2583, %swap3A_2584], %swap3A_2587 {strides = array<i32>} : memref<96x128xf32, #tpu.memory_space<vmem>>, vector<1x16xf32>,
      %get3A_2588 = arith.constant 560 : index
      %get3A_2589 = tpu.vector_load %arg19[%get3A_2588] {strides = array<i32>} : memref<1536xf32, #tpu.memory_space<vmem>>, vector<16xf32>,
      %get3A_2590 = vector.shape_cast %get3A_2589 : vector<16xf32> to vector<16xf32>
      %swap3A_2591 = arith.constant 35 : i32
      %swap3A_2592 = arith.index_cast %swap3A_2591 : i32 to index
      %swap3A_2593 = arith.constant 16 : index
      %swap3A_2594 = tpu.vector_load %arg20[%swap3A_2592, %swap3A_2593] {strides = array<i32>} : memref<96x128xf32, #tpu.memory_space<vmem>>, vector<1x16xf32>,
      %swap3A_2595 = vector.shape_cast %swap3A_2594 : vector<1x16xf32> to vector<16xf32>
      %swap3A_2596 = vector.shape_cast %get3A_2590 : vector<16xf32> to vector<1x16xf32>
      tpu.vector_store %arg20[%swap3A_2592, %swap3A_2593], %swap3A_2596 {strides = array<i32>} : memref<96x128xf32, #tpu.memory_space<vmem>>, vector<1x16xf32>,
      %get3A_2597 = arith.constant 576 : index
      %get3A_2598 = tpu.vector_load %arg17[%get3A_2597] {strides = array<i32>} : memref<1536xf32, #tpu.memory_space<vmem>>, vector<16xf32>,
      %get3A_2599 = vector.shape_cast %get3A_2598 : vector<16xf32> to vector<16xf32>
      %swap3A_2600 = arith.constant 36 : i32
      %swap3A_2601 = arith.index_cast %swap3A_2600 : i32 to index
      %swap3A_2602 = arith.constant 0 : index
      %swap3A_2603 = tpu.vector_load %arg20[%swap3A_2601, %swap3A_2602] {strides = array<i32>} : memref<96x128xf32, #tpu.memory_space<vmem>>, vector<1x16xf32>,
      %swap3A_2604 = vector.shape_cast %swap3A_2603 : vector<1x16xf32> to vector<16xf32>
      %swap3A_2605 = vector.shape_cast %get3A_2599 : vector<16xf32> to vector<1x16xf32>
      tpu.vector_store %arg20[%swap3A_2601, %swap3A_2602], %swap3A_2605 {strides = array<i32>} : memref<96x128xf32, #tpu.memory_space<vmem>>, vector<1x16xf32>,
      %get3A_2606 = arith.constant 576 : index
      %get3A_2607 = tpu.vector_load %arg19[%get3A_2606] {strides = array<i32>} : memref<1536xf32, #tpu.memory_space<vmem>>, vector<16xf32>,
      %get3A_2608 = vector.shape_cast %get3A_2607 : vector<16xf32> to vector<16xf32>
      %swap3A_2609 = arith.constant 36 : i32
      %swap3A_2610 = arith.index_cast %swap3A_2609 : i32 to index
      %swap3A_2611 = arith.constant 16 : index
      %swap3A_2612 = tpu.vector_load %arg20[%swap3A_2610, %swap3A_2611] {strides = array<i32>} : memref<96x128xf32, #tpu.memory_space<vmem>>, vector<1x16xf32>,
      %swap3A_2613 = vector.shape_cast %swap3A_2612 : vector<1x16xf32> to vector<16xf32>
      %swap3A_2614 = vector.shape_cast %get3A_2608 : vector<16xf32> to vector<1x16xf32>
      tpu.vector_store %arg20[%swap3A_2610, %swap3A_2611], %swap3A_2614 {strides = array<i32>} : memref<96x128xf32, #tpu.memory_space<vmem>>, vector<1x16xf32>,
      %get3A_2615 = arith.constant 592 : index
      %get3A_2616 = tpu.vector_load %arg17[%get3A_2615] {strides = array<i32>} : memref<1536xf32, #tpu.memory_space<vmem>>, vector<16xf32>,
      %get3A_2617 = vector.shape_cast %get3A_2616 : vector<16xf32> to vector<16xf32>
      %swap3A_2618 = arith.constant 37 : i32
      %swap3A_2619 = arith.index_cast %swap3A_2618 : i32 to index
      %swap3A_2620 = arith.constant 0 : index
      %swap3A_2621 = tpu.vector_load %arg20[%swap3A_2619, %swap3A_2620] {strides = array<i32>} : memref<96x128xf32, #tpu.memory_space<vmem>>, vector<1x16xf32>,
      %swap3A_2622 = vector.shape_cast %swap3A_2621 : vector<1x16xf32> to vector<16xf32>
      %swap3A_2623 = vector.shape_cast %get3A_2617 : vector<16xf32> to vector<1x16xf32>
      tpu.vector_store %arg20[%swap3A_2619, %swap3A_2620], %swap3A_2623 {strides = array<i32>} : memref<96x128xf32, #tpu.memory_space<vmem>>, vector<1x16xf32>,
      %get3A_2624 = arith.constant 592 : index
      %get3A_2625 = tpu.vector_load %arg19[%get3A_2624] {strides = array<i32>} : memref<1536xf32, #tpu.memory_space<vmem>>, vector<16xf32>,
      %get3A_2626 = vector.shape_cast %get3A_2625 : vector<16xf32> to vector<16xf32>
      %swap3A_2627 = arith.constant 37 : i32
      %swap3A_2628 = arith.index_cast %swap3A_2627 : i32 to index
      %swap3A_2629 = arith.constant 16 : index
      %swap3A_2630 = tpu.vector_load %arg20[%swap3A_2628, %swap3A_2629] {strides = array<i32>} : memref<96x128xf32, #tpu.memory_space<vmem>>, vector<1x16xf32>,
      %swap3A_2631 = vector.shape_cast %swap3A_2630 : vector<1x16xf32> to vector<16xf32>
      %swap3A_2632 = vector.shape_cast %get3A_2626 : vector<16xf32> to vector<1x16xf32>
      tpu.vector_store %arg20[%swap3A_2628, %swap3A_2629], %swap3A_2632 {strides = array<i32>} : memref<96x128xf32, #tpu.memory_space<vmem>>, vector<1x16xf32>,
      %get3A_2633 = arith.constant 608 : index
      %get3A_2634 = tpu.vector_load %arg17[%get3A_2633] {strides = array<i32>} : memref<1536xf32, #tpu.memory_space<vmem>>, vector<16xf32>,
      %get3A_2635 = vector.shape_cast %get3A_2634 : vector<16xf32> to vector<16xf32>
      %swap3A_2636 = arith.constant 38 : i32
      %swap3A_2637 = arith.index_cast %swap3A_2636 : i32 to index
      %swap3A_2638 = arith.constant 0 : index
      %swap3A_2639 = tpu.vector_load %arg20[%swap3A_2637, %swap3A_2638] {strides = array<i32>} : memref<96x128xf32, #tpu.memory_space<vmem>>, vector<1x16xf32>,
      %swap3A_2640 = vector.shape_cast %swap3A_2639 : vector<1x16xf32> to vector<16xf32>
      %swap3A_2641 = vector.shape_cast %get3A_2635 : vector<16xf32> to vector<1x16xf32>
      tpu.vector_store %arg20[%swap3A_2637, %swap3A_2638], %swap3A_2641 {strides = array<i32>} : memref<96x128xf32, #tpu.memory_space<vmem>>, vector<1x16xf32>,
      %get3A_2642 = arith.constant 608 : index
      %get3A_2643 = tpu.vector_load %arg19[%get3A_2642] {strides = array<i32>} : memref<1536xf32, #tpu.memory_space<vmem>>, vector<16xf32>,
      %get3A_2644 = vector.shape_cast %get3A_2643 : vector<16xf32> to vector<16xf32>
      %swap3A_2645 = arith.constant 38 : i32
      %swap3A_2646 = arith.index_cast %swap3A_2645 : i32 to index
      %swap3A_2647 = arith.constant 16 : index
      %swap3A_2648 = tpu.vector_load %arg20[%swap3A_2646, %swap3A_2647] {strides = array<i32>} : memref<96x128xf32, #tpu.memory_space<vmem>>, vector<1x16xf32>,
      %swap3A_2649 = vector.shape_cast %swap3A_2648 : vector<1x16xf32> to vector<16xf32>
      %swap3A_2650 = vector.shape_cast %get3A_2644 : vector<16xf32> to vector<1x16xf32>
      tpu.vector_store %arg20[%swap3A_2646, %swap3A_2647], %swap3A_2650 {strides = array<i32>} : memref<96x128xf32, #tpu.memory_space<vmem>>, vector<1x16xf32>,
      %get3A_2651 = arith.constant 624 : index
      %get3A_2652 = tpu.vector_load %arg17[%get3A_2651] {strides = array<i32>} : memref<1536xf32, #tpu.memory_space<vmem>>, vector<16xf32>,
      %get3A_2653 = vector.shape_cast %get3A_2652 : vector<16xf32> to vector<16xf32>
      %swap3A_2654 = arith.constant 39 : i32
      %swap3A_2655 = arith.index_cast %swap3A_2654 : i32 to index
      %swap3A_2656 = arith.constant 0 : index
      %swap3A_2657 = tpu.vector_load %arg20[%swap3A_2655, %swap3A_2656] {strides = array<i32>} : memref<96x128xf32, #tpu.memory_space<vmem>>, vector<1x16xf32>,
      %swap3A_2658 = vector.shape_cast %swap3A_2657 : vector<1x16xf32> to vector<16xf32>
      %swap3A_2659 = vector.shape_cast %get3A_2653 : vector<16xf32> to vector<1x16xf32>
      tpu.vector_store %arg20[%swap3A_2655, %swap3A_2656], %swap3A_2659 {strides = array<i32>} : memref<96x128xf32, #tpu.memory_space<vmem>>, vector<1x16xf32>,
      %get3A_2660 = arith.constant 624 : index
      %get3A_2661 = tpu.vector_load %arg19[%get3A_2660] {strides = array<i32>} : memref<1536xf32, #tpu.memory_space<vmem>>, vector<16xf32>,
      %get3A_2662 = vector.shape_cast %get3A_2661 : vector<16xf32> to vector<16xf32>
      %swap3A_2663 = arith.constant 39 : i32
      %swap3A_2664 = arith.index_cast %swap3A_2663 : i32 to index
      %swap3A_2665 = arith.constant 16 : index
      %swap3A_2666 = tpu.vector_load %arg20[%swap3A_2664, %swap3A_2665] {strides = array<i32>} : memref<96x128xf32, #tpu.memory_space<vmem>>, vector<1x16xf32>,
      %swap3A_2667 = vector.shape_cast %swap3A_2666 : vector<1x16xf32> to vector<16xf32>
      %swap3A_2668 = vector.shape_cast %get3A_2662 : vector<16xf32> to vector<1x16xf32>
      tpu.vector_store %arg20[%swap3A_2664, %swap3A_2665], %swap3A_2668 {strides = array<i32>} : memref<96x128xf32, #tpu.memory_space<vmem>>, vector<1x16xf32>,
      %get3A_2669 = arith.constant 640 : index
      %get3A_2670 = tpu.vector_load %arg17[%get3A_2669] {strides = array<i32>} : memref<1536xf32, #tpu.memory_space<vmem>>, vector<16xf32>,
      %get3A_2671 = vector.shape_cast %get3A_2670 : vector<16xf32> to vector<16xf32>
      %swap3A_2672 = arith.constant 40 : i32
      %swap3A_2673 = arith.index_cast %swap3A_2672 : i32 to index
      %swap3A_2674 = arith.constant 0 : index
      %swap3A_2675 = tpu.vector_load %arg20[%swap3A_2673, %swap3A_2674] {strides = array<i32>} : memref<96x128xf32, #tpu.memory_space<vmem>>, vector<1x16xf32>,
      %swap3A_2676 = vector.shape_cast %swap3A_2675 : vector<1x16xf32> to vector<16xf32>
      %swap3A_2677 = vector.shape_cast %get3A_2671 : vector<16xf32> to vector<1x16xf32>
      tpu.vector_store %arg20[%swap3A_2673, %swap3A_2674], %swap3A_2677 {strides = array<i32>} : memref<96x128xf32, #tpu.memory_space<vmem>>, vector<1x16xf32>,
      %get3A_2678 = arith.constant 640 : index
      %get3A_2679 = tpu.vector_load %arg19[%get3A_2678] {strides = array<i32>} : memref<1536xf32, #tpu.memory_space<vmem>>, vector<16xf32>,
      %get3A_2680 = vector.shape_cast %get3A_2679 : vector<16xf32> to vector<16xf32>
      %swap3A_2681 = arith.constant 40 : i32
      %swap3A_2682 = arith.index_cast %swap3A_2681 : i32 to index
      %swap3A_2683 = arith.constant 16 : index
      %swap3A_2684 = tpu.vector_load %arg20[%swap3A_2682, %swap3A_2683] {strides = array<i32>} : memref<96x128xf32, #tpu.memory_space<vmem>>, vector<1x16xf32>,
      %swap3A_2685 = vector.shape_cast %swap3A_2684 : vector<1x16xf32> to vector<16xf32>
      %swap3A_2686 = vector.shape_cast %get3A_2680 : vector<16xf32> to vector<1x16xf32>
      tpu.vector_store %arg20[%swap3A_2682, %swap3A_2683], %swap3A_2686 {strides = array<i32>} : memref<96x128xf32, #tpu.memory_space<vmem>>, vector<1x16xf32>,
      %get3A_2687 = arith.constant 656 : index
      %get3A_2688 = tpu.vector_load %arg17[%get3A_2687] {strides = array<i32>} : memref<1536xf32, #tpu.memory_space<vmem>>, vector<16xf32>,
      %get3A_2689 = vector.shape_cast %get3A_2688 : vector<16xf32> to vector<16xf32>
      %swap3A_2690 = arith.constant 41 : i32
      %swap3A_2691 = arith.index_cast %swap3A_2690 : i32 to index
      %swap3A_2692 = arith.constant 0 : index
      %swap3A_2693 = tpu.vector_load %arg20[%swap3A_2691, %swap3A_2692] {strides = array<i32>} : memref<96x128xf32, #tpu.memory_space<vmem>>, vector<1x16xf32>,
      %swap3A_2694 = vector.shape_cast %swap3A_2693 : vector<1x16xf32> to vector<16xf32>
      %swap3A_2695 = vector.shape_cast %get3A_2689 : vector<16xf32> to vector<1x16xf32>
      tpu.vector_store %arg20[%swap3A_2691, %swap3A_2692], %swap3A_2695 {strides = array<i32>} : memref<96x128xf32, #tpu.memory_space<vmem>>, vector<1x16xf32>,
      %get3A_2696 = arith.constant 656 : index
      %get3A_2697 = tpu.vector_load %arg19[%get3A_2696] {strides = array<i32>} : memref<1536xf32, #tpu.memory_space<vmem>>, vector<16xf32>,
      %get3A_2698 = vector.shape_cast %get3A_2697 : vector<16xf32> to vector<16xf32>
      %swap3A_2699 = arith.constant 41 : i32
      %swap3A_2700 = arith.index_cast %swap3A_2699 : i32 to index
      %swap3A_2701 = arith.constant 16 : index
      %swap3A_2702 = tpu.vector_load %arg20[%swap3A_2700, %swap3A_2701] {strides = array<i32>} : memref<96x128xf32, #tpu.memory_space<vmem>>, vector<1x16xf32>,
      %swap3A_2703 = vector.shape_cast %swap3A_2702 : vector<1x16xf32> to vector<16xf32>
      %swap3A_2704 = vector.shape_cast %get3A_2698 : vector<16xf32> to vector<1x16xf32>
      tpu.vector_store %arg20[%swap3A_2700, %swap3A_2701], %swap3A_2704 {strides = array<i32>} : memref<96x128xf32, #tpu.memory_space<vmem>>, vector<1x16xf32>,
      %get3A_2705 = arith.constant 672 : index
      %get3A_2706 = tpu.vector_load %arg17[%get3A_2705] {strides = array<i32>} : memref<1536xf32, #tpu.memory_space<vmem>>, vector<16xf32>,
      %get3A_2707 = vector.shape_cast %get3A_2706 : vector<16xf32> to vector<16xf32>
      %swap3A_2708 = arith.constant 42 : i32
      %swap3A_2709 = arith.index_cast %swap3A_2708 : i32 to index
      %swap3A_2710 = arith.constant 0 : index
      %swap3A_2711 = tpu.vector_load %arg20[%swap3A_2709, %swap3A_2710] {strides = array<i32>} : memref<96x128xf32, #tpu.memory_space<vmem>>, vector<1x16xf32>,
      %swap3A_2712 = vector.shape_cast %swap3A_2711 : vector<1x16xf32> to vector<16xf32>
      %swap3A_2713 = vector.shape_cast %get3A_2707 : vector<16xf32> to vector<1x16xf32>
      tpu.vector_store %arg20[%swap3A_2709, %swap3A_2710], %swap3A_2713 {strides = array<i32>} : memref<96x128xf32, #tpu.memory_space<vmem>>, vector<1x16xf32>,
      %get3A_2714 = arith.constant 672 : index
      %get3A_2715 = tpu.vector_load %arg19[%get3A_2714] {strides = array<i32>} : memref<1536xf32, #tpu.memory_space<vmem>>, vector<16xf32>,
      %get3A_2716 = vector.shape_cast %get3A_2715 : vector<16xf32> to vector<16xf32>
      %swap3A_2717 = arith.constant 42 : i32
      %swap3A_2718 = arith.index_cast %swap3A_2717 : i32 to index
      %swap3A_2719 = arith.constant 16 : index
      %swap3A_2720 = tpu.vector_load %arg20[%swap3A_2718, %swap3A_2719] {strides = array<i32>} : memref<96x128xf32, #tpu.memory_space<vmem>>, vector<1x16xf32>,
      %swap3A_2721 = vector.shape_cast %swap3A_2720 : vector<1x16xf32> to vector<16xf32>
      %swap3A_2722 = vector.shape_cast %get3A_2716 : vector<16xf32> to vector<1x16xf32>
      tpu.vector_store %arg20[%swap3A_2718, %swap3A_2719], %swap3A_2722 {strides = array<i32>} : memref<96x128xf32, #tpu.memory_space<vmem>>, vector<1x16xf32>,
      %get3A_2723 = arith.constant 688 : index
      %get3A_2724 = tpu.vector_load %arg17[%get3A_2723] {strides = array<i32>} : memref<1536xf32, #tpu.memory_space<vmem>>, vector<16xf32>,
      %get3A_2725 = vector.shape_cast %get3A_2724 : vector<16xf32> to vector<16xf32>
      %swap3A_2726 = arith.constant 43 : i32
      %swap3A_2727 = arith.index_cast %swap3A_2726 : i32 to index
      %swap3A_2728 = arith.constant 0 : index
      %swap3A_2729 = tpu.vector_load %arg20[%swap3A_2727, %swap3A_2728] {strides = array<i32>} : memref<96x128xf32, #tpu.memory_space<vmem>>, vector<1x16xf32>,
      %swap3A_2730 = vector.shape_cast %swap3A_2729 : vector<1x16xf32> to vector<16xf32>
      %swap3A_2731 = vector.shape_cast %get3A_2725 : vector<16xf32> to vector<1x16xf32>
      tpu.vector_store %arg20[%swap3A_2727, %swap3A_2728], %swap3A_2731 {strides = array<i32>} : memref<96x128xf32, #tpu.memory_space<vmem>>, vector<1x16xf32>,
      %get3A_2732 = arith.constant 688 : index
      %get3A_2733 = tpu.vector_load %arg19[%get3A_2732] {strides = array<i32>} : memref<1536xf32, #tpu.memory_space<vmem>>, vector<16xf32>,
      %get3A_2734 = vector.shape_cast %get3A_2733 : vector<16xf32> to vector<16xf32>
      %swap3A_2735 = arith.constant 43 : i32
      %swap3A_2736 = arith.index_cast %swap3A_2735 : i32 to index
      %swap3A_2737 = arith.constant 16 : index
      %swap3A_2738 = tpu.vector_load %arg20[%swap3A_2736, %swap3A_2737] {strides = array<i32>} : memref<96x128xf32, #tpu.memory_space<vmem>>, vector<1x16xf32>,
      %swap3A_2739 = vector.shape_cast %swap3A_2738 : vector<1x16xf32> to vector<16xf32>
      %swap3A_2740 = vector.shape_cast %get3A_2734 : vector<16xf32> to vector<1x16xf32>
      tpu.vector_store %arg20[%swap3A_2736, %swap3A_2737], %swap3A_2740 {strides = array<i32>} : memref<96x128xf32, #tpu.memory_space<vmem>>, vector<1x16xf32>,
      %get3A_2741 = arith.constant 704 : index
      %get3A_2742 = tpu.vector_load %arg17[%get3A_2741] {strides = array<i32>} : memref<1536xf32, #tpu.memory_space<vmem>>, vector<16xf32>,
      %get3A_2743 = vector.shape_cast %get3A_2742 : vector<16xf32> to vector<16xf32>
      %swap3A_2744 = arith.constant 44 : i32
      %swap3A_2745 = arith.index_cast %swap3A_2744 : i32 to index
      %swap3A_2746 = arith.constant 0 : index
      %swap3A_2747 = tpu.vector_load %arg20[%swap3A_2745, %swap3A_2746] {strides = array<i32>} : memref<96x128xf32, #tpu.memory_space<vmem>>, vector<1x16xf32>,
      %swap3A_2748 = vector.shape_cast %swap3A_2747 : vector<1x16xf32> to vector<16xf32>
      %swap3A_2749 = vector.shape_cast %get3A_2743 : vector<16xf32> to vector<1x16xf32>
      tpu.vector_store %arg20[%swap3A_2745, %swap3A_2746], %swap3A_2749 {strides = array<i32>} : memref<96x128xf32, #tpu.memory_space<vmem>>, vector<1x16xf32>,
      %get3A_2750 = arith.constant 704 : index
      %get3A_2751 = tpu.vector_load %arg19[%get3A_2750] {strides = array<i32>} : memref<1536xf32, #tpu.memory_space<vmem>>, vector<16xf32>,
      %get3A_2752 = vector.shape_cast %get3A_2751 : vector<16xf32> to vector<16xf32>
      %swap3A_2753 = arith.constant 44 : i32
      %swap3A_2754 = arith.index_cast %swap3A_2753 : i32 to index
      %swap3A_2755 = arith.constant 16 : index
      %swap3A_2756 = tpu.vector_load %arg20[%swap3A_2754, %swap3A_2755] {strides = array<i32>} : memref<96x128xf32, #tpu.memory_space<vmem>>, vector<1x16xf32>,
      %swap3A_2757 = vector.shape_cast %swap3A_2756 : vector<1x16xf32> to vector<16xf32>
      %swap3A_2758 = vector.shape_cast %get3A_2752 : vector<16xf32> to vector<1x16xf32>
      tpu.vector_store %arg20[%swap3A_2754, %swap3A_2755], %swap3A_2758 {strides = array<i32>} : memref<96x128xf32, #tpu.memory_space<vmem>>, vector<1x16xf32>,
      %get3A_2759 = arith.constant 720 : index
      %get3A_2760 = tpu.vector_load %arg17[%get3A_2759] {strides = array<i32>} : memref<1536xf32, #tpu.memory_space<vmem>>, vector<16xf32>,
      %get3A_2761 = vector.shape_cast %get3A_2760 : vector<16xf32> to vector<16xf32>
      %swap3A_2762 = arith.constant 45 : i32
      %swap3A_2763 = arith.index_cast %swap3A_2762 : i32 to index
      %swap3A_2764 = arith.constant 0 : index
      %swap3A_2765 = tpu.vector_load %arg20[%swap3A_2763, %swap3A_2764] {strides = array<i32>} : memref<96x128xf32, #tpu.memory_space<vmem>>, vector<1x16xf32>,
      %swap3A_2766 = vector.shape_cast %swap3A_2765 : vector<1x16xf32> to vector<16xf32>
      %swap3A_2767 = vector.shape_cast %get3A_2761 : vector<16xf32> to vector<1x16xf32>
      tpu.vector_store %arg20[%swap3A_2763, %swap3A_2764], %swap3A_2767 {strides = array<i32>} : memref<96x128xf32, #tpu.memory_space<vmem>>, vector<1x16xf32>,
      %get3A_2768 = arith.constant 720 : index
      %get3A_2769 = tpu.vector_load %arg19[%get3A_2768] {strides = array<i32>} : memref<1536xf32, #tpu.memory_space<vmem>>, vector<16xf32>,
      %get3A_2770 = vector.shape_cast %get3A_2769 : vector<16xf32> to vector<16xf32>
      %swap3A_2771 = arith.constant 45 : i32
      %swap3A_2772 = arith.index_cast %swap3A_2771 : i32 to index
      %swap3A_2773 = arith.constant 16 : index
      %swap3A_2774 = tpu.vector_load %arg20[%swap3A_2772, %swap3A_2773] {strides = array<i32>} : memref<96x128xf32, #tpu.memory_space<vmem>>, vector<1x16xf32>,
      %swap3A_2775 = vector.shape_cast %swap3A_2774 : vector<1x16xf32> to vector<16xf32>
      %swap3A_2776 = vector.shape_cast %get3A_2770 : vector<16xf32> to vector<1x16xf32>
      tpu.vector_store %arg20[%swap3A_2772, %swap3A_2773], %swap3A_2776 {strides = array<i32>} : memref<96x128xf32, #tpu.memory_space<vmem>>, vector<1x16xf32>,
      %get3A_2777 = arith.constant 736 : index
      %get3A_2778 = tpu.vector_load %arg17[%get3A_2777] {strides = array<i32>} : memref<1536xf32, #tpu.memory_space<vmem>>, vector<16xf32>,
      %get3A_2779 = vector.shape_cast %get3A_2778 : vector<16xf32> to vector<16xf32>
      %swap3A_2780 = arith.constant 46 : i32
      %swap3A_2781 = arith.index_cast %swap3A_2780 : i32 to index
      %swap3A_2782 = arith.constant 0 : index
      %swap3A_2783 = tpu.vector_load %arg20[%swap3A_2781, %swap3A_2782] {strides = array<i32>} : memref<96x128xf32, #tpu.memory_space<vmem>>, vector<1x16xf32>,
      %swap3A_2784 = vector.shape_cast %swap3A_2783 : vector<1x16xf32> to vector<16xf32>
      %swap3A_2785 = vector.shape_cast %get3A_2779 : vector<16xf32> to vector<1x16xf32>
      tpu.vector_store %arg20[%swap3A_2781, %swap3A_2782], %swap3A_2785 {strides = array<i32>} : memref<96x128xf32, #tpu.memory_space<vmem>>, vector<1x16xf32>,
      %get3A_2786 = arith.constant 736 : index
      %get3A_2787 = tpu.vector_load %arg19[%get3A_2786] {strides = array<i32>} : memref<1536xf32, #tpu.memory_space<vmem>>, vector<16xf32>,
      %get3A_2788 = vector.shape_cast %get3A_2787 : vector<16xf32> to vector<16xf32>
      %swap3A_2789 = arith.constant 46 : i32
      %swap3A_2790 = arith.index_cast %swap3A_2789 : i32 to index
      %swap3A_2791 = arith.constant 16 : index
      %swap3A_2792 = tpu.vector_load %arg20[%swap3A_2790, %swap3A_2791] {strides = array<i32>} : memref<96x128xf32, #tpu.memory_space<vmem>>, vector<1x16xf32>,
      %swap3A_2793 = vector.shape_cast %swap3A_2792 : vector<1x16xf32> to vector<16xf32>
      %swap3A_2794 = vector.shape_cast %get3A_2788 : vector<16xf32> to vector<1x16xf32>
      tpu.vector_store %arg20[%swap3A_2790, %swap3A_2791], %swap3A_2794 {strides = array<i32>} : memref<96x128xf32, #tpu.memory_space<vmem>>, vector<1x16xf32>,
      %get3A_2795 = arith.constant 752 : index
      %get3A_2796 = tpu.vector_load %arg17[%get3A_2795] {strides = array<i32>} : memref<1536xf32, #tpu.memory_space<vmem>>, vector<16xf32>,
      %get3A_2797 = vector.shape_cast %get3A_2796 : vector<16xf32> to vector<16xf32>
      %swap3A_2798 = arith.constant 47 : i32
      %swap3A_2799 = arith.index_cast %swap3A_2798 : i32 to index
      %swap3A_2800 = arith.constant 0 : index
      %swap3A_2801 = tpu.vector_load %arg20[%swap3A_2799, %swap3A_2800] {strides = array<i32>} : memref<96x128xf32, #tpu.memory_space<vmem>>, vector<1x16xf32>,
      %swap3A_2802 = vector.shape_cast %swap3A_2801 : vector<1x16xf32> to vector<16xf32>
      %swap3A_2803 = vector.shape_cast %get3A_2797 : vector<16xf32> to vector<1x16xf32>
      tpu.vector_store %arg20[%swap3A_2799, %swap3A_2800], %swap3A_2803 {strides = array<i32>} : memref<96x128xf32, #tpu.memory_space<vmem>>, vector<1x16xf32>,
      %get3A_2804 = arith.constant 752 : index
      %get3A_2805 = tpu.vector_load %arg19[%get3A_2804] {strides = array<i32>} : memref<1536xf32, #tpu.memory_space<vmem>>, vector<16xf32>,
      %get3A_2806 = vector.shape_cast %get3A_2805 : vector<16xf32> to vector<16xf32>
      %swap3A_2807 = arith.constant 47 : i32
      %swap3A_2808 = arith.index_cast %swap3A_2807 : i32 to index
      %swap3A_2809 = arith.constant 16 : index
      %swap3A_2810 = tpu.vector_load %arg20[%swap3A_2808, %swap3A_2809] {strides = array<i32>} : memref<96x128xf32, #tpu.memory_space<vmem>>, vector<1x16xf32>,
      %swap3A_2811 = vector.shape_cast %swap3A_2810 : vector<1x16xf32> to vector<16xf32>
      %swap3A_2812 = vector.shape_cast %get3A_2806 : vector<16xf32> to vector<1x16xf32>
      tpu.vector_store %arg20[%swap3A_2808, %swap3A_2809], %swap3A_2812 {strides = array<i32>} : memref<96x128xf32, #tpu.memory_space<vmem>>, vector<1x16xf32>,
      %get3A_2813 = arith.constant 768 : index
      %get3A_2814 = tpu.vector_load %arg17[%get3A_2813] {strides = array<i32>} : memref<1536xf32, #tpu.memory_space<vmem>>, vector<16xf32>,
      %get3A_2815 = vector.shape_cast %get3A_2814 : vector<16xf32> to vector<16xf32>
      %swap3A_2816 = arith.constant 48 : i32
      %swap3A_2817 = arith.index_cast %swap3A_2816 : i32 to index
      %swap3A_2818 = arith.constant 0 : index
      %swap3A_2819 = tpu.vector_load %arg20[%swap3A_2817, %swap3A_2818] {strides = array<i32>} : memref<96x128xf32, #tpu.memory_space<vmem>>, vector<1x16xf32>,
      %swap3A_2820 = vector.shape_cast %swap3A_2819 : vector<1x16xf32> to vector<16xf32>
      %swap3A_2821 = vector.shape_cast %get3A_2815 : vector<16xf32> to vector<1x16xf32>
      tpu.vector_store %arg20[%swap3A_2817, %swap3A_2818], %swap3A_2821 {strides = array<i32>} : memref<96x128xf32, #tpu.memory_space<vmem>>, vector<1x16xf32>,
      %get3A_2822 = arith.constant 768 : index
      %get3A_2823 = tpu.vector_load %arg19[%get3A_2822] {strides = array<i32>} : memref<1536xf32, #tpu.memory_space<vmem>>, vector<16xf32>,
      %get3A_2824 = vector.shape_cast %get3A_2823 : vector<16xf32> to vector<16xf32>
      %swap3A_2825 = arith.constant 48 : i32
      %swap3A_2826 = arith.index_cast %swap3A_2825 : i32 to index
      %swap3A_2827 = arith.constant 16 : index
      %swap3A_2828 = tpu.vector_load %arg20[%swap3A_2826, %swap3A_2827] {strides = array<i32>} : memref<96x128xf32, #tpu.memory_space<vmem>>, vector<1x16xf32>,
      %swap3A_2829 = vector.shape_cast %swap3A_2828 : vector<1x16xf32> to vector<16xf32>
      %swap3A_2830 = vector.shape_cast %get3A_2824 : vector<16xf32> to vector<1x16xf32>
      tpu.vector_store %arg20[%swap3A_2826, %swap3A_2827], %swap3A_2830 {strides = array<i32>} : memref<96x128xf32, #tpu.memory_space<vmem>>, vector<1x16xf32>,
      %get3A_2831 = arith.constant 784 : index
      %get3A_2832 = tpu.vector_load %arg17[%get3A_2831] {strides = array<i32>} : memref<1536xf32, #tpu.memory_space<vmem>>, vector<16xf32>,
      %get3A_2833 = vector.shape_cast %get3A_2832 : vector<16xf32> to vector<16xf32>
      %swap3A_2834 = arith.constant 49 : i32
      %swap3A_2835 = arith.index_cast %swap3A_2834 : i32 to index
      %swap3A_2836 = arith.constant 0 : index
      %swap3A_2837 = tpu.vector_load %arg20[%swap3A_2835, %swap3A_2836] {strides = array<i32>} : memref<96x128xf32, #tpu.memory_space<vmem>>, vector<1x16xf32>,
      %swap3A_2838 = vector.shape_cast %swap3A_2837 : vector<1x16xf32> to vector<16xf32>
      %swap3A_2839 = vector.shape_cast %get3A_2833 : vector<16xf32> to vector<1x16xf32>
      tpu.vector_store %arg20[%swap3A_2835, %swap3A_2836], %swap3A_2839 {strides = array<i32>} : memref<96x128xf32, #tpu.memory_space<vmem>>, vector<1x16xf32>,
      %get3A_2840 = arith.constant 784 : index
      %get3A_2841 = tpu.vector_load %arg19[%get3A_2840] {strides = array<i32>} : memref<1536xf32, #tpu.memory_space<vmem>>, vector<16xf32>,
      %get3A_2842 = vector.shape_cast %get3A_2841 : vector<16xf32> to vector<16xf32>
      %swap3A_2843 = arith.constant 49 : i32
      %swap3A_2844 = arith.index_cast %swap3A_2843 : i32 to index
      %swap3A_2845 = arith.constant 16 : index
      %swap3A_2846 = tpu.vector_load %arg20[%swap3A_2844, %swap3A_2845] {strides = array<i32>} : memref<96x128xf32, #tpu.memory_space<vmem>>, vector<1x16xf32>,
      %swap3A_2847 = vector.shape_cast %swap3A_2846 : vector<1x16xf32> to vector<16xf32>
      %swap3A_2848 = vector.shape_cast %get3A_2842 : vector<16xf32> to vector<1x16xf32>
      tpu.vector_store %arg20[%swap3A_2844, %swap3A_2845], %swap3A_2848 {strides = array<i32>} : memref<96x128xf32, #tpu.memory_space<vmem>>, vector<1x16xf32>,
      %get3A_2849 = arith.constant 800 : index
      %get3A_2850 = tpu.vector_load %arg17[%get3A_2849] {strides = array<i32>} : memref<1536xf32, #tpu.memory_space<vmem>>, vector<16xf32>,
      %get3A_2851 = vector.shape_cast %get3A_2850 : vector<16xf32> to vector<16xf32>
      %swap3A_2852 = arith.constant 50 : i32
      %swap3A_2853 = arith.index_cast %swap3A_2852 : i32 to index
      %swap3A_2854 = arith.constant 0 : index
      %swap3A_2855 = tpu.vector_load %arg20[%swap3A_2853, %swap3A_2854] {strides = array<i32>} : memref<96x128xf32, #tpu.memory_space<vmem>>, vector<1x16xf32>,
      %swap3A_2856 = vector.shape_cast %swap3A_2855 : vector<1x16xf32> to vector<16xf32>
      %swap3A_2857 = vector.shape_cast %get3A_2851 : vector<16xf32> to vector<1x16xf32>
      tpu.vector_store %arg20[%swap3A_2853, %swap3A_2854], %swap3A_2857 {strides = array<i32>} : memref<96x128xf32, #tpu.memory_space<vmem>>, vector<1x16xf32>,
      %get3A_2858 = arith.constant 800 : index
      %get3A_2859 = tpu.vector_load %arg19[%get3A_2858] {strides = array<i32>} : memref<1536xf32, #tpu.memory_space<vmem>>, vector<16xf32>,
      %get3A_2860 = vector.shape_cast %get3A_2859 : vector<16xf32> to vector<16xf32>
      %swap3A_2861 = arith.constant 50 : i32
      %swap3A_2862 = arith.index_cast %swap3A_2861 : i32 to index
      %swap3A_2863 = arith.constant 16 : index
      %swap3A_2864 = tpu.vector_load %arg20[%swap3A_2862, %swap3A_2863] {strides = array<i32>} : memref<96x128xf32, #tpu.memory_space<vmem>>, vector<1x16xf32>,
      %swap3A_2865 = vector.shape_cast %swap3A_2864 : vector<1x16xf32> to vector<16xf32>
      %swap3A_2866 = vector.shape_cast %get3A_2860 : vector<16xf32> to vector<1x16xf32>
      tpu.vector_store %arg20[%swap3A_2862, %swap3A_2863], %swap3A_2866 {strides = array<i32>} : memref<96x128xf32, #tpu.memory_space<vmem>>, vector<1x16xf32>,
      %get3A_2867 = arith.constant 816 : index
      %get3A_2868 = tpu.vector_load %arg17[%get3A_2867] {strides = array<i32>} : memref<1536xf32, #tpu.memory_space<vmem>>, vector<16xf32>,
      %get3A_2869 = vector.shape_cast %get3A_2868 : vector<16xf32> to vector<16xf32>
      %swap3A_2870 = arith.constant 51 : i32
      %swap3A_2871 = arith.index_cast %swap3A_2870 : i32 to index
      %swap3A_2872 = arith.constant 0 : index
      %swap3A_2873 = tpu.vector_load %arg20[%swap3A_2871, %swap3A_2872] {strides = array<i32>} : memref<96x128xf32, #tpu.memory_space<vmem>>, vector<1x16xf32>,
      %swap3A_2874 = vector.shape_cast %swap3A_2873 : vector<1x16xf32> to vector<16xf32>
      %swap3A_2875 = vector.shape_cast %get3A_2869 : vector<16xf32> to vector<1x16xf32>
      tpu.vector_store %arg20[%swap3A_2871, %swap3A_2872], %swap3A_2875 {strides = array<i32>} : memref<96x128xf32, #tpu.memory_space<vmem>>, vector<1x16xf32>,
      %get3A_2876 = arith.constant 816 : index
      %get3A_2877 = tpu.vector_load %arg19[%get3A_2876] {strides = array<i32>} : memref<1536xf32, #tpu.memory_space<vmem>>, vector<16xf32>,
      %get3A_2878 = vector.shape_cast %get3A_2877 : vector<16xf32> to vector<16xf32>
      %swap3A_2879 = arith.constant 51 : i32
      %swap3A_2880 = arith.index_cast %swap3A_2879 : i32 to index
      %swap3A_2881 = arith.constant 16 : index
      %swap3A_2882 = tpu.vector_load %arg20[%swap3A_2880, %swap3A_2881] {strides = array<i32>} : memref<96x128xf32, #tpu.memory_space<vmem>>, vector<1x16xf32>,
      %swap3A_2883 = vector.shape_cast %swap3A_2882 : vector<1x16xf32> to vector<16xf32>
      %swap3A_2884 = vector.shape_cast %get3A_2878 : vector<16xf32> to vector<1x16xf32>
      tpu.vector_store %arg20[%swap3A_2880, %swap3A_2881], %swap3A_2884 {strides = array<i32>} : memref<96x128xf32, #tpu.memory_space<vmem>>, vector<1x16xf32>,
      %get3A_2885 = arith.constant 832 : index
      %get3A_2886 = tpu.vector_load %arg17[%get3A_2885] {strides = array<i32>} : memref<1536xf32, #tpu.memory_space<vmem>>, vector<16xf32>,
      %get3A_2887 = vector.shape_cast %get3A_2886 : vector<16xf32> to vector<16xf32>
      %swap3A_2888 = arith.constant 52 : i32
      %swap3A_2889 = arith.index_cast %swap3A_2888 : i32 to index
      %swap3A_2890 = arith.constant 0 : index
      %swap3A_2891 = tpu.vector_load %arg20[%swap3A_2889, %swap3A_2890] {strides = array<i32>} : memref<96x128xf32, #tpu.memory_space<vmem>>, vector<1x16xf32>,
      %swap3A_2892 = vector.shape_cast %swap3A_2891 : vector<1x16xf32> to vector<16xf32>
      %swap3A_2893 = vector.shape_cast %get3A_2887 : vector<16xf32> to vector<1x16xf32>
      tpu.vector_store %arg20[%swap3A_2889, %swap3A_2890], %swap3A_2893 {strides = array<i32>} : memref<96x128xf32, #tpu.memory_space<vmem>>, vector<1x16xf32>,
      %get3A_2894 = arith.constant 832 : index
      %get3A_2895 = tpu.vector_load %arg19[%get3A_2894] {strides = array<i32>} : memref<1536xf32, #tpu.memory_space<vmem>>, vector<16xf32>,
      %get3A_2896 = vector.shape_cast %get3A_2895 : vector<16xf32> to vector<16xf32>
      %swap3A_2897 = arith.constant 52 : i32
      %swap3A_2898 = arith.index_cast %swap3A_2897 : i32 to index
      %swap3A_2899 = arith.constant 16 : index
      %swap3A_2900 = tpu.vector_load %arg20[%swap3A_2898, %swap3A_2899] {strides = array<i32>} : memref<96x128xf32, #tpu.memory_space<vmem>>, vector<1x16xf32>,
      %swap3A_2901 = vector.shape_cast %swap3A_2900 : vector<1x16xf32> to vector<16xf32>
      %swap3A_2902 = vector.shape_cast %get3A_2896 : vector<16xf32> to vector<1x16xf32>
      tpu.vector_store %arg20[%swap3A_2898, %swap3A_2899], %swap3A_2902 {strides = array<i32>} : memref<96x128xf32, #tpu.memory_space<vmem>>, vector<1x16xf32>,
      %get3A_2903 = arith.constant 848 : index
      %get3A_2904 = tpu.vector_load %arg17[%get3A_2903] {strides = array<i32>} : memref<1536xf32, #tpu.memory_space<vmem>>, vector<16xf32>,
      %get3A_2905 = vector.shape_cast %get3A_2904 : vector<16xf32> to vector<16xf32>
      %swap3A_2906 = arith.constant 53 : i32
      %swap3A_2907 = arith.index_cast %swap3A_2906 : i32 to index
      %swap3A_2908 = arith.constant 0 : index
      %swap3A_2909 = tpu.vector_load %arg20[%swap3A_2907, %swap3A_2908] {strides = array<i32>} : memref<96x128xf32, #tpu.memory_space<vmem>>, vector<1x16xf32>,
      %swap3A_2910 = vector.shape_cast %swap3A_2909 : vector<1x16xf32> to vector<16xf32>
      %swap3A_2911 = vector.shape_cast %get3A_2905 : vector<16xf32> to vector<1x16xf32>
      tpu.vector_store %arg20[%swap3A_2907, %swap3A_2908], %swap3A_2911 {strides = array<i32>} : memref<96x128xf32, #tpu.memory_space<vmem>>, vector<1x16xf32>,
      %get3A_2912 = arith.constant 848 : index
      %get3A_2913 = tpu.vector_load %arg19[%get3A_2912] {strides = array<i32>} : memref<1536xf32, #tpu.memory_space<vmem>>, vector<16xf32>,
      %get3A_2914 = vector.shape_cast %get3A_2913 : vector<16xf32> to vector<16xf32>
      %swap3A_2915 = arith.constant 53 : i32
      %swap3A_2916 = arith.index_cast %swap3A_2915 : i32 to index
      %swap3A_2917 = arith.constant 16 : index
      %swap3A_2918 = tpu.vector_load %arg20[%swap3A_2916, %swap3A_2917] {strides = array<i32>} : memref<96x128xf32, #tpu.memory_space<vmem>>, vector<1x16xf32>,
      %swap3A_2919 = vector.shape_cast %swap3A_2918 : vector<1x16xf32> to vector<16xf32>
      %swap3A_2920 = vector.shape_cast %get3A_2914 : vector<16xf32> to vector<1x16xf32>
      tpu.vector_store %arg20[%swap3A_2916, %swap3A_2917], %swap3A_2920 {strides = array<i32>} : memref<96x128xf32, #tpu.memory_space<vmem>>, vector<1x16xf32>,
      %get3A_2921 = arith.constant 864 : index
      %get3A_2922 = tpu.vector_load %arg17[%get3A_2921] {strides = array<i32>} : memref<1536xf32, #tpu.memory_space<vmem>>, vector<16xf32>,
      %get3A_2923 = vector.shape_cast %get3A_2922 : vector<16xf32> to vector<16xf32>
      %swap3A_2924 = arith.constant 54 : i32
      %swap3A_2925 = arith.index_cast %swap3A_2924 : i32 to index
      %swap3A_2926 = arith.constant 0 : index
      %swap3A_2927 = tpu.vector_load %arg20[%swap3A_2925, %swap3A_2926] {strides = array<i32>} : memref<96x128xf32, #tpu.memory_space<vmem>>, vector<1x16xf32>,
      %swap3A_2928 = vector.shape_cast %swap3A_2927 : vector<1x16xf32> to vector<16xf32>
      %swap3A_2929 = vector.shape_cast %get3A_2923 : vector<16xf32> to vector<1x16xf32>
      tpu.vector_store %arg20[%swap3A_2925, %swap3A_2926], %swap3A_2929 {strides = array<i32>} : memref<96x128xf32, #tpu.memory_space<vmem>>, vector<1x16xf32>,
      %get3A_2930 = arith.constant 864 : index
      %get3A_2931 = tpu.vector_load %arg19[%get3A_2930] {strides = array<i32>} : memref<1536xf32, #tpu.memory_space<vmem>>, vector<16xf32>,
      %get3A_2932 = vector.shape_cast %get3A_2931 : vector<16xf32> to vector<16xf32>
      %swap3A_2933 = arith.constant 54 : i32
      %swap3A_2934 = arith.index_cast %swap3A_2933 : i32 to index
      %swap3A_2935 = arith.constant 16 : index
      %swap3A_2936 = tpu.vector_load %arg20[%swap3A_2934, %swap3A_2935] {strides = array<i32>} : memref<96x128xf32, #tpu.memory_space<vmem>>, vector<1x16xf32>,
      %swap3A_2937 = vector.shape_cast %swap3A_2936 : vector<1x16xf32> to vector<16xf32>
      %swap3A_2938 = vector.shape_cast %get3A_2932 : vector<16xf32> to vector<1x16xf32>
      tpu.vector_store %arg20[%swap3A_2934, %swap3A_2935], %swap3A_2938 {strides = array<i32>} : memref<96x128xf32, #tpu.memory_space<vmem>>, vector<1x16xf32>,
      %get3A_2939 = arith.constant 880 : index
      %get3A_2940 = tpu.vector_load %arg17[%get3A_2939] {strides = array<i32>} : memref<1536xf32, #tpu.memory_space<vmem>>, vector<16xf32>,
      %get3A_2941 = vector.shape_cast %get3A_2940 : vector<16xf32> to vector<16xf32>
      %swap3A_2942 = arith.constant 55 : i32
      %swap3A_2943 = arith.index_cast %swap3A_2942 : i32 to index
      %swap3A_2944 = arith.constant 0 : index
      %swap3A_2945 = tpu.vector_load %arg20[%swap3A_2943, %swap3A_2944] {strides = array<i32>} : memref<96x128xf32, #tpu.memory_space<vmem>>, vector<1x16xf32>,
      %swap3A_2946 = vector.shape_cast %swap3A_2945 : vector<1x16xf32> to vector<16xf32>
      %swap3A_2947 = vector.shape_cast %get3A_2941 : vector<16xf32> to vector<1x16xf32>
      tpu.vector_store %arg20[%swap3A_2943, %swap3A_2944], %swap3A_2947 {strides = array<i32>} : memref<96x128xf32, #tpu.memory_space<vmem>>, vector<1x16xf32>,
      %get3A_2948 = arith.constant 880 : index
      %get3A_2949 = tpu.vector_load %arg19[%get3A_2948] {strides = array<i32>} : memref<1536xf32, #tpu.memory_space<vmem>>, vector<16xf32>,
      %get3A_2950 = vector.shape_cast %get3A_2949 : vector<16xf32> to vector<16xf32>
      %swap3A_2951 = arith.constant 55 : i32
      %swap3A_2952 = arith.index_cast %swap3A_2951 : i32 to index
      %swap3A_2953 = arith.constant 16 : index
      %swap3A_2954 = tpu.vector_load %arg20[%swap3A_2952, %swap3A_2953] {strides = array<i32>} : memref<96x128xf32, #tpu.memory_space<vmem>>, vector<1x16xf32>,
      %swap3A_2955 = vector.shape_cast %swap3A_2954 : vector<1x16xf32> to vector<16xf32>
      %swap3A_2956 = vector.shape_cast %get3A_2950 : vector<16xf32> to vector<1x16xf32>
      tpu.vector_store %arg20[%swap3A_2952, %swap3A_2953], %swap3A_2956 {strides = array<i32>} : memref<96x128xf32, #tpu.memory_space<vmem>>, vector<1x16xf32>,
      %get3A_2957 = arith.constant 896 : index
      %get3A_2958 = tpu.vector_load %arg17[%get3A_2957] {strides = array<i32>} : memref<1536xf32, #tpu.memory_space<vmem>>, vector<16xf32>,
      %get3A_2959 = vector.shape_cast %get3A_2958 : vector<16xf32> to vector<16xf32>
      %swap3A_2960 = arith.constant 56 : i32
      %swap3A_2961 = arith.index_cast %swap3A_2960 : i32 to index
      %swap3A_2962 = arith.constant 0 : index
      %swap3A_2963 = tpu.vector_load %arg20[%swap3A_2961, %swap3A_2962] {strides = array<i32>} : memref<96x128xf32, #tpu.memory_space<vmem>>, vector<1x16xf32>,
      %swap3A_2964 = vector.shape_cast %swap3A_2963 : vector<1x16xf32> to vector<16xf32>
      %swap3A_2965 = vector.shape_cast %get3A_2959 : vector<16xf32> to vector<1x16xf32>
      tpu.vector_store %arg20[%swap3A_2961, %swap3A_2962], %swap3A_2965 {strides = array<i32>} : memref<96x128xf32, #tpu.memory_space<vmem>>, vector<1x16xf32>,
      %get3A_2966 = arith.constant 896 : index
      %get3A_2967 = tpu.vector_load %arg19[%get3A_2966] {strides = array<i32>} : memref<1536xf32, #tpu.memory_space<vmem>>, vector<16xf32>,
      %get3A_2968 = vector.shape_cast %get3A_2967 : vector<16xf32> to vector<16xf32>
      %swap3A_2969 = arith.constant 56 : i32
      %swap3A_2970 = arith.index_cast %swap3A_2969 : i32 to index
      %swap3A_2971 = arith.constant 16 : index
      %swap3A_2972 = tpu.vector_load %arg20[%swap3A_2970, %swap3A_2971] {strides = array<i32>} : memref<96x128xf32, #tpu.memory_space<vmem>>, vector<1x16xf32>,
      %swap3A_2973 = vector.shape_cast %swap3A_2972 : vector<1x16xf32> to vector<16xf32>
      %swap3A_2974 = vector.shape_cast %get3A_2968 : vector<16xf32> to vector<1x16xf32>
      tpu.vector_store %arg20[%swap3A_2970, %swap3A_2971], %swap3A_2974 {strides = array<i32>} : memref<96x128xf32, #tpu.memory_space<vmem>>, vector<1x16xf32>,
      %get3A_2975 = arith.constant 912 : index
      %get3A_2976 = tpu.vector_load %arg17[%get3A_2975] {strides = array<i32>} : memref<1536xf32, #tpu.memory_space<vmem>>, vector<16xf32>,
      %get3A_2977 = vector.shape_cast %get3A_2976 : vector<16xf32> to vector<16xf32>
      %swap3A_2978 = arith.constant 57 : i32
      %swap3A_2979 = arith.index_cast %swap3A_2978 : i32 to index
      %swap3A_2980 = arith.constant 0 : index
      %swap3A_2981 = tpu.vector_load %arg20[%swap3A_2979, %swap3A_2980] {strides = array<i32>} : memref<96x128xf32, #tpu.memory_space<vmem>>, vector<1x16xf32>,
      %swap3A_2982 = vector.shape_cast %swap3A_2981 : vector<1x16xf32> to vector<16xf32>
      %swap3A_2983 = vector.shape_cast %get3A_2977 : vector<16xf32> to vector<1x16xf32>
      tpu.vector_store %arg20[%swap3A_2979, %swap3A_2980], %swap3A_2983 {strides = array<i32>} : memref<96x128xf32, #tpu.memory_space<vmem>>, vector<1x16xf32>,
      %get3A_2984 = arith.constant 912 : index
      %get3A_2985 = tpu.vector_load %arg19[%get3A_2984] {strides = array<i32>} : memref<1536xf32, #tpu.memory_space<vmem>>, vector<16xf32>,
      %get3A_2986 = vector.shape_cast %get3A_2985 : vector<16xf32> to vector<16xf32>
      %swap3A_2987 = arith.constant 57 : i32
      %swap3A_2988 = arith.index_cast %swap3A_2987 : i32 to index
      %swap3A_2989 = arith.constant 16 : index
      %swap3A_2990 = tpu.vector_load %arg20[%swap3A_2988, %swap3A_2989] {strides = array<i32>} : memref<96x128xf32, #tpu.memory_space<vmem>>, vector<1x16xf32>,
      %swap3A_2991 = vector.shape_cast %swap3A_2990 : vector<1x16xf32> to vector<16xf32>
      %swap3A_2992 = vector.shape_cast %get3A_2986 : vector<16xf32> to vector<1x16xf32>
      tpu.vector_store %arg20[%swap3A_2988, %swap3A_2989], %swap3A_2992 {strides = array<i32>} : memref<96x128xf32, #tpu.memory_space<vmem>>, vector<1x16xf32>,
      %get3A_2993 = arith.constant 928 : index
      %get3A_2994 = tpu.vector_load %arg17[%get3A_2993] {strides = array<i32>} : memref<1536xf32, #tpu.memory_space<vmem>>, vector<16xf32>,
      %get3A_2995 = vector.shape_cast %get3A_2994 : vector<16xf32> to vector<16xf32>
      %swap3A_2996 = arith.constant 58 : i32
      %swap3A_2997 = arith.index_cast %swap3A_2996 : i32 to index
      %swap3A_2998 = arith.constant 0 : index
      %swap3A_2999 = tpu.vector_load %arg20[%swap3A_2997, %swap3A_2998] {strides = array<i32>} : memref<96x128xf32, #tpu.memory_space<vmem>>, vector<1x16xf32>,
      %swap3A_3000 = vector.shape_cast %swap3A_2999 : vector<1x16xf32> to vector<16xf32>
      %swap3A_3001 = vector.shape_cast %get3A_2995 : vector<16xf32> to vector<1x16xf32>
      tpu.vector_store %arg20[%swap3A_2997, %swap3A_2998], %swap3A_3001 {strides = array<i32>} : memref<96x128xf32, #tpu.memory_space<vmem>>, vector<1x16xf32>,
      %get3A_3002 = arith.constant 928 : index
      %get3A_3003 = tpu.vector_load %arg19[%get3A_3002] {strides = array<i32>} : memref<1536xf32, #tpu.memory_space<vmem>>, vector<16xf32>,
      %get3A_3004 = vector.shape_cast %get3A_3003 : vector<16xf32> to vector<16xf32>
      %swap3A_3005 = arith.constant 58 : i32
      %swap3A_3006 = arith.index_cast %swap3A_3005 : i32 to index
      %swap3A_3007 = arith.constant 16 : index
      %swap3A_3008 = tpu.vector_load %arg20[%swap3A_3006, %swap3A_3007] {strides = array<i32>} : memref<96x128xf32, #tpu.memory_space<vmem>>, vector<1x16xf32>,
      %swap3A_3009 = vector.shape_cast %swap3A_3008 : vector<1x16xf32> to vector<16xf32>
      %swap3A_3010 = vector.shape_cast %get3A_3004 : vector<16xf32> to vector<1x16xf32>
      tpu.vector_store %arg20[%swap3A_3006, %swap3A_3007], %swap3A_3010 {strides = array<i32>} : memref<96x128xf32, #tpu.memory_space<vmem>>, vector<1x16xf32>,
      %get3A_3011 = arith.constant 944 : index
      %get3A_3012 = tpu.vector_load %arg17[%get3A_3011] {strides = array<i32>} : memref<1536xf32, #tpu.memory_space<vmem>>, vector<16xf32>,
      %get3A_3013 = vector.shape_cast %get3A_3012 : vector<16xf32> to vector<16xf32>
      %swap3A_3014 = arith.constant 59 : i32
      %swap3A_3015 = arith.index_cast %swap3A_3014 : i32 to index
      %swap3A_3016 = arith.constant 0 : index
      %swap3A_3017 = tpu.vector_load %arg20[%swap3A_3015, %swap3A_3016] {strides = array<i32>} : memref<96x128xf32, #tpu.memory_space<vmem>>, vector<1x16xf32>,
      %swap3A_3018 = vector.shape_cast %swap3A_3017 : vector<1x16xf32> to vector<16xf32>
      %swap3A_3019 = vector.shape_cast %get3A_3013 : vector<16xf32> to vector<1x16xf32>
      tpu.vector_store %arg20[%swap3A_3015, %swap3A_3016], %swap3A_3019 {strides = array<i32>} : memref<96x128xf32, #tpu.memory_space<vmem>>, vector<1x16xf32>,
      %get3A_3020 = arith.constant 944 : index
      %get3A_3021 = tpu.vector_load %arg19[%get3A_3020] {strides = array<i32>} : memref<1536xf32, #tpu.memory_space<vmem>>, vector<16xf32>,
      %get3A_3022 = vector.shape_cast %get3A_3021 : vector<16xf32> to vector<16xf32>
      %swap3A_3023 = arith.constant 59 : i32
      %swap3A_3024 = arith.index_cast %swap3A_3023 : i32 to index
      %swap3A_3025 = arith.constant 16 : index
      %swap3A_3026 = tpu.vector_load %arg20[%swap3A_3024, %swap3A_3025] {strides = array<i32>} : memref<96x128xf32, #tpu.memory_space<vmem>>, vector<1x16xf32>,
      %swap3A_3027 = vector.shape_cast %swap3A_3026 : vector<1x16xf32> to vector<16xf32>
      %swap3A_3028 = vector.shape_cast %get3A_3022 : vector<16xf32> to vector<1x16xf32>
      tpu.vector_store %arg20[%swap3A_3024, %swap3A_3025], %swap3A_3028 {strides = array<i32>} : memref<96x128xf32, #tpu.memory_space<vmem>>, vector<1x16xf32>,
      %get3A_3029 = arith.constant 960 : index
      %get3A_3030 = tpu.vector_load %arg17[%get3A_3029] {strides = array<i32>} : memref<1536xf32, #tpu.memory_space<vmem>>, vector<16xf32>,
      %get3A_3031 = vector.shape_cast %get3A_3030 : vector<16xf32> to vector<16xf32>
      %swap3A_3032 = arith.constant 60 : i32
      %swap3A_3033 = arith.index_cast %swap3A_3032 : i32 to index
      %swap3A_3034 = arith.constant 0 : index
      %swap3A_3035 = tpu.vector_load %arg20[%swap3A_3033, %swap3A_3034] {strides = array<i32>} : memref<96x128xf32, #tpu.memory_space<vmem>>, vector<1x16xf32>,
      %swap3A_3036 = vector.shape_cast %swap3A_3035 : vector<1x16xf32> to vector<16xf32>
      %swap3A_3037 = vector.shape_cast %get3A_3031 : vector<16xf32> to vector<1x16xf32>
      tpu.vector_store %arg20[%swap3A_3033, %swap3A_3034], %swap3A_3037 {strides = array<i32>} : memref<96x128xf32, #tpu.memory_space<vmem>>, vector<1x16xf32>,
      %get3A_3038 = arith.constant 960 : index
      %get3A_3039 = tpu.vector_load %arg19[%get3A_3038] {strides = array<i32>} : memref<1536xf32, #tpu.memory_space<vmem>>, vector<16xf32>,
      %get3A_3040 = vector.shape_cast %get3A_3039 : vector<16xf32> to vector<16xf32>
      %swap3A_3041 = arith.constant 60 : i32
      %swap3A_3042 = arith.index_cast %swap3A_3041 : i32 to index
      %swap3A_3043 = arith.constant 16 : index
      %swap3A_3044 = tpu.vector_load %arg20[%swap3A_3042, %swap3A_3043] {strides = array<i32>} : memref<96x128xf32, #tpu.memory_space<vmem>>, vector<1x16xf32>,
      %swap3A_3045 = vector.shape_cast %swap3A_3044 : vector<1x16xf32> to vector<16xf32>
      %swap3A_3046 = vector.shape_cast %get3A_3040 : vector<16xf32> to vector<1x16xf32>
      tpu.vector_store %arg20[%swap3A_3042, %swap3A_3043], %swap3A_3046 {strides = array<i32>} : memref<96x128xf32, #tpu.memory_space<vmem>>, vector<1x16xf32>,
      %get3A_3047 = arith.constant 976 : index
      %get3A_3048 = tpu.vector_load %arg17[%get3A_3047] {strides = array<i32>} : memref<1536xf32, #tpu.memory_space<vmem>>, vector<16xf32>,
      %get3A_3049 = vector.shape_cast %get3A_3048 : vector<16xf32> to vector<16xf32>
      %swap3A_3050 = arith.constant 61 : i32
      %swap3A_3051 = arith.index_cast %swap3A_3050 : i32 to index
      %swap3A_3052 = arith.constant 0 : index
      %swap3A_3053 = tpu.vector_load %arg20[%swap3A_3051, %swap3A_3052] {strides = array<i32>} : memref<96x128xf32, #tpu.memory_space<vmem>>, vector<1x16xf32>,
      %swap3A_3054 = vector.shape_cast %swap3A_3053 : vector<1x16xf32> to vector<16xf32>
      %swap3A_3055 = vector.shape_cast %get3A_3049 : vector<16xf32> to vector<1x16xf32>
      tpu.vector_store %arg20[%swap3A_3051, %swap3A_3052], %swap3A_3055 {strides = array<i32>} : memref<96x128xf32, #tpu.memory_space<vmem>>, vector<1x16xf32>,
      %get3A_3056 = arith.constant 976 : index
      %get3A_3057 = tpu.vector_load %arg19[%get3A_3056] {strides = array<i32>} : memref<1536xf32, #tpu.memory_space<vmem>>, vector<16xf32>,
      %get3A_3058 = vector.shape_cast %get3A_3057 : vector<16xf32> to vector<16xf32>
      %swap3A_3059 = arith.constant 61 : i32
      %swap3A_3060 = arith.index_cast %swap3A_3059 : i32 to index
      %swap3A_3061 = arith.constant 16 : index
      %swap3A_3062 = tpu.vector_load %arg20[%swap3A_3060, %swap3A_3061] {strides = array<i32>} : memref<96x128xf32, #tpu.memory_space<vmem>>, vector<1x16xf32>,
      %swap3A_3063 = vector.shape_cast %swap3A_3062 : vector<1x16xf32> to vector<16xf32>
      %swap3A_3064 = vector.shape_cast %get3A_3058 : vector<16xf32> to vector<1x16xf32>
      tpu.vector_store %arg20[%swap3A_3060, %swap3A_3061], %swap3A_3064 {strides = array<i32>} : memref<96x128xf32, #tpu.memory_space<vmem>>, vector<1x16xf32>,
      %get3A_3065 = arith.constant 992 : index
      %get3A_3066 = tpu.vector_load %arg17[%get3A_3065] {strides = array<i32>} : memref<1536xf32, #tpu.memory_space<vmem>>, vector<16xf32>,
      %get3A_3067 = vector.shape_cast %get3A_3066 : vector<16xf32> to vector<16xf32>
      %swap3A_3068 = arith.constant 62 : i32
      %swap3A_3069 = arith.index_cast %swap3A_3068 : i32 to index
      %swap3A_3070 = arith.constant 0 : index
      %swap3A_3071 = tpu.vector_load %arg20[%swap3A_3069, %swap3A_3070] {strides = array<i32>} : memref<96x128xf32, #tpu.memory_space<vmem>>, vector<1x16xf32>,
      %swap3A_3072 = vector.shape_cast %swap3A_3071 : vector<1x16xf32> to vector<16xf32>
      %swap3A_3073 = vector.shape_cast %get3A_3067 : vector<16xf32> to vector<1x16xf32>
      tpu.vector_store %arg20[%swap3A_3069, %swap3A_3070], %swap3A_3073 {strides = array<i32>} : memref<96x128xf32, #tpu.memory_space<vmem>>, vector<1x16xf32>,
      %get3A_3074 = arith.constant 992 : index
      %get3A_3075 = tpu.vector_load %arg19[%get3A_3074] {strides = array<i32>} : memref<1536xf32, #tpu.memory_space<vmem>>, vector<16xf32>,
      %get3A_3076 = vector.shape_cast %get3A_3075 : vector<16xf32> to vector<16xf32>
      %swap3A_3077 = arith.constant 62 : i32
      %swap3A_3078 = arith.index_cast %swap3A_3077 : i32 to index
      %swap3A_3079 = arith.constant 16 : index
      %swap3A_3080 = tpu.vector_load %arg20[%swap3A_3078, %swap3A_3079] {strides = array<i32>} : memref<96x128xf32, #tpu.memory_space<vmem>>, vector<1x16xf32>,
      %swap3A_3081 = vector.shape_cast %swap3A_3080 : vector<1x16xf32> to vector<16xf32>
      %swap3A_3082 = vector.shape_cast %get3A_3076 : vector<16xf32> to vector<1x16xf32>
      tpu.vector_store %arg20[%swap3A_3078, %swap3A_3079], %swap3A_3082 {strides = array<i32>} : memref<96x128xf32, #tpu.memory_space<vmem>>, vector<1x16xf32>,
      %get3A_3083 = arith.constant 1008 : index
      %get3A_3084 = tpu.vector_load %arg17[%get3A_3083] {strides = array<i32>} : memref<1536xf32, #tpu.memory_space<vmem>>, vector<16xf32>,
      %get3A_3085 = vector.shape_cast %get3A_3084 : vector<16xf32> to vector<16xf32>
      %swap3A_3086 = arith.constant 63 : i32
      %swap3A_3087 = arith.index_cast %swap3A_3086 : i32 to index
      %swap3A_3088 = arith.constant 0 : index
      %swap3A_3089 = tpu.vector_load %arg20[%swap3A_3087, %swap3A_3088] {strides = array<i32>} : memref<96x128xf32, #tpu.memory_space<vmem>>, vector<1x16xf32>,
      %swap3A_3090 = vector.shape_cast %swap3A_3089 : vector<1x16xf32> to vector<16xf32>
      %swap3A_3091 = vector.shape_cast %get3A_3085 : vector<16xf32> to vector<1x16xf32>
      tpu.vector_store %arg20[%swap3A_3087, %swap3A_3088], %swap3A_3091 {strides = array<i32>} : memref<96x128xf32, #tpu.memory_space<vmem>>, vector<1x16xf32>,
      %get3A_3092 = arith.constant 1008 : index
      %get3A_3093 = tpu.vector_load %arg19[%get3A_3092] {strides = array<i32>} : memref<1536xf32, #tpu.memory_space<vmem>>, vector<16xf32>,
      %get3A_3094 = vector.shape_cast %get3A_3093 : vector<16xf32> to vector<16xf32>
      %swap3A_3095 = arith.constant 63 : i32
      %swap3A_3096 = arith.index_cast %swap3A_3095 : i32 to index
      %swap3A_3097 = arith.constant 16 : index
      %swap3A_3098 = tpu.vector_load %arg20[%swap3A_3096, %swap3A_3097] {strides = array<i32>} : memref<96x128xf32, #tpu.memory_space<vmem>>, vector<1x16xf32>,
      %swap3A_3099 = vector.shape_cast %swap3A_3098 : vector<1x16xf32> to vector<16xf32>
      %swap3A_3100 = vector.shape_cast %get3A_3094 : vector<16xf32> to vector<1x16xf32>
      tpu.vector_store %arg20[%swap3A_3096, %swap3A_3097], %swap3A_3100 {strides = array<i32>} : memref<96x128xf32, #tpu.memory_space<vmem>>, vector<1x16xf32>,
      %get3A_3101 = arith.constant 1024 : index
      %get3A_3102 = tpu.vector_load %arg17[%get3A_3101] {strides = array<i32>} : memref<1536xf32, #tpu.memory_space<vmem>>, vector<16xf32>,
      %get3A_3103 = vector.shape_cast %get3A_3102 : vector<16xf32> to vector<16xf32>
      %swap3A_3104 = arith.constant 64 : i32
      %swap3A_3105 = arith.index_cast %swap3A_3104 : i32 to index
      %swap3A_3106 = arith.constant 0 : index
      %swap3A_3107 = tpu.vector_load %arg20[%swap3A_3105, %swap3A_3106] {strides = array<i32>} : memref<96x128xf32, #tpu.memory_space<vmem>>, vector<1x16xf32>,
      %swap3A_3108 = vector.shape_cast %swap3A_3107 : vector<1x16xf32> to vector<16xf32>
      %swap3A_3109 = vector.shape_cast %get3A_3103 : vector<16xf32> to vector<1x16xf32>
      tpu.vector_store %arg20[%swap3A_3105, %swap3A_3106], %swap3A_3109 {strides = array<i32>} : memref<96x128xf32, #tpu.memory_space<vmem>>, vector<1x16xf32>,
      %get3A_3110 = arith.constant 1024 : index
      %get3A_3111 = tpu.vector_load %arg19[%get3A_3110] {strides = array<i32>} : memref<1536xf32, #tpu.memory_space<vmem>>, vector<16xf32>,
      %get3A_3112 = vector.shape_cast %get3A_3111 : vector<16xf32> to vector<16xf32>
      %swap3A_3113 = arith.constant 64 : i32
      %swap3A_3114 = arith.index_cast %swap3A_3113 : i32 to index
      %swap3A_3115 = arith.constant 16 : index
      %swap3A_3116 = tpu.vector_load %arg20[%swap3A_3114, %swap3A_3115] {strides = array<i32>} : memref<96x128xf32, #tpu.memory_space<vmem>>, vector<1x16xf32>,
      %swap3A_3117 = vector.shape_cast %swap3A_3116 : vector<1x16xf32> to vector<16xf32>
      %swap3A_3118 = vector.shape_cast %get3A_3112 : vector<16xf32> to vector<1x16xf32>
      tpu.vector_store %arg20[%swap3A_3114, %swap3A_3115], %swap3A_3118 {strides = array<i32>} : memref<96x128xf32, #tpu.memory_space<vmem>>, vector<1x16xf32>,
      %get3A_3119 = arith.constant 1040 : index
      %get3A_3120 = tpu.vector_load %arg17[%get3A_3119] {strides = array<i32>} : memref<1536xf32, #tpu.memory_space<vmem>>, vector<16xf32>,
      %get3A_3121 = vector.shape_cast %get3A_3120 : vector<16xf32> to vector<16xf32>
      %swap3A_3122 = arith.constant 65 : i32
      %swap3A_3123 = arith.index_cast %swap3A_3122 : i32 to index
      %swap3A_3124 = arith.constant 0 : index
      %swap3A_3125 = tpu.vector_load %arg20[%swap3A_3123, %swap3A_3124] {strides = array<i32>} : memref<96x128xf32, #tpu.memory_space<vmem>>, vector<1x16xf32>,
      %swap3A_3126 = vector.shape_cast %swap3A_3125 : vector<1x16xf32> to vector<16xf32>
      %swap3A_3127 = vector.shape_cast %get3A_3121 : vector<16xf32> to vector<1x16xf32>
      tpu.vector_store %arg20[%swap3A_3123, %swap3A_3124], %swap3A_3127 {strides = array<i32>} : memref<96x128xf32, #tpu.memory_space<vmem>>, vector<1x16xf32>,
      %get3A_3128 = arith.constant 1040 : index
      %get3A_3129 = tpu.vector_load %arg19[%get3A_3128] {strides = array<i32>} : memref<1536xf32, #tpu.memory_space<vmem>>, vector<16xf32>,
      %get3A_3130 = vector.shape_cast %get3A_3129 : vector<16xf32> to vector<16xf32>
      %swap3A_3131 = arith.constant 65 : i32
      %swap3A_3132 = arith.index_cast %swap3A_3131 : i32 to index
      %swap3A_3133 = arith.constant 16 : index
      %swap3A_3134 = tpu.vector_load %arg20[%swap3A_3132, %swap3A_3133] {strides = array<i32>} : memref<96x128xf32, #tpu.memory_space<vmem>>, vector<1x16xf32>,
      %swap3A_3135 = vector.shape_cast %swap3A_3134 : vector<1x16xf32> to vector<16xf32>
      %swap3A_3136 = vector.shape_cast %get3A_3130 : vector<16xf32> to vector<1x16xf32>
      tpu.vector_store %arg20[%swap3A_3132, %swap3A_3133], %swap3A_3136 {strides = array<i32>} : memref<96x128xf32, #tpu.memory_space<vmem>>, vector<1x16xf32>,
      %get3A_3137 = arith.constant 1056 : index
      %get3A_3138 = tpu.vector_load %arg17[%get3A_3137] {strides = array<i32>} : memref<1536xf32, #tpu.memory_space<vmem>>, vector<16xf32>,
      %get3A_3139 = vector.shape_cast %get3A_3138 : vector<16xf32> to vector<16xf32>
      %swap3A_3140 = arith.constant 66 : i32
      %swap3A_3141 = arith.index_cast %swap3A_3140 : i32 to index
      %swap3A_3142 = arith.constant 0 : index
      %swap3A_3143 = tpu.vector_load %arg20[%swap3A_3141, %swap3A_3142] {strides = array<i32>} : memref<96x128xf32, #tpu.memory_space<vmem>>, vector<1x16xf32>,
      %swap3A_3144 = vector.shape_cast %swap3A_3143 : vector<1x16xf32> to vector<16xf32>
      %swap3A_3145 = vector.shape_cast %get3A_3139 : vector<16xf32> to vector<1x16xf32>
      tpu.vector_store %arg20[%swap3A_3141, %swap3A_3142], %swap3A_3145 {strides = array<i32>} : memref<96x128xf32, #tpu.memory_space<vmem>>, vector<1x16xf32>,
      %get3A_3146 = arith.constant 1056 : index
      %get3A_3147 = tpu.vector_load %arg19[%get3A_3146] {strides = array<i32>} : memref<1536xf32, #tpu.memory_space<vmem>>, vector<16xf32>,
      %get3A_3148 = vector.shape_cast %get3A_3147 : vector<16xf32> to vector<16xf32>
      %swap3A_3149 = arith.constant 66 : i32
      %swap3A_3150 = arith.index_cast %swap3A_3149 : i32 to index
      %swap3A_3151 = arith.constant 16 : index
      %swap3A_3152 = tpu.vector_load %arg20[%swap3A_3150, %swap3A_3151] {strides = array<i32>} : memref<96x128xf32, #tpu.memory_space<vmem>>, vector<1x16xf32>,
      %swap3A_3153 = vector.shape_cast %swap3A_3152 : vector<1x16xf32> to vector<16xf32>
      %swap3A_3154 = vector.shape_cast %get3A_3148 : vector<16xf32> to vector<1x16xf32>
      tpu.vector_store %arg20[%swap3A_3150, %swap3A_3151], %swap3A_3154 {strides = array<i32>} : memref<96x128xf32, #tpu.memory_space<vmem>>, vector<1x16xf32>,
      %get3A_3155 = arith.constant 1072 : index
      %get3A_3156 = tpu.vector_load %arg17[%get3A_3155] {strides = array<i32>} : memref<1536xf32, #tpu.memory_space<vmem>>, vector<16xf32>,
      %get3A_3157 = vector.shape_cast %get3A_3156 : vector<16xf32> to vector<16xf32>
      %swap3A_3158 = arith.constant 67 : i32
      %swap3A_3159 = arith.index_cast %swap3A_3158 : i32 to index
      %swap3A_3160 = arith.constant 0 : index
      %swap3A_3161 = tpu.vector_load %arg20[%swap3A_3159, %swap3A_3160] {strides = array<i32>} : memref<96x128xf32, #tpu.memory_space<vmem>>, vector<1x16xf32>,
      %swap3A_3162 = vector.shape_cast %swap3A_3161 : vector<1x16xf32> to vector<16xf32>
      %swap3A_3163 = vector.shape_cast %get3A_3157 : vector<16xf32> to vector<1x16xf32>
      tpu.vector_store %arg20[%swap3A_3159, %swap3A_3160], %swap3A_3163 {strides = array<i32>} : memref<96x128xf32, #tpu.memory_space<vmem>>, vector<1x16xf32>,
      %get3A_3164 = arith.constant 1072 : index
      %get3A_3165 = tpu.vector_load %arg19[%get3A_3164] {strides = array<i32>} : memref<1536xf32, #tpu.memory_space<vmem>>, vector<16xf32>,
      %get3A_3166 = vector.shape_cast %get3A_3165 : vector<16xf32> to vector<16xf32>
      %swap3A_3167 = arith.constant 67 : i32
      %swap3A_3168 = arith.index_cast %swap3A_3167 : i32 to index
      %swap3A_3169 = arith.constant 16 : index
      %swap3A_3170 = tpu.vector_load %arg20[%swap3A_3168, %swap3A_3169] {strides = array<i32>} : memref<96x128xf32, #tpu.memory_space<vmem>>, vector<1x16xf32>,
      %swap3A_3171 = vector.shape_cast %swap3A_3170 : vector<1x16xf32> to vector<16xf32>
      %swap3A_3172 = vector.shape_cast %get3A_3166 : vector<16xf32> to vector<1x16xf32>
      tpu.vector_store %arg20[%swap3A_3168, %swap3A_3169], %swap3A_3172 {strides = array<i32>} : memref<96x128xf32, #tpu.memory_space<vmem>>, vector<1x16xf32>,
      %get3A_3173 = arith.constant 1088 : index
      %get3A_3174 = tpu.vector_load %arg17[%get3A_3173] {strides = array<i32>} : memref<1536xf32, #tpu.memory_space<vmem>>, vector<16xf32>,
      %get3A_3175 = vector.shape_cast %get3A_3174 : vector<16xf32> to vector<16xf32>
      %swap3A_3176 = arith.constant 68 : i32
      %swap3A_3177 = arith.index_cast %swap3A_3176 : i32 to index
      %swap3A_3178 = arith.constant 0 : index
      %swap3A_3179 = tpu.vector_load %arg20[%swap3A_3177, %swap3A_3178] {strides = array<i32>} : memref<96x128xf32, #tpu.memory_space<vmem>>, vector<1x16xf32>,
      %swap3A_3180 = vector.shape_cast %swap3A_3179 : vector<1x16xf32> to vector<16xf32>
      %swap3A_3181 = vector.shape_cast %get3A_3175 : vector<16xf32> to vector<1x16xf32>
      tpu.vector_store %arg20[%swap3A_3177, %swap3A_3178], %swap3A_3181 {strides = array<i32>} : memref<96x128xf32, #tpu.memory_space<vmem>>, vector<1x16xf32>,
      %get3A_3182 = arith.constant 1088 : index
      %get3A_3183 = tpu.vector_load %arg19[%get3A_3182] {strides = array<i32>} : memref<1536xf32, #tpu.memory_space<vmem>>, vector<16xf32>,
      %get3A_3184 = vector.shape_cast %get3A_3183 : vector<16xf32> to vector<16xf32>
      %swap3A_3185 = arith.constant 68 : i32
      %swap3A_3186 = arith.index_cast %swap3A_3185 : i32 to index
      %swap3A_3187 = arith.constant 16 : index
      %swap3A_3188 = tpu.vector_load %arg20[%swap3A_3186, %swap3A_3187] {strides = array<i32>} : memref<96x128xf32, #tpu.memory_space<vmem>>, vector<1x16xf32>,
      %swap3A_3189 = vector.shape_cast %swap3A_3188 : vector<1x16xf32> to vector<16xf32>
      %swap3A_3190 = vector.shape_cast %get3A_3184 : vector<16xf32> to vector<1x16xf32>
      tpu.vector_store %arg20[%swap3A_3186, %swap3A_3187], %swap3A_3190 {strides = array<i32>} : memref<96x128xf32, #tpu.memory_space<vmem>>, vector<1x16xf32>,
      %get3A_3191 = arith.constant 1104 : index
      %get3A_3192 = tpu.vector_load %arg17[%get3A_3191] {strides = array<i32>} : memref<1536xf32, #tpu.memory_space<vmem>>, vector<16xf32>,
      %get3A_3193 = vector.shape_cast %get3A_3192 : vector<16xf32> to vector<16xf32>
      %swap3A_3194 = arith.constant 69 : i32
      %swap3A_3195 = arith.index_cast %swap3A_3194 : i32 to index
      %swap3A_3196 = arith.constant 0 : index
      %swap3A_3197 = tpu.vector_load %arg20[%swap3A_3195, %swap3A_3196] {strides = array<i32>} : memref<96x128xf32, #tpu.memory_space<vmem>>, vector<1x16xf32>,
      %swap3A_3198 = vector.shape_cast %swap3A_3197 : vector<1x16xf32> to vector<16xf32>
      %swap3A_3199 = vector.shape_cast %get3A_3193 : vector<16xf32> to vector<1x16xf32>
      tpu.vector_store %arg20[%swap3A_3195, %swap3A_3196], %swap3A_3199 {strides = array<i32>} : memref<96x128xf32, #tpu.memory_space<vmem>>, vector<1x16xf32>,
      %get3A_3200 = arith.constant 1104 : index
      %get3A_3201 = tpu.vector_load %arg19[%get3A_3200] {strides = array<i32>} : memref<1536xf32, #tpu.memory_space<vmem>>, vector<16xf32>,
      %get3A_3202 = vector.shape_cast %get3A_3201 : vector<16xf32> to vector<16xf32>
      %swap3A_3203 = arith.constant 69 : i32
      %swap3A_3204 = arith.index_cast %swap3A_3203 : i32 to index
      %swap3A_3205 = arith.constant 16 : index
      %swap3A_3206 = tpu.vector_load %arg20[%swap3A_3204, %swap3A_3205] {strides = array<i32>} : memref<96x128xf32, #tpu.memory_space<vmem>>, vector<1x16xf32>,
      %swap3A_3207 = vector.shape_cast %swap3A_3206 : vector<1x16xf32> to vector<16xf32>
      %swap3A_3208 = vector.shape_cast %get3A_3202 : vector<16xf32> to vector<1x16xf32>
      tpu.vector_store %arg20[%swap3A_3204, %swap3A_3205], %swap3A_3208 {strides = array<i32>} : memref<96x128xf32, #tpu.memory_space<vmem>>, vector<1x16xf32>,
      %get3A_3209 = arith.constant 1120 : index
      %get3A_3210 = tpu.vector_load %arg17[%get3A_3209] {strides = array<i32>} : memref<1536xf32, #tpu.memory_space<vmem>>, vector<16xf32>,
      %get3A_3211 = vector.shape_cast %get3A_3210 : vector<16xf32> to vector<16xf32>
      %swap3A_3212 = arith.constant 70 : i32
      %swap3A_3213 = arith.index_cast %swap3A_3212 : i32 to index
      %swap3A_3214 = arith.constant 0 : index
      %swap3A_3215 = tpu.vector_load %arg20[%swap3A_3213, %swap3A_3214] {strides = array<i32>} : memref<96x128xf32, #tpu.memory_space<vmem>>, vector<1x16xf32>,
      %swap3A_3216 = vector.shape_cast %swap3A_3215 : vector<1x16xf32> to vector<16xf32>
      %swap3A_3217 = vector.shape_cast %get3A_3211 : vector<16xf32> to vector<1x16xf32>
      tpu.vector_store %arg20[%swap3A_3213, %swap3A_3214], %swap3A_3217 {strides = array<i32>} : memref<96x128xf32, #tpu.memory_space<vmem>>, vector<1x16xf32>,
      %get3A_3218 = arith.constant 1120 : index
      %get3A_3219 = tpu.vector_load %arg19[%get3A_3218] {strides = array<i32>} : memref<1536xf32, #tpu.memory_space<vmem>>, vector<16xf32>,
      %get3A_3220 = vector.shape_cast %get3A_3219 : vector<16xf32> to vector<16xf32>
      %swap3A_3221 = arith.constant 70 : i32
      %swap3A_3222 = arith.index_cast %swap3A_3221 : i32 to index
      %swap3A_3223 = arith.constant 16 : index
      %swap3A_3224 = tpu.vector_load %arg20[%swap3A_3222, %swap3A_3223] {strides = array<i32>} : memref<96x128xf32, #tpu.memory_space<vmem>>, vector<1x16xf32>,
      %swap3A_3225 = vector.shape_cast %swap3A_3224 : vector<1x16xf32> to vector<16xf32>
      %swap3A_3226 = vector.shape_cast %get3A_3220 : vector<16xf32> to vector<1x16xf32>
      tpu.vector_store %arg20[%swap3A_3222, %swap3A_3223], %swap3A_3226 {strides = array<i32>} : memref<96x128xf32, #tpu.memory_space<vmem>>, vector<1x16xf32>,
      %get3A_3227 = arith.constant 1136 : index
      %get3A_3228 = tpu.vector_load %arg17[%get3A_3227] {strides = array<i32>} : memref<1536xf32, #tpu.memory_space<vmem>>, vector<16xf32>,
      %get3A_3229 = vector.shape_cast %get3A_3228 : vector<16xf32> to vector<16xf32>
      %swap3A_3230 = arith.constant 71 : i32
      %swap3A_3231 = arith.index_cast %swap3A_3230 : i32 to index
      %swap3A_3232 = arith.constant 0 : index
      %swap3A_3233 = tpu.vector_load %arg20[%swap3A_3231, %swap3A_3232] {strides = array<i32>} : memref<96x128xf32, #tpu.memory_space<vmem>>, vector<1x16xf32>,
      %swap3A_3234 = vector.shape_cast %swap3A_3233 : vector<1x16xf32> to vector<16xf32>
      %swap3A_3235 = vector.shape_cast %get3A_3229 : vector<16xf32> to vector<1x16xf32>
      tpu.vector_store %arg20[%swap3A_3231, %swap3A_3232], %swap3A_3235 {strides = array<i32>} : memref<96x128xf32, #tpu.memory_space<vmem>>, vector<1x16xf32>,
      %get3A_3236 = arith.constant 1136 : index
      %get3A_3237 = tpu.vector_load %arg19[%get3A_3236] {strides = array<i32>} : memref<1536xf32, #tpu.memory_space<vmem>>, vector<16xf32>,
      %get3A_3238 = vector.shape_cast %get3A_3237 : vector<16xf32> to vector<16xf32>
      %swap3A_3239 = arith.constant 71 : i32
      %swap3A_3240 = arith.index_cast %swap3A_3239 : i32 to index
      %swap3A_3241 = arith.constant 16 : index
      %swap3A_3242 = tpu.vector_load %arg20[%swap3A_3240, %swap3A_3241] {strides = array<i32>} : memref<96x128xf32, #tpu.memory_space<vmem>>, vector<1x16xf32>,
      %swap3A_3243 = vector.shape_cast %swap3A_3242 : vector<1x16xf32> to vector<16xf32>
      %swap3A_3244 = vector.shape_cast %get3A_3238 : vector<16xf32> to vector<1x16xf32>
      tpu.vector_store %arg20[%swap3A_3240, %swap3A_3241], %swap3A_3244 {strides = array<i32>} : memref<96x128xf32, #tpu.memory_space<vmem>>, vector<1x16xf32>,
      %get3A_3245 = arith.constant 1152 : index
      %get3A_3246 = tpu.vector_load %arg17[%get3A_3245] {strides = array<i32>} : memref<1536xf32, #tpu.memory_space<vmem>>, vector<16xf32>,
      %get3A_3247 = vector.shape_cast %get3A_3246 : vector<16xf32> to vector<16xf32>
      %swap3A_3248 = arith.constant 72 : i32
      %swap3A_3249 = arith.index_cast %swap3A_3248 : i32 to index
      %swap3A_3250 = arith.constant 0 : index
      %swap3A_3251 = tpu.vector_load %arg20[%swap3A_3249, %swap3A_3250] {strides = array<i32>} : memref<96x128xf32, #tpu.memory_space<vmem>>, vector<1x16xf32>,
      %swap3A_3252 = vector.shape_cast %swap3A_3251 : vector<1x16xf32> to vector<16xf32>
      %swap3A_3253 = vector.shape_cast %get3A_3247 : vector<16xf32> to vector<1x16xf32>
      tpu.vector_store %arg20[%swap3A_3249, %swap3A_3250], %swap3A_3253 {strides = array<i32>} : memref<96x128xf32, #tpu.memory_space<vmem>>, vector<1x16xf32>,
      %get3A_3254 = arith.constant 1152 : index
      %get3A_3255 = tpu.vector_load %arg19[%get3A_3254] {strides = array<i32>} : memref<1536xf32, #tpu.memory_space<vmem>>, vector<16xf32>,
      %get3A_3256 = vector.shape_cast %get3A_3255 : vector<16xf32> to vector<16xf32>
      %swap3A_3257 = arith.constant 72 : i32
      %swap3A_3258 = arith.index_cast %swap3A_3257 : i32 to index
      %swap3A_3259 = arith.constant 16 : index
      %swap3A_3260 = tpu.vector_load %arg20[%swap3A_3258, %swap3A_3259] {strides = array<i32>} : memref<96x128xf32, #tpu.memory_space<vmem>>, vector<1x16xf32>,
      %swap3A_3261 = vector.shape_cast %swap3A_3260 : vector<1x16xf32> to vector<16xf32>
      %swap3A_3262 = vector.shape_cast %get3A_3256 : vector<16xf32> to vector<1x16xf32>
      tpu.vector_store %arg20[%swap3A_3258, %swap3A_3259], %swap3A_3262 {strides = array<i32>} : memref<96x128xf32, #tpu.memory_space<vmem>>, vector<1x16xf32>,
      %get3A_3263 = arith.constant 1168 : index
      %get3A_3264 = tpu.vector_load %arg17[%get3A_3263] {strides = array<i32>} : memref<1536xf32, #tpu.memory_space<vmem>>, vector<16xf32>,
      %get3A_3265 = vector.shape_cast %get3A_3264 : vector<16xf32> to vector<16xf32>
      %swap3A_3266 = arith.constant 73 : i32
      %swap3A_3267 = arith.index_cast %swap3A_3266 : i32 to index
      %swap3A_3268 = arith.constant 0 : index
      %swap3A_3269 = tpu.vector_load %arg20[%swap3A_3267, %swap3A_3268] {strides = array<i32>} : memref<96x128xf32, #tpu.memory_space<vmem>>, vector<1x16xf32>,
      %swap3A_3270 = vector.shape_cast %swap3A_3269 : vector<1x16xf32> to vector<16xf32>
      %swap3A_3271 = vector.shape_cast %get3A_3265 : vector<16xf32> to vector<1x16xf32>
      tpu.vector_store %arg20[%swap3A_3267, %swap3A_3268], %swap3A_3271 {strides = array<i32>} : memref<96x128xf32, #tpu.memory_space<vmem>>, vector<1x16xf32>,
      %get3A_3272 = arith.constant 1168 : index
      %get3A_3273 = tpu.vector_load %arg19[%get3A_3272] {strides = array<i32>} : memref<1536xf32, #tpu.memory_space<vmem>>, vector<16xf32>,
      %get3A_3274 = vector.shape_cast %get3A_3273 : vector<16xf32> to vector<16xf32>
      %swap3A_3275 = arith.constant 73 : i32
      %swap3A_3276 = arith.index_cast %swap3A_3275 : i32 to index
      %swap3A_3277 = arith.constant 16 : index
      %swap3A_3278 = tpu.vector_load %arg20[%swap3A_3276, %swap3A_3277] {strides = array<i32>} : memref<96x128xf32, #tpu.memory_space<vmem>>, vector<1x16xf32>,
      %swap3A_3279 = vector.shape_cast %swap3A_3278 : vector<1x16xf32> to vector<16xf32>
      %swap3A_3280 = vector.shape_cast %get3A_3274 : vector<16xf32> to vector<1x16xf32>
      tpu.vector_store %arg20[%swap3A_3276, %swap3A_3277], %swap3A_3280 {strides = array<i32>} : memref<96x128xf32, #tpu.memory_space<vmem>>, vector<1x16xf32>,
      %get3A_3281 = arith.constant 1184 : index
      %get3A_3282 = tpu.vector_load %arg17[%get3A_3281] {strides = array<i32>} : memref<1536xf32, #tpu.memory_space<vmem>>, vector<16xf32>,
      %get3A_3283 = vector.shape_cast %get3A_3282 : vector<16xf32> to vector<16xf32>
      %swap3A_3284 = arith.constant 74 : i32
      %swap3A_3285 = arith.index_cast %swap3A_3284 : i32 to index
      %swap3A_3286 = arith.constant 0 : index
      %swap3A_3287 = tpu.vector_load %arg20[%swap3A_3285, %swap3A_3286] {strides = array<i32>} : memref<96x128xf32, #tpu.memory_space<vmem>>, vector<1x16xf32>,
      %swap3A_3288 = vector.shape_cast %swap3A_3287 : vector<1x16xf32> to vector<16xf32>
      %swap3A_3289 = vector.shape_cast %get3A_3283 : vector<16xf32> to vector<1x16xf32>
      tpu.vector_store %arg20[%swap3A_3285, %swap3A_3286], %swap3A_3289 {strides = array<i32>} : memref<96x128xf32, #tpu.memory_space<vmem>>, vector<1x16xf32>,
      %get3A_3290 = arith.constant 1184 : index
      %get3A_3291 = tpu.vector_load %arg19[%get3A_3290] {strides = array<i32>} : memref<1536xf32, #tpu.memory_space<vmem>>, vector<16xf32>,
      %get3A_3292 = vector.shape_cast %get3A_3291 : vector<16xf32> to vector<16xf32>
      %swap3A_3293 = arith.constant 74 : i32
      %swap3A_3294 = arith.index_cast %swap3A_3293 : i32 to index
      %swap3A_3295 = arith.constant 16 : index
      %swap3A_3296 = tpu.vector_load %arg20[%swap3A_3294, %swap3A_3295] {strides = array<i32>} : memref<96x128xf32, #tpu.memory_space<vmem>>, vector<1x16xf32>,
      %swap3A_3297 = vector.shape_cast %swap3A_3296 : vector<1x16xf32> to vector<16xf32>
      %swap3A_3298 = vector.shape_cast %get3A_3292 : vector<16xf32> to vector<1x16xf32>
      tpu.vector_store %arg20[%swap3A_3294, %swap3A_3295], %swap3A_3298 {strides = array<i32>} : memref<96x128xf32, #tpu.memory_space<vmem>>, vector<1x16xf32>,
      %get3A_3299 = arith.constant 1200 : index
      %get3A_3300 = tpu.vector_load %arg17[%get3A_3299] {strides = array<i32>} : memref<1536xf32, #tpu.memory_space<vmem>>, vector<16xf32>,
      %get3A_3301 = vector.shape_cast %get3A_3300 : vector<16xf32> to vector<16xf32>
      %swap3A_3302 = arith.constant 75 : i32
      %swap3A_3303 = arith.index_cast %swap3A_3302 : i32 to index
      %swap3A_3304 = arith.constant 0 : index
      %swap3A_3305 = tpu.vector_load %arg20[%swap3A_3303, %swap3A_3304] {strides = array<i32>} : memref<96x128xf32, #tpu.memory_space<vmem>>, vector<1x16xf32>,
      %swap3A_3306 = vector.shape_cast %swap3A_3305 : vector<1x16xf32> to vector<16xf32>
      %swap3A_3307 = vector.shape_cast %get3A_3301 : vector<16xf32> to vector<1x16xf32>
      tpu.vector_store %arg20[%swap3A_3303, %swap3A_3304], %swap3A_3307 {strides = array<i32>} : memref<96x128xf32, #tpu.memory_space<vmem>>, vector<1x16xf32>,
      %get3A_3308 = arith.constant 1200 : index
      %get3A_3309 = tpu.vector_load %arg19[%get3A_3308] {strides = array<i32>} : memref<1536xf32, #tpu.memory_space<vmem>>, vector<16xf32>,
      %get3A_3310 = vector.shape_cast %get3A_3309 : vector<16xf32> to vector<16xf32>
      %swap3A_3311 = arith.constant 75 : i32
      %swap3A_3312 = arith.index_cast %swap3A_3311 : i32 to index
      %swap3A_3313 = arith.constant 16 : index
      %swap3A_3314 = tpu.vector_load %arg20[%swap3A_3312, %swap3A_3313] {strides = array<i32>} : memref<96x128xf32, #tpu.memory_space<vmem>>, vector<1x16xf32>,
      %swap3A_3315 = vector.shape_cast %swap3A_3314 : vector<1x16xf32> to vector<16xf32>
      %swap3A_3316 = vector.shape_cast %get3A_3310 : vector<16xf32> to vector<1x16xf32>
      tpu.vector_store %arg20[%swap3A_3312, %swap3A_3313], %swap3A_3316 {strides = array<i32>} : memref<96x128xf32, #tpu.memory_space<vmem>>, vector<1x16xf32>,
      %get3A_3317 = arith.constant 1216 : index
      %get3A_3318 = tpu.vector_load %arg17[%get3A_3317] {strides = array<i32>} : memref<1536xf32, #tpu.memory_space<vmem>>, vector<16xf32>,
      %get3A_3319 = vector.shape_cast %get3A_3318 : vector<16xf32> to vector<16xf32>
      %swap3A_3320 = arith.constant 76 : i32
      %swap3A_3321 = arith.index_cast %swap3A_3320 : i32 to index
      %swap3A_3322 = arith.constant 0 : index
      %swap3A_3323 = tpu.vector_load %arg20[%swap3A_3321, %swap3A_3322] {strides = array<i32>} : memref<96x128xf32, #tpu.memory_space<vmem>>, vector<1x16xf32>,
      %swap3A_3324 = vector.shape_cast %swap3A_3323 : vector<1x16xf32> to vector<16xf32>
      %swap3A_3325 = vector.shape_cast %get3A_3319 : vector<16xf32> to vector<1x16xf32>
      tpu.vector_store %arg20[%swap3A_3321, %swap3A_3322], %swap3A_3325 {strides = array<i32>} : memref<96x128xf32, #tpu.memory_space<vmem>>, vector<1x16xf32>,
      %get3A_3326 = arith.constant 1216 : index
      %get3A_3327 = tpu.vector_load %arg19[%get3A_3326] {strides = array<i32>} : memref<1536xf32, #tpu.memory_space<vmem>>, vector<16xf32>,
      %get3A_3328 = vector.shape_cast %get3A_3327 : vector<16xf32> to vector<16xf32>
      %swap3A_3329 = arith.constant 76 : i32
      %swap3A_3330 = arith.index_cast %swap3A_3329 : i32 to index
      %swap3A_3331 = arith.constant 16 : index
      %swap3A_3332 = tpu.vector_load %arg20[%swap3A_3330, %swap3A_3331] {strides = array<i32>} : memref<96x128xf32, #tpu.memory_space<vmem>>, vector<1x16xf32>,
      %swap3A_3333 = vector.shape_cast %swap3A_3332 : vector<1x16xf32> to vector<16xf32>
      %swap3A_3334 = vector.shape_cast %get3A_3328 : vector<16xf32> to vector<1x16xf32>
      tpu.vector_store %arg20[%swap3A_3330, %swap3A_3331], %swap3A_3334 {strides = array<i32>} : memref<96x128xf32, #tpu.memory_space<vmem>>, vector<1x16xf32>,
      %get3A_3335 = arith.constant 1232 : index
      %get3A_3336 = tpu.vector_load %arg17[%get3A_3335] {strides = array<i32>} : memref<1536xf32, #tpu.memory_space<vmem>>, vector<16xf32>,
      %get3A_3337 = vector.shape_cast %get3A_3336 : vector<16xf32> to vector<16xf32>
      %swap3A_3338 = arith.constant 77 : i32
      %swap3A_3339 = arith.index_cast %swap3A_3338 : i32 to index
      %swap3A_3340 = arith.constant 0 : index
      %swap3A_3341 = tpu.vector_load %arg20[%swap3A_3339, %swap3A_3340] {strides = array<i32>} : memref<96x128xf32, #tpu.memory_space<vmem>>, vector<1x16xf32>,
      %swap3A_3342 = vector.shape_cast %swap3A_3341 : vector<1x16xf32> to vector<16xf32>
      %swap3A_3343 = vector.shape_cast %get3A_3337 : vector<16xf32> to vector<1x16xf32>
      tpu.vector_store %arg20[%swap3A_3339, %swap3A_3340], %swap3A_3343 {strides = array<i32>} : memref<96x128xf32, #tpu.memory_space<vmem>>, vector<1x16xf32>,
      %get3A_3344 = arith.constant 1232 : index
      %get3A_3345 = tpu.vector_load %arg19[%get3A_3344] {strides = array<i32>} : memref<1536xf32, #tpu.memory_space<vmem>>, vector<16xf32>,
      %get3A_3346 = vector.shape_cast %get3A_3345 : vector<16xf32> to vector<16xf32>
      %swap3A_3347 = arith.constant 77 : i32
      %swap3A_3348 = arith.index_cast %swap3A_3347 : i32 to index
      %swap3A_3349 = arith.constant 16 : index
      %swap3A_3350 = tpu.vector_load %arg20[%swap3A_3348, %swap3A_3349] {strides = array<i32>} : memref<96x128xf32, #tpu.memory_space<vmem>>, vector<1x16xf32>,
      %swap3A_3351 = vector.shape_cast %swap3A_3350 : vector<1x16xf32> to vector<16xf32>
      %swap3A_3352 = vector.shape_cast %get3A_3346 : vector<16xf32> to vector<1x16xf32>
      tpu.vector_store %arg20[%swap3A_3348, %swap3A_3349], %swap3A_3352 {strides = array<i32>} : memref<96x128xf32, #tpu.memory_space<vmem>>, vector<1x16xf32>,
      %get3A_3353 = arith.constant 1248 : index
      %get3A_3354 = tpu.vector_load %arg17[%get3A_3353] {strides = array<i32>} : memref<1536xf32, #tpu.memory_space<vmem>>, vector<16xf32>,
      %get3A_3355 = vector.shape_cast %get3A_3354 : vector<16xf32> to vector<16xf32>
      %swap3A_3356 = arith.constant 78 : i32
      %swap3A_3357 = arith.index_cast %swap3A_3356 : i32 to index
      %swap3A_3358 = arith.constant 0 : index
      %swap3A_3359 = tpu.vector_load %arg20[%swap3A_3357, %swap3A_3358] {strides = array<i32>} : memref<96x128xf32, #tpu.memory_space<vmem>>, vector<1x16xf32>,
      %swap3A_3360 = vector.shape_cast %swap3A_3359 : vector<1x16xf32> to vector<16xf32>
      %swap3A_3361 = vector.shape_cast %get3A_3355 : vector<16xf32> to vector<1x16xf32>
      tpu.vector_store %arg20[%swap3A_3357, %swap3A_3358], %swap3A_3361 {strides = array<i32>} : memref<96x128xf32, #tpu.memory_space<vmem>>, vector<1x16xf32>,
      %get3A_3362 = arith.constant 1248 : index
      %get3A_3363 = tpu.vector_load %arg19[%get3A_3362] {strides = array<i32>} : memref<1536xf32, #tpu.memory_space<vmem>>, vector<16xf32>,
      %get3A_3364 = vector.shape_cast %get3A_3363 : vector<16xf32> to vector<16xf32>
      %swap3A_3365 = arith.constant 78 : i32
      %swap3A_3366 = arith.index_cast %swap3A_3365 : i32 to index
      %swap3A_3367 = arith.constant 16 : index
      %swap3A_3368 = tpu.vector_load %arg20[%swap3A_3366, %swap3A_3367] {strides = array<i32>} : memref<96x128xf32, #tpu.memory_space<vmem>>, vector<1x16xf32>,
      %swap3A_3369 = vector.shape_cast %swap3A_3368 : vector<1x16xf32> to vector<16xf32>
      %swap3A_3370 = vector.shape_cast %get3A_3364 : vector<16xf32> to vector<1x16xf32>
      tpu.vector_store %arg20[%swap3A_3366, %swap3A_3367], %swap3A_3370 {strides = array<i32>} : memref<96x128xf32, #tpu.memory_space<vmem>>, vector<1x16xf32>,
      %get3A_3371 = arith.constant 1264 : index
      %get3A_3372 = tpu.vector_load %arg17[%get3A_3371] {strides = array<i32>} : memref<1536xf32, #tpu.memory_space<vmem>>, vector<16xf32>,
      %get3A_3373 = vector.shape_cast %get3A_3372 : vector<16xf32> to vector<16xf32>
      %swap3A_3374 = arith.constant 79 : i32
      %swap3A_3375 = arith.index_cast %swap3A_3374 : i32 to index
      %swap3A_3376 = arith.constant 0 : index
      %swap3A_3377 = tpu.vector_load %arg20[%swap3A_3375, %swap3A_3376] {strides = array<i32>} : memref<96x128xf32, #tpu.memory_space<vmem>>, vector<1x16xf32>,
      %swap3A_3378 = vector.shape_cast %swap3A_3377 : vector<1x16xf32> to vector<16xf32>
      %swap3A_3379 = vector.shape_cast %get3A_3373 : vector<16xf32> to vector<1x16xf32>
      tpu.vector_store %arg20[%swap3A_3375, %swap3A_3376], %swap3A_3379 {strides = array<i32>} : memref<96x128xf32, #tpu.memory_space<vmem>>, vector<1x16xf32>,
      %get3A_3380 = arith.constant 1264 : index
      %get3A_3381 = tpu.vector_load %arg19[%get3A_3380] {strides = array<i32>} : memref<1536xf32, #tpu.memory_space<vmem>>, vector<16xf32>,
      %get3A_3382 = vector.shape_cast %get3A_3381 : vector<16xf32> to vector<16xf32>
      %swap3A_3383 = arith.constant 79 : i32
      %swap3A_3384 = arith.index_cast %swap3A_3383 : i32 to index
      %swap3A_3385 = arith.constant 16 : index
      %swap3A_3386 = tpu.vector_load %arg20[%swap3A_3384, %swap3A_3385] {strides = array<i32>} : memref<96x128xf32, #tpu.memory_space<vmem>>, vector<1x16xf32>,
      %swap3A_3387 = vector.shape_cast %swap3A_3386 : vector<1x16xf32> to vector<16xf32>
      %swap3A_3388 = vector.shape_cast %get3A_3382 : vector<16xf32> to vector<1x16xf32>
      tpu.vector_store %arg20[%swap3A_3384, %swap3A_3385], %swap3A_3388 {strides = array<i32>} : memref<96x128xf32, #tpu.memory_space<vmem>>, vector<1x16xf32>,
      %get3A_3389 = arith.constant 1280 : index
      %get3A_3390 = tpu.vector_load %arg17[%get3A_3389] {strides = array<i32>} : memref<1536xf32, #tpu.memory_space<vmem>>, vector<16xf32>,
      %get3A_3391 = vector.shape_cast %get3A_3390 : vector<16xf32> to vector<16xf32>
      %swap3A_3392 = arith.constant 80 : i32
      %swap3A_3393 = arith.index_cast %swap3A_3392 : i32 to index
      %swap3A_3394 = arith.constant 0 : index
      %swap3A_3395 = tpu.vector_load %arg20[%swap3A_3393, %swap3A_3394] {strides = array<i32>} : memref<96x128xf32, #tpu.memory_space<vmem>>, vector<1x16xf32>,
      %swap3A_3396 = vector.shape_cast %swap3A_3395 : vector<1x16xf32> to vector<16xf32>
      %swap3A_3397 = vector.shape_cast %get3A_3391 : vector<16xf32> to vector<1x16xf32>
      tpu.vector_store %arg20[%swap3A_3393, %swap3A_3394], %swap3A_3397 {strides = array<i32>} : memref<96x128xf32, #tpu.memory_space<vmem>>, vector<1x16xf32>,
      %get3A_3398 = arith.constant 1280 : index
      %get3A_3399 = tpu.vector_load %arg19[%get3A_3398] {strides = array<i32>} : memref<1536xf32, #tpu.memory_space<vmem>>, vector<16xf32>,
      %get3A_3400 = vector.shape_cast %get3A_3399 : vector<16xf32> to vector<16xf32>
      %swap3A_3401 = arith.constant 80 : i32
      %swap3A_3402 = arith.index_cast %swap3A_3401 : i32 to index
      %swap3A_3403 = arith.constant 16 : index
      %swap3A_3404 = tpu.vector_load %arg20[%swap3A_3402, %swap3A_3403] {strides = array<i32>} : memref<96x128xf32, #tpu.memory_space<vmem>>, vector<1x16xf32>,
      %swap3A_3405 = vector.shape_cast %swap3A_3404 : vector<1x16xf32> to vector<16xf32>
      %swap3A_3406 = vector.shape_cast %get3A_3400 : vector<16xf32> to vector<1x16xf32>
      tpu.vector_store %arg20[%swap3A_3402, %swap3A_3403], %swap3A_3406 {strides = array<i32>} : memref<96x128xf32, #tpu.memory_space<vmem>>, vector<1x16xf32>,
      %get3A_3407 = arith.constant 1296 : index
      %get3A_3408 = tpu.vector_load %arg17[%get3A_3407] {strides = array<i32>} : memref<1536xf32, #tpu.memory_space<vmem>>, vector<16xf32>,
      %get3A_3409 = vector.shape_cast %get3A_3408 : vector<16xf32> to vector<16xf32>
      %swap3A_3410 = arith.constant 81 : i32
      %swap3A_3411 = arith.index_cast %swap3A_3410 : i32 to index
      %swap3A_3412 = arith.constant 0 : index
      %swap3A_3413 = tpu.vector_load %arg20[%swap3A_3411, %swap3A_3412] {strides = array<i32>} : memref<96x128xf32, #tpu.memory_space<vmem>>, vector<1x16xf32>,
      %swap3A_3414 = vector.shape_cast %swap3A_3413 : vector<1x16xf32> to vector<16xf32>
      %swap3A_3415 = vector.shape_cast %get3A_3409 : vector<16xf32> to vector<1x16xf32>
      tpu.vector_store %arg20[%swap3A_3411, %swap3A_3412], %swap3A_3415 {strides = array<i32>} : memref<96x128xf32, #tpu.memory_space<vmem>>, vector<1x16xf32>,
      %get3A_3416 = arith.constant 1296 : index
      %get3A_3417 = tpu.vector_load %arg19[%get3A_3416] {strides = array<i32>} : memref<1536xf32, #tpu.memory_space<vmem>>, vector<16xf32>,
      %get3A_3418 = vector.shape_cast %get3A_3417 : vector<16xf32> to vector<16xf32>
      %swap3A_3419 = arith.constant 81 : i32
      %swap3A_3420 = arith.index_cast %swap3A_3419 : i32 to index
      %swap3A_3421 = arith.constant 16 : index
      %swap3A_3422 = tpu.vector_load %arg20[%swap3A_3420, %swap3A_3421] {strides = array<i32>} : memref<96x128xf32, #tpu.memory_space<vmem>>, vector<1x16xf32>,
      %swap3A_3423 = vector.shape_cast %swap3A_3422 : vector<1x16xf32> to vector<16xf32>
      %swap3A_3424 = vector.shape_cast %get3A_3418 : vector<16xf32> to vector<1x16xf32>
      tpu.vector_store %arg20[%swap3A_3420, %swap3A_3421], %swap3A_3424 {strides = array<i32>} : memref<96x128xf32, #tpu.memory_space<vmem>>, vector<1x16xf32>,
      %get3A_3425 = arith.constant 1312 : index
      %get3A_3426 = tpu.vector_load %arg17[%get3A_3425] {strides = array<i32>} : memref<1536xf32, #tpu.memory_space<vmem>>, vector<16xf32>,
      %get3A_3427 = vector.shape_cast %get3A_3426 : vector<16xf32> to vector<16xf32>
      %swap3A_3428 = arith.constant 82 : i32
      %swap3A_3429 = arith.index_cast %swap3A_3428 : i32 to index
      %swap3A_3430 = arith.constant 0 : index
      %swap3A_3431 = tpu.vector_load %arg20[%swap3A_3429, %swap3A_3430] {strides = array<i32>} : memref<96x128xf32, #tpu.memory_space<vmem>>, vector<1x16xf32>,
      %swap3A_3432 = vector.shape_cast %swap3A_3431 : vector<1x16xf32> to vector<16xf32>
      %swap3A_3433 = vector.shape_cast %get3A_3427 : vector<16xf32> to vector<1x16xf32>
      tpu.vector_store %arg20[%swap3A_3429, %swap3A_3430], %swap3A_3433 {strides = array<i32>} : memref<96x128xf32, #tpu.memory_space<vmem>>, vector<1x16xf32>,
      %get3A_3434 = arith.constant 1312 : index
      %get3A_3435 = tpu.vector_load %arg19[%get3A_3434] {strides = array<i32>} : memref<1536xf32, #tpu.memory_space<vmem>>, vector<16xf32>,
      %get3A_3436 = vector.shape_cast %get3A_3435 : vector<16xf32> to vector<16xf32>
      %swap3A_3437 = arith.constant 82 : i32
      %swap3A_3438 = arith.index_cast %swap3A_3437 : i32 to index
      %swap3A_3439 = arith.constant 16 : index
      %swap3A_3440 = tpu.vector_load %arg20[%swap3A_3438, %swap3A_3439] {strides = array<i32>} : memref<96x128xf32, #tpu.memory_space<vmem>>, vector<1x16xf32>,
      %swap3A_3441 = vector.shape_cast %swap3A_3440 : vector<1x16xf32> to vector<16xf32>
      %swap3A_3442 = vector.shape_cast %get3A_3436 : vector<16xf32> to vector<1x16xf32>
      tpu.vector_store %arg20[%swap3A_3438, %swap3A_3439], %swap3A_3442 {strides = array<i32>} : memref<96x128xf32, #tpu.memory_space<vmem>>, vector<1x16xf32>,
      %get3A_3443 = arith.constant 1328 : index
      %get3A_3444 = tpu.vector_load %arg17[%get3A_3443] {strides = array<i32>} : memref<1536xf32, #tpu.memory_space<vmem>>, vector<16xf32>,
      %get3A_3445 = vector.shape_cast %get3A_3444 : vector<16xf32> to vector<16xf32>
      %swap3A_3446 = arith.constant 83 : i32
      %swap3A_3447 = arith.index_cast %swap3A_3446 : i32 to index
      %swap3A_3448 = arith.constant 0 : index
      %swap3A_3449 = tpu.vector_load %arg20[%swap3A_3447, %swap3A_3448] {strides = array<i32>} : memref<96x128xf32, #tpu.memory_space<vmem>>, vector<1x16xf32>,
      %swap3A_3450 = vector.shape_cast %swap3A_3449 : vector<1x16xf32> to vector<16xf32>
      %swap3A_3451 = vector.shape_cast %get3A_3445 : vector<16xf32> to vector<1x16xf32>
      tpu.vector_store %arg20[%swap3A_3447, %swap3A_3448], %swap3A_3451 {strides = array<i32>} : memref<96x128xf32, #tpu.memory_space<vmem>>, vector<1x16xf32>,
      %get3A_3452 = arith.constant 1328 : index
      %get3A_3453 = tpu.vector_load %arg19[%get3A_3452] {strides = array<i32>} : memref<1536xf32, #tpu.memory_space<vmem>>, vector<16xf32>,
      %get3A_3454 = vector.shape_cast %get3A_3453 : vector<16xf32> to vector<16xf32>
      %swap3A_3455 = arith.constant 83 : i32
      %swap3A_3456 = arith.index_cast %swap3A_3455 : i32 to index
      %swap3A_3457 = arith.constant 16 : index
      %swap3A_3458 = tpu.vector_load %arg20[%swap3A_3456, %swap3A_3457] {strides = array<i32>} : memref<96x128xf32, #tpu.memory_space<vmem>>, vector<1x16xf32>,
      %swap3A_3459 = vector.shape_cast %swap3A_3458 : vector<1x16xf32> to vector<16xf32>
      %swap3A_3460 = vector.shape_cast %get3A_3454 : vector<16xf32> to vector<1x16xf32>
      tpu.vector_store %arg20[%swap3A_3456, %swap3A_3457], %swap3A_3460 {strides = array<i32>} : memref<96x128xf32, #tpu.memory_space<vmem>>, vector<1x16xf32>,
      %get3A_3461 = arith.constant 1344 : index
      %get3A_3462 = tpu.vector_load %arg17[%get3A_3461] {strides = array<i32>} : memref<1536xf32, #tpu.memory_space<vmem>>, vector<16xf32>,
      %get3A_3463 = vector.shape_cast %get3A_3462 : vector<16xf32> to vector<16xf32>
      %swap3A_3464 = arith.constant 84 : i32
      %swap3A_3465 = arith.index_cast %swap3A_3464 : i32 to index
      %swap3A_3466 = arith.constant 0 : index
      %swap3A_3467 = tpu.vector_load %arg20[%swap3A_3465, %swap3A_3466] {strides = array<i32>} : memref<96x128xf32, #tpu.memory_space<vmem>>, vector<1x16xf32>,
      %swap3A_3468 = vector.shape_cast %swap3A_3467 : vector<1x16xf32> to vector<16xf32>
      %swap3A_3469 = vector.shape_cast %get3A_3463 : vector<16xf32> to vector<1x16xf32>
      tpu.vector_store %arg20[%swap3A_3465, %swap3A_3466], %swap3A_3469 {strides = array<i32>} : memref<96x128xf32, #tpu.memory_space<vmem>>, vector<1x16xf32>,
      %get3A_3470 = arith.constant 1344 : index
      %get3A_3471 = tpu.vector_load %arg19[%get3A_3470] {strides = array<i32>} : memref<1536xf32, #tpu.memory_space<vmem>>, vector<16xf32>,
      %get3A_3472 = vector.shape_cast %get3A_3471 : vector<16xf32> to vector<16xf32>
      %swap3A_3473 = arith.constant 84 : i32
      %swap3A_3474 = arith.index_cast %swap3A_3473 : i32 to index
      %swap3A_3475 = arith.constant 16 : index
      %swap3A_3476 = tpu.vector_load %arg20[%swap3A_3474, %swap3A_3475] {strides = array<i32>} : memref<96x128xf32, #tpu.memory_space<vmem>>, vector<1x16xf32>,
      %swap3A_3477 = vector.shape_cast %swap3A_3476 : vector<1x16xf32> to vector<16xf32>
      %swap3A_3478 = vector.shape_cast %get3A_3472 : vector<16xf32> to vector<1x16xf32>
      tpu.vector_store %arg20[%swap3A_3474, %swap3A_3475], %swap3A_3478 {strides = array<i32>} : memref<96x128xf32, #tpu.memory_space<vmem>>, vector<1x16xf32>,
      %get3A_3479 = arith.constant 1360 : index
      %get3A_3480 = tpu.vector_load %arg17[%get3A_3479] {strides = array<i32>} : memref<1536xf32, #tpu.memory_space<vmem>>, vector<16xf32>,
      %get3A_3481 = vector.shape_cast %get3A_3480 : vector<16xf32> to vector<16xf32>
      %swap3A_3482 = arith.constant 85 : i32
      %swap3A_3483 = arith.index_cast %swap3A_3482 : i32 to index
      %swap3A_3484 = arith.constant 0 : index
      %swap3A_3485 = tpu.vector_load %arg20[%swap3A_3483, %swap3A_3484] {strides = array<i32>} : memref<96x128xf32, #tpu.memory_space<vmem>>, vector<1x16xf32>,
      %swap3A_3486 = vector.shape_cast %swap3A_3485 : vector<1x16xf32> to vector<16xf32>
      %swap3A_3487 = vector.shape_cast %get3A_3481 : vector<16xf32> to vector<1x16xf32>
      tpu.vector_store %arg20[%swap3A_3483, %swap3A_3484], %swap3A_3487 {strides = array<i32>} : memref<96x128xf32, #tpu.memory_space<vmem>>, vector<1x16xf32>,
      %get3A_3488 = arith.constant 1360 : index
      %get3A_3489 = tpu.vector_load %arg19[%get3A_3488] {strides = array<i32>} : memref<1536xf32, #tpu.memory_space<vmem>>, vector<16xf32>,
      %get3A_3490 = vector.shape_cast %get3A_3489 : vector<16xf32> to vector<16xf32>
      %swap3A_3491 = arith.constant 85 : i32
      %swap3A_3492 = arith.index_cast %swap3A_3491 : i32 to index
      %swap3A_3493 = arith.constant 16 : index
      %swap3A_3494 = tpu.vector_load %arg20[%swap3A_3492, %swap3A_3493] {strides = array<i32>} : memref<96x128xf32, #tpu.memory_space<vmem>>, vector<1x16xf32>,
      %swap3A_3495 = vector.shape_cast %swap3A_3494 : vector<1x16xf32> to vector<16xf32>
      %swap3A_3496 = vector.shape_cast %get3A_3490 : vector<16xf32> to vector<1x16xf32>
      tpu.vector_store %arg20[%swap3A_3492, %swap3A_3493], %swap3A_3496 {strides = array<i32>} : memref<96x128xf32, #tpu.memory_space<vmem>>, vector<1x16xf32>,
      %get3A_3497 = arith.constant 1376 : index
      %get3A_3498 = tpu.vector_load %arg17[%get3A_3497] {strides = array<i32>} : memref<1536xf32, #tpu.memory_space<vmem>>, vector<16xf32>,
      %get3A_3499 = vector.shape_cast %get3A_3498 : vector<16xf32> to vector<16xf32>
      %swap3A_3500 = arith.constant 86 : i32
      %swap3A_3501 = arith.index_cast %swap3A_3500 : i32 to index
      %swap3A_3502 = arith.constant 0 : index
      %swap3A_3503 = tpu.vector_load %arg20[%swap3A_3501, %swap3A_3502] {strides = array<i32>} : memref<96x128xf32, #tpu.memory_space<vmem>>, vector<1x16xf32>,
      %swap3A_3504 = vector.shape_cast %swap3A_3503 : vector<1x16xf32> to vector<16xf32>
      %swap3A_3505 = vector.shape_cast %get3A_3499 : vector<16xf32> to vector<1x16xf32>
      tpu.vector_store %arg20[%swap3A_3501, %swap3A_3502], %swap3A_3505 {strides = array<i32>} : memref<96x128xf32, #tpu.memory_space<vmem>>, vector<1x16xf32>,
      %get3A_3506 = arith.constant 1376 : index
      %get3A_3507 = tpu.vector_load %arg19[%get3A_3506] {strides = array<i32>} : memref<1536xf32, #tpu.memory_space<vmem>>, vector<16xf32>,
      %get3A_3508 = vector.shape_cast %get3A_3507 : vector<16xf32> to vector<16xf32>
      %swap3A_3509 = arith.constant 86 : i32
      %swap3A_3510 = arith.index_cast %swap3A_3509 : i32 to index
      %swap3A_3511 = arith.constant 16 : index
      %swap3A_3512 = tpu.vector_load %arg20[%swap3A_3510, %swap3A_3511] {strides = array<i32>} : memref<96x128xf32, #tpu.memory_space<vmem>>, vector<1x16xf32>,
      %swap3A_3513 = vector.shape_cast %swap3A_3512 : vector<1x16xf32> to vector<16xf32>
      %swap3A_3514 = vector.shape_cast %get3A_3508 : vector<16xf32> to vector<1x16xf32>
      tpu.vector_store %arg20[%swap3A_3510, %swap3A_3511], %swap3A_3514 {strides = array<i32>} : memref<96x128xf32, #tpu.memory_space<vmem>>, vector<1x16xf32>,
      %get3A_3515 = arith.constant 1392 : index
      %get3A_3516 = tpu.vector_load %arg17[%get3A_3515] {strides = array<i32>} : memref<1536xf32, #tpu.memory_space<vmem>>, vector<16xf32>,
      %get3A_3517 = vector.shape_cast %get3A_3516 : vector<16xf32> to vector<16xf32>
      %swap3A_3518 = arith.constant 87 : i32
      %swap3A_3519 = arith.index_cast %swap3A_3518 : i32 to index
      %swap3A_3520 = arith.constant 0 : index
      %swap3A_3521 = tpu.vector_load %arg20[%swap3A_3519, %swap3A_3520] {strides = array<i32>} : memref<96x128xf32, #tpu.memory_space<vmem>>, vector<1x16xf32>,
      %swap3A_3522 = vector.shape_cast %swap3A_3521 : vector<1x16xf32> to vector<16xf32>
      %swap3A_3523 = vector.shape_cast %get3A_3517 : vector<16xf32> to vector<1x16xf32>
      tpu.vector_store %arg20[%swap3A_3519, %swap3A_3520], %swap3A_3523 {strides = array<i32>} : memref<96x128xf32, #tpu.memory_space<vmem>>, vector<1x16xf32>,
      %get3A_3524 = arith.constant 1392 : index
      %get3A_3525 = tpu.vector_load %arg19[%get3A_3524] {strides = array<i32>} : memref<1536xf32, #tpu.memory_space<vmem>>, vector<16xf32>,
      %get3A_3526 = vector.shape_cast %get3A_3525 : vector<16xf32> to vector<16xf32>
      %swap3A_3527 = arith.constant 87 : i32
      %swap3A_3528 = arith.index_cast %swap3A_3527 : i32 to index
      %swap3A_3529 = arith.constant 16 : index
      %swap3A_3530 = tpu.vector_load %arg20[%swap3A_3528, %swap3A_3529] {strides = array<i32>} : memref<96x128xf32, #tpu.memory_space<vmem>>, vector<1x16xf32>,
      %swap3A_3531 = vector.shape_cast %swap3A_3530 : vector<1x16xf32> to vector<16xf32>
      %swap3A_3532 = vector.shape_cast %get3A_3526 : vector<16xf32> to vector<1x16xf32>
      tpu.vector_store %arg20[%swap3A_3528, %swap3A_3529], %swap3A_3532 {strides = array<i32>} : memref<96x128xf32, #tpu.memory_space<vmem>>, vector<1x16xf32>,
      %get3A_3533 = arith.constant 1408 : index
      %get3A_3534 = tpu.vector_load %arg17[%get3A_3533] {strides = array<i32>} : memref<1536xf32, #tpu.memory_space<vmem>>, vector<16xf32>,
      %get3A_3535 = vector.shape_cast %get3A_3534 : vector<16xf32> to vector<16xf32>
      %swap3A_3536 = arith.constant 88 : i32
      %swap3A_3537 = arith.index_cast %swap3A_3536 : i32 to index
      %swap3A_3538 = arith.constant 0 : index
      %swap3A_3539 = tpu.vector_load %arg20[%swap3A_3537, %swap3A_3538] {strides = array<i32>} : memref<96x128xf32, #tpu.memory_space<vmem>>, vector<1x16xf32>,
      %swap3A_3540 = vector.shape_cast %swap3A_3539 : vector<1x16xf32> to vector<16xf32>
      %swap3A_3541 = vector.shape_cast %get3A_3535 : vector<16xf32> to vector<1x16xf32>
      tpu.vector_store %arg20[%swap3A_3537, %swap3A_3538], %swap3A_3541 {strides = array<i32>} : memref<96x128xf32, #tpu.memory_space<vmem>>, vector<1x16xf32>,
      %get3A_3542 = arith.constant 1408 : index
      %get3A_3543 = tpu.vector_load %arg19[%get3A_3542] {strides = array<i32>} : memref<1536xf32, #tpu.memory_space<vmem>>, vector<16xf32>,
      %get3A_3544 = vector.shape_cast %get3A_3543 : vector<16xf32> to vector<16xf32>
      %swap3A_3545 = arith.constant 88 : i32
      %swap3A_3546 = arith.index_cast %swap3A_3545 : i32 to index
      %swap3A_3547 = arith.constant 16 : index
      %swap3A_3548 = tpu.vector_load %arg20[%swap3A_3546, %swap3A_3547] {strides = array<i32>} : memref<96x128xf32, #tpu.memory_space<vmem>>, vector<1x16xf32>,
      %swap3A_3549 = vector.shape_cast %swap3A_3548 : vector<1x16xf32> to vector<16xf32>
      %swap3A_3550 = vector.shape_cast %get3A_3544 : vector<16xf32> to vector<1x16xf32>
      tpu.vector_store %arg20[%swap3A_3546, %swap3A_3547], %swap3A_3550 {strides = array<i32>} : memref<96x128xf32, #tpu.memory_space<vmem>>, vector<1x16xf32>,
      %get3A_3551 = arith.constant 1424 : index
      %get3A_3552 = tpu.vector_load %arg17[%get3A_3551] {strides = array<i32>} : memref<1536xf32, #tpu.memory_space<vmem>>, vector<16xf32>,
      %get3A_3553 = vector.shape_cast %get3A_3552 : vector<16xf32> to vector<16xf32>
      %swap3A_3554 = arith.constant 89 : i32
      %swap3A_3555 = arith.index_cast %swap3A_3554 : i32 to index
      %swap3A_3556 = arith.constant 0 : index
      %swap3A_3557 = tpu.vector_load %arg20[%swap3A_3555, %swap3A_3556] {strides = array<i32>} : memref<96x128xf32, #tpu.memory_space<vmem>>, vector<1x16xf32>,
      %swap3A_3558 = vector.shape_cast %swap3A_3557 : vector<1x16xf32> to vector<16xf32>
      %swap3A_3559 = vector.shape_cast %get3A_3553 : vector<16xf32> to vector<1x16xf32>
      tpu.vector_store %arg20[%swap3A_3555, %swap3A_3556], %swap3A_3559 {strides = array<i32>} : memref<96x128xf32, #tpu.memory_space<vmem>>, vector<1x16xf32>,
      %get3A_3560 = arith.constant 1424 : index
      %get3A_3561 = tpu.vector_load %arg19[%get3A_3560] {strides = array<i32>} : memref<1536xf32, #tpu.memory_space<vmem>>, vector<16xf32>,
      %get3A_3562 = vector.shape_cast %get3A_3561 : vector<16xf32> to vector<16xf32>
      %swap3A_3563 = arith.constant 89 : i32
      %swap3A_3564 = arith.index_cast %swap3A_3563 : i32 to index
      %swap3A_3565 = arith.constant 16 : index
      %swap3A_3566 = tpu.vector_load %arg20[%swap3A_3564, %swap3A_3565] {strides = array<i32>} : memref<96x128xf32, #tpu.memory_space<vmem>>, vector<1x16xf32>,
      %swap3A_3567 = vector.shape_cast %swap3A_3566 : vector<1x16xf32> to vector<16xf32>
      %swap3A_3568 = vector.shape_cast %get3A_3562 : vector<16xf32> to vector<1x16xf32>
      tpu.vector_store %arg20[%swap3A_3564, %swap3A_3565], %swap3A_3568 {strides = array<i32>} : memref<96x128xf32, #tpu.memory_space<vmem>>, vector<1x16xf32>,
      %get3A_3569 = arith.constant 1440 : index
      %get3A_3570 = tpu.vector_load %arg17[%get3A_3569] {strides = array<i32>} : memref<1536xf32, #tpu.memory_space<vmem>>, vector<16xf32>,
      %get3A_3571 = vector.shape_cast %get3A_3570 : vector<16xf32> to vector<16xf32>
      %swap3A_3572 = arith.constant 90 : i32
      %swap3A_3573 = arith.index_cast %swap3A_3572 : i32 to index
      %swap3A_3574 = arith.constant 0 : index
      %swap3A_3575 = tpu.vector_load %arg20[%swap3A_3573, %swap3A_3574] {strides = array<i32>} : memref<96x128xf32, #tpu.memory_space<vmem>>, vector<1x16xf32>,
      %swap3A_3576 = vector.shape_cast %swap3A_3575 : vector<1x16xf32> to vector<16xf32>
      %swap3A_3577 = vector.shape_cast %get3A_3571 : vector<16xf32> to vector<1x16xf32>
      tpu.vector_store %arg20[%swap3A_3573, %swap3A_3574], %swap3A_3577 {strides = array<i32>} : memref<96x128xf32, #tpu.memory_space<vmem>>, vector<1x16xf32>,
      %get3A_3578 = arith.constant 1440 : index
      %get3A_3579 = tpu.vector_load %arg19[%get3A_3578] {strides = array<i32>} : memref<1536xf32, #tpu.memory_space<vmem>>, vector<16xf32>,
      %get3A_3580 = vector.shape_cast %get3A_3579 : vector<16xf32> to vector<16xf32>
      %swap3A_3581 = arith.constant 90 : i32
      %swap3A_3582 = arith.index_cast %swap3A_3581 : i32 to index
      %swap3A_3583 = arith.constant 16 : index
      %swap3A_3584 = tpu.vector_load %arg20[%swap3A_3582, %swap3A_3583] {strides = array<i32>} : memref<96x128xf32, #tpu.memory_space<vmem>>, vector<1x16xf32>,
      %swap3A_3585 = vector.shape_cast %swap3A_3584 : vector<1x16xf32> to vector<16xf32>
      %swap3A_3586 = vector.shape_cast %get3A_3580 : vector<16xf32> to vector<1x16xf32>
      tpu.vector_store %arg20[%swap3A_3582, %swap3A_3583], %swap3A_3586 {strides = array<i32>} : memref<96x128xf32, #tpu.memory_space<vmem>>, vector<1x16xf32>,
      %get3A_3587 = arith.constant 1456 : index
      %get3A_3588 = tpu.vector_load %arg17[%get3A_3587] {strides = array<i32>} : memref<1536xf32, #tpu.memory_space<vmem>>, vector<16xf32>,
      %get3A_3589 = vector.shape_cast %get3A_3588 : vector<16xf32> to vector<16xf32>
      %swap3A_3590 = arith.constant 91 : i32
      %swap3A_3591 = arith.index_cast %swap3A_3590 : i32 to index
      %swap3A_3592 = arith.constant 0 : index
      %swap3A_3593 = tpu.vector_load %arg20[%swap3A_3591, %swap3A_3592] {strides = array<i32>} : memref<96x128xf32, #tpu.memory_space<vmem>>, vector<1x16xf32>,
      %swap3A_3594 = vector.shape_cast %swap3A_3593 : vector<1x16xf32> to vector<16xf32>
      %swap3A_3595 = vector.shape_cast %get3A_3589 : vector<16xf32> to vector<1x16xf32>
      tpu.vector_store %arg20[%swap3A_3591, %swap3A_3592], %swap3A_3595 {strides = array<i32>} : memref<96x128xf32, #tpu.memory_space<vmem>>, vector<1x16xf32>,
      %get3A_3596 = arith.constant 1456 : index
      %get3A_3597 = tpu.vector_load %arg19[%get3A_3596] {strides = array<i32>} : memref<1536xf32, #tpu.memory_space<vmem>>, vector<16xf32>,
      %get3A_3598 = vector.shape_cast %get3A_3597 : vector<16xf32> to vector<16xf32>
      %swap3A_3599 = arith.constant 91 : i32
      %swap3A_3600 = arith.index_cast %swap3A_3599 : i32 to index
      %swap3A_3601 = arith.constant 16 : index
      %swap3A_3602 = tpu.vector_load %arg20[%swap3A_3600, %swap3A_3601] {strides = array<i32>} : memref<96x128xf32, #tpu.memory_space<vmem>>, vector<1x16xf32>,
      %swap3A_3603 = vector.shape_cast %swap3A_3602 : vector<1x16xf32> to vector<16xf32>
      %swap3A_3604 = vector.shape_cast %get3A_3598 : vector<16xf32> to vector<1x16xf32>
      tpu.vector_store %arg20[%swap3A_3600, %swap3A_3601], %swap3A_3604 {strides = array<i32>} : memref<96x128xf32, #tpu.memory_space<vmem>>, vector<1x16xf32>,
      %get3A_3605 = arith.constant 1472 : index
      %get3A_3606 = tpu.vector_load %arg17[%get3A_3605] {strides = array<i32>} : memref<1536xf32, #tpu.memory_space<vmem>>, vector<16xf32>,
      %get3A_3607 = vector.shape_cast %get3A_3606 : vector<16xf32> to vector<16xf32>
      %swap3A_3608 = arith.constant 92 : i32
      %swap3A_3609 = arith.index_cast %swap3A_3608 : i32 to index
      %swap3A_3610 = arith.constant 0 : index
      %swap3A_3611 = tpu.vector_load %arg20[%swap3A_3609, %swap3A_3610] {strides = array<i32>} : memref<96x128xf32, #tpu.memory_space<vmem>>, vector<1x16xf32>,
      %swap3A_3612 = vector.shape_cast %swap3A_3611 : vector<1x16xf32> to vector<16xf32>
      %swap3A_3613 = vector.shape_cast %get3A_3607 : vector<16xf32> to vector<1x16xf32>
      tpu.vector_store %arg20[%swap3A_3609, %swap3A_3610], %swap3A_3613 {strides = array<i32>} : memref<96x128xf32, #tpu.memory_space<vmem>>, vector<1x16xf32>,
      %get3A_3614 = arith.constant 1472 : index
      %get3A_3615 = tpu.vector_load %arg19[%get3A_3614] {strides = array<i32>} : memref<1536xf32, #tpu.memory_space<vmem>>, vector<16xf32>,
      %get3A_3616 = vector.shape_cast %get3A_3615 : vector<16xf32> to vector<16xf32>
      %swap3A_3617 = arith.constant 92 : i32
      %swap3A_3618 = arith.index_cast %swap3A_3617 : i32 to index
      %swap3A_3619 = arith.constant 16 : index
      %swap3A_3620 = tpu.vector_load %arg20[%swap3A_3618, %swap3A_3619] {strides = array<i32>} : memref<96x128xf32, #tpu.memory_space<vmem>>, vector<1x16xf32>,
      %swap3A_3621 = vector.shape_cast %swap3A_3620 : vector<1x16xf32> to vector<16xf32>
      %swap3A_3622 = vector.shape_cast %get3A_3616 : vector<16xf32> to vector<1x16xf32>
      tpu.vector_store %arg20[%swap3A_3618, %swap3A_3619], %swap3A_3622 {strides = array<i32>} : memref<96x128xf32, #tpu.memory_space<vmem>>, vector<1x16xf32>,
      %get3A_3623 = arith.constant 1488 : index
      %get3A_3624 = tpu.vector_load %arg17[%get3A_3623] {strides = array<i32>} : memref<1536xf32, #tpu.memory_space<vmem>>, vector<16xf32>,
      %get3A_3625 = vector.shape_cast %get3A_3624 : vector<16xf32> to vector<16xf32>
      %swap3A_3626 = arith.constant 93 : i32
      %swap3A_3627 = arith.index_cast %swap3A_3626 : i32 to index
      %swap3A_3628 = arith.constant 0 : index
      %swap3A_3629 = tpu.vector_load %arg20[%swap3A_3627, %swap3A_3628] {strides = array<i32>} : memref<96x128xf32, #tpu.memory_space<vmem>>, vector<1x16xf32>,
      %swap3A_3630 = vector.shape_cast %swap3A_3629 : vector<1x16xf32> to vector<16xf32>
      %swap3A_3631 = vector.shape_cast %get3A_3625 : vector<16xf32> to vector<1x16xf32>
      tpu.vector_store %arg20[%swap3A_3627, %swap3A_3628], %swap3A_3631 {strides = array<i32>} : memref<96x128xf32, #tpu.memory_space<vmem>>, vector<1x16xf32>,
      %get3A_3632 = arith.constant 1488 : index
      %get3A_3633 = tpu.vector_load %arg19[%get3A_3632] {strides = array<i32>} : memref<1536xf32, #tpu.memory_space<vmem>>, vector<16xf32>,
      %get3A_3634 = vector.shape_cast %get3A_3633 : vector<16xf32> to vector<16xf32>
      %swap3A_3635 = arith.constant 93 : i32
      %swap3A_3636 = arith.index_cast %swap3A_3635 : i32 to index
      %swap3A_3637 = arith.constant 16 : index
      %swap3A_3638 = tpu.vector_load %arg20[%swap3A_3636, %swap3A_3637] {strides = array<i32>} : memref<96x128xf32, #tpu.memory_space<vmem>>, vector<1x16xf32>,
      %swap3A_3639 = vector.shape_cast %swap3A_3638 : vector<1x16xf32> to vector<16xf32>
      %swap3A_3640 = vector.shape_cast %get3A_3634 : vector<16xf32> to vector<1x16xf32>
      tpu.vector_store %arg20[%swap3A_3636, %swap3A_3637], %swap3A_3640 {strides = array<i32>} : memref<96x128xf32, #tpu.memory_space<vmem>>, vector<1x16xf32>,
      %get3A_3641 = arith.constant 1504 : index
      %get3A_3642 = tpu.vector_load %arg17[%get3A_3641] {strides = array<i32>} : memref<1536xf32, #tpu.memory_space<vmem>>, vector<16xf32>,
      %get3A_3643 = vector.shape_cast %get3A_3642 : vector<16xf32> to vector<16xf32>
      %swap3A_3644 = arith.constant 94 : i32
      %swap3A_3645 = arith.index_cast %swap3A_3644 : i32 to index
      %swap3A_3646 = arith.constant 0 : index
      %swap3A_3647 = tpu.vector_load %arg20[%swap3A_3645, %swap3A_3646] {strides = array<i32>} : memref<96x128xf32, #tpu.memory_space<vmem>>, vector<1x16xf32>,
      %swap3A_3648 = vector.shape_cast %swap3A_3647 : vector<1x16xf32> to vector<16xf32>
      %swap3A_3649 = vector.shape_cast %get3A_3643 : vector<16xf32> to vector<1x16xf32>
      tpu.vector_store %arg20[%swap3A_3645, %swap3A_3646], %swap3A_3649 {strides = array<i32>} : memref<96x128xf32, #tpu.memory_space<vmem>>, vector<1x16xf32>,
      %get3A_3650 = arith.constant 1504 : index
      %get3A_3651 = tpu.vector_load %arg19[%get3A_3650] {strides = array<i32>} : memref<1536xf32, #tpu.memory_space<vmem>>, vector<16xf32>,
      %get3A_3652 = vector.shape_cast %get3A_3651 : vector<16xf32> to vector<16xf32>
      %swap3A_3653 = arith.constant 94 : i32
      %swap3A_3654 = arith.index_cast %swap3A_3653 : i32 to index
      %swap3A_3655 = arith.constant 16 : index
      %swap3A_3656 = tpu.vector_load %arg20[%swap3A_3654, %swap3A_3655] {strides = array<i32>} : memref<96x128xf32, #tpu.memory_space<vmem>>, vector<1x16xf32>,
      %swap3A_3657 = vector.shape_cast %swap3A_3656 : vector<1x16xf32> to vector<16xf32>
      %swap3A_3658 = vector.shape_cast %get3A_3652 : vector<16xf32> to vector<1x16xf32>
      tpu.vector_store %arg20[%swap3A_3654, %swap3A_3655], %swap3A_3658 {strides = array<i32>} : memref<96x128xf32, #tpu.memory_space<vmem>>, vector<1x16xf32>,
      %get3A_3659 = arith.constant 1520 : index
      %get3A_3660 = tpu.vector_load %arg17[%get3A_3659] {strides = array<i32>} : memref<1536xf32, #tpu.memory_space<vmem>>, vector<16xf32>,
      %get3A_3661 = vector.shape_cast %get3A_3660 : vector<16xf32> to vector<16xf32>
      %swap3A_3662 = arith.constant 95 : i32
      %swap3A_3663 = arith.index_cast %swap3A_3662 : i32 to index
      %swap3A_3664 = arith.constant 0 : index
      %swap3A_3665 = tpu.vector_load %arg20[%swap3A_3663, %swap3A_3664] {strides = array<i32>} : memref<96x128xf32, #tpu.memory_space<vmem>>, vector<1x16xf32>,
      %swap3A_3666 = vector.shape_cast %swap3A_3665 : vector<1x16xf32> to vector<16xf32>
      %swap3A_3667 = vector.shape_cast %get3A_3661 : vector<16xf32> to vector<1x16xf32>
      tpu.vector_store %arg20[%swap3A_3663, %swap3A_3664], %swap3A_3667 {strides = array<i32>} : memref<96x128xf32, #tpu.memory_space<vmem>>, vector<1x16xf32>,
      %get3A_3668 = arith.constant 1520 : index
      %get3A_3669 = tpu.vector_load %arg19[%get3A_3668] {strides = array<i32>} : memref<1536xf32, #tpu.memory_space<vmem>>, vector<16xf32>,
      %get3A_3670 = vector.shape_cast %get3A_3669 : vector<16xf32> to vector<16xf32>
      %swap3A_3671 = arith.constant 95 : i32
      %swap3A_3672 = arith.index_cast %swap3A_3671 : i32 to index
      %swap3A_3673 = arith.constant 16 : index
      %swap3A_3674 = tpu.vector_load %arg20[%swap3A_3672, %swap3A_3673] {strides = array<i32>} : memref<96x128xf32, #tpu.memory_space<vmem>>, vector<1x16xf32>,
      %swap3A_3675 = vector.shape_cast %swap3A_3674 : vector<1x16xf32> to vector<16xf32>
      %swap3A_3676 = vector.shape_cast %get3A_3670 : vector<16xf32> to vector<1x16xf32>
      tpu.vector_store %arg20[%swap3A_3672, %swap3A_3673], %swap3A_3676 {strides = array<i32>} : memref<96x128xf32, #tpu.memory_space<vmem>>, vector<1x16xf32>,
      %dma_start3A_3677 = arith.constant 0 : i32
      %dma_start3A_3678 = arith.constant 0 : i32
      %dma_start3A_3679 = tpu.memref_slice %arg22[%dma_start3A_3677, %dma_start3A_3678] : memref<5248x128xf32, #tpu.memory_space<vmem_shared>> -> memref<5248x128xf32, #tpu.memory_space<vmem_shared>>
      tpu.enqueue_indirect_dma source(%arg20 : memref<96x128xf32, #tpu.memory_space<vmem>>) target(%dma_start3A_3679 : memref<5248x128xf32, #tpu.memory_space<vmem_shared>>) offsets(%arg13 : memref<96xi32, #tpu.memory_space<vmem>>) semaphore(%arg25 : memref<!tpu.dma_semaphore, #tpu.memory_space<semaphore_mem>>) {add = true}
      %dma_wait3A_3680 = arith.constant 0 : i32
      %dma_wait3A_3681 = arith.constant 0 : i32
      %dma_wait3A_3682 = tpu.memref_slice %arg2[%dma_wait3A_3680, %dma_wait3A_3681] : memref<10000x128xf32, #tpu.memory_space<hbm>> -> memref<10000x128xf32, #tpu.memory_space<hbm>>
      tpu.wait_indirect_dma semaphore(%arg24 : memref<!tpu.dma_semaphore, #tpu.memory_space<semaphore_mem>>) src(%dma_wait3A_3682 : memref<10000x128xf32, #tpu.memory_space<hbm>>) dst(%arg15 : memref<96x128xf32, #tpu.memory_space<vmem>>)
      "tpu.region"() ({
        %run_scoped3A = tpu.sem_alloc : memref<!tpu.dma_semaphore, #tpu.memory_space<semaphore_mem>>
        %dma_start3A_3706 = arith.constant 0 : i32
        %dma_start3A_3707 = arith.constant 0 : i32
        %dma_start3A_3708 = tpu.memref_slice %arg21[%dma_start3A_3706, %dma_start3A_3707] : memref<5248x128xf32, #tpu.memory_space<vmem_shared>> -> memref<5248x128xf32, #tpu.memory_space<vmem_shared>>
        tpu.enqueue_indirect_dma source(%arg15 : memref<96x128xf32, #tpu.memory_space<vmem>>) target(%dma_start3A_3708 : memref<5248x128xf32, #tpu.memory_space<vmem_shared>>) offsets(%arg13 : memref<96xi32, #tpu.memory_space<vmem>>) semaphore(%run_scoped3A : memref<!tpu.dma_semaphore, #tpu.memory_space<semaphore_mem>>) {add = true}
        %dma_wait3A_3709 = arith.constant 0 : i32
        %dma_wait3A_3710 = arith.constant 0 : i32
        %dma_wait3A_3711 = tpu.memref_slice %arg21[%dma_wait3A_3709, %dma_wait3A_3710] : memref<5248x128xf32, #tpu.memory_space<vmem_shared>> -> memref<5248x128xf32, #tpu.memory_space<vmem_shared>>
        tpu.wait_indirect_dma semaphore(%run_scoped3A : memref<!tpu.dma_semaphore, #tpu.memory_space<semaphore_mem>>) src(%arg15 : memref<96x128xf32, #tpu.memory_space<vmem>>) dst(%dma_wait3A_3711 : memref<5248x128xf32, #tpu.memory_space<vmem_shared>>)
        tpu.yield
      }) : () -> ()
      %dma_wait3A_3683 = arith.constant 0 : i32
      %dma_wait3A_3684 = arith.constant 0 : i32
      %dma_wait3A_3685 = tpu.memref_slice %arg22[%dma_wait3A_3683, %dma_wait3A_3684] : memref<5248x128xf32, #tpu.memory_space<vmem_shared>> -> memref<5248x128xf32, #tpu.memory_space<vmem_shared>>
      tpu.wait_indirect_dma semaphore(%arg25 : memref<!tpu.dma_semaphore, #tpu.memory_space<semaphore_mem>>) src(%arg20 : memref<96x128xf32, #tpu.memory_space<vmem>>) dst(%dma_wait3A_3685 : memref<5248x128xf32, #tpu.memory_space<vmem_shared>>)
      %add3A_3686 = arith.constant 2 : i32
      %add3A_3687 = arith.addi %add3A_1929, %add3A_3686 : i32
      %mul3A_3688 = arith.constant 96 : i32
      %mul3A_3689 = arith.muli %add3A_3687, %mul3A_3688 : i32
      %add3A_3690 = arith.addi %mul3A_33, %mul3A_3689 : i32
      %dma_start3A_3691 = tpu.memref_slice %arg3[%add3A_3690] : memref<322752xi32, #tpu.memory_space<hbm>> -> memref<96xi32, #tpu.memory_space<hbm>>
      %dma_start3A_3692 = tpu.memref_slice %arg3[%add3A_3690] : memref<322752xi32, #tpu.memory_space<hbm>> -> memref<96xi32, #tpu.memory_space<hbm>>
      tpu.enqueue_dma source(%dma_start3A_3692 : memref<96xi32, #tpu.memory_space<hbm>>) target(%arg11 : memref<96xi32, #tpu.memory_space<vmem>>) target_semaphore(%arg27 : memref<!tpu.dma_semaphore, #tpu.memory_space<semaphore_mem>>)
      %mul3A_3693 = arith.constant 322560 : i32
      %mul3A_3694 = arith.muli %arg0, %mul3A_3693 : i32
      %add3A_3695 = arith.addi %mul3A_3694, %add3A_3690 : i32
      %dma_start3A_3696 = tpu.memref_slice %arg4[%add3A_3695] : memref<645312xi32, #tpu.memory_space<hbm>> -> memref<96xi32, #tpu.memory_space<hbm>>
      %dma_start3A_3697 = tpu.memref_slice %arg4[%add3A_3695] : memref<645312xi32, #tpu.memory_space<hbm>> -> memref<96xi32, #tpu.memory_space<hbm>>
      tpu.enqueue_dma source(%dma_start3A_3697 : memref<96xi32, #tpu.memory_space<hbm>>) target(%arg13 : memref<96xi32, #tpu.memory_space<vmem>>) target_semaphore(%arg27 : memref<!tpu.dma_semaphore, #tpu.memory_space<semaphore_mem>>)
      %mul3A_3698 = arith.constant 16 : i32
      %mul3A_3699 = arith.muli %add3A_3690, %mul3A_3698 : i32
      %dma_start3A_3700 = tpu.memref_slice %arg5[%mul3A_3699] : memref<5164032xf32, #tpu.memory_space<hbm>> -> memref<1536xf32, #tpu.memory_space<hbm>>
      %dma_start3A_3701 = tpu.memref_slice %arg5[%mul3A_3699] : memref<5164032xf32, #tpu.memory_space<hbm>> -> memref<1536xf32, #tpu.memory_space<hbm>>
      tpu.enqueue_dma source(%dma_start3A_3701 : memref<1536xf32, #tpu.memory_space<hbm>>) target(%arg17 : memref<1536xf32, #tpu.memory_space<vmem>>) target_semaphore(%arg27 : memref<!tpu.dma_semaphore, #tpu.memory_space<semaphore_mem>>)
      %mul3A_3702 = arith.constant 16 : i32
      %mul3A_3703 = arith.muli %add3A_3690, %mul3A_3702 : i32
      %dma_start3A_3704 = tpu.memref_slice %arg6[%mul3A_3703] : memref<5164032xf32, #tpu.memory_space<hbm>> -> memref<1536xf32, #tpu.memory_space<hbm>>
      %dma_start3A_3705 = tpu.memref_slice %arg6[%mul3A_3703] : memref<5164032xf32, #tpu.memory_space<hbm>> -> memref<1536xf32, #tpu.memory_space<hbm>>
      tpu.enqueue_dma source(%dma_start3A_3705 : memref<1536xf32, #tpu.memory_space<hbm>>) target(%arg19 : memref<1536xf32, #tpu.memory_space<vmem>>) target_semaphore(%arg27 : memref<!tpu.dma_semaphore, #tpu.memory_space<semaphore_mem>>)
    }
    %scan3A_89 = arith.constant 105 : i32
    %dma_wait3A_90 = arith.constant 0 : i32
    %dma_wait3A_91 = tpu.memref_slice %arg3[%dma_wait3A_90] : memref<322752xi32, #tpu.memory_space<hbm>> -> memref<96xi32, #tpu.memory_space<hbm>>
    %dma_wait3A_92 = arith.constant 0 : i32
    %dma_wait3A_93 = tpu.memref_slice %arg3[%dma_wait3A_92] : memref<322752xi32, #tpu.memory_space<hbm>> -> memref<96xi32, #tpu.memory_space<hbm>>
    tpu.wait_dma2 semaphore(%arg27 : memref<!tpu.dma_semaphore, #tpu.memory_space<semaphore_mem>>) src(%dma_wait3A_93 : memref<96xi32, #tpu.memory_space<hbm>>) dst(%arg11 : memref<96xi32, #tpu.memory_space<vmem>>)
    %dma_wait3A_94 = arith.constant 0 : i32
    %dma_wait3A_95 = tpu.memref_slice %arg3[%dma_wait3A_94] : memref<322752xi32, #tpu.memory_space<hbm>> -> memref<96xi32, #tpu.memory_space<hbm>>
    %dma_wait3A_96 = arith.constant 0 : i32
    %dma_wait3A_97 = tpu.memref_slice %arg3[%dma_wait3A_96] : memref<322752xi32, #tpu.memory_space<hbm>> -> memref<96xi32, #tpu.memory_space<hbm>>
    tpu.wait_dma2 semaphore(%arg27 : memref<!tpu.dma_semaphore, #tpu.memory_space<semaphore_mem>>) src(%dma_wait3A_97 : memref<96xi32, #tpu.memory_space<hbm>>) dst(%arg13 : memref<96xi32, #tpu.memory_space<vmem>>)
    %dma_wait3A_98 = arith.constant 0 : i32
    %dma_wait3A_99 = tpu.memref_slice %arg5[%dma_wait3A_98] : memref<5164032xf32, #tpu.memory_space<hbm>> -> memref<1536xf32, #tpu.memory_space<hbm>>
    %dma_wait3A_100 = arith.constant 0 : i32
    %dma_wait3A_101 = tpu.memref_slice %arg5[%dma_wait3A_100] : memref<5164032xf32, #tpu.memory_space<hbm>> -> memref<1536xf32, #tpu.memory_space<hbm>>
    tpu.wait_dma2 semaphore(%arg27 : memref<!tpu.dma_semaphore, #tpu.memory_space<semaphore_mem>>) src(%dma_wait3A_101 : memref<1536xf32, #tpu.memory_space<hbm>>) dst(%arg17 : memref<1536xf32, #tpu.memory_space<vmem>>)
    %dma_wait3A_102 = arith.constant 0 : i32
    %dma_wait3A_103 = tpu.memref_slice %arg5[%dma_wait3A_102] : memref<5164032xf32, #tpu.memory_space<hbm>> -> memref<1536xf32, #tpu.memory_space<hbm>>
    %dma_wait3A_104 = arith.constant 0 : i32
    %dma_wait3A_105 = tpu.memref_slice %arg5[%dma_wait3A_104] : memref<5164032xf32, #tpu.memory_space<hbm>> -> memref<1536xf32, #tpu.memory_space<hbm>>
    tpu.wait_dma2 semaphore(%arg27 : memref<!tpu.dma_semaphore, #tpu.memory_space<semaphore_mem>>) src(%dma_wait3A_105 : memref<1536xf32, #tpu.memory_space<hbm>>) dst(%arg19 : memref<1536xf32, #tpu.memory_space<vmem>>)
    %dma_wait3A_106 = arith.constant 0 : i32
    %dma_wait3A_107 = arith.constant 0 : i32
    %dma_wait3A_108 = tpu.memref_slice %arg2[%dma_wait3A_106, %dma_wait3A_107] : memref<10000x128xf32, #tpu.memory_space<hbm>> -> memref<10000x128xf32, #tpu.memory_space<hbm>>
    tpu.wait_indirect_dma semaphore(%arg23 : memref<!tpu.dma_semaphore, #tpu.memory_space<semaphore_mem>>) src(%dma_wait3A_108 : memref<10000x128xf32, #tpu.memory_space<hbm>>) dst(%arg14 : memref<96x128xf32, #tpu.memory_space<vmem>>)
    %barrier3A_109 = arith.constant 0 : index
    tpu.barrier barrier_id(%barrier3A_109)
    %mul3A_110 = arith.constant 5248 : i32
    %mul3A_111 = arith.muli %arg0, %mul3A_110 : i32
    %mul3A_112 = arith.constant 328 : i32
    %mul3A_113 = arith.muli %arg1, %mul3A_112 : i32
    %add3A_114 = arith.addi %mul3A_111, %mul3A_113 : i32
    %add3A_115 = arith.constant 0 : i32
    %add3A_116 = arith.addi %mul3A_0, %add3A_115 : i32
    %add3A_117 = arith.constant 0 : i32
    %add3A_118 = arith.addi %add3A_114, %add3A_117 : i32
    "tpu.region"() ({
      %run_scoped3A = tpu.sem_alloc : memref<!tpu.dma_semaphore, #tpu.memory_space<semaphore_mem>>
      %dma_start3A_147 = arith.constant 0 : i32
      %dma_start3A_148 = tpu.memref_slice %arg8[%add3A_118, %dma_start3A_147] : memref<10496x128xf32, #tpu.memory_space<hbm>> -> memref<96x128xf32, #tpu.memory_space<hbm>>
      %dma_start3A_149 = arith.constant 0 : i32
      %dma_start3A_150 = tpu.memref_slice %arg21[%add3A_116, %dma_start3A_149] : memref<5248x128xf32, #tpu.memory_space<vmem_shared>> -> memref<96x128xf32, #tpu.memory_space<vmem_shared>>
      tpu.enqueue_dma source(%dma_start3A_150 : memref<96x128xf32, #tpu.memory_space<vmem_shared>>) target(%dma_start3A_148 : memref<96x128xf32, #tpu.memory_space<hbm>>) target_semaphore(%run_scoped3A : memref<!tpu.dma_semaphore, #tpu.memory_space<semaphore_mem>>)
      %dma_wait3A_151 = arith.constant 0 : i32
      %dma_wait3A_152 = tpu.memref_slice %arg8[%add3A_118, %dma_wait3A_151] : memref<10496x128xf32, #tpu.memory_space<hbm>> -> memref<96x128xf32, #tpu.memory_space<hbm>>
      %dma_wait3A_153 = arith.constant 0 : i32
      %dma_wait3A_154 = tpu.memref_slice %arg21[%add3A_116, %dma_wait3A_153] : memref<5248x128xf32, #tpu.memory_space<vmem_shared>> -> memref<96x128xf32, #tpu.memory_space<vmem_shared>>
      tpu.wait_dma2 semaphore(%run_scoped3A : memref<!tpu.dma_semaphore, #tpu.memory_space<semaphore_mem>>) src(%dma_wait3A_154 : memref<96x128xf32, #tpu.memory_space<vmem_shared>>) dst(%dma_wait3A_152 : memref<96x128xf32, #tpu.memory_space<hbm>>)
      tpu.yield
    }) : () -> ()
    %add3A_119 = arith.constant 0 : i32
    %add3A_120 = arith.addi %mul3A_0, %add3A_119 : i32
    %add3A_121 = arith.constant 0 : i32
    %add3A_122 = arith.addi %add3A_114, %add3A_121 : i32
    "tpu.region"() ({
      %run_scoped3A = tpu.sem_alloc : memref<!tpu.dma_semaphore, #tpu.memory_space<semaphore_mem>>
      %dma_start3A_147 = arith.constant 0 : i32
      %dma_start3A_148 = tpu.memref_slice %arg9[%add3A_122, %dma_start3A_147] : memref<10496x128xf32, #tpu.memory_space<hbm>> -> memref<96x128xf32, #tpu.memory_space<hbm>>
      %dma_start3A_149 = arith.constant 0 : i32
      %dma_start3A_150 = tpu.memref_slice %arg22[%add3A_120, %dma_start3A_149] : memref<5248x128xf32, #tpu.memory_space<vmem_shared>> -> memref<96x128xf32, #tpu.memory_space<vmem_shared>>
      tpu.enqueue_dma source(%dma_start3A_150 : memref<96x128xf32, #tpu.memory_space<vmem_shared>>) target(%dma_start3A_148 : memref<96x128xf32, #tpu.memory_space<hbm>>) target_semaphore(%run_scoped3A : memref<!tpu.dma_semaphore, #tpu.memory_space<semaphore_mem>>)
      %dma_wait3A_151 = arith.constant 0 : i32
      %dma_wait3A_152 = tpu.memref_slice %arg9[%add3A_122, %dma_wait3A_151] : memref<10496x128xf32, #tpu.memory_space<hbm>> -> memref<96x128xf32, #tpu.memory_space<hbm>>
      %dma_wait3A_153 = arith.constant 0 : i32
      %dma_wait3A_154 = tpu.memref_slice %arg22[%add3A_120, %dma_wait3A_153] : memref<5248x128xf32, #tpu.memory_space<vmem_shared>> -> memref<96x128xf32, #tpu.memory_space<vmem_shared>>
      tpu.wait_dma2 semaphore(%run_scoped3A : memref<!tpu.dma_semaphore, #tpu.memory_space<semaphore_mem>>) src(%dma_wait3A_154 : memref<96x128xf32, #tpu.memory_space<vmem_shared>>) dst(%dma_wait3A_152 : memref<96x128xf32, #tpu.memory_space<hbm>>)
      tpu.yield
    }) : () -> ()
    %add3A_123 = arith.constant 96 : i32
    %add3A_124 = arith.addi %mul3A_0, %add3A_123 : i32
    %add3A_125 = arith.constant 96 : i32
    %add3A_126 = arith.addi %add3A_114, %add3A_125 : i32
    "tpu.region"() ({
      %run_scoped3A = tpu.sem_alloc : memref<!tpu.dma_semaphore, #tpu.memory_space<semaphore_mem>>
      %dma_start3A_147 = arith.constant 0 : i32
      %dma_start3A_148 = tpu.memref_slice %arg8[%add3A_126, %dma_start3A_147] : memref<10496x128xf32, #tpu.memory_space<hbm>> -> memref<96x128xf32, #tpu.memory_space<hbm>>
      %dma_start3A_149 = arith.constant 0 : i32
      %dma_start3A_150 = tpu.memref_slice %arg21[%add3A_124, %dma_start3A_149] : memref<5248x128xf32, #tpu.memory_space<vmem_shared>> -> memref<96x128xf32, #tpu.memory_space<vmem_shared>>
      tpu.enqueue_dma source(%dma_start3A_150 : memref<96x128xf32, #tpu.memory_space<vmem_shared>>) target(%dma_start3A_148 : memref<96x128xf32, #tpu.memory_space<hbm>>) target_semaphore(%run_scoped3A : memref<!tpu.dma_semaphore, #tpu.memory_space<semaphore_mem>>)
      %dma_wait3A_151 = arith.constant 0 : i32
      %dma_wait3A_152 = tpu.memref_slice %arg8[%add3A_126, %dma_wait3A_151] : memref<10496x128xf32, #tpu.memory_space<hbm>> -> memref<96x128xf32, #tpu.memory_space<hbm>>
      %dma_wait3A_153 = arith.constant 0 : i32
      %dma_wait3A_154 = tpu.memref_slice %arg21[%add3A_124, %dma_wait3A_153] : memref<5248x128xf32, #tpu.memory_space<vmem_shared>> -> memref<96x128xf32, #tpu.memory_space<vmem_shared>>
      tpu.wait_dma2 semaphore(%run_scoped3A : memref<!tpu.dma_semaphore, #tpu.memory_space<semaphore_mem>>) src(%dma_wait3A_154 : memref<96x128xf32, #tpu.memory_space<vmem_shared>>) dst(%dma_wait3A_152 : memref<96x128xf32, #tpu.memory_space<hbm>>)
      tpu.yield
    }) : () -> ()
    %add3A_127 = arith.constant 96 : i32
    %add3A_128 = arith.addi %mul3A_0, %add3A_127 : i32
    %add3A_129 = arith.constant 96 : i32
    %add3A_130 = arith.addi %add3A_114, %add3A_129 : i32
    "tpu.region"() ({
      %run_scoped3A = tpu.sem_alloc : memref<!tpu.dma_semaphore, #tpu.memory_space<semaphore_mem>>
      %dma_start3A_147 = arith.constant 0 : i32
      %dma_start3A_148 = tpu.memref_slice %arg9[%add3A_130, %dma_start3A_147] : memref<10496x128xf32, #tpu.memory_space<hbm>> -> memref<96x128xf32, #tpu.memory_space<hbm>>
      %dma_start3A_149 = arith.constant 0 : i32
      %dma_start3A_150 = tpu.memref_slice %arg22[%add3A_128, %dma_start3A_149] : memref<5248x128xf32, #tpu.memory_space<vmem_shared>> -> memref<96x128xf32, #tpu.memory_space<vmem_shared>>
      tpu.enqueue_dma source(%dma_start3A_150 : memref<96x128xf32, #tpu.memory_space<vmem_shared>>) target(%dma_start3A_148 : memref<96x128xf32, #tpu.memory_space<hbm>>) target_semaphore(%run_scoped3A : memref<!tpu.dma_semaphore, #tpu.memory_space<semaphore_mem>>)
      %dma_wait3A_151 = arith.constant 0 : i32
      %dma_wait3A_152 = tpu.memref_slice %arg9[%add3A_130, %dma_wait3A_151] : memref<10496x128xf32, #tpu.memory_space<hbm>> -> memref<96x128xf32, #tpu.memory_space<hbm>>
      %dma_wait3A_153 = arith.constant 0 : i32
      %dma_wait3A_154 = tpu.memref_slice %arg22[%add3A_128, %dma_wait3A_153] : memref<5248x128xf32, #tpu.memory_space<vmem_shared>> -> memref<96x128xf32, #tpu.memory_space<vmem_shared>>
      tpu.wait_dma2 semaphore(%run_scoped3A : memref<!tpu.dma_semaphore, #tpu.memory_space<semaphore_mem>>) src(%dma_wait3A_154 : memref<96x128xf32, #tpu.memory_space<vmem_shared>>) dst(%dma_wait3A_152 : memref<96x128xf32, #tpu.memory_space<hbm>>)
      tpu.yield
    }) : () -> ()
    %add3A_131 = arith.constant 192 : i32
    %add3A_132 = arith.addi %mul3A_0, %add3A_131 : i32
    %add3A_133 = arith.constant 192 : i32
    %add3A_134 = arith.addi %add3A_114, %add3A_133 : i32
    "tpu.region"() ({
      %run_scoped3A = tpu.sem_alloc : memref<!tpu.dma_semaphore, #tpu.memory_space<semaphore_mem>>
      %dma_start3A_147 = arith.constant 0 : i32
      %dma_start3A_148 = tpu.memref_slice %arg8[%add3A_134, %dma_start3A_147] : memref<10496x128xf32, #tpu.memory_space<hbm>> -> memref<96x128xf32, #tpu.memory_space<hbm>>
      %dma_start3A_149 = arith.constant 0 : i32
      %dma_start3A_150 = tpu.memref_slice %arg21[%add3A_132, %dma_start3A_149] : memref<5248x128xf32, #tpu.memory_space<vmem_shared>> -> memref<96x128xf32, #tpu.memory_space<vmem_shared>>
      tpu.enqueue_dma source(%dma_start3A_150 : memref<96x128xf32, #tpu.memory_space<vmem_shared>>) target(%dma_start3A_148 : memref<96x128xf32, #tpu.memory_space<hbm>>) target_semaphore(%run_scoped3A : memref<!tpu.dma_semaphore, #tpu.memory_space<semaphore_mem>>)
      %dma_wait3A_151 = arith.constant 0 : i32
      %dma_wait3A_152 = tpu.memref_slice %arg8[%add3A_134, %dma_wait3A_151] : memref<10496x128xf32, #tpu.memory_space<hbm>> -> memref<96x128xf32, #tpu.memory_space<hbm>>
      %dma_wait3A_153 = arith.constant 0 : i32
      %dma_wait3A_154 = tpu.memref_slice %arg21[%add3A_132, %dma_wait3A_153] : memref<5248x128xf32, #tpu.memory_space<vmem_shared>> -> memref<96x128xf32, #tpu.memory_space<vmem_shared>>
      tpu.wait_dma2 semaphore(%run_scoped3A : memref<!tpu.dma_semaphore, #tpu.memory_space<semaphore_mem>>) src(%dma_wait3A_154 : memref<96x128xf32, #tpu.memory_space<vmem_shared>>) dst(%dma_wait3A_152 : memref<96x128xf32, #tpu.memory_space<hbm>>)
      tpu.yield
    }) : () -> ()
    %add3A_135 = arith.constant 192 : i32
    %add3A_136 = arith.addi %mul3A_0, %add3A_135 : i32
    %add3A_137 = arith.constant 192 : i32
    %add3A_138 = arith.addi %add3A_114, %add3A_137 : i32
    "tpu.region"() ({
      %run_scoped3A = tpu.sem_alloc : memref<!tpu.dma_semaphore, #tpu.memory_space<semaphore_mem>>
      %dma_start3A_147 = arith.constant 0 : i32
      %dma_start3A_148 = tpu.memref_slice %arg9[%add3A_138, %dma_start3A_147] : memref<10496x128xf32, #tpu.memory_space<hbm>> -> memref<96x128xf32, #tpu.memory_space<hbm>>
      %dma_start3A_149 = arith.constant 0 : i32
      %dma_start3A_150 = tpu.memref_slice %arg22[%add3A_136, %dma_start3A_149] : memref<5248x128xf32, #tpu.memory_space<vmem_shared>> -> memref<96x128xf32, #tpu.memory_space<vmem_shared>>
      tpu.enqueue_dma source(%dma_start3A_150 : memref<96x128xf32, #tpu.memory_space<vmem_shared>>) target(%dma_start3A_148 : memref<96x128xf32, #tpu.memory_space<hbm>>) target_semaphore(%run_scoped3A : memref<!tpu.dma_semaphore, #tpu.memory_space<semaphore_mem>>)
      %dma_wait3A_151 = arith.constant 0 : i32
      %dma_wait3A_152 = tpu.memref_slice %arg9[%add3A_138, %dma_wait3A_151] : memref<10496x128xf32, #tpu.memory_space<hbm>> -> memref<96x128xf32, #tpu.memory_space<hbm>>
      %dma_wait3A_153 = arith.constant 0 : i32
      %dma_wait3A_154 = tpu.memref_slice %arg22[%add3A_136, %dma_wait3A_153] : memref<5248x128xf32, #tpu.memory_space<vmem_shared>> -> memref<96x128xf32, #tpu.memory_space<vmem_shared>>
      tpu.wait_dma2 semaphore(%run_scoped3A : memref<!tpu.dma_semaphore, #tpu.memory_space<semaphore_mem>>) src(%dma_wait3A_154 : memref<96x128xf32, #tpu.memory_space<vmem_shared>>) dst(%dma_wait3A_152 : memref<96x128xf32, #tpu.memory_space<hbm>>)
      tpu.yield
    }) : () -> ()
    %add3A_139 = arith.constant 288 : i32
    %add3A_140 = arith.addi %mul3A_0, %add3A_139 : i32
    %add3A_141 = arith.constant 288 : i32
    %add3A_142 = arith.addi %add3A_114, %add3A_141 : i32
    "tpu.region"() ({
      %run_scoped3A = tpu.sem_alloc : memref<!tpu.dma_semaphore, #tpu.memory_space<semaphore_mem>>
      %dma_start3A_147 = arith.constant 0 : i32
      %dma_start3A_148 = tpu.memref_slice %arg8[%add3A_142, %dma_start3A_147] : memref<10496x128xf32, #tpu.memory_space<hbm>> -> memref<40x128xf32, #tpu.memory_space<hbm>>
      %dma_start3A_149 = arith.constant 0 : i32
      %dma_start3A_150 = tpu.memref_slice %arg21[%add3A_140, %dma_start3A_149] : memref<5248x128xf32, #tpu.memory_space<vmem_shared>> -> memref<40x128xf32, #tpu.memory_space<vmem_shared>>
      tpu.enqueue_dma source(%dma_start3A_150 : memref<40x128xf32, #tpu.memory_space<vmem_shared>>) target(%dma_start3A_148 : memref<40x128xf32, #tpu.memory_space<hbm>>) target_semaphore(%run_scoped3A : memref<!tpu.dma_semaphore, #tpu.memory_space<semaphore_mem>>)
      %dma_wait3A_151 = arith.constant 0 : i32
      %dma_wait3A_152 = tpu.memref_slice %arg8[%add3A_142, %dma_wait3A_151] : memref<10496x128xf32, #tpu.memory_space<hbm>> -> memref<40x128xf32, #tpu.memory_space<hbm>>
      %dma_wait3A_153 = arith.constant 0 : i32
      %dma_wait3A_154 = tpu.memref_slice %arg21[%add3A_140, %dma_wait3A_153] : memref<5248x128xf32, #tpu.memory_space<vmem_shared>> -> memref<40x128xf32, #tpu.memory_space<vmem_shared>>
      tpu.wait_dma2 semaphore(%run_scoped3A : memref<!tpu.dma_semaphore, #tpu.memory_space<semaphore_mem>>) src(%dma_wait3A_154 : memref<40x128xf32, #tpu.memory_space<vmem_shared>>) dst(%dma_wait3A_152 : memref<40x128xf32, #tpu.memory_space<hbm>>)
      tpu.yield
    }) : () -> ()
    %add3A_143 = arith.constant 288 : i32
    %add3A_144 = arith.addi %mul3A_0, %add3A_143 : i32
    %add3A_145 = arith.constant 288 : i32
    %add3A_146 = arith.addi %add3A_114, %add3A_145 : i32
    "tpu.region"() ({
      %run_scoped3A = tpu.sem_alloc : memref<!tpu.dma_semaphore, #tpu.memory_space<semaphore_mem>>
      %dma_start3A_147 = arith.constant 0 : i32
      %dma_start3A_148 = tpu.memref_slice %arg9[%add3A_146, %dma_start3A_147] : memref<10496x128xf32, #tpu.memory_space<hbm>> -> memref<40x128xf32, #tpu.memory_space<hbm>>
      %dma_start3A_149 = arith.constant 0 : i32
      %dma_start3A_150 = tpu.memref_slice %arg22[%add3A_144, %dma_start3A_149] : memref<5248x128xf32, #tpu.memory_space<vmem_shared>> -> memref<40x128xf32, #tpu.memory_space<vmem_shared>>
      tpu.enqueue_dma source(%dma_start3A_150 : memref<40x128xf32, #tpu.memory_space<vmem_shared>>) target(%dma_start3A_148 : memref<40x128xf32, #tpu.memory_space<hbm>>) target_semaphore(%run_scoped3A : memref<!tpu.dma_semaphore, #tpu.memory_space<semaphore_mem>>)
      %dma_wait3A_151 = arith.constant 0 : i32
      %dma_wait3A_152 = tpu.memref_slice %arg9[%add3A_146, %dma_wait3A_151] : memref<10496x128xf32, #tpu.memory_space<hbm>> -> memref<40x128xf32, #tpu.memory_space<hbm>>
      %dma_wait3A_153 = arith.constant 0 : i32
      %dma_wait3A_154 = tpu.memref_slice %arg22[%add3A_144, %dma_wait3A_153] : memref<5248x128xf32, #tpu.memory_space<vmem_shared>> -> memref<40x128xf32, #tpu.memory_space<vmem_shared>>
      tpu.wait_dma2 semaphore(%run_scoped3A : memref<!tpu.dma_semaphore, #tpu.memory_space<semaphore_mem>>) src(%dma_wait3A_154 : memref<40x128xf32, #tpu.memory_space<vmem_shared>>) dst(%dma_wait3A_152 : memref<40x128xf32, #tpu.memory_space<hbm>>)
      tpu.yield
    }) : () -> ()
    return
  }
}

module attributes {stable_mosaic.version = 14 : i64} {
  func.func @_tc_finish_body(%arg0: i32, %arg1: memref<400x128xf32, #tpu.memory_space<vmem>>, %arg2: memref<400x128xf32, #tpu.memory_space<vmem>>, %arg3: memref<128x128xf32, #tpu.memory_space<vmem>>, %arg4: memref<128x128xf32, #tpu.memory_space<vmem>>, %arg5: memref<1x128xf32, #tpu.memory_space<vmem>>, %arg6: memref<1x128xf32, #tpu.memory_space<vmem>>, %arg7: memref<400x128xf32, #tpu.memory_space<vmem>>) attributes {dimension_semantics = [#tpu.dimension_semantics<arbitrary>], iteration_bounds = array<i64: 25>, scalar_prefetch = 0 : i64, scratch_operands = 0 : i64, tpu.core_type = #tpu.core_type<tc>, window_params = [{transform_indices = @transform_0, window_bounds = array<i64: 400, 128>}, {transform_indices = @transform_1, window_bounds = array<i64: 400, 128>}, {pipeline_mode = #tpu.pipeline_mode<synchronous>, transform_indices = @transform_2, window_bounds = array<i64: 128, 128>}, {pipeline_mode = #tpu.pipeline_mode<synchronous>, transform_indices = @transform_3, window_bounds = array<i64: 128, 128>}, {pipeline_mode = #tpu.pipeline_mode<synchronous>, transform_indices = @transform_4, window_bounds = array<i64: 1, 128>}, {pipeline_mode = #tpu.pipeline_mode<synchronous>, transform_indices = @transform_5, window_bounds = array<i64: 1, 128>}, {transform_indices = @transform_6, window_bounds = array<i64: 400, 128>}]} {
    %get3A = arith.constant 0 : index
    %get3A_0 = arith.constant 0 : index
    %get3A_1 = vector.load %arg1[%get3A, %get3A_0] : memref<400x128xf32, #tpu.memory_space<vmem>>, vector<400x128xf32>
    %get3A_2 = arith.constant 0 : index
    %get3A_3 = arith.constant 0 : index
    %get3A_4 = vector.load %arg2[%get3A_2, %get3A_3] : memref<400x128xf32, #tpu.memory_space<vmem>>, vector<400x128xf32>
    %get3A_5 = arith.constant 0 : index
    %get3A_6 = arith.constant 0 : index
    %get3A_7 = vector.load %arg3[%get3A_5, %get3A_6] : memref<128x128xf32, #tpu.memory_space<vmem>>, vector<128x128xf32>
    %dot_general3A = arith.constant dense<0.000000e+00> : vector<400x128xf32>
    %dot_general3A_8 = tpu.matmul %get3A_1, %get3A_7, %dot_general3A {dimension_numbers = #tpu.dot_dimension_numbers<[1], [0], [0], [1], [0, 0, 1, 1], [], []>, transpose_lhs_hint = false} : vector<400x128xf32>, vector<128x128xf32>, vector<400x128xf32> -> vector<400x128xf32>
    %get3A_9 = arith.constant 0 : index
    %get3A_10 = arith.constant 0 : index
    %get3A_11 = vector.load %arg4[%get3A_9, %get3A_10] : memref<128x128xf32, #tpu.memory_space<vmem>>, vector<128x128xf32>
    %dot_general3A_12 = arith.constant dense<0.000000e+00> : vector<400x128xf32>
    %dot_general3A_13 = tpu.matmul %get3A_4, %get3A_11, %dot_general3A_12 {dimension_numbers = #tpu.dot_dimension_numbers<[1], [0], [0], [1], [0, 0, 1, 1], [], []>, transpose_lhs_hint = false} : vector<400x128xf32>, vector<128x128xf32>, vector<400x128xf32> -> vector<400x128xf32>
    %add3A = arith.addf %dot_general3A_8, %dot_general3A_13 : vector<400x128xf32>
    %logistic3A = arith.negf %add3A : vector<400x128xf32>
    %logistic3A_14 = math.exp %logistic3A : vector<400x128xf32>
    %logistic3A_15 = arith.constant 1.000000e+00 : f32
    %logistic3A_16 = vector.broadcast %logistic3A_15 : f32 to vector<400x128xf32>
    %logistic3A_17 = arith.addf %logistic3A_16, %logistic3A_14 : vector<400x128xf32>
    %logistic3A_18 = arith.divf %logistic3A_16, %logistic3A_17 : vector<400x128xf32>
    %mul3A = arith.mulf %add3A, %logistic3A_18 : vector<400x128xf32>
    %reduce_sum3A = arith.constant dense<0.000000e+00> : vector<400xf32>
    %reduce_sum3A_19 = vector.multi_reduction <add>, %mul3A, %reduce_sum3A [1] : vector<400x128xf32> to vector<400xf32>
    %broadcast_in_dim3A = vector.shape_cast %reduce_sum3A_19 : vector<400xf32> to vector<400x1xf32>
    %div3A = arith.constant 1.280000e+02 : f32
    %div3A_20 = vector.broadcast %div3A : f32 to vector<400x1xf32>
    %div3A_21 = arith.divf %broadcast_in_dim3A, %div3A_20 : vector<400x1xf32>
    %sub3A = vector.broadcast %div3A_21 : vector<400x1xf32> to vector<400x128xf32>
    %sub3A_22 = arith.subf %mul3A, %sub3A : vector<400x128xf32>
    %square3A = arith.mulf %sub3A_22, %sub3A_22 : vector<400x128xf32>
    %reduce_sum3A_23 = arith.constant dense<0.000000e+00> : vector<400xf32>
    %reduce_sum3A_24 = vector.multi_reduction <add>, %square3A, %reduce_sum3A_23 [1] : vector<400x128xf32> to vector<400xf32>
    %broadcast_in_dim3A_25 = vector.shape_cast %reduce_sum3A_24 : vector<400xf32> to vector<400x1xf32>
    %div3A_26 = arith.constant 1.280000e+02 : f32
    %div3A_27 = vector.broadcast %div3A_26 : f32 to vector<400x1xf32>
    %div3A_28 = arith.divf %broadcast_in_dim3A_25, %div3A_27 : vector<400x1xf32>
    %sub3A_29 = vector.broadcast %div3A_21 : vector<400x1xf32> to vector<400x128xf32>
    %sub3A_30 = arith.subf %mul3A, %sub3A_29 : vector<400x128xf32>
    %add3A_31 = arith.constant 9.99999974E-6 : f32
    %add3A_32 = vector.broadcast %add3A_31 : f32 to vector<400x1xf32>
    %add3A_33 = arith.addf %div3A_28, %add3A_32 : vector<400x1xf32>
    %rsqrt3A = math.rsqrt %add3A_33 : vector<400x1xf32>
    %mul3A_34 = vector.broadcast %rsqrt3A : vector<400x1xf32> to vector<400x128xf32>
    %mul3A_35 = arith.mulf %sub3A_30, %mul3A_34 : vector<400x128xf32>
    %get3A_36 = arith.constant 0 : index
    %get3A_37 = arith.constant 0 : index
    %get3A_38 = vector.load %arg5[%get3A_36, %get3A_37] : memref<1x128xf32, #tpu.memory_space<vmem>>, vector<1x128xf32>
    %mul3A_39 = vector.broadcast %get3A_38 : vector<1x128xf32> to vector<400x128xf32>
    %mul3A_40 = arith.mulf %mul3A_35, %mul3A_39 : vector<400x128xf32>
    %get3A_41 = arith.constant 0 : index
    %get3A_42 = arith.constant 0 : index
    %get3A_43 = vector.load %arg6[%get3A_41, %get3A_42] : memref<1x128xf32, #tpu.memory_space<vmem>>, vector<1x128xf32>
    %add3A_44 = vector.broadcast %get3A_43 : vector<1x128xf32> to vector<400x128xf32>
    %add3A_45 = arith.addf %mul3A_40, %add3A_44 : vector<400x128xf32>
    %swap3A = arith.constant 0 : index
    %swap3A_46 = arith.constant 0 : index
    %swap3A_47 = vector.load %arg7[%swap3A, %swap3A_46] : memref<400x128xf32, #tpu.memory_space<vmem>>, vector<400x128xf32>
    tpu.vector_store %arg7[%swap3A, %swap3A_46], %add3A_45 {strides = array<i32>} : memref<400x128xf32, #tpu.memory_space<vmem>>, vector<400x128xf32>,
    return
  }
  func.func @transform_0(%arg0: i32) -> (i32, i32) {
    %c0_i32 = arith.constant 0 : i32
    %c0_i32_0 = arith.constant 0 : i32
    return %arg0, %c0_i32 : i32, i32
  }
  func.func @transform_1(%arg0: i32) -> (i32, i32) {
    %c0_i32 = arith.constant 0 : i32
    %c0_i32_0 = arith.constant 0 : i32
    return %arg0, %c0_i32 : i32, i32
  }
  func.func @transform_2(%arg0: i32) -> (i32, i32) {
    %c0_i32 = arith.constant 0 : i32
    %c0_i32_0 = arith.constant 0 : i32
    %c0_i32_1 = arith.constant 0 : i32
    return %c0_i32, %c0_i32_0 : i32, i32
  }
  func.func @transform_3(%arg0: i32) -> (i32, i32) {
    %c0_i32 = arith.constant 0 : i32
    %c0_i32_0 = arith.constant 0 : i32
    %c0_i32_1 = arith.constant 0 : i32
    return %c0_i32, %c0_i32_0 : i32, i32
  }
  func.func @transform_4(%arg0: i32) -> (i32, i32) {
    %c0_i32 = arith.constant 0 : i32
    %c0_i32_0 = arith.constant 0 : i32
    %c0_i32_1 = arith.constant 0 : i32
    return %c0_i32, %c0_i32_0 : i32, i32
  }
  func.func @transform_5(%arg0: i32) -> (i32, i32) {
    %c0_i32 = arith.constant 0 : i32
    %c0_i32_0 = arith.constant 0 : i32
    %c0_i32_1 = arith.constant 0 : i32
    return %c0_i32, %c0_i32_0 : i32, i32
  }
  func.func @transform_6(%arg0: i32) -> (i32, i32) {
    %c0_i32 = arith.constant 0 : i32
    %c0_i32_0 = arith.constant 0 : i32
    return %arg0, %c0_i32 : i32, i32
  }
}

</mosaic_0001>

<sc_bundles>
// kernel: kernel.4.cloned.1.call-start
scs
__scs_entry_jumppad:
0x0: {  	(pc) =	sbr.rel $0x88, $3  }
0x1: {  	(tag) =	ssettag $0x0;
	lr =	simm.s32 $0x1  }
0x2: {  	[smem:$0x3F99] =	sst lr;
	_ =	strace $0xD0000000  }
0x3: {  	_ = 	snop  }
0x4: {  	_ = 	snop  }
0x5: {  	_ = 	snop  }
0x6: {  	_ = 	snop  }
0x7: {  	_ = 	snop  }
__scs_overlays_trampoline_lowered:
0x8: {  	[smem:$0x3FA8] =	sst s0  }
0x9: {  	[smem:$0x3FA9] =	sst s1  }
0xa: {  	[smem:$0x3FAA] =	sst s2  }
0xb: {  	[smem:$0x3FAB] =	sst s3  }
0xc: {  	[smem:$0x3FAC] =	sst s4  }
0xd: {  	[smem:$0x3FAD] =	sst s5  }
0xe: {  	[smem:$0x3FAE] =	sst s6  }
0xf: {  	[smem:$0x3FAF] =	sst s7  }
0x10: {  	[smem:$0x3FB0] =	sst s8  }
0x11: {  	[smem:$0x3FB1] =	sst s9;
	s0 =	simm.s32 @!p0 $0x0  }
0x12: {  	s1 =	sld [smem:$0x3F97];
	s0 =	simm.s32 @p0 $0x1  }
0x13: {  	[smem:$0x3FB2] =	sst s0;
	s0 =	simm.s32 @!p1 $0x0  }
0x14: {  	s2 =	sld [smem:$0x3F96];
	s0 =	simm.s32 @p1 $0x1  }
0x15: {  	[smem:$0x3FB3] =	sst s0;
	s0 =	simm.s32 @!p2 $0x0  }
0x16: {  	s3 =	sld [smem:$0x3FDB];
	s0 =	simm.s32 @p2 $0x1  }
0x17: {  	s4 =	simm.s32 $0x1BF5;
	[smem:$0x3FB5] =	sst s0  }
0x18: {  	s0 =	sld [smem:$0x3F98];
	_ =	swait.ge [sflag:s4], $0x0  }
0x19: {  	s7 =	sld [smem:$0x3F99]  }
0x1a: {  	s8 =	sadd.s32 $0xFFFFE003, lr  }
0x1b: {  	s9 =	sadd.s32 $0xFFFFFEF7, lr;
	s5 =	simm.s32 $0xFFFFFFFF;
	p2 =	slt.u32 s8, $0xFFFFF086  }
0x1c: {  	p1 =	slt.u32 s9, $0xF7A;
	s5 =	simm.s32 @!p2 $0x0  }
0x1d: {  	s5 =	simm.s32 @p1 $0x1;
	p0 =	seq.s32 s7, s2  }
0x1e: {  	s7 =	smul.u32 @!p0 $0xF7A, s2;
	p2 =	seq.s32 @!p0 s5, $0x0  }
0x1f: {  	s9 =	smul.u32 $0xF7A, s1;
	s8 =	simm.s32 @!p0 $0x1BF5;
	p2 =	por !p2, p0  }
0x20: {  	[sflag:s8] =	ssyncset.s32 @!p0 $0xFFFFF086;
	s6 =	sadd.s32 @!p0 s3, s7;
	s7 =	simm.s32 @!p0 $0x108  }
0x21: {  	s3 =	sadd.s32 s3, s9;
	s6 =	sadd.s32 @!p0 $0x88, s6;
	s7 =	simm.s32 @p2 $0x1082  }
0x22: {  	[simem:s7], [sflag:s8] =	dma.local @!p0 [hbm:s6], $0xF7A  }
0x23: {  	s9 =	sor.u32 $0xD0000000, s2;
	s6 =	simm.s32 $0x108;
	_ =	swait.ge @!p0 [sflag:s8], $0x0  }
0x24: {  	s3 =	sadd.s32 $0x88, s3;
	s6 =	simm.s32 @!p1 $0x1082;
	[sflag:s4] =	ssyncset.s32 $0xFFFFF086  }
0x25: {  	[simem:s6], [sflag:s4] =	dma.local [hbm:s3], $0xF7A  }
0x26: {  	[smem:$0x3F99] =	sst s1;
	(tag) =	ssettag s2;
	_ =	strace s9  }
0x27: {  	s1 =	sld [smem:$0x3FA9]  }
0x28: {  	s2 =	sld [smem:$0x3FAA]  }
0x29: {  	s4 =	sld [smem:$0x3FAC]  }
0x2a: {  	p0 =	seq.s32 s5, $0x0;
	s5 =	sld [smem:$0x3FAD]  }
0x2b: {  	s6 =	sld [smem:$0x3FAE]  }
0x2c: {  	s7 =	sld [smem:$0x3FAF]  }
0x2d: {  	s3 =	simm.s32 $0x108;
	s8 =	sld [smem:$0x3FB0]  }
0x2e: {  	s3 =	simm.s32 @!p0 $0x1082;
	s9 =	sld [smem:$0x3FB1]  }
0x2f: {  	lr =	sadd.s32 s0, s3;
	s0 =	sld [smem:$0x3FA8]  }
0x30: {  	s3 =	sld [smem:$0x3FAB]  }
0x31: {  	[smem:$0x3FB4] =	sst s10  }
0x32: {  	s10 =	sld [smem:$0x3FB2];
	_ =	sdelay $0x3  }
0x33: {  	p0 =	seq.s32 s10, $0x1;
	s10 =	sld [smem:$0x3FB4];
	_ =	sdelay $0x3  }
0x34: {  	[smem:$0x3FB4] =	sst s10  }
0x35: {  	s10 =	sld [smem:$0x3FB3];
	_ =	sdelay $0x3  }
0x36: {  	p1 =	seq.s32 s10, $0x1;
	s10 =	sld [smem:$0x3FB4];
	_ =	sdelay $0x3  }
0x37: {  	[smem:$0x3FB4] =	sst s10  }
0x38: {  	s10 =	sld [smem:$0x3FB5]  }
0x39: {  	_ = 	snop;
	(pc) =	sbr.ind lr, $3  }
0x3a: {  	_ = 	snop  }
0x3b: {  	_ = 	snop  }
0x3c: {  	p2 =	seq.s32 s10, $0x1;
	s10 =	sld [smem:$0x3FB4]  }
0x3d: {  	_ =	shalt  }
0x3e: {  	_ =	shalt  }
0x3f: {  	_ =	shalt  }
0x40: {  	_ =	shalt  }
0x41: {  	_ =	shalt  }
0x42: {  	_ =	shalt  }
0x43: {  	_ =	shalt  }
0x44: {  	_ =	shalt  }
0x45: {  	_ =	shalt  }
0x46: {  	_ =	shalt  }
0x47: {  	_ =	shalt  }
0x48: {  	_ =	shalt  }
0x49: {  	_ =	shalt  }
0x4a: {  	_ =	shalt  }
0x4b: {  	_ =	shalt  }
0x4c: {  	_ =	shalt  }
0x4d: {  	_ =	shalt  }
0x4e: {  	_ =	shalt  }
0x4f: {  	_ =	shalt  }
0x50: {  	_ =	shalt  }
0x51: {  	_ =	shalt  }
0x52: {  	_ =	shalt  }
0x53: {  	_ =	shalt  }
0x54: {  	_ =	shalt  }
0x55: {  	_ =	shalt  }
0x56: {  	_ =	shalt  }
0x57: {  	_ =	shalt  }
0x58: {  	_ =	shalt  }
0x59: {  	_ =	shalt  }
0x5a: {  	_ =	shalt  }
0x5b: {  	_ =	shalt  }
0x5c: {  	_ =	shalt  }
0x5d: {  	_ =	shalt  }
0x5e: {  	_ =	shalt  }
0x5f: {  	_ =	shalt  }
0x60: {  	_ =	shalt  }
0x61: {  	_ =	shalt  }
0x62: {  	_ =	shalt  }
0x63: {  	_ =	shalt  }
0x64: {  	_ =	shalt  }
0x65: {  	_ =	shalt  }
0x66: {  	_ =	shalt  }
0x67: {  	_ =	shalt  }
0x68: {  	_ =	shalt  }
0x69: {  	_ =	shalt  }
0x6a: {  	_ =	shalt  }
0x6b: {  	_ =	shalt  }
0x6c: {  	_ =	shalt  }
0x6d: {  	_ =	shalt  }
0x6e: {  	_ =	shalt  }
0x6f: {  	_ =	shalt  }
0x70: {  	_ =	shalt  }
0x71: {  	_ =	shalt  }
0x72: {  	_ =	shalt  }
0x73: {  	_ =	shalt  }
0x74: {  	_ =	shalt  }
0x75: {  	_ =	shalt  }
0x76: {  	_ =	shalt  }
0x77: {  	_ =	shalt  }
0x78: {  	_ =	shalt  }
0x79: {  	_ =	shalt  }
0x7a: {  	_ =	shalt  }
0x7b: {  	_ =	shalt  }
0x7c: {  	_ =	shalt  }
0x7d: {  	_ =	shalt  }
0x7e: {  	_ =	shalt  }
0x7f: {  	_ =	shalt  }
0x80: {  	_ =	shalt  }
0x81: {  	_ =	shalt  }
0x82: {  	_ =	shalt  }
0x83: {  	_ =	shalt  }
0x84: {  	_ =	shalt  }
0x85: {  	_ =	shalt  }
0x86: {  	_ =	shalt  }
0x87: {  	_ =	shalt  }
.Lfunc_end0:
.L_simem_size_0:
called_computation_lowered:
.L_overlay_start_0:
0x88: {  	s2 =	sld [smem:$0x3FD9]  }
0x89: {  	s3 =	sld [smem:$0x3FFE];
	_ =	sdelay $0x1  }
0x8a: {  	s1 =	srdreg.scid  }
0x8b: {  	s0 =	sand.u32 $0x1, s1  }
0x8c: {  	s17 =	sshll.u32 s0, $0xA;
	s2 =	sadd.s32 s3, s2  }
0x8d: {  	s2 =	sadd.s32 s2, s17  }
0x8e: {  	[smem:$0x3FC0] =	sst s2  }
0x8f: {  	_ = 	snop  }
0x90: {  	s2 =	sld [smem:$0x3FC9]  }
0x91: {  	s18 =	sld [smem:$0x3FD0];
	(tm) =	ssettm $0x1  }
0x92: {  	s4 =	sld [smem:$0x3FFB];
	_ =	sdelay $0x3  }
0x93: {  	_ =	strace s4  }
0x94: {  	s4 =	sld [smem:$0x3FFC];
	_ =	sdelay $0x3  }
0x95: {  	_ =	strace s4  }
0x96: {  	s4 =	sld [smem:$0x3FFD];
	_ =	sdelay $0x3  }
0x97: {  	_ =	strace s4  }
0x98: {  	_ =	strace $0x8FFFFFFF  }
0x99: {  	s19 =	sld [smem:$0x3FDB];
	_ =	sdelay $0x1  }
0x9a: {  	s5 =	simm.s32 $_scs_section_size  }
0x9b: {  	s6 =	simm.s32 $_size__tile_overlayer_lowered;
	s7 =	simm.s32 $_tile_overlayer_lowered  }
0x9c: {  	s22 =	simm.s32 $0x1BFF;
	s21 =	sshll.u32 s7, $0x1;
	s4 =	sadd.s32 s5, s19  }
0x9d: {  	s8 =	simm.s32 $0x0;
	s20 =	sshll.u32 s6, $0x1;
	s6 =	sadd.s32 s21, s4  }
0x9e: {  	[timem:s8], [sflag:s22] =	dma.local [hbm:s6], s20  }
0x9f: {  	_ =	swait.ge [sflag:s22], s20  }
0xa0: {  	s5 =	ssub.s32 $0x0, s20;
	[sflag:s22] =	ssyncset.done $0x0  }
0xa1: {  	[sflag:s22] =	ssyncadd.s32 s5;
	_ =	sdelay $0x1  }
0xa2: {  	s23 =	simm.s32 $0x1B8B  }
0xa3: {  	_ =	swait.ge [sflag:s23], $0x1  }
0xa4: {  	[sflag:s23] =	ssyncset.done $0x0  }
0xa5: {  	s25 =	simm.s32 $0x1B8E;
	s24 =	sld [smem:$0x3FFE];
	[sflag:s23] =	ssyncadd.s32 $0xFFFFFFFF  }
0xa6: {  	s26 =	simm.s32 $execute0_lowered;
	[smem:$0x3FD2] =	sst s25  }
0xa7: {  	s6 =	sshll.u32 s26, $0x1;
	_ =	strace $0x80000046;
	[dreg:$0x1] =	wrdreg $0xFFFFFFFF  }
0xa8: {  	s28 =	simm.s32 $_size_execute0_lowered;
	s4 =	sadd.s32 s4, s6;
	[dreg:$0x0] =	wrdreg $0x0  }
0xa9: {  	s6 =	sshll.u32 s28, $0x1;
	[dreg:$0x2] =	wrdreg s4  }
0xaa: {  	[dreg:$0x3] =	wrdreg s6  }
0xab: {  	[dreg:$0x4] =	wrdreg $0xC0  }
0xac: {  	_ =	task [dreg:s8], $0x5FFFF  }
0xad: {  	[dreg:$0x1] =	wrdreg $0xFFFFFFFF  }
0xae: {  	[dreg:$0x0] =	wrdreg $0x60  }
0xaf: {  	[dreg:$0x2] =	wrdreg s2  }
0xb0: {  	[dreg:$0x3] =	wrdreg s24  }
0xb1: {  	[dreg:$0x4] =	wrdreg s18  }
0xb2: {  	[dreg:$0x5] =	wrdreg $0xAA000  }
0xb3: {  	[dreg:$0x6] =	wrdreg $0x14E000  }
0xb4: {  	[dreg:$0x7] =	wrdreg $0x9  }
0xb5: {  	_ =	task.clear_ibuf [dreg:s8], $0x8FFFF;
	_ =	strace $0x90000046  }
0xb6: {  	s29 =	simm.s32 $0x9;
	_ =	strace $0x80000048  }
0xb7: {  	_ =	swait.ge [sflag:s29], $0x1  }
0xb8: {  	[sflag:s29] =	ssyncadd.s32 $0xFFFFFFFF  }
0xb9: {  	_ =	strace $0x90000048  }
0xba: {  	_ =	sfence  }
0xbb: {  	s30 =	sld [smem:$0x0];
	_ =	sdelay $0x2  }
0xbc: {  	s31 =	sshll.u32 s1, $0xD;
	s1 =	sshrl.u32 s1, $0x2  }
0xbd: {  	s3 =	sand.u32 $0x4000, s31;
	s1 =	sadd.s32 s1, s30  }
0xbe: {  	s0 =	sor.u32 s3, s0;
	s1 =	sshll.u32 s1, $0x11  }
0xbf: {  	s0 =	sor.u32 s1, s0  }
0xc0: {  	s0 =	sadd.s32 $0x8F2B, s0  }
0xc1: {  	[sflag:s0] =	ssyncadd.remote.s32 $0x1  }
0xc2: {  	_ =	sfence.sel $0xFFFF  }
0xc3: {  	[dreg:$0x0] =	wrdreg $0xFFFFFFFF;
	(pc) =	sbr.abs _section_cstart, $3  }
0xc4: {  	[dreg:$0x1] =	wrdreg $0xFFFFFFFF  }
0xc5: {  	_ =	task.clear_ibuf [dreg:s8], $0x2FFFF;
	_ =	strace $0x9FFFFFFF  }
0xc6: {  	(tm) =	ssettm $0x7FFFFFFF  }
0xc7: {  	_ =	shalt  }
tec
execute0_lowered:
.L_overlay_start_1:
0x0: {  	(tag) =	ssettag $0x1  }
0x1: {  	s1 =	rddreg [dreg:$0x1]  }
0x2: {  	s2 =	rddreg [dreg:$0x2]  }
0x3: {  	s0 =	srdreg.scid;
	s17 =	stileid.u32  }
0x4: {  	s28 =	simm.s32 $0x200;
	s29 =	simm.s32 $0x80;
	s30 =	simm.s32 $0x180  }
0x5: {  	s31 =	simm.s32 $0x6800;
	s3 =	sadd.s32 $0x15600, s1;
	s6 =	smul.u32 $0x148, s17  }
0x6: {  	s4 =	sand.u32 $0x1, s0;
	s7 =	sadd.s32 $0x59FC00, s1;
	s9 =	smul.u32 $0x1480, s17  }
0x7: {  	s8 =	sadd.s32 $0xC6C00, s1;
	s14 =	smul.u32 $0x9D80, s17;
	s0 =	ssub.s32 $0x2, s4  }
0x8: {  	s11 =	sadd.s32 $0xEFC00, s1;
	s16 =	smul.u32 $0x1480, s4;
	s5 =	sshrl.u32 s0, $0x1  }
0x9: {  	s10 =	sadd.s32 $0x60, s6;
	s9 =	sadd.s32 s2, s9;
	s12 =	sadd.s32 $0xC0, s6  }
0xa: {  	s13 =	sadd.s32 $0x120, s6;
	s0 =	ssub.s32 s0, s5;
	s25 =	sshll.u32 s10, $0x4  }
0xb: {  	[dreg:$0x6] =	wrdreg s9;
	s9 =	smul.u32 $0x4EC0, s17;
	s26 =	sshll.u32 s12, $0x4  }
0xc: {  	s15 =	sshll.u32 s13, $0x4;
	s16 =	sadd.s32 s6, s16;
	s5 =	sadd.s32 s2, s25  }
0xd: {  	s6 =	sadd.s32 s7, s14;
	[dreg:$0x7] =	wrdreg s5;
	s5 =	sadd.s32 s2, s26  }
0xe: {  	s13 =	sshll.u32 s13, $0x7;
	s2 =	sadd.s32 s2, s15;
	[dreg:$0x8] =	wrdreg s5  }
0xf: {  	s15 =	sshll.u32 s16, $0x4;
	s16 =	simm.s32 $0x0;
	[dreg:$0x9] =	wrdreg s2  }
0x10: {  	s0 =	smax.u32 s0, $0x1;
	s21 =	sadd.s32 s8, s15;
	[smem:$0x7FF] =	sst s16  }
0x11: {  	s2 =	smul.u32 $0x4EC00, s4;
	s22 =	sadd.s32 s11, s15;
	[dreg:$0xc] =	wrdreg s21  }
0x12: {  	s5 =	sadd.s32 s3, s14;
	s20 =	sadd.s32 $0x600, s15;
	[dreg:$0xd] =	wrdreg s22  }
0x13: {  	s24 =	sadd.s32 $0xC00, s15;
	s23 =	sadd.s32 s8, s20;
	s21 =	rddreg [dreg:$0x3]  }
0x14: {  	s25 =	sadd.s32 $0x1200, s15;
	s26 =	sadd.s32 s8, s24;
	[dreg:$0xe] =	wrdreg s23  }
0x15: {  	s4 =	sadd.s32 $0x60, s9;
	s14 =	sadd.s32 s8, s25;
	[dreg:$0x10] =	wrdreg s26  }
0x16: {  	s15 =	sadd.s32 $0x1800, s1;
	s18 =	sshll.u32 s4, $0x1;
	[dreg:$0x12] =	wrdreg s14  }
0x17: {  	s22 =	smul.u32 $0xA400, s17;
	s3 =	sadd.s32 s3, s18;
	s23 =	rddreg [dreg:$0x4]  }
0x18: {  	s19 =	sadd.s32 s7, s18;
	s18 =	sshrl.u32 s9, $0x3;
	[dreg:$0xa] =	wrdreg s3  }
0x19: {  	s7 =	sadd.s32 s11, s25;
	s25 =	sshll.u32 s17, $0x6;
	[dreg:$0xb] =	wrdreg s19  }
0x1a: {  	s14 =	sadd.s32 s13, s21;
	s3 =	sadd.s32 s11, s20;
	[dreg:$0x13] =	wrdreg s7  }
0x1b: {  	s19 =	sadd.s32 s15, s18;
	s7 =	sadd.s32 s9, s2;
	s20 =	smul.u32 $0x9D8, s17  }
0x1c: {  	s2 =	sadd.s32 s2, s4;
	s4 =	sshrl.u32 s4, $0x3;
	[dreg:$0xf] =	wrdreg s3  }
0x1d: {  	s25 =	sor.u32 $0x1C06, s25;
	s26 =	sadd.s32 s22, s21;
	[dreg:$0x14] =	wrdreg s19  }
0x1e: {  	s8 =	sadd.s32 s22, s23;
	s3 =	sadd.s32 s11, s24;
	s19 =	rddreg [dreg:$0x0]  }
0x1f: {  	s9 =	sshll.u32 s10, $0x7;
	s4 =	sadd.s32 s15, s4;
	[dreg:$0x11] =	wrdreg s3  }
0x20: {  	s24 =	sadd.s32 $0xB3000, s1;
	s10 =	sadd.s32 s9, s21;
	[dreg:$0x15] =	wrdreg s4  }
0x21: {  	s1 =	sadd.s32 s9, s23;
	_ =	strace $0x80000047;
	[dreg:$0x17] =	wrdreg s26  }
0x22: {  	s11 =	sshll.u32 s12, $0x7;
	s17 =	sshrl.u32 s2, $0x3;
	[dreg:$0x18] =	wrdreg s8  }
0x23: {  	s18 =	sadd.s32 $0x120, s7;
	s9 =	simm.s32 $0x1;
	[dreg:$0x19] =	wrdreg s10  }
0x24: {  	s2 =	simm.s32 $0x0;
	s12 =	sadd.s32 s11, s21;
	[dreg:$0x1a] =	wrdreg s1  }
0x25: {  	s3 =	sadd.s32 s20, s15;
	s15 =	sshrl.u32 s7, $0x3;
	[dreg:$0x1b] =	wrdreg s12  }
0x26: {  	s20 =	sshrl.u32 s18, $0x3;
	s18 =	simm.s32 $0x6E00;
	[dreg:$0x1d] =	wrdreg s14  }
0x27: {  	s1 =	sadd.s32 s11, s23;
	[smem:$0x7FA] =	sst s0;
	s22 =	sadd.s32 $0x24, s3  }
0x28: {  	s0 =	sadd.s32 s20, s24;
	s26 =	sadd.s32 $0xC0, s7;
	[dreg:$0x16] =	wrdreg s25  }
0x29: {  	s14 =	simm.s32 $0x6;
	s20 =	simm.s32 $0x7400;
	[dreg:$0x1c] =	wrdreg s1  }
0x2a: {  	s7 =	simm.s32 $0x3200;
	s8 =	simm.s32 $0x7A00;
	[smem:$0x7FB] =	sst s22  }
0x2b: {  	s10 =	simm.s32 $0x3;
	s11 =	simm.s32 $0x2;
	[smem:$0x7FC] =	sst s0  }
0x2c: {  	s1 =	sadd.s32 s13, s23;
	[smem:$0x7FD] =	sst s26;
	s22 =	simm.s32 $0x4  }
0x2d: {  	s26 =	simm.s32 $0x60;
	[dreg:$0x1e] =	wrdreg s1;
	s1 =	sadd.s32 s24, s15  }
0x2e: {  	s0 =	simm.s32 $0x5;
	[dreg:$0x1f] =	wrdreg s1;
	s1 =	sadd.s32 s24, s17  }
0x2f: {  	s15 =	simm.s32 $0x100;
	s17 =	simm.s32 $0x6200;
	[smem:$0x7F9] =	sst s1  }
.LBB2_1:
0x30: {  	[smem:$0x7F0] =	sst s2  }
0x31: {  	s1 =	rddreg [dreg:$0x17]  }
0x32: {  	s12 =	rddreg [dreg:$0x6];
	s4 =	sshrl.u32 s1, $0x3  }
0x33: {  	[smem:$0x7F1] =	sst s4  }
0x34: {  	[spmem:s4], [sflag:s25] =	dma.local [hbm:s12], $0x600  }
0x35: {  	_ =	swait.ge [sflag:s14], $0x600  }
0x36: {  	s13 =	rddreg [dreg:$0x18]  }
0x37: {  	[sflag:s14] =	ssyncset.done $0x0;
	s2 =	sshrl.u32 s13, $0x3  }
0x38: {  	[sflag:s14] =	ssyncadd.s32 $0xFFFFFA00;
	[smem:$0x7F2] =	sst s2  }
0x39: {  	[spmem:s2], [sflag:s25] =	dma.local [hbm:s12], $0x600  }
0x3a: {  	_ =	swait.ge [sflag:s14], $0x600  }
0x3b: {  	s3 =	rddreg [dreg:$0x19]  }
0x3c: {  	[sflag:s14] =	ssyncset.done $0x0;
	s12 =	rddreg [dreg:$0x7];
	s4 =	sshrl.u32 s3, $0x3  }
0x3d: {  	[sflag:s14] =	ssyncadd.s32 $0xFFFFFA00;
	[smem:$0x7F3] =	sst s4  }
0x3e: {  	[spmem:s4], [sflag:s25] =	dma.local [hbm:s12], $0x600  }
0x3f: {  	_ =	swait.ge [sflag:s14], $0x600  }
0x40: {  	s13 =	rddreg [dreg:$0x1a]  }
0x41: {  	[sflag:s14] =	ssyncset.done $0x0;
	s2 =	sshrl.u32 s13, $0x3  }
0x42: {  	[sflag:s14] =	ssyncadd.s32 $0xFFFFFA00;
	[smem:$0x7F4] =	sst s2  }
0x43: {  	[spmem:s2], [sflag:s25] =	dma.local [hbm:s12], $0x600  }
0x44: {  	_ =	swait.ge [sflag:s14], $0x600  }
0x45: {  	s3 =	rddreg [dreg:$0x1b]  }
0x46: {  	[sflag:s14] =	ssyncset.done $0x0;
	s12 =	rddreg [dreg:$0x8];
	s4 =	sshrl.u32 s3, $0x3  }
0x47: {  	[sflag:s14] =	ssyncadd.s32 $0xFFFFFA00;
	[smem:$0x7F5] =	sst s4  }
0x48: {  	[spmem:s4], [sflag:s25] =	dma.local [hbm:s12], $0x600  }
0x49: {  	_ =	swait.ge [sflag:s14], $0x600  }
0x4a: {  	s13 =	rddreg [dreg:$0x1c]  }
0x4b: {  	[sflag:s14] =	ssyncset.done $0x0;
	s2 =	sshrl.u32 s13, $0x3  }
0x4c: {  	[sflag:s14] =	ssyncadd.s32 $0xFFFFFA00;
	[smem:$0x7F6] =	sst s2  }
0x4d: {  	[spmem:s2], [sflag:s25] =	dma.local [hbm:s12], $0x600  }
0x4e: {  	_ =	swait.ge [sflag:s14], $0x600  }
0x4f: {  	s3 =	rddreg [dreg:$0x1d]  }
0x50: {  	[sflag:s14] =	ssyncset.done $0x0;
	s12 =	rddreg [dreg:$0x9];
	s4 =	sshrl.u32 s3, $0x3  }
0x51: {  	[sflag:s14] =	ssyncadd.s32 $0xFFFFFA00;
	[smem:$0x7F7] =	sst s4  }
0x52: {  	[spmem:s4], [sflag:s25] =	dma.local [hbm:s12], $0x280  }
0x53: {  	_ =	swait.ge [sflag:s14], $0x280  }
0x54: {  	s13 =	rddreg [dreg:$0x1e]  }
0x55: {  	[sflag:s14] =	ssyncset.done $0x0;
	s2 =	sshrl.u32 s13, $0x3  }
0x56: {  	[sflag:s14] =	ssyncadd.s32 $0xFFFFFD80;
	[smem:$0x7F8] =	sst s2  }
0x57: {  	[spmem:s2], [sflag:s25] =	dma.local [hbm:s12], $0x280  }
0x58: {  	_ =	swait.ge [sflag:s14], $0x280  }
0x59: {  	[sflag:s14] =	ssyncset.done $0x0  }
0x5a: {  	[sflag:s14] =	ssyncadd.s32 $0xFFFFFD80  }
0x5b: {  	[bflag:$0x0] =	sbarrier.arrive $0xFFFF  }
0x5c: {  	s2 =	rddreg [dreg:$0x14]  }
0x5d: {  	[tilespmem:s16], [sflag:$0x4] =	stream.linear.gather [hbm4b:s2+s16], $0x60, $0x38;
	[tilespmem:$0x1F200] =	vst v63  }
0x5e: {  	s3 =	rddreg [dreg:$0x1f]  }
0x5f: {  	[tilespmem:s15], [sflag:$0x4] =	stream.linear.gather [hbm4b:s3+s16], $0x60, $0x38;
	[tilespmem:$0x1F200] =	vst v63  }
0x60: {  	_ = 	snop  }
0x61: {  	[tilespmem:s17], [sflag:$0x4] =	stream.linear.gather [hbm4b:s5+s16], $0x600, $0x38;
	[tilespmem:$0x1F200] =	vst v63  }
0x62: {  	_ = 	snop  }
0x63: {  	[tilespmem:s18], [sflag:$0x4] =	stream.linear.gather [hbm4b:s6+s16], $0x600, $0x38;
	[tilespmem:$0x1F200] =	vst v63  }
0x64: {  	_ =	swait.ge [sflag:s22], $0x60  }
0x65: {  	[sflag:s22] =	ssyncset.done $0x0  }
0x66: {  	[sflag:s22] =	ssyncadd.s32 $0xFFFFFFA0  }
0x67: {  	_ =	swait.ge [sflag:s22], $0x60  }
0x68: {  	[sflag:s22] =	ssyncset.done $0x0  }
0x69: {  	[sflag:s22] =	ssyncadd.s32 $0xFFFFFFA0  }
0x6a: {  	_ =	swait.ge [sflag:s22], $0x600  }
0x6b: {  	[sflag:s22] =	ssyncset.done $0x0  }
0x6c: {  	[sflag:s22] =	ssyncadd.s32 $0xFFFFFA00  }
0x6d: {  	_ =	swait.ge [sflag:s22], $0x600  }
0x6e: {  	s4 =	rddreg [dreg:$0x15]  }
0x6f: {  	[sflag:s22] =	ssyncset.done $0x0;
	s12 =	sld [smem:$0x7F9]  }
0x70: {  	s13 =	rddreg [dreg:$0xa];
	[sflag:s22] =	ssyncadd.s32 $0xFFFFFA00  }
0x71: {  	[tilespmem:s28], [sflag:$0x1] =	stream.indirect.gather [hbm4b:s19+s26], $0x80, s16, s26, $0xb8;
	[tilespmem:$0x1F200] =	vst v63  }
0x72: {  	s25 =	rddreg [dreg:$0xb]  }
0x73: {  	[tilespmem:s29], [sflag:$0x5] =	stream.linear.gather [hbm4b:s4+s16], $0x60, $0x38;
	[tilespmem:$0x1F200] =	vst v63  }
0x74: {  	s3 =	sld [smem:$0x7FD]  }
0x75: {  	[tilespmem:s30], [sflag:$0x5] =	stream.linear.gather [hbm4b:s12+s16], $0x60, $0x38;
	[tilespmem:$0x1F200] =	vst v63  }
0x76: {  	s4 =	sld [smem:$0x7FC]  }
0x77: {  	[tilespmem:s31], [sflag:$0x5] =	stream.linear.gather [hbm4b:s13+s16], $0x600, $0x38;
	[tilespmem:$0x1F200] =	vst v63  }
0x78: {  	s1 =	simm.s32 $0x0;
	s13 =	sld [smem:$0x7FB]  }
0x79: {  	[tilespmem:s20], [sflag:$0x5] =	stream.linear.gather [hbm4b:s25+s16], $0x600, $0x38;
	[tilespmem:$0x1F200] =	vst v63  }
.LBB2_2:
0x7a: {  	_ =	swait.ge [sflag:s0], $0x60  }
0x7b: {  	[sflag:s0] =	ssyncset.done $0x0  }
0x7c: {  	[sflag:s0] =	ssyncadd.s32 $0xFFFFFFA0  }
0x7d: {  	_ =	swait.ge [sflag:s0], $0x60  }
0x7e: {  	[sflag:s0] =	ssyncset.done $0x0  }
0x7f: {  	[sflag:s0] =	ssyncadd.s32 $0xFFFFFFA0  }
0x80: {  	_ =	swait.ge [sflag:s0], $0x600  }
0x81: {  	[sflag:s0] =	ssyncset.done $0x0  }
0x82: {  	[sflag:s0] =	ssyncadd.s32 $0xFFFFFA00  }
0x83: {  	_ =	swait.ge [sflag:s0], $0x600  }
0x84: {  	[sflag:s0] =	ssyncset.done $0x0  }
0x85: {  	[sflag:s0] =	ssyncadd.s32 $0xFFFFFA00  }
0x86: {  	[tilespmem:s7], [sflag:$0x2] =	stream.indirect.gather [hbm4b:s19+s26], $0x80, s29, s26, $0xb8;
	[tilespmem:$0x1F200] =	vst v63  }
0x87: {  	v0 =	vld [tilespmem:$0x6200]  }
0x88: {  	v1 =	vld [tilespmem:$0x6E00]  }
0x89: {  	v2 =	vld [tilespmem:$0x6210]  }
0x8a: {  	v3 =	vld [tilespmem:$0x6E10]  }
0x8b: {  	v4 =	vld [tilespmem:$0x6220]  }
0x8c: {  	v22 =	vld [tilespmem:$0x6E20];
	[tilespmem:$0x7A00] =	vst v0  }
0x8d: {  	v23 =	vld [tilespmem:$0x6230];
	[tilespmem:$0x7A10] =	vst v1  }
0x8e: {  	v24 =	vld [tilespmem:$0x6E30];
	[tilespmem:$0x7A80] =	vst v2  }
0x8f: {  	v25 =	vld [tilespmem:$0x6240];
	[tilespmem:$0x7A90] =	vst v3  }
0x90: {  	v26 =	vld [tilespmem:$0x6E40];
	[tilespmem:$0x7B00] =	vst v4  }
0x91: {  	v27 =	vld [tilespmem:$0x6250];
	[tilespmem:$0x7B10] =	vst v22  }
0x92: {  	v28 =	vld [tilespmem:$0x6E50];
	[tilespmem:$0x7B80] =	vst v23  }
0x93: {  	v29 =	vld [tilespmem:$0x6260];
	[tilespmem:$0x7B90] =	vst v24  }
0x94: {  	v30 =	vld [tilespmem:$0x6E60];
	[tilespmem:$0x7C00] =	vst v25  }
0x95: {  	v31 =	vld [tilespmem:$0x6270];
	[tilespmem:$0x7C10] =	vst v26  }
0x96: {  	v32 =	vld [tilespmem:$0x6E70];
	[tilespmem:$0x7C80] =	vst v27  }
0x97: {  	v33 =	vld [tilespmem:$0x6280];
	[tilespmem:$0x7C90] =	vst v28  }
0x98: {  	v34 =	vld [tilespmem:$0x6E80];
	[tilespmem:$0x7D00] =	vst v29  }
0x99: {  	v35 =	vld [tilespmem:$0x6290];
	[tilespmem:$0x7D10] =	vst v30  }
0x9a: {  	v36 =	vld [tilespmem:$0x6E90];
	[tilespmem:$0x7D80] =	vst v31  }
0x9b: {  	v37 =	vld [tilespmem:$0x62A0];
	[tilespmem:$0x7D90] =	vst v32  }
0x9c: {  	v38 =	vld [tilespmem:$0x6EA0];
	[tilespmem:$0x7E00] =	vst v33  }
0x9d: {  	v39 =	vld [tilespmem:$0x62B0];
	[tilespmem:$0x7E10] =	vst v34  }
0x9e: {  	v40 =	vld [tilespmem:$0x6EB0];
	[tilespmem:$0x7E80] =	vst v35  }
0x9f: {  	v41 =	vld [tilespmem:$0x62C0];
	[tilespmem:$0x7E90] =	vst v36  }
0xa0: {  	v42 =	vld [tilespmem:$0x6EC0];
	[tilespmem:$0x7F00] =	vst v37  }
0xa1: {  	v43 =	vld [tilespmem:$0x62D0];
	[tilespmem:$0x7F10] =	vst v38  }
0xa2: {  	v44 =	vld [tilespmem:$0x6ED0];
	[tilespmem:$0x7F80] =	vst v39  }
0xa3: {  	v45 =	vld [tilespmem:$0x62E0];
	[tilespmem:$0x7F90] =	vst v40  }
0xa4: {  	v46 =	vld [tilespmem:$0x6EE0];
	[tilespmem:$0x8000] =	vst v41  }
0xa5: {  	v47 =	vld [tilespmem:$0x62F0];
	[tilespmem:$0x8010] =	vst v42  }
0xa6: {  	v48 =	vld [tilespmem:$0x6EF0];
	[tilespmem:$0x8080] =	vst v43  }
0xa7: {  	v49 =	vld [tilespmem:$0x6300];
	[tilespmem:$0x8090] =	vst v44  }
0xa8: {  	v50 =	vld [tilespmem:$0x6F00];
	[tilespmem:$0x8100] =	vst v45  }
0xa9: {  	v51 =	vld [tilespmem:$0x6310];
	[tilespmem:$0x8110] =	vst v46  }
0xaa: {  	v52 =	vld [tilespmem:$0x6F10];
	[tilespmem:$0x8180] =	vst v47  }
0xab: {  	v53 =	vld [tilespmem:$0x6320];
	[tilespmem:$0x8190] =	vst v48  }
0xac: {  	v54 =	vld [tilespmem:$0x6F20];
	[tilespmem:$0x8200] =	vst v49  }
0xad: {  	v55 =	vld [tilespmem:$0x6330];
	[tilespmem:$0x8210] =	vst v50  }
0xae: {  	v56 =	vld [tilespmem:$0x6F30];
	[tilespmem:$0x8280] =	vst v51  }
0xaf: {  	v57 =	vld [tilespmem:$0x6340];
	[tilespmem:$0x8290] =	vst v52  }
0xb0: {  	v58 =	vld [tilespmem:$0x6F40];
	[tilespmem:$0x8300] =	vst v53  }
0xb1: {  	v59 =	vld [tilespmem:$0x6350];
	[tilespmem:$0x8310] =	vst v54  }
0xb2: {  	v60 =	vld [tilespmem:$0x6F50];
	[tilespmem:$0x8380] =	vst v55  }
0xb3: {  	v61 =	vld [tilespmem:$0x6360];
	[tilespmem:$0x8390] =	vst v56  }
0xb4: {  	v62 =	vld [tilespmem:$0x6F60];
	[tilespmem:$0x8400] =	vst v57  }
0xb5: {  	v63 =	vld [tilespmem:$0x6370];
	[tilespmem:$0x8410] =	vst v58  }
0xb6: {  	v8 =	vld [tilespmem:$0x6F70];
	[tilespmem:$0x8480] =	vst v59  }
0xb7: {  	v9 =	vld [tilespmem:$0x6380];
	[tilespmem:$0x8490] =	vst v60  }
0xb8: {  	v10 =	vld [tilespmem:$0x6F80];
	[tilespmem:$0x8500] =	vst v61  }
0xb9: {  	v11 =	vld [tilespmem:$0x6390];
	[tilespmem:$0x8510] =	vst v62  }
0xba: {  	v12 =	vld [tilespmem:$0x6F90];
	[tilespmem:$0x8580] =	vst v63  }
0xbb: {  	v13 =	vld [tilespmem:$0x63A0];
	[tilespmem:$0x8590] =	vst v8  }
0xbc: {  	v14 =	vld [tilespmem:$0x6FA0];
	[tilespmem:$0x8600] =	vst v9  }
0xbd: {  	v15 =	vld [tilespmem:$0x63B0];
	[tilespmem:$0x8610] =	vst v10  }
0xbe: {  	v16 =	vld [tilespmem:$0x6FB0];
	[tilespmem:$0x8680] =	vst v11  }
0xbf: {  	v17 =	vld [tilespmem:$0x63C0];
	[tilespmem:$0x8690] =	vst v12  }
0xc0: {  	v18 =	vld [tilespmem:$0x6FC0];
	[tilespmem:$0x8700] =	vst v13  }
0xc1: {  	v19 =	vld [tilespmem:$0x63D0];
	[tilespmem:$0x8710] =	vst v14  }
0xc2: {  	v20 =	vld [tilespmem:$0x6FD0];
	[tilespmem:$0x8780] =	vst v15  }
0xc3: {  	v21 =	vld [tilespmem:$0x63E0];
	[tilespmem:$0x8790] =	vst v16  }
0xc4: {  	[tilespmem:$0x8800] =	vst v17;
	v22 =	vld [tilespmem:$0x6FE0]  }
0xc5: {  	[tilespmem:$0x8810] =	vst v18;
	v23 =	vld [tilespmem:$0x63F0]  }
0xc6: {  	[tilespmem:$0x8880] =	vst v19;
	v24 =	vld [tilespmem:$0x6FF0]  }
0xc7: {  	[tilespmem:$0x8890] =	vst v20;
	v25 =	vld [tilespmem:$0x6400]  }
0xc8: {  	[tilespmem:$0x8900] =	vst v21;
	v26 =	vld [tilespmem:$0x7000]  }
0xc9: {  	v27 =	vld [tilespmem:$0x6410];
	[tilespmem:$0x8910] =	vst v22  }
0xca: {  	v28 =	vld [tilespmem:$0x7010];
	[tilespmem:$0x8980] =	vst v23  }
0xcb: {  	v29 =	vld [tilespmem:$0x6420];
	[tilespmem:$0x8990] =	vst v24  }
0xcc: {  	v30 =	vld [tilespmem:$0x7020];
	[tilespmem:$0x8A00] =	vst v25  }
0xcd: {  	v31 =	vld [tilespmem:$0x6430];
	[tilespmem:$0x8A10] =	vst v26  }
0xce: {  	v32 =	vld [tilespmem:$0x7030];
	[tilespmem:$0x8A80] =	vst v27  }
0xcf: {  	v33 =	vld [tilespmem:$0x6440];
	[tilespmem:$0x8A90] =	vst v28  }
0xd0: {  	v34 =	vld [tilespmem:$0x7040];
	[tilespmem:$0x8B00] =	vst v29  }
0xd1: {  	v35 =	vld [tilespmem:$0x6450];
	[tilespmem:$0x8B10] =	vst v30  }
0xd2: {  	v36 =	vld [tilespmem:$0x7050];
	[tilespmem:$0x8B80] =	vst v31  }
0xd3: {  	v37 =	vld [tilespmem:$0x6460];
	[tilespmem:$0x8B90] =	vst v32  }
0xd4: {  	v38 =	vld [tilespmem:$0x7060];
	[tilespmem:$0x8C00] =	vst v33  }
0xd5: {  	v39 =	vld [tilespmem:$0x6470];
	[tilespmem:$0x8C10] =	vst v34  }
0xd6: {  	v40 =	vld [tilespmem:$0x7070];
	[tilespmem:$0x8C80] =	vst v35  }
0xd7: {  	v41 =	vld [tilespmem:$0x6480];
	[tilespmem:$0x8C90] =	vst v36  }
0xd8: {  	v42 =	vld [tilespmem:$0x7080];
	[tilespmem:$0x8D00] =	vst v37  }
0xd9: {  	v43 =	vld [tilespmem:$0x6490];
	[tilespmem:$0x8D10] =	vst v38  }
0xda: {  	v44 =	vld [tilespmem:$0x7090];
	[tilespmem:$0x8D80] =	vst v39  }
0xdb: {  	v45 =	vld [tilespmem:$0x64A0];
	[tilespmem:$0x8D90] =	vst v40  }
0xdc: {  	v46 =	vld [tilespmem:$0x70A0];
	[tilespmem:$0x8E00] =	vst v41  }
0xdd: {  	v47 =	vld [tilespmem:$0x64B0];
	[tilespmem:$0x8E10] =	vst v42  }
0xde: {  	v48 =	vld [tilespmem:$0x70B0];
	[tilespmem:$0x8E80] =	vst v43  }
0xdf: {  	v49 =	vld [tilespmem:$0x64C0];
	[tilespmem:$0x8E90] =	vst v44  }
0xe0: {  	v50 =	vld [tilespmem:$0x70C0];
	[tilespmem:$0x8F00] =	vst v45  }
0xe1: {  	v51 =	vld [tilespmem:$0x64D0];
	[tilespmem:$0x8F10] =	vst v46  }
0xe2: {  	v52 =	vld [tilespmem:$0x70D0];
	[tilespmem:$0x8F80] =	vst v47  }
0xe3: {  	v53 =	vld [tilespmem:$0x64E0];
	[tilespmem:$0x8F90] =	vst v48  }
0xe4: {  	v54 =	vld [tilespmem:$0x70E0];
	[tilespmem:$0x9000] =	vst v49  }
0xe5: {  	v55 =	vld [tilespmem:$0x64F0];
	[tilespmem:$0x9010] =	vst v50  }
0xe6: {  	v56 =	vld [tilespmem:$0x70F0];
	[tilespmem:$0x9080] =	vst v51  }
0xe7: {  	v57 =	vld [tilespmem:$0x6500];
	[tilespmem:$0x9090] =	vst v52  }
0xe8: {  	v58 =	vld [tilespmem:$0x7100];
	[tilespmem:$0x9100] =	vst v53  }
0xe9: {  	v59 =	vld [tilespmem:$0x6510];
	[tilespmem:$0x9110] =	vst v54  }
0xea: {  	v60 =	vld [tilespmem:$0x7110];
	[tilespmem:$0x9180] =	vst v55  }
0xeb: {  	v61 =	vld [tilespmem:$0x6520];
	[tilespmem:$0x9190] =	vst v56  }
0xec: {  	v62 =	vld [tilespmem:$0x7120];
	[tilespmem:$0x9200] =	vst v57  }
0xed: {  	v63 =	vld [tilespmem:$0x6530];
	[tilespmem:$0x9210] =	vst v58  }
0xee: {  	v8 =	vld [tilespmem:$0x7130];
	[tilespmem:$0x9280] =	vst v59  }
0xef: {  	v9 =	vld [tilespmem:$0x6540];
	[tilespmem:$0x9290] =	vst v60  }
0xf0: {  	v10 =	vld [tilespmem:$0x7140];
	[tilespmem:$0x9300] =	vst v61  }
0xf1: {  	v11 =	vld [tilespmem:$0x6550];
	[tilespmem:$0x9310] =	vst v62  }
0xf2: {  	v12 =	vld [tilespmem:$0x7150];
	[tilespmem:$0x9380] =	vst v63  }
0xf3: {  	v13 =	vld [tilespmem:$0x6560];
	[tilespmem:$0x9390] =	vst v8  }
0xf4: {  	v14 =	vld [tilespmem:$0x7160];
	[tilespmem:$0x9400] =	vst v9  }
0xf5: {  	v15 =	vld [tilespmem:$0x6570];
	[tilespmem:$0x9410] =	vst v10  }
0xf6: {  	v16 =	vld [tilespmem:$0x7170];
	[tilespmem:$0x9480] =	vst v11  }
0xf7: {  	v17 =	vld [tilespmem:$0x6580];
	[tilespmem:$0x9490] =	vst v12  }
0xf8: {  	v18 =	vld [tilespmem:$0x7180];
	[tilespmem:$0x9500] =	vst v13  }
0xf9: {  	v19 =	vld [tilespmem:$0x6590];
	[tilespmem:$0x9510] =	vst v14  }
0xfa: {  	v20 =	vld [tilespmem:$0x7190];
	[tilespmem:$0x9580] =	vst v15  }
0xfb: {  	v21 =	vld [tilespmem:$0x65A0];
	[tilespmem:$0x9590] =	vst v16  }
0xfc: {  	[tilespmem:$0x9600] =	vst v17;
	v22 =	vld [tilespmem:$0x71A0]  }
0xfd: {  	[tilespmem:$0x9610] =	vst v18;
	v23 =	vld [tilespmem:$0x65B0]  }
0xfe: {  	[tilespmem:$0x9680] =	vst v19;
	v24 =	vld [tilespmem:$0x71B0]  }
0xff: {  	[tilespmem:$0x9690] =	vst v20;
	v25 =	vld [tilespmem:$0x65C0]  }
0x100: {  	[tilespmem:$0x9700] =	vst v21;
	v26 =	vld [tilespmem:$0x71C0]  }
0x101: {  	v27 =	vld [tilespmem:$0x65D0];
	[tilespmem:$0x9710] =	vst v22  }
0x102: {  	v28 =	vld [tilespmem:$0x71D0];
	[tilespmem:$0x9780] =	vst v23  }
0x103: {  	v29 =	vld [tilespmem:$0x65E0];
	[tilespmem:$0x9790] =	vst v24  }
0x104: {  	v30 =	vld [tilespmem:$0x71E0];
	[tilespmem:$0x9800] =	vst v25  }
0x105: {  	v31 =	vld [tilespmem:$0x65F0];
	[tilespmem:$0x9810] =	vst v26  }
0x106: {  	v32 =	vld [tilespmem:$0x71F0];
	[tilespmem:$0x9880] =	vst v27  }
0x107: {  	v33 =	vld [tilespmem:$0x6600];
	[tilespmem:$0x9890] =	vst v28  }
0x108: {  	v34 =	vld [tilespmem:$0x7200];
	[tilespmem:$0x9900] =	vst v29  }
0x109: {  	v35 =	vld [tilespmem:$0x6610];
	[tilespmem:$0x9910] =	vst v30  }
0x10a: {  	v36 =	vld [tilespmem:$0x7210];
	[tilespmem:$0x9980] =	vst v31  }
0x10b: {  	v37 =	vld [tilespmem:$0x6620];
	[tilespmem:$0x9990] =	vst v32  }
0x10c: {  	v38 =	vld [tilespmem:$0x7220];
	[tilespmem:$0x9A00] =	vst v33  }
0x10d: {  	v39 =	vld [tilespmem:$0x6630];
	[tilespmem:$0x9A10] =	vst v34  }
0x10e: {  	v40 =	vld [tilespmem:$0x7230];
	[tilespmem:$0x9A80] =	vst v35  }
0x10f: {  	v41 =	vld [tilespmem:$0x6640];
	[tilespmem:$0x9A90] =	vst v36  }
0x110: {  	v42 =	vld [tilespmem:$0x7240];
	[tilespmem:$0x9B00] =	vst v37  }
0x111: {  	v43 =	vld [tilespmem:$0x6650];
	[tilespmem:$0x9B10] =	vst v38  }
0x112: {  	v44 =	vld [tilespmem:$0x7250];
	[tilespmem:$0x9B80] =	vst v39  }
0x113: {  	v45 =	vld [tilespmem:$0x6660];
	[tilespmem:$0x9B90] =	vst v40  }
0x114: {  	v46 =	vld [tilespmem:$0x7260];
	[tilespmem:$0x9C00] =	vst v41  }
0x115: {  	v47 =	vld [tilespmem:$0x6670];
	[tilespmem:$0x9C10] =	vst v42  }
0x116: {  	v48 =	vld [tilespmem:$0x7270];
	[tilespmem:$0x9C80] =	vst v43  }
0x117: {  	v49 =	vld [tilespmem:$0x6680];
	[tilespmem:$0x9C90] =	vst v44  }
0x118: {  	v50 =	vld [tilespmem:$0x7280];
	[tilespmem:$0x9D00] =	vst v45  }
0x119: {  	v51 =	vld [tilespmem:$0x6690];
	[tilespmem:$0x9D10] =	vst v46  }
0x11a: {  	v52 =	vld [tilespmem:$0x7290];
	[tilespmem:$0x9D80] =	vst v47  }
0x11b: {  	v53 =	vld [tilespmem:$0x66A0];
	[tilespmem:$0x9D90] =	vst v48  }
0x11c: {  	v54 =	vld [tilespmem:$0x72A0];
	[tilespmem:$0x9E00] =	vst v49  }
0x11d: {  	v55 =	vld [tilespmem:$0x66B0];
	[tilespmem:$0x9E10] =	vst v50  }
0x11e: {  	[tilespmem:$0x9E80] =	vst v51  }
0x11f: {  	[tilespmem:$0x9E90] =	vst v52  }
0x120: {  	[tilespmem:$0x9F00] =	vst v53  }
0x121: {  	[tilespmem:$0x9F10] =	vst v54  }
0x122: {  	[tilespmem:$0x9F80] =	vst v55  }
0x123: {  	v0 =	vld [tilespmem:$0x72B0]  }
0x124: {  	v56 =	vld [tilespmem:$0x66C0]  }
0x125: {  	v57 =	vld [tilespmem:$0x72C0]  }
0x126: {  	v58 =	vld [tilespmem:$0x66D0]  }
0x127: {  	v59 =	vld [tilespmem:$0x72D0]  }
0x128: {  	v60 =	vld [tilespmem:$0x66E0];
	[tilespmem:$0x9F90] =	vst v0  }
0x129: {  	v61 =	vld [tilespmem:$0x72E0];
	[tilespmem:$0xA000] =	vst v56  }
0x12a: {  	v62 =	vld [tilespmem:$0x66F0];
	[tilespmem:$0xA010] =	vst v57  }
0x12b: {  	v63 =	vld [tilespmem:$0x72F0];
	[tilespmem:$0xA080] =	vst v58  }
0x12c: {  	v8 =	vld [tilespmem:$0x6700];
	[tilespmem:$0xA090] =	vst v59  }
0x12d: {  	v9 =	vld [tilespmem:$0x7300];
	[tilespmem:$0xA100] =	vst v60  }
0x12e: {  	v10 =	vld [tilespmem:$0x6710];
	[tilespmem:$0xA110] =	vst v61  }
0x12f: {  	v11 =	vld [tilespmem:$0x7310];
	[tilespmem:$0xA180] =	vst v62  }
0x130: {  	v12 =	vld [tilespmem:$0x6720];
	[tilespmem:$0xA190] =	vst v63  }
0x131: {  	v13 =	vld [tilespmem:$0x7320];
	[tilespmem:$0xA200] =	vst v8  }
0x132: {  	v14 =	vld [tilespmem:$0x6730];
	[tilespmem:$0xA210] =	vst v9  }
0x133: {  	v15 =	vld [tilespmem:$0x7330];
	[tilespmem:$0xA280] =	vst v10  }
0x134: {  	v16 =	vld [tilespmem:$0x6740];
	[tilespmem:$0xA290] =	vst v11  }
0x135: {  	v17 =	vld [tilespmem:$0x7340];
	[tilespmem:$0xA300] =	vst v12  }
0x136: {  	v18 =	vld [tilespmem:$0x6750];
	[tilespmem:$0xA310] =	vst v13  }
0x137: {  	v19 =	vld [tilespmem:$0x7350];
	[tilespmem:$0xA380] =	vst v14  }
0x138: {  	v20 =	vld [tilespmem:$0x6760];
	[tilespmem:$0xA390] =	vst v15  }
0x139: {  	v21 =	vld [tilespmem:$0x7360];
	[tilespmem:$0xA400] =	vst v16  }
0x13a: {  	v22 =	vld [tilespmem:$0x6770];
	[tilespmem:$0xA410] =	vst v17  }
0x13b: {  	v23 =	vld [tilespmem:$0x7370];
	[tilespmem:$0xA480] =	vst v18  }
0x13c: {  	v24 =	vld [tilespmem:$0x6780];
	[tilespmem:$0xA490] =	vst v19  }
0x13d: {  	v25 =	vld [tilespmem:$0x7380];
	[tilespmem:$0xA500] =	vst v20  }
0x13e: {  	v26 =	vld [tilespmem:$0x6790];
	[tilespmem:$0xA510] =	vst v21  }
0x13f: {  	v27 =	vld [tilespmem:$0x7390];
	[tilespmem:$0xA580] =	vst v22  }
0x140: {  	v28 =	vld [tilespmem:$0x67A0];
	[tilespmem:$0xA590] =	vst v23  }
0x141: {  	v29 =	vld [tilespmem:$0x73A0];
	[tilespmem:$0xA600] =	vst v24  }
0x142: {  	v30 =	vld [tilespmem:$0x67B0];
	[tilespmem:$0xA610] =	vst v25  }
0x143: {  	v31 =	vld [tilespmem:$0x73B0];
	[tilespmem:$0xA680] =	vst v26  }
0x144: {  	v32 =	vld [tilespmem:$0x67C0];
	[tilespmem:$0xA690] =	vst v27  }
0x145: {  	v33 =	vld [tilespmem:$0x73C0];
	[tilespmem:$0xA700] =	vst v28  }
0x146: {  	v34 =	vld [tilespmem:$0x67D0];
	[tilespmem:$0xA710] =	vst v29  }
0x147: {  	v35 =	vld [tilespmem:$0x73D0];
	[tilespmem:$0xA780] =	vst v30  }
0x148: {  	v36 =	vld [tilespmem:$0x67E0];
	[tilespmem:$0xA790] =	vst v31  }
0x149: {  	v37 =	vld [tilespmem:$0x73E0];
	[tilespmem:$0xA800] =	vst v32  }
0x14a: {  	v38 =	vld [tilespmem:$0x67F0];
	[tilespmem:$0xA810] =	vst v33  }
0x14b: {  	v39 =	vld [tilespmem:$0x73F0];
	[tilespmem:$0xA880] =	vst v34  }
0x14c: {  	[tilespmem:$0xA890] =	vst v35  }
0x14d: {  	[tilespmem:$0xA900] =	vst v36  }
0x14e: {  	[tilespmem:$0xA910] =	vst v37  }
0x14f: {  	[tilespmem:$0xA980] =	vst v38  }
0x150: {  	[tilespmem:$0xA990] =	vst v39  }
0x151: {  	[spmem:s23] =	stream.indirect.scatter.add.f32 [tilespmem:s8], [sflag:$0x3], $0x80, s15, s26, $0xb8;
	[tilespmem:$0x1F200] =	vst v63  }
0x152: {  	_ =	swait.ge [sflag:s9], $0x3000  }
0x153: {  	[sflag:s9] =	ssyncset.done $0x0  }
0x154: {  	[sflag:s9] =	ssyncadd.s32 $0xFFFFD000  }
0x155: {  	[spmem:s21] =	stream.indirect.scatter.add.f32 [tilespmem:s28], [sflag:$0x6], $0x80, s15, s26, $0xb8;
	[tilespmem:$0x1F200] =	vst v63  }
0x156: {  	_ =	swait.ge [sflag:s14], $0x3000  }
0x157: {  	[sflag:s14] =	ssyncset.done $0x0  }
0x158: {  	[sflag:s14] =	ssyncadd.s32 $0xFFFFD000  }
0x159: {  	_ =	swait.ge [sflag:s10], $0x3000  }
0x15a: {  	[sflag:s10] =	ssyncset.done $0x0  }
0x15b: {  	s2 =	sadd.s32 $0xFFFFFFF4, s13;
	s12 =	sshrl.u32 s3, $0x3;
	[sflag:s10] =	ssyncadd.s32 $0xFFFFD000  }
0x15c: {  	[tilespmem:s16], [sflag:$0x4] =	stream.linear.gather [hbm4b:s2+s16], $0x60, $0x38;
	[tilespmem:$0x1F200] =	vst v63  }
0x15d: {  	s2 =	sadd.s32 s24, s12  }
0x15e: {  	[tilespmem:s15], [sflag:$0x4] =	stream.linear.gather [hbm4b:s2+s16], $0x60, $0x38;
	[tilespmem:$0x1F200] =	vst v63  }
0x15f: {  	s2 =	sadd.s32 s1, s5  }
0x160: {  	s12 =	sadd.s32 $0x180, s2  }
0x161: {  	[tilespmem:s17], [sflag:$0x4] =	stream.linear.gather [hbm4b:s12+s16], $0x600, $0x38;
	[tilespmem:$0x1F200] =	vst v63  }
0x162: {  	s12 =	sadd.s32 s1, s6  }
0x163: {  	s25 =	sadd.s32 $0x180, s12  }
0x164: {  	[tilespmem:s18], [sflag:$0x4] =	stream.linear.gather [hbm4b:s25+s16], $0x600, $0x38;
	[tilespmem:$0x1F200] =	vst v63  }
0x165: {  	_ =	swait.ge [sflag:s22], $0x60  }
0x166: {  	[sflag:s22] =	ssyncset.done $0x0  }
0x167: {  	[sflag:s22] =	ssyncadd.s32 $0xFFFFFFA0  }
0x168: {  	_ =	swait.ge [sflag:s22], $0x60  }
0x169: {  	[sflag:s22] =	ssyncset.done $0x0  }
0x16a: {  	[sflag:s22] =	ssyncadd.s32 $0xFFFFFFA0  }
0x16b: {  	_ =	swait.ge [sflag:s22], $0x600  }
0x16c: {  	[sflag:s22] =	ssyncset.done $0x0  }
0x16d: {  	[sflag:s22] =	ssyncadd.s32 $0xFFFFFA00  }
0x16e: {  	_ =	swait.ge [sflag:s22], $0x600  }
0x16f: {  	[sflag:s22] =	ssyncset.done $0x0  }
0x170: {  	[sflag:s22] =	ssyncadd.s32 $0xFFFFFA00  }
0x171: {  	[tilespmem:s28], [sflag:$0x1] =	stream.indirect.gather [hbm4b:s19+s26], $0x80, s16, s26, $0xb8;
	[tilespmem:$0x1F200] =	vst v63  }
0x172: {  	v40 =	vld [tilespmem:$0x6800]  }
0x173: {  	v41 =	vld [tilespmem:$0x7400]  }
0x174: {  	v42 =	vld [tilespmem:$0x6810]  }
0x175: {  	v43 =	vld [tilespmem:$0x7410]  }
0x176: {  	v44 =	vld [tilespmem:$0x6820]  }
0x177: {  	v45 =	vld [tilespmem:$0x7420];
	[tilespmem:$0x7A00] =	vst v40  }
0x178: {  	v46 =	vld [tilespmem:$0x6830];
	[tilespmem:$0x7A10] =	vst v41  }
0x179: {  	v47 =	vld [tilespmem:$0x7430];
	[tilespmem:$0x7A80] =	vst v42  }
0x17a: {  	v48 =	vld [tilespmem:$0x6840];
	[tilespmem:$0x7A90] =	vst v43  }
0x17b: {  	v49 =	vld [tilespmem:$0x7440];
	[tilespmem:$0x7B00] =	vst v44  }
0x17c: {  	v50 =	vld [tilespmem:$0x6850];
	[tilespmem:$0x7B10] =	vst v45  }
0x17d: {  	v51 =	vld [tilespmem:$0x7450];
	[tilespmem:$0x7B80] =	vst v46  }
0x17e: {  	v52 =	vld [tilespmem:$0x6860];
	[tilespmem:$0x7B90] =	vst v47  }
0x17f: {  	v53 =	vld [tilespmem:$0x7460];
	[tilespmem:$0x7C00] =	vst v48  }
0x180: {  	v54 =	vld [tilespmem:$0x6870];
	[tilespmem:$0x7C10] =	vst v49  }
0x181: {  	v55 =	vld [tilespmem:$0x7470];
	[tilespmem:$0x7C80] =	vst v50  }
0x182: {  	v56 =	vld [tilespmem:$0x6880];
	[tilespmem:$0x7C90] =	vst v51  }
0x183: {  	v57 =	vld [tilespmem:$0x7480];
	[tilespmem:$0x7D00] =	vst v52  }
0x184: {  	v58 =	vld [tilespmem:$0x6890];
	[tilespmem:$0x7D10] =	vst v53  }
0x185: {  	v59 =	vld [tilespmem:$0x7490];
	[tilespmem:$0x7D80] =	vst v54  }
0x186: {  	v60 =	vld [tilespmem:$0x68A0];
	[tilespmem:$0x7D90] =	vst v55  }
0x187: {  	v61 =	vld [tilespmem:$0x74A0];
	[tilespmem:$0x7E00] =	vst v56  }
0x188: {  	v62 =	vld [tilespmem:$0x68B0];
	[tilespmem:$0x7E10] =	vst v57  }
0x189: {  	v63 =	vld [tilespmem:$0x74B0];
	[tilespmem:$0x7E80] =	vst v58  }
0x18a: {  	v8 =	vld [tilespmem:$0x68C0];
	[tilespmem:$0x7E90] =	vst v59  }
0x18b: {  	v9 =	vld [tilespmem:$0x74C0];
	[tilespmem:$0x7F00] =	vst v60  }
0x18c: {  	v10 =	vld [tilespmem:$0x68D0];
	[tilespmem:$0x7F10] =	vst v61  }
0x18d: {  	v11 =	vld [tilespmem:$0x74D0];
	[tilespmem:$0x7F80] =	vst v62  }
0x18e: {  	v12 =	vld [tilespmem:$0x68E0];
	[tilespmem:$0x7F90] =	vst v63  }
0x18f: {  	v13 =	vld [tilespmem:$0x74E0];
	[tilespmem:$0x8000] =	vst v8  }
0x190: {  	v14 =	vld [tilespmem:$0x68F0];
	[tilespmem:$0x8010] =	vst v9  }
0x191: {  	v15 =	vld [tilespmem:$0x74F0];
	[tilespmem:$0x8080] =	vst v10  }
0x192: {  	v16 =	vld [tilespmem:$0x6900];
	[tilespmem:$0x8090] =	vst v11  }
0x193: {  	v17 =	vld [tilespmem:$0x7500];
	[tilespmem:$0x8100] =	vst v12  }
0x194: {  	v18 =	vld [tilespmem:$0x6910];
	[tilespmem:$0x8110] =	vst v13  }
0x195: {  	v19 =	vld [tilespmem:$0x7510];
	[tilespmem:$0x8180] =	vst v14  }
0x196: {  	v20 =	vld [tilespmem:$0x6920];
	[tilespmem:$0x8190] =	vst v15  }
0x197: {  	v21 =	vld [tilespmem:$0x7520];
	[tilespmem:$0x8200] =	vst v16  }
0x198: {  	v22 =	vld [tilespmem:$0x6930];
	[tilespmem:$0x8210] =	vst v17  }
0x199: {  	v23 =	vld [tilespmem:$0x7530];
	[tilespmem:$0x8280] =	vst v18  }
0x19a: {  	v24 =	vld [tilespmem:$0x6940];
	[tilespmem:$0x8290] =	vst v19  }
0x19b: {  	v25 =	vld [tilespmem:$0x7540];
	[tilespmem:$0x8300] =	vst v20  }
0x19c: {  	v26 =	vld [tilespmem:$0x6950];
	[tilespmem:$0x8310] =	vst v21  }
0x19d: {  	v27 =	vld [tilespmem:$0x7550];
	[tilespmem:$0x8380] =	vst v22  }
0x19e: {  	v28 =	vld [tilespmem:$0x6960];
	[tilespmem:$0x8390] =	vst v23  }
0x19f: {  	v29 =	vld [tilespmem:$0x7560];
	[tilespmem:$0x8400] =	vst v24  }
0x1a0: {  	v30 =	vld [tilespmem:$0x6970];
	[tilespmem:$0x8410] =	vst v25  }
0x1a1: {  	v31 =	vld [tilespmem:$0x7570];
	[tilespmem:$0x8480] =	vst v26  }
0x1a2: {  	v32 =	vld [tilespmem:$0x6980];
	[tilespmem:$0x8490] =	vst v27  }
0x1a3: {  	v33 =	vld [tilespmem:$0x7580];
	[tilespmem:$0x8500] =	vst v28  }
0x1a4: {  	v34 =	vld [tilespmem:$0x6990];
	[tilespmem:$0x8510] =	vst v29  }
0x1a5: {  	v35 =	vld [tilespmem:$0x7590];
	[tilespmem:$0x8580] =	vst v30  }
0x1a6: {  	v36 =	vld [tilespmem:$0x69A0];
	[tilespmem:$0x8590] =	vst v31  }
0x1a7: {  	v37 =	vld [tilespmem:$0x75A0];
	[tilespmem:$0x8600] =	vst v32  }
0x1a8: {  	v38 =	vld [tilespmem:$0x69B0];
	[tilespmem:$0x8610] =	vst v33  }
0x1a9: {  	v39 =	vld [tilespmem:$0x75B0];
	[tilespmem:$0x8680] =	vst v34  }
0x1aa: {  	[tilespmem:$0x8690] =	vst v35;
	v40 =	vld [tilespmem:$0x69C0]  }
0x1ab: {  	[tilespmem:$0x8700] =	vst v36;
	v41 =	vld [tilespmem:$0x75C0]  }
0x1ac: {  	[tilespmem:$0x8710] =	vst v37;
	v42 =	vld [tilespmem:$0x69D0]  }
0x1ad: {  	[tilespmem:$0x8780] =	vst v38;
	v43 =	vld [tilespmem:$0x75D0]  }
0x1ae: {  	[tilespmem:$0x8790] =	vst v39;
	v44 =	vld [tilespmem:$0x69E0]  }
0x1af: {  	v45 =	vld [tilespmem:$0x75E0];
	[tilespmem:$0x8800] =	vst v40  }
0x1b0: {  	v46 =	vld [tilespmem:$0x69F0];
	[tilespmem:$0x8810] =	vst v41  }
0x1b1: {  	v47 =	vld [tilespmem:$0x75F0];
	[tilespmem:$0x8880] =	vst v42  }
0x1b2: {  	v48 =	vld [tilespmem:$0x6A00];
	[tilespmem:$0x8890] =	vst v43  }
0x1b3: {  	v49 =	vld [tilespmem:$0x7600];
	[tilespmem:$0x8900] =	vst v44  }
0x1b4: {  	v50 =	vld [tilespmem:$0x6A10];
	[tilespmem:$0x8910] =	vst v45  }
0x1b5: {  	v51 =	vld [tilespmem:$0x7610];
	[tilespmem:$0x8980] =	vst v46  }
0x1b6: {  	v52 =	vld [tilespmem:$0x6A20];
	[tilespmem:$0x8990] =	vst v47  }
0x1b7: {  	v53 =	vld [tilespmem:$0x7620];
	[tilespmem:$0x8A00] =	vst v48  }
0x1b8: {  	v54 =	vld [tilespmem:$0x6A30];
	[tilespmem:$0x8A10] =	vst v49  }
0x1b9: {  	v55 =	vld [tilespmem:$0x7630];
	[tilespmem:$0x8A80] =	vst v50  }
0x1ba: {  	v56 =	vld [tilespmem:$0x6A40];
	[tilespmem:$0x8A90] =	vst v51  }
0x1bb: {  	v57 =	vld [tilespmem:$0x7640];
	[tilespmem:$0x8B00] =	vst v52  }
0x1bc: {  	v58 =	vld [tilespmem:$0x6A50];
	[tilespmem:$0x8B10] =	vst v53  }
0x1bd: {  	v59 =	vld [tilespmem:$0x7650];
	[tilespmem:$0x8B80] =	vst v54  }
0x1be: {  	v60 =	vld [tilespmem:$0x6A60];
	[tilespmem:$0x8B90] =	vst v55  }
0x1bf: {  	v61 =	vld [tilespmem:$0x7660];
	[tilespmem:$0x8C00] =	vst v56  }
0x1c0: {  	v62 =	vld [tilespmem:$0x6A70];
	[tilespmem:$0x8C10] =	vst v57  }
0x1c1: {  	v63 =	vld [tilespmem:$0x7670];
	[tilespmem:$0x8C80] =	vst v58  }
0x1c2: {  	v8 =	vld [tilespmem:$0x6A80];
	[tilespmem:$0x8C90] =	vst v59  }
0x1c3: {  	v9 =	vld [tilespmem:$0x7680];
	[tilespmem:$0x8D00] =	vst v60  }
0x1c4: {  	v10 =	vld [tilespmem:$0x6A90];
	[tilespmem:$0x8D10] =	vst v61  }
0x1c5: {  	v11 =	vld [tilespmem:$0x7690];
	[tilespmem:$0x8D80] =	vst v62  }
0x1c6: {  	v12 =	vld [tilespmem:$0x6AA0];
	[tilespmem:$0x8D90] =	vst v63  }
0x1c7: {  	v13 =	vld [tilespmem:$0x76A0];
	[tilespmem:$0x8E00] =	vst v8  }
0x1c8: {  	v14 =	vld [tilespmem:$0x6AB0];
	[tilespmem:$0x8E10] =	vst v9  }
0x1c9: {  	v15 =	vld [tilespmem:$0x76B0];
	[tilespmem:$0x8E80] =	vst v10  }
0x1ca: {  	v16 =	vld [tilespmem:$0x6AC0];
	[tilespmem:$0x8E90] =	vst v11  }
0x1cb: {  	v17 =	vld [tilespmem:$0x76C0];
	[tilespmem:$0x8F00] =	vst v12  }
0x1cc: {  	v18 =	vld [tilespmem:$0x6AD0];
	[tilespmem:$0x8F10] =	vst v13  }
0x1cd: {  	v19 =	vld [tilespmem:$0x76D0];
	[tilespmem:$0x8F80] =	vst v14  }
0x1ce: {  	v20 =	vld [tilespmem:$0x6AE0];
	[tilespmem:$0x8F90] =	vst v15  }
0x1cf: {  	v21 =	vld [tilespmem:$0x76E0];
	[tilespmem:$0x9000] =	vst v16  }
0x1d0: {  	v22 =	vld [tilespmem:$0x6AF0];
	[tilespmem:$0x9010] =	vst v17  }
0x1d1: {  	v23 =	vld [tilespmem:$0x76F0];
	[tilespmem:$0x9080] =	vst v18  }
0x1d2: {  	v24 =	vld [tilespmem:$0x6B00];
	[tilespmem:$0x9090] =	vst v19  }
0x1d3: {  	v25 =	vld [tilespmem:$0x7700];
	[tilespmem:$0x9100] =	vst v20  }
0x1d4: {  	v26 =	vld [tilespmem:$0x6B10];
	[tilespmem:$0x9110] =	vst v21  }
0x1d5: {  	v27 =	vld [tilespmem:$0x7710];
	[tilespmem:$0x9180] =	vst v22  }
0x1d6: {  	v28 =	vld [tilespmem:$0x6B20];
	[tilespmem:$0x9190] =	vst v23  }
0x1d7: {  	v29 =	vld [tilespmem:$0x7720];
	[tilespmem:$0x9200] =	vst v24  }
0x1d8: {  	v30 =	vld [tilespmem:$0x6B30];
	[tilespmem:$0x9210] =	vst v25  }
0x1d9: {  	v31 =	vld [tilespmem:$0x7730];
	[tilespmem:$0x9280] =	vst v26  }
0x1da: {  	v32 =	vld [tilespmem:$0x6B40];
	[tilespmem:$0x9290] =	vst v27  }
0x1db: {  	v33 =	vld [tilespmem:$0x7740];
	[tilespmem:$0x9300] =	vst v28  }
0x1dc: {  	v34 =	vld [tilespmem:$0x6B50];
	[tilespmem:$0x9310] =	vst v29  }
0x1dd: {  	v35 =	vld [tilespmem:$0x7750];
	[tilespmem:$0x9380] =	vst v30  }
0x1de: {  	v36 =	vld [tilespmem:$0x6B60];
	[tilespmem:$0x9390] =	vst v31  }
0x1df: {  	v37 =	vld [tilespmem:$0x7760];
	[tilespmem:$0x9400] =	vst v32  }
0x1e0: {  	v38 =	vld [tilespmem:$0x6B70];
	[tilespmem:$0x9410] =	vst v33  }
0x1e1: {  	v39 =	vld [tilespmem:$0x7770];
	[tilespmem:$0x9480] =	vst v34  }
0x1e2: {  	[tilespmem:$0x9490] =	vst v35;
	v40 =	vld [tilespmem:$0x6B80]  }
0x1e3: {  	[tilespmem:$0x9500] =	vst v36;
	v41 =	vld [tilespmem:$0x7780]  }
0x1e4: {  	[tilespmem:$0x9510] =	vst v37;
	v42 =	vld [tilespmem:$0x6B90]  }
0x1e5: {  	[tilespmem:$0x9580] =	vst v38;
	v43 =	vld [tilespmem:$0x7790]  }
0x1e6: {  	[tilespmem:$0x9590] =	vst v39;
	v44 =	vld [tilespmem:$0x6BA0]  }
0x1e7: {  	v45 =	vld [tilespmem:$0x77A0];
	[tilespmem:$0x9600] =	vst v40  }
0x1e8: {  	v46 =	vld [tilespmem:$0x6BB0];
	[tilespmem:$0x9610] =	vst v41  }
0x1e9: {  	v47 =	vld [tilespmem:$0x77B0];
	[tilespmem:$0x9680] =	vst v42  }
0x1ea: {  	v48 =	vld [tilespmem:$0x6BC0];
	[tilespmem:$0x9690] =	vst v43  }
0x1eb: {  	v49 =	vld [tilespmem:$0x77C0];
	[tilespmem:$0x9700] =	vst v44  }
0x1ec: {  	v50 =	vld [tilespmem:$0x6BD0];
	[tilespmem:$0x9710] =	vst v45  }
0x1ed: {  	v51 =	vld [tilespmem:$0x77D0];
	[tilespmem:$0x9780] =	vst v46  }
0x1ee: {  	v52 =	vld [tilespmem:$0x6BE0];
	[tilespmem:$0x9790] =	vst v47  }
0x1ef: {  	v53 =	vld [tilespmem:$0x77E0];
	[tilespmem:$0x9800] =	vst v48  }
0x1f0: {  	v54 =	vld [tilespmem:$0x6BF0];
	[tilespmem:$0x9810] =	vst v49  }
0x1f1: {  	v55 =	vld [tilespmem:$0x77F0];
	[tilespmem:$0x9880] =	vst v50  }
0x1f2: {  	v56 =	vld [tilespmem:$0x6C00];
	[tilespmem:$0x9890] =	vst v51  }
0x1f3: {  	v57 =	vld [tilespmem:$0x7800];
	[tilespmem:$0x9900] =	vst v52  }
0x1f4: {  	v58 =	vld [tilespmem:$0x6C10];
	[tilespmem:$0x9910] =	vst v53  }
0x1f5: {  	v59 =	vld [tilespmem:$0x7810];
	[tilespmem:$0x9980] =	vst v54  }
0x1f6: {  	v60 =	vld [tilespmem:$0x6C20];
	[tilespmem:$0x9990] =	vst v55  }
0x1f7: {  	v61 =	vld [tilespmem:$0x7820];
	[tilespmem:$0x9A00] =	vst v56  }
0x1f8: {  	v62 =	vld [tilespmem:$0x6C30];
	[tilespmem:$0x9A10] =	vst v57  }
0x1f9: {  	v63 =	vld [tilespmem:$0x7830];
	[tilespmem:$0x9A80] =	vst v58  }
0x1fa: {  	v8 =	vld [tilespmem:$0x6C40];
	[tilespmem:$0x9A90] =	vst v59  }
0x1fb: {  	v9 =	vld [tilespmem:$0x7840];
	[tilespmem:$0x9B00] =	vst v60  }
0x1fc: {  	v10 =	vld [tilespmem:$0x6C50];
	[tilespmem:$0x9B10] =	vst v61  }
0x1fd: {  	v11 =	vld [tilespmem:$0x7850];
	[tilespmem:$0x9B80] =	vst v62  }
0x1fe: {  	v12 =	vld [tilespmem:$0x6C60];
	[tilespmem:$0x9B90] =	vst v63  }
0x1ff: {  	v13 =	vld [tilespmem:$0x7860];
	[tilespmem:$0x9C00] =	vst v8  }
0x200: {  	v14 =	vld [tilespmem:$0x6C70];
	[tilespmem:$0x9C10] =	vst v9  }
0x201: {  	v15 =	vld [tilespmem:$0x7870];
	[tilespmem:$0x9C80] =	vst v10  }
0x202: {  	v16 =	vld [tilespmem:$0x6C80];
	[tilespmem:$0x9C90] =	vst v11  }
0x203: {  	v17 =	vld [tilespmem:$0x7880];
	[tilespmem:$0x9D00] =	vst v12  }
0x204: {  	v18 =	vld [tilespmem:$0x6C90];
	[tilespmem:$0x9D10] =	vst v13  }
0x205: {  	v19 =	vld [tilespmem:$0x7890];
	[tilespmem:$0x9D80] =	vst v14  }
0x206: {  	v20 =	vld [tilespmem:$0x6CA0];
	[tilespmem:$0x9D90] =	vst v15  }
0x207: {  	v21 =	vld [tilespmem:$0x78A0];
	[tilespmem:$0x9E00] =	vst v16  }
0x208: {  	v22 =	vld [tilespmem:$0x6CB0];
	[tilespmem:$0x9E10] =	vst v17  }
0x209: {  	v23 =	vld [tilespmem:$0x78B0];
	[tilespmem:$0x9E80] =	vst v18  }
0x20a: {  	v24 =	vld [tilespmem:$0x6CC0];
	[tilespmem:$0x9E90] =	vst v19  }
0x20b: {  	v25 =	vld [tilespmem:$0x78C0];
	[tilespmem:$0x9F00] =	vst v20  }
0x20c: {  	v26 =	vld [tilespmem:$0x6CD0];
	[tilespmem:$0x9F10] =	vst v21  }
0x20d: {  	v27 =	vld [tilespmem:$0x78D0];
	[tilespmem:$0x9F80] =	vst v22  }
0x20e: {  	v28 =	vld [tilespmem:$0x6CE0];
	[tilespmem:$0x9F90] =	vst v23  }
0x20f: {  	v29 =	vld [tilespmem:$0x78E0];
	[tilespmem:$0xA000] =	vst v24  }
0x210: {  	v30 =	vld [tilespmem:$0x6CF0];
	[tilespmem:$0xA010] =	vst v25  }
0x211: {  	v31 =	vld [tilespmem:$0x78F0];
	[tilespmem:$0xA080] =	vst v26  }
0x212: {  	v32 =	vld [tilespmem:$0x6D00];
	[tilespmem:$0xA090] =	vst v27  }
0x213: {  	v33 =	vld [tilespmem:$0x7900];
	[tilespmem:$0xA100] =	vst v28  }
0x214: {  	v34 =	vld [tilespmem:$0x6D10];
	[tilespmem:$0xA110] =	vst v29  }
0x215: {  	v35 =	vld [tilespmem:$0x7910];
	[tilespmem:$0xA180] =	vst v30  }
0x216: {  	v36 =	vld [tilespmem:$0x6D20];
	[tilespmem:$0xA190] =	vst v31  }
0x217: {  	v37 =	vld [tilespmem:$0x7920];
	[tilespmem:$0xA200] =	vst v32  }
0x218: {  	v38 =	vld [tilespmem:$0x6D30];
	[tilespmem:$0xA210] =	vst v33  }
0x219: {  	v39 =	vld [tilespmem:$0x7930];
	[tilespmem:$0xA280] =	vst v34  }
0x21a: {  	[tilespmem:$0xA290] =	vst v35;
	v40 =	vld [tilespmem:$0x6D40]  }
0x21b: {  	[tilespmem:$0xA300] =	vst v36;
	v41 =	vld [tilespmem:$0x7940]  }
0x21c: {  	[tilespmem:$0xA310] =	vst v37;
	v42 =	vld [tilespmem:$0x6D50]  }
0x21d: {  	[tilespmem:$0xA380] =	vst v38;
	v43 =	vld [tilespmem:$0x7950]  }
0x21e: {  	[tilespmem:$0xA390] =	vst v39;
	v44 =	vld [tilespmem:$0x6D60]  }
0x21f: {  	v45 =	vld [tilespmem:$0x7960];
	[tilespmem:$0xA400] =	vst v40  }
0x220: {  	v46 =	vld [tilespmem:$0x6D70];
	[tilespmem:$0xA410] =	vst v41  }
0x221: {  	v47 =	vld [tilespmem:$0x7970];
	[tilespmem:$0xA480] =	vst v42  }
0x222: {  	v48 =	vld [tilespmem:$0x6D80];
	[tilespmem:$0xA490] =	vst v43  }
0x223: {  	v49 =	vld [tilespmem:$0x7980];
	[tilespmem:$0xA500] =	vst v44  }
0x224: {  	v50 =	vld [tilespmem:$0x6D90];
	[tilespmem:$0xA510] =	vst v45  }
0x225: {  	v51 =	vld [tilespmem:$0x7990];
	[tilespmem:$0xA580] =	vst v46  }
0x226: {  	v52 =	vld [tilespmem:$0x6DA0];
	[tilespmem:$0xA590] =	vst v47  }
0x227: {  	v53 =	vld [tilespmem:$0x79A0];
	[tilespmem:$0xA600] =	vst v48  }
0x228: {  	v54 =	vld [tilespmem:$0x6DB0];
	[tilespmem:$0xA610] =	vst v49  }
0x229: {  	v55 =	vld [tilespmem:$0x79B0];
	[tilespmem:$0xA680] =	vst v50  }
0x22a: {  	v56 =	vld [tilespmem:$0x6DC0];
	[tilespmem:$0xA690] =	vst v51  }
0x22b: {  	v57 =	vld [tilespmem:$0x79C0];
	[tilespmem:$0xA700] =	vst v52  }
0x22c: {  	v58 =	vld [tilespmem:$0x6DD0];
	[tilespmem:$0xA710] =	vst v53  }
0x22d: {  	v59 =	vld [tilespmem:$0x79D0];
	[tilespmem:$0xA780] =	vst v54  }
0x22e: {  	v60 =	vld [tilespmem:$0x6DE0];
	[tilespmem:$0xA790] =	vst v55  }
0x22f: {  	v61 =	vld [tilespmem:$0x79E0];
	[tilespmem:$0xA800] =	vst v56  }
0x230: {  	v62 =	vld [tilespmem:$0x6DF0];
	[tilespmem:$0xA810] =	vst v57  }
0x231: {  	v63 =	vld [tilespmem:$0x79F0];
	[tilespmem:$0xA880] =	vst v58  }
0x232: {  	[tilespmem:$0xA890] =	vst v59  }
0x233: {  	[tilespmem:$0xA900] =	vst v60  }
0x234: {  	[tilespmem:$0xA910] =	vst v61  }
0x235: {  	[tilespmem:$0xA980] =	vst v62  }
0x236: {  	[tilespmem:$0xA990] =	vst v63  }
0x237: {  	[spmem:s23] =	stream.indirect.scatter.add.f32 [tilespmem:s8], [sflag:$0x3], $0x80, s30, s26, $0xb8;
	[tilespmem:$0x1F200] =	vst v63  }
0x238: {  	_ =	swait.ge [sflag:s11], $0x3000  }
0x239: {  	[sflag:s11] =	ssyncset.done $0x0  }
0x23a: {  	[sflag:s11] =	ssyncadd.s32 $0xFFFFD000  }
0x23b: {  	[spmem:s21] =	stream.indirect.scatter.add.f32 [tilespmem:s7], [sflag:$0x6], $0x80, s30, s26, $0xb8;
	[tilespmem:$0x1F200] =	vst v63  }
0x23c: {  	_ =	swait.ge [sflag:s14], $0x3000  }
0x23d: {  	[sflag:s14] =	ssyncset.done $0x0  }
0x23e: {  	[sflag:s14] =	ssyncadd.s32 $0xFFFFD000  }
0x23f: {  	_ =	swait.ge [sflag:s10], $0x3000  }
0x240: {  	[sflag:s10] =	ssyncset.done $0x0  }
0x241: {  	[sflag:s10] =	ssyncadd.s32 $0xFFFFD000  }
0x242: {  	[tilespmem:s29], [sflag:$0x5] =	stream.linear.gather [hbm4b:s13+s16], $0x60, $0x38;
	[tilespmem:$0x1F200] =	vst v63  }
0x243: {  	p0 =	sne.s32 s1, $0x9C00  }
0x244: {  	[tilespmem:s30], [sflag:$0x5] =	stream.linear.gather [hbm4b:s4+s16], $0x60, $0x38;
	[tilespmem:$0x1F200] =	vst v63  }
.Ltmp0:
0x245: {  	_ = 	snop;
	(pc) =	sbr.rel @p0 .LBB2_2-.Ltmp0, $4  }
0x246: {  	s3 =	sadd.s32 $0xC0, s3;
	s2 =	sadd.s32 $0x240, s2;
	s1 =	sadd.s32 $0x180, s1  }
0x247: {  	[tilespmem:s31], [sflag:$0x5] =	stream.linear.gather [hbm4b:s2+s16], $0x600, $0x38;
	[tilespmem:$0x1F200] =	vst v63  }
0x248: {  	s25 =	sadd.s32 $0x240, s12;
	s13 =	sadd.s32 $0x18, s13;
	s4 =	sadd.s32 $0x18, s4  }
0x249: {  	[tilespmem:s20], [sflag:$0x5] =	stream.linear.gather [hbm4b:s25+s16], $0x600, $0x38;
	[tilespmem:$0x1F200] =	vst v63  }
0x24a: {  	_ =	swait.ge [sflag:s0], $0x60  }
0x24b: {  	[sflag:s0] =	ssyncset.done $0x0  }
0x24c: {  	[sflag:s0] =	ssyncadd.s32 $0xFFFFFFA0  }
0x24d: {  	_ =	swait.ge [sflag:s0], $0x60  }
0x24e: {  	[sflag:s0] =	ssyncset.done $0x0  }
0x24f: {  	[sflag:s0] =	ssyncadd.s32 $0xFFFFFFA0  }
0x250: {  	_ =	swait.ge [sflag:s0], $0x600  }
0x251: {  	[sflag:s0] =	ssyncset.done $0x0  }
0x252: {  	[sflag:s0] =	ssyncadd.s32 $0xFFFFFA00  }
0x253: {  	_ =	swait.ge [sflag:s0], $0x600  }
0x254: {  	[sflag:s0] =	ssyncset.done $0x0  }
0x255: {  	[sflag:s0] =	ssyncadd.s32 $0xFFFFFA00  }
0x256: {  	_ =	swait.ge [sflag:s9], $0x3000  }
0x257: {  	[sflag:s9] =	ssyncset.done $0x0  }
0x258: {  	[sflag:s9] =	ssyncadd.s32 $0xFFFFD000  }
0x259: {  	[bflag:$0x0] =	sbarrier.arrive $0xFFFF  }
0x25a: {  	s2 =	sld [smem:$0x7F1]  }
0x25b: {  	s1 =	rddreg [dreg:$0xc]  }
0x25c: {  	s25 =	rddreg [dreg:$0x16]  }
0x25d: {  	[hbm:s1], [sflag:s25] =	dma.local [spmem:s2], $0x600  }
0x25e: {  	_ =	swait.ge [sflag:s14], $0x600  }
0x25f: {  	s4 =	sld [smem:$0x7F2]  }
0x260: {  	[sflag:s14] =	ssyncset.done $0x0  }
0x261: {  	s3 =	rddreg [dreg:$0xd];
	[sflag:s14] =	ssyncadd.s32 $0xFFFFFA00  }
0x262: {  	[hbm:s3], [sflag:s25] =	dma.local [spmem:s4], $0x600  }
0x263: {  	_ =	swait.ge [sflag:s14], $0x600  }
0x264: {  	s13 =	sld [smem:$0x7F3]  }
0x265: {  	[sflag:s14] =	ssyncset.done $0x0  }
0x266: {  	s12 =	rddreg [dreg:$0xe];
	[sflag:s14] =	ssyncadd.s32 $0xFFFFFA00  }
0x267: {  	[hbm:s12], [sflag:s25] =	dma.local [spmem:s13], $0x600  }
0x268: {  	_ =	swait.ge [sflag:s14], $0x600  }
0x269: {  	s4 =	sld [smem:$0x7F4]  }
0x26a: {  	[sflag:s14] =	ssyncset.done $0x0  }
0x26b: {  	s3 =	rddreg [dreg:$0xf];
	[sflag:s14] =	ssyncadd.s32 $0xFFFFFA00  }
0x26c: {  	[hbm:s3], [sflag:s25] =	dma.local [spmem:s4], $0x600  }
0x26d: {  	_ =	swait.ge [sflag:s14], $0x600  }
0x26e: {  	s13 =	sld [smem:$0x7F5]  }
0x26f: {  	[sflag:s14] =	ssyncset.done $0x0  }
0x270: {  	s12 =	rddreg [dreg:$0x10];
	[sflag:s14] =	ssyncadd.s32 $0xFFFFFA00  }
0x271: {  	[hbm:s12], [sflag:s25] =	dma.local [spmem:s13], $0x600  }
0x272: {  	_ =	swait.ge [sflag:s14], $0x600  }
0x273: {  	s4 =	sld [smem:$0x7F6]  }
0x274: {  	[sflag:s14] =	ssyncset.done $0x0  }
0x275: {  	s3 =	rddreg [dreg:$0x11];
	[sflag:s14] =	ssyncadd.s32 $0xFFFFFA00  }
0x276: {  	[hbm:s3], [sflag:s25] =	dma.local [spmem:s4], $0x600  }
0x277: {  	_ =	swait.ge [sflag:s14], $0x600  }
0x278: {  	s13 =	sld [smem:$0x7F7]  }
0x279: {  	[sflag:s14] =	ssyncset.done $0x0  }
0x27a: {  	s12 =	rddreg [dreg:$0x12];
	[sflag:s14] =	ssyncadd.s32 $0xFFFFFA00  }
0x27b: {  	[hbm:s12], [sflag:s25] =	dma.local [spmem:s13], $0x280  }
0x27c: {  	_ =	swait.ge [sflag:s14], $0x280  }
0x27d: {  	s4 =	sld [smem:$0x7F8]  }
0x27e: {  	[sflag:s14] =	ssyncset.done $0x0  }
0x27f: {  	s3 =	rddreg [dreg:$0x13];
	[sflag:s14] =	ssyncadd.s32 $0xFFFFFD80  }
0x280: {  	[hbm:s3], [sflag:s25] =	dma.local [spmem:s4], $0x280  }
0x281: {  	_ =	swait.ge [sflag:s14], $0x280  }
0x282: {  	s12 =	sld [smem:$0x7F0]  }
0x283: {  	s13 =	sld [smem:$0x7FA];
	_ =	sdelay $0x1  }
0x284: {  	s2 =	sadd.s32 $0x1, s12  }
0x285: {  	p0 =	sne.s32 s2, s13  }
.Ltmp1:
0x286: {  	_ = 	snop;
	(pc) =	sbr.rel @p0 .LBB2_1-.Ltmp1, $3  }
0x287: {  	_ =	sdelay $0x1  }
0x288: {  	[sflag:s14] =	ssyncset.done $0x0  }
0x289: {  	[sflag:s14] =	ssyncadd.s32 $0xFFFFFD80  }
0x28a: {  	_ =	sfence.sel $0x180000  }
0x28b: {  	[bflag:$0x0] =	sbarrier.arrive $0xFFFF  }
0x28c: {  	_ =	strace $0x90000047  }
0x28d: {  	s0 =	stileid.u32;
	[bflag:$0x2] =	sbarrier.arrive $0xFFFF  }
0x28e: {  	p0 =	sne.s32 s0, $0x0;
	s0 =	rddreg [dreg:$0x5]  }
0x28f: {  	s0 =	sadd.s32 @!p0 $0x100000, s0  }
0x290: {  	[sflag:s0] =	ssyncadd.tile.s32 @!p0 $0x1;
	_ =	shalt  }
.Lfunc_end2:
_tile_overlayer_lowered:
.L_overlay_start_2:
0x291: {  	(tag) =	ssettag $0x2  }
0x292: {  	s0 =	rddreg [dreg:$0x0];
	s2 =	stileid.u32  }
0x293: {  	s1 =	rddreg [dreg:$0x1];
	p0 =	sne.s32 s2, $0x0  }
0x294: {  	s3 =	rddreg [dreg:$0x2];
	[bflag:$0x3] =	sbarrier.arrive $0xFFFF;
	s2 =	simm.s32 @!p0 $0x1C06  }
0x295: {  	[timem:s3], [sflag:s2] =	dma.local @!p0 [hbm:s0], s1  }
0x296: {  	s0 =	simm.s32 @!p0 $0x6  }
0x297: {  	_ =	swait.ge @!p0 [sflag:s0], s1  }
0x298: {  	s1 =	ssub.s32 @!p0 $0x0, s1;
	[sflag:s0] =	ssyncset.done @!p0 $0x0  }
0x299: {  	[sflag:s0] =	ssyncadd.s32 @!p0 s1  }
0x29a: {  	[bflag:$0x3] =	sbarrier.arrive $0xFFFF  }
0x29b: {  	_ =	shalt  }

</sc_bundles>
